<compile_context>
chip_gen: v7x
topology: tpu7x:2x2x1
jax: 0.10.2.dev20260603
libtpu: 0.0.44.dev20260713+nightly
codegen_flags: <defaults>
</compile_context>

<pallas_src>
import jax
import jax.numpy as jnp
from jax import lax
from jax.experimental import pallas as pl
from jax.experimental.pallas import tpu as pltpu
from jax.experimental.pallas import tpu_sc as plsc

N = 10000
NPAD = 10240
NC = 2
NS = 16
NW = NC * NS
CHUNK = 128
KCH = 80
KCH2 = 160
EPAD = NW * KCH * CHUNK
RPT = NPAD // NS
ZR = 128
BN = 2000

_SC_PARAMS = pltpu.CompilerParams(use_tc_tiling_on_sc=False)


def _zero_fill(ref, rows, width):
    z = jnp.zeros((16,), jnp.float32)

    def row(i, _):
        for k in range(width // 16):
            ref[i, pl.ds(k * 16, 16)] = z
        return 0

    lax.fori_loop(0, rows, row, 0)


def _make_agg(FH):
    mesh = plsc.VectorSubcoreMesh(core_axis_name="c", subcore_axis_name="s")

    def body(x_hbm, src_hbm, dst_hbm, out_hbm,
             src_v, dst_v, bufs, zero_v, acc_sh,
             gs0, gs1, gs2, gs3, ss0, ss1, ss2, ss3):
        gsems = [gs0, gs1, gs2, gs3]
        ssems = [ss0, ss1, ss2, ss3]
        c = lax.axis_index("c")
        s = lax.axis_index("s")
        icp0 = pltpu.async_copy(
            src_hbm.at[pl.ds((c * NS + s) * KCH2, KCH2)], src_v, gs0)
        icp1 = pltpu.async_copy(dst_hbm.at[pl.ds(s * KCH2, KCH2)], dst_v, gs1)
        _zero_fill(zero_v, ZR, FH)
        for i in range(RPT // ZR):
            pltpu.sync_copy(zero_v, acc_sh.at[pl.ds(s * RPT + i * ZR, ZR)])
        icp0.wait()
        icp1.wait()
        plsc.subcore_barrier()

        def gather(b, j):
            pltpu.async_copy(x_hbm.at[src_v.at[j]], bufs.at[b], gsems[b])

        def wait_gather(b):
            pltpu.make_async_copy(x_hbm.at[src_v.at[0]], bufs.at[b],
                                  gsems[b]).wait()

        def scatter(b, j):
            pltpu.async_copy(bufs.at[b], acc_sh.at[dst_v.at[j]], ssems[b],
                             add=True)

        def wait_scatter(b):
            pltpu.make_async_copy(bufs.at[b], acc_sh.at[dst_v.at[0]],
                                  ssems[b]).wait()

        gather(0, 0)
        gather(1, 1)
        for j in range(4):
            wait_gather(j)
            scatter(j, j)
            if j < 2:
                gather(j + 2, j + 2)
            else:
                wait_scatter(j - 2)
                gather(j - 2, j + 2)

        def step(g, _):
            for b in range(4):
                j = 4 * g + b
                wait_gather(b)
                scatter(b, j)
                b2 = (b + 2) % 4
                wait_scatter(b2)
                gather(b2, jnp.minimum(j + 2, KCH2 - 1))
            return 0

        lax.fori_loop(1, KCH2 // 4, step, 0)
        wait_gather(0)
        wait_gather(1)
        wait_scatter(2)
        wait_scatter(3)
        plsc.subcore_barrier()
        pltpu.sync_copy(acc_sh.at[pl.ds(s * RPT, RPT)],
                        out_hbm.at[pl.ds(c * NPAD + s * RPT, RPT)])

    return pl.kernel(
        body,
        out_type=jax.ShapeDtypeStruct((NC * NPAD, FH), jnp.float32),
        mesh=mesh,
        scratch_types=[
            pltpu.VMEM((KCH2, CHUNK), jnp.int32),
            pltpu.VMEM((KCH2, CHUNK), jnp.int32),
            pltpu.VMEM((4, CHUNK, FH), jnp.float32),
            pltpu.VMEM((ZR, FH), jnp.float32),
            pltpu.VMEM_SHARED((NPAD, FH), jnp.float32),
        ] + [pltpu.SemaphoreType.DMA] * 8,
        compiler_params=_SC_PARAMS,
    )


def _make_cnt():
    mesh = plsc.VectorSubcoreMesh(core_axis_name="c", subcore_axis_name="s")

    def body(dst_hbm, out_hbm, dst_v, ones_v, zero_v, cbuf, cnt_sh):
        c = lax.axis_index("c")
        s = lax.axis_index("s")
        wid = s * NC + c
        pltpu.sync_copy(dst_hbm.at[pl.ds(wid * KCH, KCH)], dst_v)
        one = jnp.ones((16,), jnp.float32)

        def row(i, _):
            ones_v[i, pl.ds(0, 16)] = one
            return 0

        lax.fori_loop(0, CHUNK, row, 0)
        _zero_fill(zero_v, RPT, 16)
        pltpu.sync_copy(zero_v, cnt_sh.at[pl.ds(s * RPT, RPT)])
        plsc.subcore_barrier()

        def step(j, _):
            pltpu.sync_copy(ones_v, cnt_sh.at[dst_v.at[j]], add=True)
            return 0

        lax.fori_loop(0, KCH, step, 0)
        plsc.subcore_barrier()
        pltpu.sync_copy(cnt_sh.at[pl.ds(s * RPT, RPT)], cbuf)
        pltpu.sync_copy(cbuf, out_hbm.at[pl.ds(c * NPAD + s * RPT, RPT)])

    return pl.kernel(
        body,
        out_type=jax.ShapeDtypeStruct((NC * NPAD, 16), jnp.float32),
        mesh=mesh,
        scratch_types=[
            pltpu.VMEM((KCH, CHUNK), jnp.int32),
            pltpu.VMEM((CHUNK, 16), jnp.float32),
            pltpu.VMEM((RPT, 16), jnp.float32),
            pltpu.VMEM((RPT, 16), jnp.float32),
            pltpu.VMEM_SHARED((NPAD, 16), jnp.float32),
        ],
        compiler_params=_SC_PARAMS,
    )


_agg64 = _make_agg(64)
_agg32 = _make_agg(32)
_cnt = _make_cnt()


def _split_cols(h, FW):
    FH = FW // 2
    return h.reshape(N, 2, FH).transpose(1, 0, 2).reshape(2 * N, FH)


def _acc_specs(FH):
    return [
        pl.BlockSpec((NC, BN, FH), lambda i: (0, i, 0)),
        pl.BlockSpec((NC, BN, 16), lambda i: (0, i, 0)),
    ]


def _row_spec(FW):
    return pl.BlockSpec((BN, FW), lambda i: (i, 0))


def _full_spec(a, b):
    return pl.BlockSpec((a, b), lambda i: (0, 0))


def _agg_of(acc_ref, cnt_ref):
    acc = jnp.concatenate([acc_ref[0], acc_ref[1]], axis=1)
    cnt = cnt_ref[0, :, 0:1] + cnt_ref[1, :, 0:1]
    return acc / jnp.maximum(cnt, 1.0), cnt


def _l1_body(acc_ref, cnt_ref, x_ref, wl_ref, wr_ref, b_ref, o_ref, os_ref):
    acc = jnp.concatenate([acc_ref[0], acc_ref[1]], axis=1)
    cnt = cnt_ref[0, :, 0:1] + cnt_ref[1, :, 0:1]
    agg = (acc * 0.001 - 0.5 * cnt) / jnp.maximum(cnt, 1.0)
    xb = x_ref[...] * 0.001 - 0.5
    h = jnp.dot(agg, wl_ref[...], preferred_element_type=jnp.float32)
    h = h + jnp.dot(xb, wr_ref[...], preferred_element_type=jnp.float32)
    h = jnp.sin(h + b_ref[...])
    o_ref[...] = h
    os_ref[0] = h[:, :64]
    os_ref[1] = h[:, 64:]


def _l2_body(acc_ref, cnt_ref, h1_ref, wl_ref, wr_ref, b_ref, eps_ref,
             mean_ref, logv_ref, z_ref, zs_ref):
    agg, _ = _agg_of(acc_ref, cnt_ref)
    h = jnp.dot(agg, wl_ref[...], preferred_element_type=jnp.float32)
    h = h + jnp.dot(h1_ref[...], wr_ref[...], preferred_element_type=jnp.float32)
    h = h + b_ref[...]
    mean = h[:, :64]
    logv = h[:, 64:]
    mean_ref[...] = mean
    logv_ref[...] = logv
    z = mean + jnp.exp(logv) * eps_ref[...]
    z_ref[...] = z
    zs_ref[0] = z[:, :32]
    zs_ref[1] = z[:, 32:]


def _l3_body(acc_ref, cnt_ref, z_ref, wl_ref, wr_ref, b_ref, o_ref, os_ref):
    agg, _ = _agg_of(acc_ref, cnt_ref)
    h = jnp.dot(agg, wl_ref[...], preferred_element_type=jnp.float32)
    h = h + jnp.dot(z_ref[...], wr_ref[...], preferred_element_type=jnp.float32)
    h = jnp.maximum(h + b_ref[...], 0.0)
    o_ref[...] = h
    os_ref[0] = h[:, :32]
    os_ref[1] = h[:, 32:]


def _l4_body(acc_ref, cnt_ref, h3_ref, wl_ref, wr_ref, b_ref,
             wlin_ref, blin_ref, o_ref):
    agg, _ = _agg_of(acc_ref, cnt_ref)
    h = jnp.dot(agg, wl_ref[...], preferred_element_type=jnp.float32)
    h = h + jnp.dot(h3_ref[...], wr_ref[...], preferred_element_type=jnp.float32)
    h4 = jnp.maximum(h + b_ref[...], 0.0)
    o = jnp.dot(h4, wlin_ref[...], preferred_element_type=jnp.float32)
    o_ref[...] = jax.nn.sigmoid(o + blin_ref[...]) * 1000.0


_GRID = (N // BN,)


def _split_out_spec(FH):
    return pl.BlockSpec((2, BN, FH), lambda i: (0, i, 0))


def _tc1(acc, cnt, xp, wl, wr, b):
    return pl.pallas_call(
        _l1_body,
        grid=_GRID,
        in_specs=_acc_specs(64) + [_row_spec(128), _full_spec(128, 128),
                                   _full_spec(128, 128), _full_spec(1, 128)],
        out_specs=[_row_spec(128), _split_out_spec(64)],
        out_shape=[jax.ShapeDtypeStruct((N, 128), jnp.float32),
                   jax.ShapeDtypeStruct((2, N, 64), jnp.float32)],
    )(acc, cnt, xp, wl, wr, b)


def _tc2(acc, cnt, h1, wl, wr, b, eps):
    s64 = jax.ShapeDtypeStruct((N, 64), jnp.float32)
    return pl.pallas_call(
        _l2_body,
        grid=_GRID,
        in_specs=_acc_specs(64) + [_row_spec(128), _full_spec(128, 128),
                                   _full_spec(128, 128), _full_spec(1, 128),
                                   _row_spec(64)],
        out_specs=[_row_spec(64), _row_spec(64), _row_spec(64),
                   _split_out_spec(32)],
        out_shape=[s64, s64, s64,
                   jax.ShapeDtypeStruct((2, N, 32), jnp.float32)],
    )(acc, cnt, h1, wl, wr, b, eps)


def _tc3(acc, cnt, z, wl, wr, b):
    return pl.pallas_call(
        _l3_body,
        grid=_GRID,
        in_specs=_acc_specs(32) + [_row_spec(64), _full_spec(64, 64),
                                   _full_spec(64, 64), _full_spec(1, 64)],
        out_specs=[_row_spec(64), _split_out_spec(32)],
        out_shape=[jax.ShapeDtypeStruct((N, 64), jnp.float32),
                   jax.ShapeDtypeStruct((2, N, 32), jnp.float32)],
    )(acc, cnt, z, wl, wr, b)


def _tc4(acc, cnt, h3, wl, wr, b, wlin, blin):
    return pl.pallas_call(
        _l4_body,
        grid=_GRID,
        in_specs=_acc_specs(32) + [_row_spec(64), _full_spec(64, 64),
                                   _full_spec(64, 64), _full_spec(1, 64),
                                   _full_spec(64, 128), _full_spec(1, 128)],
        out_specs=_row_spec(128),
        out_shape=jax.ShapeDtypeStruct((N, 128), jnp.float32),
    )(acc, cnt, h3, wl, wr, b, wlin, blin)


def kernel(x, edge_index, Wl1, Wr1, b1, Wl2, Wr2, b2, Wl3, Wr3, b3,
           Wl4, Wr4, b4, Wlin, blin, eps):
    E = edge_index.shape[1]
    pad = EPAD - E
    ar = jnp.arange(pad, dtype=jnp.int32)
    pad_src = (ar * 131) % N
    pad_dst = N + ar % (NPAD - N)
    src = jnp.concatenate([edge_index[0], pad_src])
    dst = jnp.concatenate([edge_index[1], pad_dst])
    src2 = jnp.stack([src, src + N]).reshape(NC * NS * KCH2, CHUNK)
    dstp = dst.reshape(NS * KCH2, CHUNK)
    cnt = _cnt(dstp).reshape(NC, NPAD, 16)
    acc1 = _agg64(_split_cols(x, 128), src2, dstp).reshape(NC, NPAD, 64)
    h1, h1s = _tc1(acc1, cnt, x, Wl1, Wr1, b1.reshape(1, -1))
    acc2 = _agg64(h1s.reshape(2 * N, 64), src2, dstp).reshape(NC, NPAD, 64)
    mean, logv, z, zs = _tc2(acc2, cnt, h1, Wl2, Wr2, b2.reshape(1, -1), eps)
    acc3 = _agg32(zs.reshape(2 * N, 32), src2, dstp).reshape(NC, NPAD, 32)
    h3, h3s = _tc3(acc3, cnt, z, Wl3, Wr3, b3.reshape(1, -1))
    acc4 = _agg32(h3s.reshape(2 * N, 32), src2, dstp).reshape(NC, NPAD, 32)
    out = _tc4(acc4, cnt, h3, Wl4, Wr4, b4.reshape(1, -1), Wlin,
               blin.reshape(1, -1))
    return out, mean, logv

# --- scband reference (transcript-rebuilt; emitter-appended) ---
"""Pipeline reference for scband-generative-gnn-7937099563262 (READ-ONLY COPY).

The authoritative reference and input builder live on the scoring server;
editing this copy changes nothing except your own understanding.
"""

import jax, jax.numpy as jnp
import numpy as np

N = 10000
E = 320000
DIN = 128
H = 128
DOUT = 128


def _init(key, shape, fan_in):
    s = 1.0 / np.sqrt(fan_in)
    return jax.random.uniform(key, shape, dtype=jnp.float32, minval=-s, maxval=s)


def setup_inputs(seed: int = 0):
    key = jax.random.key(seed)
    ks = jax.random.split(key, 20)
    x = jax.random.normal(ks[0], (N, DIN), dtype=jnp.float32)
    edge_index = jax.random.randint(ks[1], (2, E), 0, N, dtype=jnp.int32)
    inp = {"x": x, "edge_index": edge_index}
    # SAGEConv params: Wl applied to aggregated neighbors, Wr to root, bias
    inp["Wl1"] = _init(ks[2], (DIN, H), DIN); inp["Wr1"] = _init(ks[3], (DIN, H), DIN); inp["b1"] = jnp.zeros((H,), jnp.float32)
    inp["Wl2"] = _init(ks[4], (H, H), H); inp["Wr2"] = _init(ks[5], (H, H), H); inp["b2"] = jnp.zeros((H,), jnp.float32)
    h2 = H // 2
    inp["Wl3"] = _init(ks[6], (h2, h2), h2); inp["Wr3"] = _init(ks[7], (h2, h2), h2); inp["b3"] = jnp.zeros((h2,), jnp.float32)
    inp["Wl4"] = _init(ks[8], (h2, h2), h2); inp["Wr4"] = _init(ks[9], (h2, h2), h2); inp["b4"] = jnp.zeros((h2,), jnp.float32)
    inp["Wlin"] = _init(ks[10], (h2, DOUT), h2); inp["blin"] = jnp.zeros((DOUT,), jnp.float32)
    # deterministic stand-in for torch.randn_like in the reparameterization step
    inp["eps"] = jax.random.normal(ks[11], (N, h2), dtype=jnp.float32)
    return inp


def _sage(x, edge_index, Wl, Wr, b):
    src = edge_index[0]
    dst = edge_index[1]
    msgs = jnp.take(x, src, axis=0)
    summed = jax.ops.segment_sum(msgs, dst, num_segments=N)
    cnt = jax.ops.segment_sum(jnp.ones((edge_index.shape[1],), jnp.float32), dst, num_segments=N)
    agg = summed / jnp.maximum(cnt, 1.0)[:, None]
    return agg @ Wl + x @ Wr + b


def reference(x, edge_index, Wl1, Wr1, b1, Wl2, Wr2, b2, Wl3, Wr3, b3, Wl4, Wr4, b4, Wlin, blin, eps):
    h = x / 1000.0 - 0.5
    h = jnp.sin(_sage(h, edge_index, Wl1, Wr1, b1))
    h = _sage(h, edge_index, Wl2, Wr2, b2)
    half = h.shape[1] // 2
    mean = h[:, :half]
    log_var = h[:, half:]
    z = mean + jnp.exp(log_var) * eps
    h = jax.nn.relu(_sage(z, edge_index, Wl3, Wr3, b3))
    h = jax.nn.relu(_sage(h, edge_index, Wl4, Wr4, b4))
    out = jax.nn.sigmoid(h @ Wlin + blin) * 1000.0
    return (out, mean, log_var)

if __name__ == "__main__":
    import jax
    _d = setup_inputs()
    print(jax.jit(kernel)(*tuple(_d.values())))

</pallas_src>

<mosaic_0001>
#map = affine_map<(d0, d1) -> (0, 0)>
module attributes {stable_mosaic.version = 14 : i64} {
  func.func @body(%arg0: i32, %arg1: i32, %arg2: memref<20000x64xf32, #tpu.memory_space<hbm>>, %arg3: memref<5120x128xi32, #tpu.memory_space<hbm>>, %arg4: memref<2560x128xi32, #tpu.memory_space<hbm>>, %arg5: memref<20480x64xf32, #tpu.memory_space<hbm>>, %arg6: memref<160x128xi32, #tpu.memory_space<vmem>>, %arg7: memref<160x128xi32, #tpu.memory_space<vmem>>, %arg8: memref<4x128x64xf32, #tpu.memory_space<vmem>>, %arg9: memref<128x64xf32, #tpu.memory_space<vmem>>, %arg10: memref<10240x64xf32, #tpu.memory_space<vmem_shared>>, %arg11: memref<!tpu.dma_semaphore, #tpu.memory_space<semaphore_mem>>, %arg12: memref<!tpu.dma_semaphore, #tpu.memory_space<semaphore_mem>>, %arg13: memref<!tpu.dma_semaphore, #tpu.memory_space<semaphore_mem>>, %arg14: memref<!tpu.dma_semaphore, #tpu.memory_space<semaphore_mem>>, %arg15: memref<!tpu.dma_semaphore, #tpu.memory_space<semaphore_mem>>, %arg16: memref<!tpu.dma_semaphore, #tpu.memory_space<semaphore_mem>>, %arg17: memref<!tpu.dma_semaphore, #tpu.memory_space<semaphore_mem>>, %arg18: memref<!tpu.dma_semaphore, #tpu.memory_space<semaphore_mem>>) attributes {dimension_semantics = [#tpu.dimension_semantics<core_parallel>, #tpu.dimension_semantics<subcore_parallel>], iteration_bounds = array<i64: 2, 16>, scalar_prefetch = 0 : i64, scratch_operands = 13 : i64, tpu.core_type = #tpu.core_type<sc_vector_subcore>, window_params = [{transform_indices = #map}, {transform_indices = #map}, {transform_indices = #map}, {transform_indices = #map}]} {
    %mul3A = arith.constant 16 : i32
    %mul3A_0 = arith.muli %arg0, %mul3A : i32
    %add3A = arith.addi %mul3A_0, %arg1 : i32
    %mul3A_1 = arith.constant 160 : i32
    %mul3A_2 = arith.muli %add3A, %mul3A_1 : i32
    %dma_start3A = arith.constant 0 : i32
    %dma_start3A_3 = tpu.memref_slice %arg3[%mul3A_2, %dma_start3A] : memref<5120x128xi32, #tpu.memory_space<hbm>> -> memref<160x128xi32, #tpu.memory_space<hbm>>
    %dma_start3A_4 = arith.constant 0 : i32
    %dma_start3A_5 = tpu.memref_slice %arg3[%mul3A_2, %dma_start3A_4] : memref<5120x128xi32, #tpu.memory_space<hbm>> -> memref<160x128xi32, #tpu.memory_space<hbm>>
    tpu.enqueue_dma source(%dma_start3A_5 : memref<160x128xi32, #tpu.memory_space<hbm>>) target(%arg6 : memref<160x128xi32, #tpu.memory_space<vmem>>) target_semaphore(%arg11 : memref<!tpu.dma_semaphore, #tpu.memory_space<semaphore_mem>>)
    %mul3A_6 = arith.constant 160 : i32
    %mul3A_7 = arith.muli %arg1, %mul3A_6 : i32
    %dma_start3A_8 = arith.constant 0 : i32
    %dma_start3A_9 = tpu.memref_slice %arg4[%mul3A_7, %dma_start3A_8] : memref<2560x128xi32, #tpu.memory_space<hbm>> -> memref<160x128xi32, #tpu.memory_space<hbm>>
    %dma_start3A_10 = arith.constant 0 : i32
    %dma_start3A_11 = tpu.memref_slice %arg4[%mul3A_7, %dma_start3A_10] : memref<2560x128xi32, #tpu.memory_space<hbm>> -> memref<160x128xi32, #tpu.memory_space<hbm>>
    tpu.enqueue_dma source(%dma_start3A_11 : memref<160x128xi32, #tpu.memory_space<hbm>>) target(%arg7 : memref<160x128xi32, #tpu.memory_space<vmem>>) target_semaphore(%arg12 : memref<!tpu.dma_semaphore, #tpu.memory_space<semaphore_mem>>)
    %broadcast_in_dim3A = arith.constant 0.000000e+00 : f32
    %broadcast_in_dim3A_12 = vector.broadcast %broadcast_in_dim3A : f32 to vector<16xf32>
    %scan3A = arith.constant 0 : i32
    %scan3A_13 = arith.constant 0 : i32
    %scan3A_14 = arith.constant 128 : i32
    %scan3A_15 = arith.addi %scan3A_13, %scan3A_14 : i32
    %scan3A_16 = arith.constant 1 : i32
    %scan3A_17 = scf.for %scan3A_301 = %scan3A_13 to %scan3A_15 step %scan3A_16 iter_args(%scan3A_302 = %scan3A) -> (i32)  : i32 {
      %swap3A = arith.index_cast %scan3A_301 : i32 to index
      %swap3A_303 = arith.constant 0 : index
      %swap3A_304 = tpu.vector_load %arg9[%swap3A, %swap3A_303] {strides = array<i32>} : memref<128x64xf32, #tpu.memory_space<vmem>>, vector<1x16xf32>,
      %swap3A_305 = vector.shape_cast %swap3A_304 : vector<1x16xf32> to vector<16xf32>
      %swap3A_306 = vector.shape_cast %broadcast_in_dim3A_12 : vector<16xf32> to vector<1x16xf32>
      tpu.vector_store %arg9[%swap3A, %swap3A_303], %swap3A_306 {strides = array<i32>} : memref<128x64xf32, #tpu.memory_space<vmem>>, vector<1x16xf32>,
      %swap3A_307 = arith.index_cast %scan3A_301 : i32 to index
      %swap3A_308 = arith.constant 16 : index
      %swap3A_309 = tpu.vector_load %arg9[%swap3A_307, %swap3A_308] {strides = array<i32>} : memref<128x64xf32, #tpu.memory_space<vmem>>, vector<1x16xf32>,
      %swap3A_310 = vector.shape_cast %swap3A_309 : vector<1x16xf32> to vector<16xf32>
      %swap3A_311 = vector.shape_cast %broadcast_in_dim3A_12 : vector<16xf32> to vector<1x16xf32>
      tpu.vector_store %arg9[%swap3A_307, %swap3A_308], %swap3A_311 {strides = array<i32>} : memref<128x64xf32, #tpu.memory_space<vmem>>, vector<1x16xf32>,
      %swap3A_312 = arith.index_cast %scan3A_301 : i32 to index
      %swap3A_313 = arith.constant 32 : index
      %swap3A_314 = tpu.vector_load %arg9[%swap3A_312, %swap3A_313] {strides = array<i32>} : memref<128x64xf32, #tpu.memory_space<vmem>>, vector<1x16xf32>,
      %swap3A_315 = vector.shape_cast %swap3A_314 : vector<1x16xf32> to vector<16xf32>
      %swap3A_316 = vector.shape_cast %broadcast_in_dim3A_12 : vector<16xf32> to vector<1x16xf32>
      tpu.vector_store %arg9[%swap3A_312, %swap3A_313], %swap3A_316 {strides = array<i32>} : memref<128x64xf32, #tpu.memory_space<vmem>>, vector<1x16xf32>,
      %swap3A_317 = arith.index_cast %scan3A_301 : i32 to index
      %swap3A_318 = arith.constant 48 : index
      %swap3A_319 = tpu.vector_load %arg9[%swap3A_317, %swap3A_318] {strides = array<i32>} : memref<128x64xf32, #tpu.memory_space<vmem>>, vector<1x16xf32>,
      %swap3A_320 = vector.shape_cast %swap3A_319 : vector<1x16xf32> to vector<16xf32>
      %swap3A_321 = vector.shape_cast %broadcast_in_dim3A_12 : vector<16xf32> to vector<1x16xf32>
      tpu.vector_store %arg9[%swap3A_317, %swap3A_318], %swap3A_321 {strides = array<i32>} : memref<128x64xf32, #tpu.memory_space<vmem>>, vector<1x16xf32>,
      %scan3A_322 = arith.constant 0 : i32
      scf.yield %scan3A_322 : i32
    }
    %scan3A_18 = arith.constant 128 : i32
    %mul3A_19 = arith.constant 640 : i32
    %mul3A_20 = arith.muli %arg1, %mul3A_19 : i32
    %add3A_21 = arith.constant 0 : i32
    %add3A_22 = arith.addi %mul3A_20, %add3A_21 : i32
    "tpu.region"() ({
      %run_scoped3A = tpu.sem_alloc : memref<!tpu.dma_semaphore, #tpu.memory_space<semaphore_mem>>
      %dma_start3A_301 = arith.constant 0 : i32
      %dma_start3A_302 = tpu.memref_slice %arg10[%add3A_22, %dma_start3A_301] : memref<10240x64xf32, #tpu.memory_space<vmem_shared>> -> memref<128x64xf32, #tpu.memory_space<vmem_shared>>
      %dma_start3A_303 = arith.constant 0 : i32
      %dma_start3A_304 = tpu.memref_slice %arg10[%add3A_22, %dma_start3A_303] : memref<10240x64xf32, #tpu.memory_space<vmem_shared>> -> memref<128x64xf32, #tpu.memory_space<vmem_shared>>
      tpu.enqueue_dma source(%arg9 : memref<128x64xf32, #tpu.memory_space<vmem>>) target(%dma_start3A_304 : memref<128x64xf32, #tpu.memory_space<vmem_shared>>) target_semaphore(%run_scoped3A : memref<!tpu.dma_semaphore, #tpu.memory_space<semaphore_mem>>)
      %dma_wait3A_305 = arith.constant 0 : i32
      %dma_wait3A_306 = tpu.memref_slice %arg10[%add3A_22, %dma_wait3A_305] : memref<10240x64xf32, #tpu.memory_space<vmem_shared>> -> memref<128x64xf32, #tpu.memory_space<vmem_shared>>
      %dma_wait3A_307 = arith.constant 0 : i32
      %dma_wait3A_308 = tpu.memref_slice %arg10[%add3A_22, %dma_wait3A_307] : memref<10240x64xf32, #tpu.memory_space<vmem_shared>> -> memref<128x64xf32, #tpu.memory_space<vmem_shared>>
      tpu.wait_dma2 semaphore(%run_scoped3A : memref<!tpu.dma_semaphore, #tpu.memory_space<semaphore_mem>>) src(%arg9 : memref<128x64xf32, #tpu.memory_space<vmem>>) dst(%dma_wait3A_308 : memref<128x64xf32, #tpu.memory_space<vmem_shared>>)
      tpu.yield
    }) : () -> ()
    %mul3A_23 = arith.constant 640 : i32
    %mul3A_24 = arith.muli %arg1, %mul3A_23 : i32
    %add3A_25 = arith.constant 128 : i32
    %add3A_26 = arith.addi %mul3A_24, %add3A_25 : i32
    "tpu.region"() ({
      %run_scoped3A = tpu.sem_alloc : memref<!tpu.dma_semaphore, #tpu.memory_space<semaphore_mem>>
      %dma_start3A_301 = arith.constant 0 : i32
      %dma_start3A_302 = tpu.memref_slice %arg10[%add3A_26, %dma_start3A_301] : memref<10240x64xf32, #tpu.memory_space<vmem_shared>> -> memref<128x64xf32, #tpu.memory_space<vmem_shared>>
      %dma_start3A_303 = arith.constant 0 : i32
      %dma_start3A_304 = tpu.memref_slice %arg10[%add3A_26, %dma_start3A_303] : memref<10240x64xf32, #tpu.memory_space<vmem_shared>> -> memref<128x64xf32, #tpu.memory_space<vmem_shared>>
      tpu.enqueue_dma source(%arg9 : memref<128x64xf32, #tpu.memory_space<vmem>>) target(%dma_start3A_304 : memref<128x64xf32, #tpu.memory_space<vmem_shared>>) target_semaphore(%run_scoped3A : memref<!tpu.dma_semaphore, #tpu.memory_space<semaphore_mem>>)
      %dma_wait3A_305 = arith.constant 0 : i32
      %dma_wait3A_306 = tpu.memref_slice %arg10[%add3A_26, %dma_wait3A_305] : memref<10240x64xf32, #tpu.memory_space<vmem_shared>> -> memref<128x64xf32, #tpu.memory_space<vmem_shared>>
      %dma_wait3A_307 = arith.constant 0 : i32
      %dma_wait3A_308 = tpu.memref_slice %arg10[%add3A_26, %dma_wait3A_307] : memref<10240x64xf32, #tpu.memory_space<vmem_shared>> -> memref<128x64xf32, #tpu.memory_space<vmem_shared>>
      tpu.wait_dma2 semaphore(%run_scoped3A : memref<!tpu.dma_semaphore, #tpu.memory_space<semaphore_mem>>) src(%arg9 : memref<128x64xf32, #tpu.memory_space<vmem>>) dst(%dma_wait3A_308 : memref<128x64xf32, #tpu.memory_space<vmem_shared>>)
      tpu.yield
    }) : () -> ()
    %mul3A_27 = arith.constant 640 : i32
    %mul3A_28 = arith.muli %arg1, %mul3A_27 : i32
    %add3A_29 = arith.constant 256 : i32
    %add3A_30 = arith.addi %mul3A_28, %add3A_29 : i32
    "tpu.region"() ({
      %run_scoped3A = tpu.sem_alloc : memref<!tpu.dma_semaphore, #tpu.memory_space<semaphore_mem>>
      %dma_start3A_301 = arith.constant 0 : i32
      %dma_start3A_302 = tpu.memref_slice %arg10[%add3A_30, %dma_start3A_301] : memref<10240x64xf32, #tpu.memory_space<vmem_shared>> -> memref<128x64xf32, #tpu.memory_space<vmem_shared>>
      %dma_start3A_303 = arith.constant 0 : i32
      %dma_start3A_304 = tpu.memref_slice %arg10[%add3A_30, %dma_start3A_303] : memref<10240x64xf32, #tpu.memory_space<vmem_shared>> -> memref<128x64xf32, #tpu.memory_space<vmem_shared>>
      tpu.enqueue_dma source(%arg9 : memref<128x64xf32, #tpu.memory_space<vmem>>) target(%dma_start3A_304 : memref<128x64xf32, #tpu.memory_space<vmem_shared>>) target_semaphore(%run_scoped3A : memref<!tpu.dma_semaphore, #tpu.memory_space<semaphore_mem>>)
      %dma_wait3A_305 = arith.constant 0 : i32
      %dma_wait3A_306 = tpu.memref_slice %arg10[%add3A_30, %dma_wait3A_305] : memref<10240x64xf32, #tpu.memory_space<vmem_shared>> -> memref<128x64xf32, #tpu.memory_space<vmem_shared>>
      %dma_wait3A_307 = arith.constant 0 : i32
      %dma_wait3A_308 = tpu.memref_slice %arg10[%add3A_30, %dma_wait3A_307] : memref<10240x64xf32, #tpu.memory_space<vmem_shared>> -> memref<128x64xf32, #tpu.memory_space<vmem_shared>>
      tpu.wait_dma2 semaphore(%run_scoped3A : memref<!tpu.dma_semaphore, #tpu.memory_space<semaphore_mem>>) src(%arg9 : memref<128x64xf32, #tpu.memory_space<vmem>>) dst(%dma_wait3A_308 : memref<128x64xf32, #tpu.memory_space<vmem_shared>>)
      tpu.yield
    }) : () -> ()
    %mul3A_31 = arith.constant 640 : i32
    %mul3A_32 = arith.muli %arg1, %mul3A_31 : i32
    %add3A_33 = arith.constant 384 : i32
    %add3A_34 = arith.addi %mul3A_32, %add3A_33 : i32
    "tpu.region"() ({
      %run_scoped3A = tpu.sem_alloc : memref<!tpu.dma_semaphore, #tpu.memory_space<semaphore_mem>>
      %dma_start3A_301 = arith.constant 0 : i32
      %dma_start3A_302 = tpu.memref_slice %arg10[%add3A_34, %dma_start3A_301] : memref<10240x64xf32, #tpu.memory_space<vmem_shared>> -> memref<128x64xf32, #tpu.memory_space<vmem_shared>>
      %dma_start3A_303 = arith.constant 0 : i32
      %dma_start3A_304 = tpu.memref_slice %arg10[%add3A_34, %dma_start3A_303] : memref<10240x64xf32, #tpu.memory_space<vmem_shared>> -> memref<128x64xf32, #tpu.memory_space<vmem_shared>>
      tpu.enqueue_dma source(%arg9 : memref<128x64xf32, #tpu.memory_space<vmem>>) target(%dma_start3A_304 : memref<128x64xf32, #tpu.memory_space<vmem_shared>>) target_semaphore(%run_scoped3A : memref<!tpu.dma_semaphore, #tpu.memory_space<semaphore_mem>>)
      %dma_wait3A_305 = arith.constant 0 : i32
      %dma_wait3A_306 = tpu.memref_slice %arg10[%add3A_34, %dma_wait3A_305] : memref<10240x64xf32, #tpu.memory_space<vmem_shared>> -> memref<128x64xf32, #tpu.memory_space<vmem_shared>>
      %dma_wait3A_307 = arith.constant 0 : i32
      %dma_wait3A_308 = tpu.memref_slice %arg10[%add3A_34, %dma_wait3A_307] : memref<10240x64xf32, #tpu.memory_space<vmem_shared>> -> memref<128x64xf32, #tpu.memory_space<vmem_shared>>
      tpu.wait_dma2 semaphore(%run_scoped3A : memref<!tpu.dma_semaphore, #tpu.memory_space<semaphore_mem>>) src(%arg9 : memref<128x64xf32, #tpu.memory_space<vmem>>) dst(%dma_wait3A_308 : memref<128x64xf32, #tpu.memory_space<vmem_shared>>)
      tpu.yield
    }) : () -> ()
    %mul3A_35 = arith.constant 640 : i32
    %mul3A_36 = arith.muli %arg1, %mul3A_35 : i32
    %add3A_37 = arith.constant 512 : i32
    %add3A_38 = arith.addi %mul3A_36, %add3A_37 : i32
    "tpu.region"() ({
      %run_scoped3A = tpu.sem_alloc : memref<!tpu.dma_semaphore, #tpu.memory_space<semaphore_mem>>
      %dma_start3A_301 = arith.constant 0 : i32
      %dma_start3A_302 = tpu.memref_slice %arg10[%add3A_38, %dma_start3A_301] : memref<10240x64xf32, #tpu.memory_space<vmem_shared>> -> memref<128x64xf32, #tpu.memory_space<vmem_shared>>
      %dma_start3A_303 = arith.constant 0 : i32
      %dma_start3A_304 = tpu.memref_slice %arg10[%add3A_38, %dma_start3A_303] : memref<10240x64xf32, #tpu.memory_space<vmem_shared>> -> memref<128x64xf32, #tpu.memory_space<vmem_shared>>
      tpu.enqueue_dma source(%arg9 : memref<128x64xf32, #tpu.memory_space<vmem>>) target(%dma_start3A_304 : memref<128x64xf32, #tpu.memory_space<vmem_shared>>) target_semaphore(%run_scoped3A : memref<!tpu.dma_semaphore, #tpu.memory_space<semaphore_mem>>)
      %dma_wait3A_305 = arith.constant 0 : i32
      %dma_wait3A_306 = tpu.memref_slice %arg10[%add3A_38, %dma_wait3A_305] : memref<10240x64xf32, #tpu.memory_space<vmem_shared>> -> memref<128x64xf32, #tpu.memory_space<vmem_shared>>
      %dma_wait3A_307 = arith.constant 0 : i32
      %dma_wait3A_308 = tpu.memref_slice %arg10[%add3A_38, %dma_wait3A_307] : memref<10240x64xf32, #tpu.memory_space<vmem_shared>> -> memref<128x64xf32, #tpu.memory_space<vmem_shared>>
      tpu.wait_dma2 semaphore(%run_scoped3A : memref<!tpu.dma_semaphore, #tpu.memory_space<semaphore_mem>>) src(%arg9 : memref<128x64xf32, #tpu.memory_space<vmem>>) dst(%dma_wait3A_308 : memref<128x64xf32, #tpu.memory_space<vmem_shared>>)
      tpu.yield
    }) : () -> ()
    %dma_wait3A = arith.constant 0 : i32
    %dma_wait3A_39 = tpu.memref_slice %arg3[%mul3A_2, %dma_wait3A] : memref<5120x128xi32, #tpu.memory_space<hbm>> -> memref<160x128xi32, #tpu.memory_space<hbm>>
    %dma_wait3A_40 = arith.constant 0 : i32
    %dma_wait3A_41 = tpu.memref_slice %arg3[%mul3A_2, %dma_wait3A_40] : memref<5120x128xi32, #tpu.memory_space<hbm>> -> memref<160x128xi32, #tpu.memory_space<hbm>>
    tpu.wait_dma2 semaphore(%arg11 : memref<!tpu.dma_semaphore, #tpu.memory_space<semaphore_mem>>) src(%dma_wait3A_41 : memref<160x128xi32, #tpu.memory_space<hbm>>) dst(%arg6 : memref<160x128xi32, #tpu.memory_space<vmem>>)
    %dma_wait3A_42 = arith.constant 0 : i32
    %dma_wait3A_43 = tpu.memref_slice %arg4[%mul3A_7, %dma_wait3A_42] : memref<2560x128xi32, #tpu.memory_space<hbm>> -> memref<160x128xi32, #tpu.memory_space<hbm>>
    %dma_wait3A_44 = arith.constant 0 : i32
    %dma_wait3A_45 = tpu.memref_slice %arg4[%mul3A_7, %dma_wait3A_44] : memref<2560x128xi32, #tpu.memory_space<hbm>> -> memref<160x128xi32, #tpu.memory_space<hbm>>
    tpu.wait_dma2 semaphore(%arg12 : memref<!tpu.dma_semaphore, #tpu.memory_space<semaphore_mem>>) src(%dma_wait3A_45 : memref<160x128xi32, #tpu.memory_space<hbm>>) dst(%arg7 : memref<160x128xi32, #tpu.memory_space<vmem>>)
    %barrier3A = arith.constant 0 : index
    tpu.barrier barrier_id(%barrier3A)
    %dma_start3A_46 = arith.constant 0 : i32
    %dma_start3A_47 = arith.constant 0 : i32
    %dma_start3A_48 = arith.constant 0 : i32
    %dma_start3A_49 = arith.constant 0 : i32
    %dma_start3A_50 = tpu.memref_slice %arg8[%dma_start3A_47, %dma_start3A_48, %dma_start3A_49] : memref<4x128x64xf32, #tpu.memory_space<vmem>> -> memref<1x128x64xf32, #tpu.memory_space<vmem>>
    %dma_start3A_51 = tpu.memref_squeeze %dma_start3A_50 : memref<1x128x64xf32, #tpu.memory_space<vmem>> -> memref<128x64xf32, #tpu.memory_space<vmem>>
    %dma_start3A_52 = arith.constant 0 : i32
    %dma_start3A_53 = tpu.memref_slice %arg6[%dma_start3A_46, %dma_start3A_52] : memref<160x128xi32, #tpu.memory_space<vmem>> -> memref<1x128xi32, #tpu.memory_space<vmem>>
    %dma_start3A_54 = tpu.memref_squeeze %dma_start3A_53 : memref<1x128xi32, #tpu.memory_space<vmem>> -> memref<128xi32, #tpu.memory_space<vmem>>
    %dma_start3A_55 = arith.constant 0 : i32
    %dma_start3A_56 = arith.constant 0 : i32
    %dma_start3A_57 = tpu.memref_slice %arg2[%dma_start3A_55, %dma_start3A_56] : memref<20000x64xf32, #tpu.memory_space<hbm>> -> memref<20000x64xf32, #tpu.memory_space<hbm>>
    tpu.enqueue_indirect_dma source(%dma_start3A_57 : memref<20000x64xf32, #tpu.memory_space<hbm>>) target(%dma_start3A_51 : memref<128x64xf32, #tpu.memory_space<vmem>>) offsets(%dma_start3A_54 : memref<128xi32, #tpu.memory_space<vmem>>) semaphore(%arg11 : memref<!tpu.dma_semaphore, #tpu.memory_space<semaphore_mem>>)
    %dma_start3A_58 = arith.constant 1 : i32
    %dma_start3A_59 = arith.constant 1 : i32
    %dma_start3A_60 = arith.constant 0 : i32
    %dma_start3A_61 = arith.constant 0 : i32
    %dma_start3A_62 = tpu.memref_slice %arg8[%dma_start3A_59, %dma_start3A_60, %dma_start3A_61] : memref<4x128x64xf32, #tpu.memory_space<vmem>> -> memref<1x128x64xf32, #tpu.memory_space<vmem>>
    %dma_start3A_63 = tpu.memref_squeeze %dma_start3A_62 : memref<1x128x64xf32, #tpu.memory_space<vmem>> -> memref<128x64xf32, #tpu.memory_space<vmem>>
    %dma_start3A_64 = arith.constant 0 : i32
    %dma_start3A_65 = tpu.memref_slice %arg6[%dma_start3A_58, %dma_start3A_64] : memref<160x128xi32, #tpu.memory_space<vmem>> -> memref<1x128xi32, #tpu.memory_space<vmem>>
    %dma_start3A_66 = tpu.memref_squeeze %dma_start3A_65 : memref<1x128xi32, #tpu.memory_space<vmem>> -> memref<128xi32, #tpu.memory_space<vmem>>
    %dma_start3A_67 = arith.constant 0 : i32
    %dma_start3A_68 = arith.constant 0 : i32
    %dma_start3A_69 = tpu.memref_slice %arg2[%dma_start3A_67, %dma_start3A_68] : memref<20000x64xf32, #tpu.memory_space<hbm>> -> memref<20000x64xf32, #tpu.memory_space<hbm>>
    tpu.enqueue_indirect_dma source(%dma_start3A_69 : memref<20000x64xf32, #tpu.memory_space<hbm>>) target(%dma_start3A_63 : memref<128x64xf32, #tpu.memory_space<vmem>>) offsets(%dma_start3A_66 : memref<128xi32, #tpu.memory_space<vmem>>) semaphore(%arg12 : memref<!tpu.dma_semaphore, #tpu.memory_space<semaphore_mem>>)
    %dma_wait3A_70 = arith.constant 0 : i32
    %dma_wait3A_71 = arith.constant 0 : i32
    %dma_wait3A_72 = arith.constant 0 : i32
    %dma_wait3A_73 = arith.constant 0 : i32
    %dma_wait3A_74 = tpu.memref_slice %arg8[%dma_wait3A_71, %dma_wait3A_72, %dma_wait3A_73] : memref<4x128x64xf32, #tpu.memory_space<vmem>> -> memref<1x128x64xf32, #tpu.memory_space<vmem>>
    %dma_wait3A_75 = tpu.memref_squeeze %dma_wait3A_74 : memref<1x128x64xf32, #tpu.memory_space<vmem>> -> memref<128x64xf32, #tpu.memory_space<vmem>>
    %dma_wait3A_76 = arith.constant 0 : i32
    %dma_wait3A_77 = tpu.memref_slice %arg6[%dma_wait3A_70, %dma_wait3A_76] : memref<160x128xi32, #tpu.memory_space<vmem>> -> memref<1x128xi32, #tpu.memory_space<vmem>>
    %dma_wait3A_78 = tpu.memref_squeeze %dma_wait3A_77 : memref<1x128xi32, #tpu.memory_space<vmem>> -> memref<128xi32, #tpu.memory_space<vmem>>
    %dma_wait3A_79 = arith.constant 0 : i32
    %dma_wait3A_80 = arith.constant 0 : i32
    %dma_wait3A_81 = tpu.memref_slice %arg2[%dma_wait3A_79, %dma_wait3A_80] : memref<20000x64xf32, #tpu.memory_space<hbm>> -> memref<20000x64xf32, #tpu.memory_space<hbm>>
    tpu.wait_indirect_dma semaphore(%arg11 : memref<!tpu.dma_semaphore, #tpu.memory_space<semaphore_mem>>) src(%dma_wait3A_81 : memref<20000x64xf32, #tpu.memory_space<hbm>>) dst(%dma_wait3A_75 : memref<128x64xf32, #tpu.memory_space<vmem>>)
    %dma_start3A_82 = arith.constant 0 : i32
    %dma_start3A_83 = arith.constant 0 : i32
    %dma_start3A_84 = arith.constant 0 : i32
    %dma_start3A_85 = arith.constant 0 : i32
    %dma_start3A_86 = tpu.memref_slice %arg8[%dma_start3A_82, %dma_start3A_84, %dma_start3A_85] : memref<4x128x64xf32, #tpu.memory_space<vmem>> -> memref<1x128x64xf32, #tpu.memory_space<vmem>>
    %dma_start3A_87 = tpu.memref_squeeze %dma_start3A_86 : memref<1x128x64xf32, #tpu.memory_space<vmem>> -> memref<128x64xf32, #tpu.memory_space<vmem>>
    %dma_start3A_88 = arith.constant 0 : i32
    %dma_start3A_89 = tpu.memref_slice %arg7[%dma_start3A_83, %dma_start3A_88] : memref<160x128xi32, #tpu.memory_space<vmem>> -> memref<1x128xi32, #tpu.memory_space<vmem>>
    %dma_start3A_90 = tpu.memref_squeeze %dma_start3A_89 : memref<1x128xi32, #tpu.memory_space<vmem>> -> memref<128xi32, #tpu.memory_space<vmem>>
    %dma_start3A_91 = arith.constant 0 : i32
    %dma_start3A_92 = arith.constant 0 : i32
    %dma_start3A_93 = tpu.memref_slice %arg10[%dma_start3A_91, %dma_start3A_92] : memref<10240x64xf32, #tpu.memory_space<vmem_shared>> -> memref<10240x64xf32, #tpu.memory_space<vmem_shared>>
    tpu.enqueue_indirect_dma source(%dma_start3A_87 : memref<128x64xf32, #tpu.memory_space<vmem>>) target(%dma_start3A_93 : memref<10240x64xf32, #tpu.memory_space<vmem_shared>>) offsets(%dma_start3A_90 : memref<128xi32, #tpu.memory_space<vmem>>) semaphore(%arg15 : memref<!tpu.dma_semaphore, #tpu.memory_space<semaphore_mem>>) {add = true}
    %dma_start3A_94 = arith.constant 2 : i32
    %dma_start3A_95 = arith.constant 2 : i32
    %dma_start3A_96 = arith.constant 0 : i32
    %dma_start3A_97 = arith.constant 0 : i32
    %dma_start3A_98 = tpu.memref_slice %arg8[%dma_start3A_95, %dma_start3A_96, %dma_start3A_97] : memref<4x128x64xf32, #tpu.memory_space<vmem>> -> memref<1x128x64xf32, #tpu.memory_space<vmem>>
    %dma_start3A_99 = tpu.memref_squeeze %dma_start3A_98 : memref<1x128x64xf32, #tpu.memory_space<vmem>> -> memref<128x64xf32, #tpu.memory_space<vmem>>
    %dma_start3A_100 = arith.constant 0 : i32
    %dma_start3A_101 = tpu.memref_slice %arg6[%dma_start3A_94, %dma_start3A_100] : memref<160x128xi32, #tpu.memory_space<vmem>> -> memref<1x128xi32, #tpu.memory_space<vmem>>
    %dma_start3A_102 = tpu.memref_squeeze %dma_start3A_101 : memref<1x128xi32, #tpu.memory_space<vmem>> -> memref<128xi32, #tpu.memory_space<vmem>>
    %dma_start3A_103 = arith.constant 0 : i32
    %dma_start3A_104 = arith.constant 0 : i32
    %dma_start3A_105 = tpu.memref_slice %arg2[%dma_start3A_103, %dma_start3A_104] : memref<20000x64xf32, #tpu.memory_space<hbm>> -> memref<20000x64xf32, #tpu.memory_space<hbm>>
    tpu.enqueue_indirect_dma source(%dma_start3A_105 : memref<20000x64xf32, #tpu.memory_space<hbm>>) target(%dma_start3A_99 : memref<128x64xf32, #tpu.memory_space<vmem>>) offsets(%dma_start3A_102 : memref<128xi32, #tpu.memory_space<vmem>>) semaphore(%arg13 : memref<!tpu.dma_semaphore, #tpu.memory_space<semaphore_mem>>)
    %dma_wait3A_106 = arith.constant 0 : i32
    %dma_wait3A_107 = arith.constant 1 : i32
    %dma_wait3A_108 = arith.constant 0 : i32
    %dma_wait3A_109 = arith.constant 0 : i32
    %dma_wait3A_110 = tpu.memref_slice %arg8[%dma_wait3A_107, %dma_wait3A_108, %dma_wait3A_109] : memref<4x128x64xf32, #tpu.memory_space<vmem>> -> memref<1x128x64xf32, #tpu.memory_space<vmem>>
    %dma_wait3A_111 = tpu.memref_squeeze %dma_wait3A_110 : memref<1x128x64xf32, #tpu.memory_space<vmem>> -> memref<128x64xf32, #tpu.memory_space<vmem>>
    %dma_wait3A_112 = arith.constant 0 : i32
    %dma_wait3A_113 = tpu.memref_slice %arg6[%dma_wait3A_106, %dma_wait3A_112] : memref<160x128xi32, #tpu.memory_space<vmem>> -> memref<1x128xi32, #tpu.memory_space<vmem>>
    %dma_wait3A_114 = tpu.memref_squeeze %dma_wait3A_113 : memref<1x128xi32, #tpu.memory_space<vmem>> -> memref<128xi32, #tpu.memory_space<vmem>>
    %dma_wait3A_115 = arith.constant 0 : i32
    %dma_wait3A_116 = arith.constant 0 : i32
    %dma_wait3A_117 = tpu.memref_slice %arg2[%dma_wait3A_115, %dma_wait3A_116] : memref<20000x64xf32, #tpu.memory_space<hbm>> -> memref<20000x64xf32, #tpu.memory_space<hbm>>
    tpu.wait_indirect_dma semaphore(%arg12 : memref<!tpu.dma_semaphore, #tpu.memory_space<semaphore_mem>>) src(%dma_wait3A_117 : memref<20000x64xf32, #tpu.memory_space<hbm>>) dst(%dma_wait3A_111 : memref<128x64xf32, #tpu.memory_space<vmem>>)
    %dma_start3A_118 = arith.constant 1 : i32
    %dma_start3A_119 = arith.constant 1 : i32
    %dma_start3A_120 = arith.constant 0 : i32
    %dma_start3A_121 = arith.constant 0 : i32
    %dma_start3A_122 = tpu.memref_slice %arg8[%dma_start3A_118, %dma_start3A_120, %dma_start3A_121] : memref<4x128x64xf32, #tpu.memory_space<vmem>> -> memref<1x128x64xf32, #tpu.memory_space<vmem>>
    %dma_start3A_123 = tpu.memref_squeeze %dma_start3A_122 : memref<1x128x64xf32, #tpu.memory_space<vmem>> -> memref<128x64xf32, #tpu.memory_space<vmem>>
    %dma_start3A_124 = arith.constant 0 : i32
    %dma_start3A_125 = tpu.memref_slice %arg7[%dma_start3A_119, %dma_start3A_124] : memref<160x128xi32, #tpu.memory_space<vmem>> -> memref<1x128xi32, #tpu.memory_space<vmem>>
    %dma_start3A_126 = tpu.memref_squeeze %dma_start3A_125 : memref<1x128xi32, #tpu.memory_space<vmem>> -> memref<128xi32, #tpu.memory_space<vmem>>
    %dma_start3A_127 = arith.constant 0 : i32
    %dma_start3A_128 = arith.constant 0 : i32
    %dma_start3A_129 = tpu.memref_slice %arg10[%dma_start3A_127, %dma_start3A_128] : memref<10240x64xf32, #tpu.memory_space<vmem_shared>> -> memref<10240x64xf32, #tpu.memory_space<vmem_shared>>
    tpu.enqueue_indirect_dma source(%dma_start3A_123 : memref<128x64xf32, #tpu.memory_space<vmem>>) target(%dma_start3A_129 : memref<10240x64xf32, #tpu.memory_space<vmem_shared>>) offsets(%dma_start3A_126 : memref<128xi32, #tpu.memory_space<vmem>>) semaphore(%arg16 : memref<!tpu.dma_semaphore, #tpu.memory_space<semaphore_mem>>) {add = true}
    %dma_start3A_130 = arith.constant 3 : i32
    %dma_start3A_131 = arith.constant 3 : i32
    %dma_start3A_132 = arith.constant 0 : i32
    %dma_start3A_133 = arith.constant 0 : i32
    %dma_start3A_134 = tpu.memref_slice %arg8[%dma_start3A_131, %dma_start3A_132, %dma_start3A_133] : memref<4x128x64xf32, #tpu.memory_space<vmem>> -> memref<1x128x64xf32, #tpu.memory_space<vmem>>
    %dma_start3A_135 = tpu.memref_squeeze %dma_start3A_134 : memref<1x128x64xf32, #tpu.memory_space<vmem>> -> memref<128x64xf32, #tpu.memory_space<vmem>>
    %dma_start3A_136 = arith.constant 0 : i32
    %dma_start3A_137 = tpu.memref_slice %arg6[%dma_start3A_130, %dma_start3A_136] : memref<160x128xi32, #tpu.memory_space<vmem>> -> memref<1x128xi32, #tpu.memory_space<vmem>>
    %dma_start3A_138 = tpu.memref_squeeze %dma_start3A_137 : memref<1x128xi32, #tpu.memory_space<vmem>> -> memref<128xi32, #tpu.memory_space<vmem>>
    %dma_start3A_139 = arith.constant 0 : i32
    %dma_start3A_140 = arith.constant 0 : i32
    %dma_start3A_141 = tpu.memref_slice %arg2[%dma_start3A_139, %dma_start3A_140] : memref<20000x64xf32, #tpu.memory_space<hbm>> -> memref<20000x64xf32, #tpu.memory_space<hbm>>
    tpu.enqueue_indirect_dma source(%dma_start3A_141 : memref<20000x64xf32, #tpu.memory_space<hbm>>) target(%dma_start3A_135 : memref<128x64xf32, #tpu.memory_space<vmem>>) offsets(%dma_start3A_138 : memref<128xi32, #tpu.memory_space<vmem>>) semaphore(%arg14 : memref<!tpu.dma_semaphore, #tpu.memory_space<semaphore_mem>>)
    %dma_wait3A_142 = arith.constant 0 : i32
    %dma_wait3A_143 = arith.constant 2 : i32
    %dma_wait3A_144 = arith.constant 0 : i32
    %dma_wait3A_145 = arith.constant 0 : i32
    %dma_wait3A_146 = tpu.memref_slice %arg8[%dma_wait3A_143, %dma_wait3A_144, %dma_wait3A_145] : memref<4x128x64xf32, #tpu.memory_space<vmem>> -> memref<1x128x64xf32, #tpu.memory_space<vmem>>
    %dma_wait3A_147 = tpu.memref_squeeze %dma_wait3A_146 : memref<1x128x64xf32, #tpu.memory_space<vmem>> -> memref<128x64xf32, #tpu.memory_space<vmem>>
    %dma_wait3A_148 = arith.constant 0 : i32
    %dma_wait3A_149 = tpu.memref_slice %arg6[%dma_wait3A_142, %dma_wait3A_148] : memref<160x128xi32, #tpu.memory_space<vmem>> -> memref<1x128xi32, #tpu.memory_space<vmem>>
    %dma_wait3A_150 = tpu.memref_squeeze %dma_wait3A_149 : memref<1x128xi32, #tpu.memory_space<vmem>> -> memref<128xi32, #tpu.memory_space<vmem>>
    %dma_wait3A_151 = arith.constant 0 : i32
    %dma_wait3A_152 = arith.constant 0 : i32
    %dma_wait3A_153 = tpu.memref_slice %arg2[%dma_wait3A_151, %dma_wait3A_152] : memref<20000x64xf32, #tpu.memory_space<hbm>> -> memref<20000x64xf32, #tpu.memory_space<hbm>>
    tpu.wait_indirect_dma semaphore(%arg13 : memref<!tpu.dma_semaphore, #tpu.memory_space<semaphore_mem>>) src(%dma_wait3A_153 : memref<20000x64xf32, #tpu.memory_space<hbm>>) dst(%dma_wait3A_147 : memref<128x64xf32, #tpu.memory_space<vmem>>)
    %dma_start3A_154 = arith.constant 2 : i32
    %dma_start3A_155 = arith.constant 2 : i32
    %dma_start3A_156 = arith.constant 0 : i32
    %dma_start3A_157 = arith.constant 0 : i32
    %dma_start3A_158 = tpu.memref_slice %arg8[%dma_start3A_154, %dma_start3A_156, %dma_start3A_157] : memref<4x128x64xf32, #tpu.memory_space<vmem>> -> memref<1x128x64xf32, #tpu.memory_space<vmem>>
    %dma_start3A_159 = tpu.memref_squeeze %dma_start3A_158 : memref<1x128x64xf32, #tpu.memory_space<vmem>> -> memref<128x64xf32, #tpu.memory_space<vmem>>
    %dma_start3A_160 = arith.constant 0 : i32
    %dma_start3A_161 = tpu.memref_slice %arg7[%dma_start3A_155, %dma_start3A_160] : memref<160x128xi32, #tpu.memory_space<vmem>> -> memref<1x128xi32, #tpu.memory_space<vmem>>
    %dma_start3A_162 = tpu.memref_squeeze %dma_start3A_161 : memref<1x128xi32, #tpu.memory_space<vmem>> -> memref<128xi32, #tpu.memory_space<vmem>>
    %dma_start3A_163 = arith.constant 0 : i32
    %dma_start3A_164 = arith.constant 0 : i32
    %dma_start3A_165 = tpu.memref_slice %arg10[%dma_start3A_163, %dma_start3A_164] : memref<10240x64xf32, #tpu.memory_space<vmem_shared>> -> memref<10240x64xf32, #tpu.memory_space<vmem_shared>>
    tpu.enqueue_indirect_dma source(%dma_start3A_159 : memref<128x64xf32, #tpu.memory_space<vmem>>) target(%dma_start3A_165 : memref<10240x64xf32, #tpu.memory_space<vmem_shared>>) offsets(%dma_start3A_162 : memref<128xi32, #tpu.memory_space<vmem>>) semaphore(%arg17 : memref<!tpu.dma_semaphore, #tpu.memory_space<semaphore_mem>>) {add = true}
    %dma_wait3A_166 = arith.constant 0 : i32
    %dma_wait3A_167 = arith.constant 0 : i32
    %dma_wait3A_168 = arith.constant 0 : i32
    %dma_wait3A_169 = arith.constant 0 : i32
    %dma_wait3A_170 = tpu.memref_slice %arg8[%dma_wait3A_166, %dma_wait3A_168, %dma_wait3A_169] : memref<4x128x64xf32, #tpu.memory_space<vmem>> -> memref<1x128x64xf32, #tpu.memory_space<vmem>>
    %dma_wait3A_171 = tpu.memref_squeeze %dma_wait3A_170 : memref<1x128x64xf32, #tpu.memory_space<vmem>> -> memref<128x64xf32, #tpu.memory_space<vmem>>
    %dma_wait3A_172 = arith.constant 0 : i32
    %dma_wait3A_173 = tpu.memref_slice %arg7[%dma_wait3A_167, %dma_wait3A_172] : memref<160x128xi32, #tpu.memory_space<vmem>> -> memref<1x128xi32, #tpu.memory_space<vmem>>
    %dma_wait3A_174 = tpu.memref_squeeze %dma_wait3A_173 : memref<1x128xi32, #tpu.memory_space<vmem>> -> memref<128xi32, #tpu.memory_space<vmem>>
    %dma_wait3A_175 = arith.constant 0 : i32
    %dma_wait3A_176 = arith.constant 0 : i32
    %dma_wait3A_177 = tpu.memref_slice %arg10[%dma_wait3A_175, %dma_wait3A_176] : memref<10240x64xf32, #tpu.memory_space<vmem_shared>> -> memref<10240x64xf32, #tpu.memory_space<vmem_shared>>
    tpu.wait_indirect_dma semaphore(%arg15 : memref<!tpu.dma_semaphore, #tpu.memory_space<semaphore_mem>>) src(%dma_wait3A_171 : memref<128x64xf32, #tpu.memory_space<vmem>>) dst(%dma_wait3A_177 : memref<10240x64xf32, #tpu.memory_space<vmem_shared>>)
    %dma_start3A_178 = arith.constant 4 : i32
    %dma_start3A_179 = arith.constant 0 : i32
    %dma_start3A_180 = arith.constant 0 : i32
    %dma_start3A_181 = arith.constant 0 : i32
    %dma_start3A_182 = tpu.memref_slice %arg8[%dma_start3A_179, %dma_start3A_180, %dma_start3A_181] : memref<4x128x64xf32, #tpu.memory_space<vmem>> -> memref<1x128x64xf32, #tpu.memory_space<vmem>>
    %dma_start3A_183 = tpu.memref_squeeze %dma_start3A_182 : memref<1x128x64xf32, #tpu.memory_space<vmem>> -> memref<128x64xf32, #tpu.memory_space<vmem>>
    %dma_start3A_184 = arith.constant 0 : i32
    %dma_start3A_185 = tpu.memref_slice %arg6[%dma_start3A_178, %dma_start3A_184] : memref<160x128xi32, #tpu.memory_space<vmem>> -> memref<1x128xi32, #tpu.memory_space<vmem>>
    %dma_start3A_186 = tpu.memref_squeeze %dma_start3A_185 : memref<1x128xi32, #tpu.memory_space<vmem>> -> memref<128xi32, #tpu.memory_space<vmem>>
    %dma_start3A_187 = arith.constant 0 : i32
    %dma_start3A_188 = arith.constant 0 : i32
    %dma_start3A_189 = tpu.memref_slice %arg2[%dma_start3A_187, %dma_start3A_188] : memref<20000x64xf32, #tpu.memory_space<hbm>> -> memref<20000x64xf32, #tpu.memory_space<hbm>>
    tpu.enqueue_indirect_dma source(%dma_start3A_189 : memref<20000x64xf32, #tpu.memory_space<hbm>>) target(%dma_start3A_183 : memref<128x64xf32, #tpu.memory_space<vmem>>) offsets(%dma_start3A_186 : memref<128xi32, #tpu.memory_space<vmem>>) semaphore(%arg11 : memref<!tpu.dma_semaphore, #tpu.memory_space<semaphore_mem>>)
    %dma_wait3A_190 = arith.constant 0 : i32
    %dma_wait3A_191 = arith.constant 3 : i32
    %dma_wait3A_192 = arith.constant 0 : i32
    %dma_wait3A_193 = arith.constant 0 : i32
    %dma_wait3A_194 = tpu.memref_slice %arg8[%dma_wait3A_191, %dma_wait3A_192, %dma_wait3A_193] : memref<4x128x64xf32, #tpu.memory_space<vmem>> -> memref<1x128x64xf32, #tpu.memory_space<vmem>>
    %dma_wait3A_195 = tpu.memref_squeeze %dma_wait3A_194 : memref<1x128x64xf32, #tpu.memory_space<vmem>> -> memref<128x64xf32, #tpu.memory_space<vmem>>
    %dma_wait3A_196 = arith.constant 0 : i32
    %dma_wait3A_197 = tpu.memref_slice %arg6[%dma_wait3A_190, %dma_wait3A_196] : memref<160x128xi32, #tpu.memory_space<vmem>> -> memref<1x128xi32, #tpu.memory_space<vmem>>
    %dma_wait3A_198 = tpu.memref_squeeze %dma_wait3A_197 : memref<1x128xi32, #tpu.memory_space<vmem>> -> memref<128xi32, #tpu.memory_space<vmem>>
    %dma_wait3A_199 = arith.constant 0 : i32
    %dma_wait3A_200 = arith.constant 0 : i32
    %dma_wait3A_201 = tpu.memref_slice %arg2[%dma_wait3A_199, %dma_wait3A_200] : memref<20000x64xf32, #tpu.memory_space<hbm>> -> memref<20000x64xf32, #tpu.memory_space<hbm>>
    tpu.wait_indirect_dma semaphore(%arg14 : memref<!tpu.dma_semaphore, #tpu.memory_space<semaphore_mem>>) src(%dma_wait3A_201 : memref<20000x64xf32, #tpu.memory_space<hbm>>) dst(%dma_wait3A_195 : memref<128x64xf32, #tpu.memory_space<vmem>>)
    %dma_start3A_202 = arith.constant 3 : i32
    %dma_start3A_203 = arith.constant 3 : i32
    %dma_start3A_204 = arith.constant 0 : i32
    %dma_start3A_205 = arith.constant 0 : i32
    %dma_start3A_206 = tpu.memref_slice %arg8[%dma_start3A_202, %dma_start3A_204, %dma_start3A_205] : memref<4x128x64xf32, #tpu.memory_space<vmem>> -> memref<1x128x64xf32, #tpu.memory_space<vmem>>
    %dma_start3A_207 = tpu.memref_squeeze %dma_start3A_206 : memref<1x128x64xf32, #tpu.memory_space<vmem>> -> memref<128x64xf32, #tpu.memory_space<vmem>>
    %dma_start3A_208 = arith.constant 0 : i32
    %dma_start3A_209 = tpu.memref_slice %arg7[%dma_start3A_203, %dma_start3A_208] : memref<160x128xi32, #tpu.memory_space<vmem>> -> memref<1x128xi32, #tpu.memory_space<vmem>>
    %dma_start3A_210 = tpu.memref_squeeze %dma_start3A_209 : memref<1x128xi32, #tpu.memory_space<vmem>> -> memref<128xi32, #tpu.memory_space<vmem>>
    %dma_start3A_211 = arith.constant 0 : i32
    %dma_start3A_212 = arith.constant 0 : i32
    %dma_start3A_213 = tpu.memref_slice %arg10[%dma_start3A_211, %dma_start3A_212] : memref<10240x64xf32, #tpu.memory_space<vmem_shared>> -> memref<10240x64xf32, #tpu.memory_space<vmem_shared>>
    tpu.enqueue_indirect_dma source(%dma_start3A_207 : memref<128x64xf32, #tpu.memory_space<vmem>>) target(%dma_start3A_213 : memref<10240x64xf32, #tpu.memory_space<vmem_shared>>) offsets(%dma_start3A_210 : memref<128xi32, #tpu.memory_space<vmem>>) semaphore(%arg18 : memref<!tpu.dma_semaphore, #tpu.memory_space<semaphore_mem>>) {add = true}
    %dma_wait3A_214 = arith.constant 1 : i32
    %dma_wait3A_215 = arith.constant 0 : i32
    %dma_wait3A_216 = arith.constant 0 : i32
    %dma_wait3A_217 = arith.constant 0 : i32
    %dma_wait3A_218 = tpu.memref_slice %arg8[%dma_wait3A_214, %dma_wait3A_216, %dma_wait3A_217] : memref<4x128x64xf32, #tpu.memory_space<vmem>> -> memref<1x128x64xf32, #tpu.memory_space<vmem>>
    %dma_wait3A_219 = tpu.memref_squeeze %dma_wait3A_218 : memref<1x128x64xf32, #tpu.memory_space<vmem>> -> memref<128x64xf32, #tpu.memory_space<vmem>>
    %dma_wait3A_220 = arith.constant 0 : i32
    %dma_wait3A_221 = tpu.memref_slice %arg7[%dma_wait3A_215, %dma_wait3A_220] : memref<160x128xi32, #tpu.memory_space<vmem>> -> memref<1x128xi32, #tpu.memory_space<vmem>>
    %dma_wait3A_222 = tpu.memref_squeeze %dma_wait3A_221 : memref<1x128xi32, #tpu.memory_space<vmem>> -> memref<128xi32, #tpu.memory_space<vmem>>
    %dma_wait3A_223 = arith.constant 0 : i32
    %dma_wait3A_224 = arith.constant 0 : i32
    %dma_wait3A_225 = tpu.memref_slice %arg10[%dma_wait3A_223, %dma_wait3A_224] : memref<10240x64xf32, #tpu.memory_space<vmem_shared>> -> memref<10240x64xf32, #tpu.memory_space<vmem_shared>>
    tpu.wait_indirect_dma semaphore(%arg16 : memref<!tpu.dma_semaphore, #tpu.memory_space<semaphore_mem>>) src(%dma_wait3A_219 : memref<128x64xf32, #tpu.memory_space<vmem>>) dst(%dma_wait3A_225 : memref<10240x64xf32, #tpu.memory_space<vmem_shared>>)
    %dma_start3A_226 = arith.constant 5 : i32
    %dma_start3A_227 = arith.constant 1 : i32
    %dma_start3A_228 = arith.constant 0 : i32
    %dma_start3A_229 = arith.constant 0 : i32
    %dma_start3A_230 = tpu.memref_slice %arg8[%dma_start3A_227, %dma_start3A_228, %dma_start3A_229] : memref<4x128x64xf32, #tpu.memory_space<vmem>> -> memref<1x128x64xf32, #tpu.memory_space<vmem>>
    %dma_start3A_231 = tpu.memref_squeeze %dma_start3A_230 : memref<1x128x64xf32, #tpu.memory_space<vmem>> -> memref<128x64xf32, #tpu.memory_space<vmem>>
    %dma_start3A_232 = arith.constant 0 : i32
    %dma_start3A_233 = tpu.memref_slice %arg6[%dma_start3A_226, %dma_start3A_232] : memref<160x128xi32, #tpu.memory_space<vmem>> -> memref<1x128xi32, #tpu.memory_space<vmem>>
    %dma_start3A_234 = tpu.memref_squeeze %dma_start3A_233 : memref<1x128xi32, #tpu.memory_space<vmem>> -> memref<128xi32, #tpu.memory_space<vmem>>
    %dma_start3A_235 = arith.constant 0 : i32
    %dma_start3A_236 = arith.constant 0 : i32
    %dma_start3A_237 = tpu.memref_slice %arg2[%dma_start3A_235, %dma_start3A_236] : memref<20000x64xf32, #tpu.memory_space<hbm>> -> memref<20000x64xf32, #tpu.memory_space<hbm>>
    tpu.enqueue_indirect_dma source(%dma_start3A_237 : memref<20000x64xf32, #tpu.memory_space<hbm>>) target(%dma_start3A_231 : memref<128x64xf32, #tpu.memory_space<vmem>>) offsets(%dma_start3A_234 : memref<128xi32, #tpu.memory_space<vmem>>) semaphore(%arg12 : memref<!tpu.dma_semaphore, #tpu.memory_space<semaphore_mem>>)
    %scan3A_238 = arith.constant 0 : i32
    %scan3A_239 = arith.constant 1 : i32
    %scan3A_240 = arith.constant 39 : i32
    %scan3A_241 = arith.addi %scan3A_239, %scan3A_240 : i32
    %scan3A_242 = arith.constant 1 : i32
    %scan3A_243 = scf.for %scan3A_301 = %scan3A_239 to %scan3A_241 step %scan3A_242 iter_args(%scan3A_302 = %scan3A_238) -> (i32)  : i32 {
      %mul3A_303 = arith.constant 4 : i32
      %mul3A_304 = arith.muli %mul3A_303, %scan3A_301 : i32
      %add3A_305 = arith.constant 0 : i32
      %add3A_306 = arith.addi %mul3A_304, %add3A_305 : i32
      %dma_wait3A_307 = arith.constant 0 : i32
      %dma_wait3A_308 = arith.constant 0 : i32
      %dma_wait3A_309 = arith.constant 0 : i32
      %dma_wait3A_310 = arith.constant 0 : i32
      %dma_wait3A_311 = tpu.memref_slice %arg8[%dma_wait3A_308, %dma_wait3A_309, %dma_wait3A_310] : memref<4x128x64xf32, #tpu.memory_space<vmem>> -> memref<1x128x64xf32, #tpu.memory_space<vmem>>
      %dma_wait3A_312 = tpu.memref_squeeze %dma_wait3A_311 : memref<1x128x64xf32, #tpu.memory_space<vmem>> -> memref<128x64xf32, #tpu.memory_space<vmem>>
      %dma_wait3A_313 = arith.constant 0 : i32
      %dma_wait3A_314 = tpu.memref_slice %arg6[%dma_wait3A_307, %dma_wait3A_313] : memref<160x128xi32, #tpu.memory_space<vmem>> -> memref<1x128xi32, #tpu.memory_space<vmem>>
      %dma_wait3A_315 = tpu.memref_squeeze %dma_wait3A_314 : memref<1x128xi32, #tpu.memory_space<vmem>> -> memref<128xi32, #tpu.memory_space<vmem>>
      %dma_wait3A_316 = arith.constant 0 : i32
      %dma_wait3A_317 = arith.constant 0 : i32
      %dma_wait3A_318 = tpu.memref_slice %arg2[%dma_wait3A_316, %dma_wait3A_317] : memref<20000x64xf32, #tpu.memory_space<hbm>> -> memref<20000x64xf32, #tpu.memory_space<hbm>>
      tpu.wait_indirect_dma semaphore(%arg11 : memref<!tpu.dma_semaphore, #tpu.memory_space<semaphore_mem>>) src(%dma_wait3A_318 : memref<20000x64xf32, #tpu.memory_space<hbm>>) dst(%dma_wait3A_312 : memref<128x64xf32, #tpu.memory_space<vmem>>)
      %dma_start3A_319 = arith.constant 0 : i32
      %dma_start3A_320 = arith.constant 0 : i32
      %dma_start3A_321 = arith.constant 0 : i32
      %dma_start3A_322 = tpu.memref_slice %arg8[%dma_start3A_319, %dma_start3A_320, %dma_start3A_321] : memref<4x128x64xf32, #tpu.memory_space<vmem>> -> memref<1x128x64xf32, #tpu.memory_space<vmem>>
      %dma_start3A_323 = tpu.memref_squeeze %dma_start3A_322 : memref<1x128x64xf32, #tpu.memory_space<vmem>> -> memref<128x64xf32, #tpu.memory_space<vmem>>
      %dma_start3A_324 = arith.constant 0 : i32
      %dma_start3A_325 = tpu.memref_slice %arg7[%add3A_306, %dma_start3A_324] : memref<160x128xi32, #tpu.memory_space<vmem>> -> memref<1x128xi32, #tpu.memory_space<vmem>>
      %dma_start3A_326 = tpu.memref_squeeze %dma_start3A_325 : memref<1x128xi32, #tpu.memory_space<vmem>> -> memref<128xi32, #tpu.memory_space<vmem>>
      %dma_start3A_327 = arith.constant 0 : i32
      %dma_start3A_328 = arith.constant 0 : i32
      %dma_start3A_329 = tpu.memref_slice %arg10[%dma_start3A_327, %dma_start3A_328] : memref<10240x64xf32, #tpu.memory_space<vmem_shared>> -> memref<10240x64xf32, #tpu.memory_space<vmem_shared>>
      tpu.enqueue_indirect_dma source(%dma_start3A_323 : memref<128x64xf32, #tpu.memory_space<vmem>>) target(%dma_start3A_329 : memref<10240x64xf32, #tpu.memory_space<vmem_shared>>) offsets(%dma_start3A_326 : memref<128xi32, #tpu.memory_space<vmem>>) semaphore(%arg15 : memref<!tpu.dma_semaphore, #tpu.memory_space<semaphore_mem>>) {add = true}
      %dma_wait3A_330 = arith.constant 2 : i32
      %dma_wait3A_331 = arith.constant 0 : i32
      %dma_wait3A_332 = arith.constant 0 : i32
      %dma_wait3A_333 = arith.constant 0 : i32
      %dma_wait3A_334 = tpu.memref_slice %arg8[%dma_wait3A_330, %dma_wait3A_332, %dma_wait3A_333] : memref<4x128x64xf32, #tpu.memory_space<vmem>> -> memref<1x128x64xf32, #tpu.memory_space<vmem>>
      %dma_wait3A_335 = tpu.memref_squeeze %dma_wait3A_334 : memref<1x128x64xf32, #tpu.memory_space<vmem>> -> memref<128x64xf32, #tpu.memory_space<vmem>>
      %dma_wait3A_336 = arith.constant 0 : i32
      %dma_wait3A_337 = tpu.memref_slice %arg7[%dma_wait3A_331, %dma_wait3A_336] : memref<160x128xi32, #tpu.memory_space<vmem>> -> memref<1x128xi32, #tpu.memory_space<vmem>>
      %dma_wait3A_338 = tpu.memref_squeeze %dma_wait3A_337 : memref<1x128xi32, #tpu.memory_space<vmem>> -> memref<128xi32, #tpu.memory_space<vmem>>
      %dma_wait3A_339 = arith.constant 0 : i32
      %dma_wait3A_340 = arith.constant 0 : i32
      %dma_wait3A_341 = tpu.memref_slice %arg10[%dma_wait3A_339, %dma_wait3A_340] : memref<10240x64xf32, #tpu.memory_space<vmem_shared>> -> memref<10240x64xf32, #tpu.memory_space<vmem_shared>>
      tpu.wait_indirect_dma semaphore(%arg17 : memref<!tpu.dma_semaphore, #tpu.memory_space<semaphore_mem>>) src(%dma_wait3A_335 : memref<128x64xf32, #tpu.memory_space<vmem>>) dst(%dma_wait3A_341 : memref<10240x64xf32, #tpu.memory_space<vmem_shared>>)
      %add3A_342 = arith.constant 2 : i32
      %add3A_343 = arith.addi %add3A_306, %add3A_342 : i32
      %min3A = arith.constant 159 : i32
      %min3A_344 = arith.minsi %add3A_343, %min3A : i32
      %dma_start3A_345 = arith.constant 2 : i32
      %dma_start3A_346 = arith.constant 0 : i32
      %dma_start3A_347 = arith.constant 0 : i32
      %dma_start3A_348 = tpu.memref_slice %arg8[%dma_start3A_345, %dma_start3A_346, %dma_start3A_347] : memref<4x128x64xf32, #tpu.memory_space<vmem>> -> memref<1x128x64xf32, #tpu.memory_space<vmem>>
      %dma_start3A_349 = tpu.memref_squeeze %dma_start3A_348 : memref<1x128x64xf32, #tpu.memory_space<vmem>> -> memref<128x64xf32, #tpu.memory_space<vmem>>
      %dma_start3A_350 = arith.constant 0 : i32
      %dma_start3A_351 = tpu.memref_slice %arg6[%min3A_344, %dma_start3A_350] : memref<160x128xi32, #tpu.memory_space<vmem>> -> memref<1x128xi32, #tpu.memory_space<vmem>>
      %dma_start3A_352 = tpu.memref_squeeze %dma_start3A_351 : memref<1x128xi32, #tpu.memory_space<vmem>> -> memref<128xi32, #tpu.memory_space<vmem>>
      %dma_start3A_353 = arith.constant 0 : i32
      %dma_start3A_354 = arith.constant 0 : i32
      %dma_start3A_355 = tpu.memref_slice %arg2[%dma_start3A_353, %dma_start3A_354] : memref<20000x64xf32, #tpu.memory_space<hbm>> -> memref<20000x64xf32, #tpu.memory_space<hbm>>
      tpu.enqueue_indirect_dma source(%dma_start3A_355 : memref<20000x64xf32, #tpu.memory_space<hbm>>) target(%dma_start3A_349 : memref<128x64xf32, #tpu.memory_space<vmem>>) offsets(%dma_start3A_352 : memref<128xi32, #tpu.memory_space<vmem>>) semaphore(%arg13 : memref<!tpu.dma_semaphore, #tpu.memory_space<semaphore_mem>>)
      %mul3A_356 = arith.constant 4 : i32
      %mul3A_357 = arith.muli %mul3A_356, %scan3A_301 : i32
      %add3A_358 = arith.constant 1 : i32
      %add3A_359 = arith.addi %mul3A_357, %add3A_358 : i32
      %dma_wait3A_360 = arith.constant 0 : i32
      %dma_wait3A_361 = arith.constant 1 : i32
      %dma_wait3A_362 = arith.constant 0 : i32
      %dma_wait3A_363 = arith.constant 0 : i32
      %dma_wait3A_364 = tpu.memref_slice %arg8[%dma_wait3A_361, %dma_wait3A_362, %dma_wait3A_363] : memref<4x128x64xf32, #tpu.memory_space<vmem>> -> memref<1x128x64xf32, #tpu.memory_space<vmem>>
      %dma_wait3A_365 = tpu.memref_squeeze %dma_wait3A_364 : memref<1x128x64xf32, #tpu.memory_space<vmem>> -> memref<128x64xf32, #tpu.memory_space<vmem>>
      %dma_wait3A_366 = arith.constant 0 : i32
      %dma_wait3A_367 = tpu.memref_slice %arg6[%dma_wait3A_360, %dma_wait3A_366] : memref<160x128xi32, #tpu.memory_space<vmem>> -> memref<1x128xi32, #tpu.memory_space<vmem>>
      %dma_wait3A_368 = tpu.memref_squeeze %dma_wait3A_367 : memref<1x128xi32, #tpu.memory_space<vmem>> -> memref<128xi32, #tpu.memory_space<vmem>>
      %dma_wait3A_369 = arith.constant 0 : i32
      %dma_wait3A_370 = arith.constant 0 : i32
      %dma_wait3A_371 = tpu.memref_slice %arg2[%dma_wait3A_369, %dma_wait3A_370] : memref<20000x64xf32, #tpu.memory_space<hbm>> -> memref<20000x64xf32, #tpu.memory_space<hbm>>
      tpu.wait_indirect_dma semaphore(%arg12 : memref<!tpu.dma_semaphore, #tpu.memory_space<semaphore_mem>>) src(%dma_wait3A_371 : memref<20000x64xf32, #tpu.memory_space<hbm>>) dst(%dma_wait3A_365 : memref<128x64xf32, #tpu.memory_space<vmem>>)
      %dma_start3A_372 = arith.constant 1 : i32
      %dma_start3A_373 = arith.constant 0 : i32
      %dma_start3A_374 = arith.constant 0 : i32
      %dma_start3A_375 = tpu.memref_slice %arg8[%dma_start3A_372, %dma_start3A_373, %dma_start3A_374] : memref<4x128x64xf32, #tpu.memory_space<vmem>> -> memref<1x128x64xf32, #tpu.memory_space<vmem>>
      %dma_start3A_376 = tpu.memref_squeeze %dma_start3A_375 : memref<1x128x64xf32, #tpu.memory_space<vmem>> -> memref<128x64xf32, #tpu.memory_space<vmem>>
      %dma_start3A_377 = arith.constant 0 : i32
      %dma_start3A_378 = tpu.memref_slice %arg7[%add3A_359, %dma_start3A_377] : memref<160x128xi32, #tpu.memory_space<vmem>> -> memref<1x128xi32, #tpu.memory_space<vmem>>
      %dma_start3A_379 = tpu.memref_squeeze %dma_start3A_378 : memref<1x128xi32, #tpu.memory_space<vmem>> -> memref<128xi32, #tpu.memory_space<vmem>>
      %dma_start3A_380 = arith.constant 0 : i32
      %dma_start3A_381 = arith.constant 0 : i32
      %dma_start3A_382 = tpu.memref_slice %arg10[%dma_start3A_380, %dma_start3A_381] : memref<10240x64xf32, #tpu.memory_space<vmem_shared>> -> memref<10240x64xf32, #tpu.memory_space<vmem_shared>>
      tpu.enqueue_indirect_dma source(%dma_start3A_376 : memref<128x64xf32, #tpu.memory_space<vmem>>) target(%dma_start3A_382 : memref<10240x64xf32, #tpu.memory_space<vmem_shared>>) offsets(%dma_start3A_379 : memref<128xi32, #tpu.memory_space<vmem>>) semaphore(%arg16 : memref<!tpu.dma_semaphore, #tpu.memory_space<semaphore_mem>>) {add = true}
      %dma_wait3A_383 = arith.constant 3 : i32
      %dma_wait3A_384 = arith.constant 0 : i32
      %dma_wait3A_385 = arith.constant 0 : i32
      %dma_wait3A_386 = arith.constant 0 : i32
      %dma_wait3A_387 = tpu.memref_slice %arg8[%dma_wait3A_383, %dma_wait3A_385, %dma_wait3A_386] : memref<4x128x64xf32, #tpu.memory_space<vmem>> -> memref<1x128x64xf32, #tpu.memory_space<vmem>>
      %dma_wait3A_388 = tpu.memref_squeeze %dma_wait3A_387 : memref<1x128x64xf32, #tpu.memory_space<vmem>> -> memref<128x64xf32, #tpu.memory_space<vmem>>
      %dma_wait3A_389 = arith.constant 0 : i32
      %dma_wait3A_390 = tpu.memref_slice %arg7[%dma_wait3A_384, %dma_wait3A_389] : memref<160x128xi32, #tpu.memory_space<vmem>> -> memref<1x128xi32, #tpu.memory_space<vmem>>
      %dma_wait3A_391 = tpu.memref_squeeze %dma_wait3A_390 : memref<1x128xi32, #tpu.memory_space<vmem>> -> memref<128xi32, #tpu.memory_space<vmem>>
      %dma_wait3A_392 = arith.constant 0 : i32
      %dma_wait3A_393 = arith.constant 0 : i32
      %dma_wait3A_394 = tpu.memref_slice %arg10[%dma_wait3A_392, %dma_wait3A_393] : memref<10240x64xf32, #tpu.memory_space<vmem_shared>> -> memref<10240x64xf32, #tpu.memory_space<vmem_shared>>
      tpu.wait_indirect_dma semaphore(%arg18 : memref<!tpu.dma_semaphore, #tpu.memory_space<semaphore_mem>>) src(%dma_wait3A_388 : memref<128x64xf32, #tpu.memory_space<vmem>>) dst(%dma_wait3A_394 : memref<10240x64xf32, #tpu.memory_space<vmem_shared>>)
      %add3A_395 = arith.constant 2 : i32
      %add3A_396 = arith.addi %add3A_359, %add3A_395 : i32
      %min3A_397 = arith.constant 159 : i32
      %min3A_398 = arith.minsi %add3A_396, %min3A_397 : i32
      %dma_start3A_399 = arith.constant 3 : i32
      %dma_start3A_400 = arith.constant 0 : i32
      %dma_start3A_401 = arith.constant 0 : i32
      %dma_start3A_402 = tpu.memref_slice %arg8[%dma_start3A_399, %dma_start3A_400, %dma_start3A_401] : memref<4x128x64xf32, #tpu.memory_space<vmem>> -> memref<1x128x64xf32, #tpu.memory_space<vmem>>
      %dma_start3A_403 = tpu.memref_squeeze %dma_start3A_402 : memref<1x128x64xf32, #tpu.memory_space<vmem>> -> memref<128x64xf32, #tpu.memory_space<vmem>>
      %dma_start3A_404 = arith.constant 0 : i32
      %dma_start3A_405 = tpu.memref_slice %arg6[%min3A_398, %dma_start3A_404] : memref<160x128xi32, #tpu.memory_space<vmem>> -> memref<1x128xi32, #tpu.memory_space<vmem>>
      %dma_start3A_406 = tpu.memref_squeeze %dma_start3A_405 : memref<1x128xi32, #tpu.memory_space<vmem>> -> memref<128xi32, #tpu.memory_space<vmem>>
      %dma_start3A_407 = arith.constant 0 : i32
      %dma_start3A_408 = arith.constant 0 : i32
      %dma_start3A_409 = tpu.memref_slice %arg2[%dma_start3A_407, %dma_start3A_408] : memref<20000x64xf32, #tpu.memory_space<hbm>> -> memref<20000x64xf32, #tpu.memory_space<hbm>>
      tpu.enqueue_indirect_dma source(%dma_start3A_409 : memref<20000x64xf32, #tpu.memory_space<hbm>>) target(%dma_start3A_403 : memref<128x64xf32, #tpu.memory_space<vmem>>) offsets(%dma_start3A_406 : memref<128xi32, #tpu.memory_space<vmem>>) semaphore(%arg14 : memref<!tpu.dma_semaphore, #tpu.memory_space<semaphore_mem>>)
      %mul3A_410 = arith.constant 4 : i32
      %mul3A_411 = arith.muli %mul3A_410, %scan3A_301 : i32
      %add3A_412 = arith.constant 2 : i32
      %add3A_413 = arith.addi %mul3A_411, %add3A_412 : i32
      %dma_wait3A_414 = arith.constant 0 : i32
      %dma_wait3A_415 = arith.constant 2 : i32
      %dma_wait3A_416 = arith.constant 0 : i32
      %dma_wait3A_417 = arith.constant 0 : i32
      %dma_wait3A_418 = tpu.memref_slice %arg8[%dma_wait3A_415, %dma_wait3A_416, %dma_wait3A_417] : memref<4x128x64xf32, #tpu.memory_space<vmem>> -> memref<1x128x64xf32, #tpu.memory_space<vmem>>
      %dma_wait3A_419 = tpu.memref_squeeze %dma_wait3A_418 : memref<1x128x64xf32, #tpu.memory_space<vmem>> -> memref<128x64xf32, #tpu.memory_space<vmem>>
      %dma_wait3A_420 = arith.constant 0 : i32
      %dma_wait3A_421 = tpu.memref_slice %arg6[%dma_wait3A_414, %dma_wait3A_420] : memref<160x128xi32, #tpu.memory_space<vmem>> -> memref<1x128xi32, #tpu.memory_space<vmem>>
      %dma_wait3A_422 = tpu.memref_squeeze %dma_wait3A_421 : memref<1x128xi32, #tpu.memory_space<vmem>> -> memref<128xi32, #tpu.memory_space<vmem>>
      %dma_wait3A_423 = arith.constant 0 : i32
      %dma_wait3A_424 = arith.constant 0 : i32
      %dma_wait3A_425 = tpu.memref_slice %arg2[%dma_wait3A_423, %dma_wait3A_424] : memref<20000x64xf32, #tpu.memory_space<hbm>> -> memref<20000x64xf32, #tpu.memory_space<hbm>>
      tpu.wait_indirect_dma semaphore(%arg13 : memref<!tpu.dma_semaphore, #tpu.memory_space<semaphore_mem>>) src(%dma_wait3A_425 : memref<20000x64xf32, #tpu.memory_space<hbm>>) dst(%dma_wait3A_419 : memref<128x64xf32, #tpu.memory_space<vmem>>)
      %dma_start3A_426 = arith.constant 2 : i32
      %dma_start3A_427 = arith.constant 0 : i32
      %dma_start3A_428 = arith.constant 0 : i32
      %dma_start3A_429 = tpu.memref_slice %arg8[%dma_start3A_426, %dma_start3A_427, %dma_start3A_428] : memref<4x128x64xf32, #tpu.memory_space<vmem>> -> memref<1x128x64xf32, #tpu.memory_space<vmem>>
      %dma_start3A_430 = tpu.memref_squeeze %dma_start3A_429 : memref<1x128x64xf32, #tpu.memory_space<vmem>> -> memref<128x64xf32, #tpu.memory_space<vmem>>
      %dma_start3A_431 = arith.constant 0 : i32
      %dma_start3A_432 = tpu.memref_slice %arg7[%add3A_413, %dma_start3A_431] : memref<160x128xi32, #tpu.memory_space<vmem>> -> memref<1x128xi32, #tpu.memory_space<vmem>>
      %dma_start3A_433 = tpu.memref_squeeze %dma_start3A_432 : memref<1x128xi32, #tpu.memory_space<vmem>> -> memref<128xi32, #tpu.memory_space<vmem>>
      %dma_start3A_434 = arith.constant 0 : i32
      %dma_start3A_435 = arith.constant 0 : i32
      %dma_start3A_436 = tpu.memref_slice %arg10[%dma_start3A_434, %dma_start3A_435] : memref<10240x64xf32, #tpu.memory_space<vmem_shared>> -> memref<10240x64xf32, #tpu.memory_space<vmem_shared>>
      tpu.enqueue_indirect_dma source(%dma_start3A_430 : memref<128x64xf32, #tpu.memory_space<vmem>>) target(%dma_start3A_436 : memref<10240x64xf32, #tpu.memory_space<vmem_shared>>) offsets(%dma_start3A_433 : memref<128xi32, #tpu.memory_space<vmem>>) semaphore(%arg17 : memref<!tpu.dma_semaphore, #tpu.memory_space<semaphore_mem>>) {add = true}
      %dma_wait3A_437 = arith.constant 0 : i32
      %dma_wait3A_438 = arith.constant 0 : i32
      %dma_wait3A_439 = arith.constant 0 : i32
      %dma_wait3A_440 = arith.constant 0 : i32
      %dma_wait3A_441 = tpu.memref_slice %arg8[%dma_wait3A_437, %dma_wait3A_439, %dma_wait3A_440] : memref<4x128x64xf32, #tpu.memory_space<vmem>> -> memref<1x128x64xf32, #tpu.memory_space<vmem>>
      %dma_wait3A_442 = tpu.memref_squeeze %dma_wait3A_441 : memref<1x128x64xf32, #tpu.memory_space<vmem>> -> memref<128x64xf32, #tpu.memory_space<vmem>>
      %dma_wait3A_443 = arith.constant 0 : i32
      %dma_wait3A_444 = tpu.memref_slice %arg7[%dma_wait3A_438, %dma_wait3A_443] : memref<160x128xi32, #tpu.memory_space<vmem>> -> memref<1x128xi32, #tpu.memory_space<vmem>>
      %dma_wait3A_445 = tpu.memref_squeeze %dma_wait3A_444 : memref<1x128xi32, #tpu.memory_space<vmem>> -> memref<128xi32, #tpu.memory_space<vmem>>
      %dma_wait3A_446 = arith.constant 0 : i32
      %dma_wait3A_447 = arith.constant 0 : i32
      %dma_wait3A_448 = tpu.memref_slice %arg10[%dma_wait3A_446, %dma_wait3A_447] : memref<10240x64xf32, #tpu.memory_space<vmem_shared>> -> memref<10240x64xf32, #tpu.memory_space<vmem_shared>>
      tpu.wait_indirect_dma semaphore(%arg15 : memref<!tpu.dma_semaphore, #tpu.memory_space<semaphore_mem>>) src(%dma_wait3A_442 : memref<128x64xf32, #tpu.memory_space<vmem>>) dst(%dma_wait3A_448 : memref<10240x64xf32, #tpu.memory_space<vmem_shared>>)
      %add3A_449 = arith.constant 2 : i32
      %add3A_450 = arith.addi %add3A_413, %add3A_449 : i32
      %min3A_451 = arith.constant 159 : i32
      %min3A_452 = arith.minsi %add3A_450, %min3A_451 : i32
      %dma_start3A_453 = arith.constant 0 : i32
      %dma_start3A_454 = arith.constant 0 : i32
      %dma_start3A_455 = arith.constant 0 : i32
      %dma_start3A_456 = tpu.memref_slice %arg8[%dma_start3A_453, %dma_start3A_454, %dma_start3A_455] : memref<4x128x64xf32, #tpu.memory_space<vmem>> -> memref<1x128x64xf32, #tpu.memory_space<vmem>>
      %dma_start3A_457 = tpu.memref_squeeze %dma_start3A_456 : memref<1x128x64xf32, #tpu.memory_space<vmem>> -> memref<128x64xf32, #tpu.memory_space<vmem>>
      %dma_start3A_458 = arith.constant 0 : i32
      %dma_start3A_459 = tpu.memref_slice %arg6[%min3A_452, %dma_start3A_458] : memref<160x128xi32, #tpu.memory_space<vmem>> -> memref<1x128xi32, #tpu.memory_space<vmem>>
      %dma_start3A_460 = tpu.memref_squeeze %dma_start3A_459 : memref<1x128xi32, #tpu.memory_space<vmem>> -> memref<128xi32, #tpu.memory_space<vmem>>
      %dma_start3A_461 = arith.constant 0 : i32
      %dma_start3A_462 = arith.constant 0 : i32
      %dma_start3A_463 = tpu.memref_slice %arg2[%dma_start3A_461, %dma_start3A_462] : memref<20000x64xf32, #tpu.memory_space<hbm>> -> memref<20000x64xf32, #tpu.memory_space<hbm>>
      tpu.enqueue_indirect_dma source(%dma_start3A_463 : memref<20000x64xf32, #tpu.memory_space<hbm>>) target(%dma_start3A_457 : memref<128x64xf32, #tpu.memory_space<vmem>>) offsets(%dma_start3A_460 : memref<128xi32, #tpu.memory_space<vmem>>) semaphore(%arg11 : memref<!tpu.dma_semaphore, #tpu.memory_space<semaphore_mem>>)
      %mul3A_464 = arith.constant 4 : i32
      %mul3A_465 = arith.muli %mul3A_464, %scan3A_301 : i32
      %add3A_466 = arith.constant 3 : i32
      %add3A_467 = arith.addi %mul3A_465, %add3A_466 : i32
      %dma_wait3A_468 = arith.constant 0 : i32
      %dma_wait3A_469 = arith.constant 3 : i32
      %dma_wait3A_470 = arith.constant 0 : i32
      %dma_wait3A_471 = arith.constant 0 : i32
      %dma_wait3A_472 = tpu.memref_slice %arg8[%dma_wait3A_469, %dma_wait3A_470, %dma_wait3A_471] : memref<4x128x64xf32, #tpu.memory_space<vmem>> -> memref<1x128x64xf32, #tpu.memory_space<vmem>>
      %dma_wait3A_473 = tpu.memref_squeeze %dma_wait3A_472 : memref<1x128x64xf32, #tpu.memory_space<vmem>> -> memref<128x64xf32, #tpu.memory_space<vmem>>
      %dma_wait3A_474 = arith.constant 0 : i32
      %dma_wait3A_475 = tpu.memref_slice %arg6[%dma_wait3A_468, %dma_wait3A_474] : memref<160x128xi32, #tpu.memory_space<vmem>> -> memref<1x128xi32, #tpu.memory_space<vmem>>
      %dma_wait3A_476 = tpu.memref_squeeze %dma_wait3A_475 : memref<1x128xi32, #tpu.memory_space<vmem>> -> memref<128xi32, #tpu.memory_space<vmem>>
      %dma_wait3A_477 = arith.constant 0 : i32
      %dma_wait3A_478 = arith.constant 0 : i32
      %dma_wait3A_479 = tpu.memref_slice %arg2[%dma_wait3A_477, %dma_wait3A_478] : memref<20000x64xf32, #tpu.memory_space<hbm>> -> memref<20000x64xf32, #tpu.memory_space<hbm>>
      tpu.wait_indirect_dma semaphore(%arg14 : memref<!tpu.dma_semaphore, #tpu.memory_space<semaphore_mem>>) src(%dma_wait3A_479 : memref<20000x64xf32, #tpu.memory_space<hbm>>) dst(%dma_wait3A_473 : memref<128x64xf32, #tpu.memory_space<vmem>>)
      %dma_start3A_480 = arith.constant 3 : i32
      %dma_start3A_481 = arith.constant 0 : i32
      %dma_start3A_482 = arith.constant 0 : i32
      %dma_start3A_483 = tpu.memref_slice %arg8[%dma_start3A_480, %dma_start3A_481, %dma_start3A_482] : memref<4x128x64xf32, #tpu.memory_space<vmem>> -> memref<1x128x64xf32, #tpu.memory_space<vmem>>
      %dma_start3A_484 = tpu.memref_squeeze %dma_start3A_483 : memref<1x128x64xf32, #tpu.memory_space<vmem>> -> memref<128x64xf32, #tpu.memory_space<vmem>>
      %dma_start3A_485 = arith.constant 0 : i32
      %dma_start3A_486 = tpu.memref_slice %arg7[%add3A_467, %dma_start3A_485] : memref<160x128xi32, #tpu.memory_space<vmem>> -> memref<1x128xi32, #tpu.memory_space<vmem>>
      %dma_start3A_487 = tpu.memref_squeeze %dma_start3A_486 : memref<1x128xi32, #tpu.memory_space<vmem>> -> memref<128xi32, #tpu.memory_space<vmem>>
      %dma_start3A_488 = arith.constant 0 : i32
      %dma_start3A_489 = arith.constant 0 : i32
      %dma_start3A_490 = tpu.memref_slice %arg10[%dma_start3A_488, %dma_start3A_489] : memref<10240x64xf32, #tpu.memory_space<vmem_shared>> -> memref<10240x64xf32, #tpu.memory_space<vmem_shared>>
      tpu.enqueue_indirect_dma source(%dma_start3A_484 : memref<128x64xf32, #tpu.memory_space<vmem>>) target(%dma_start3A_490 : memref<10240x64xf32, #tpu.memory_space<vmem_shared>>) offsets(%dma_start3A_487 : memref<128xi32, #tpu.memory_space<vmem>>) semaphore(%arg18 : memref<!tpu.dma_semaphore, #tpu.memory_space<semaphore_mem>>) {add = true}
      %dma_wait3A_491 = arith.constant 1 : i32
      %dma_wait3A_492 = arith.constant 0 : i32
      %dma_wait3A_493 = arith.constant 0 : i32
      %dma_wait3A_494 = arith.constant 0 : i32
      %dma_wait3A_495 = tpu.memref_slice %arg8[%dma_wait3A_491, %dma_wait3A_493, %dma_wait3A_494] : memref<4x128x64xf32, #tpu.memory_space<vmem>> -> memref<1x128x64xf32, #tpu.memory_space<vmem>>
      %dma_wait3A_496 = tpu.memref_squeeze %dma_wait3A_495 : memref<1x128x64xf32, #tpu.memory_space<vmem>> -> memref<128x64xf32, #tpu.memory_space<vmem>>
      %dma_wait3A_497 = arith.constant 0 : i32
      %dma_wait3A_498 = tpu.memref_slice %arg7[%dma_wait3A_492, %dma_wait3A_497] : memref<160x128xi32, #tpu.memory_space<vmem>> -> memref<1x128xi32, #tpu.memory_space<vmem>>
      %dma_wait3A_499 = tpu.memref_squeeze %dma_wait3A_498 : memref<1x128xi32, #tpu.memory_space<vmem>> -> memref<128xi32, #tpu.memory_space<vmem>>
      %dma_wait3A_500 = arith.constant 0 : i32
      %dma_wait3A_501 = arith.constant 0 : i32
      %dma_wait3A_502 = tpu.memref_slice %arg10[%dma_wait3A_500, %dma_wait3A_501] : memref<10240x64xf32, #tpu.memory_space<vmem_shared>> -> memref<10240x64xf32, #tpu.memory_space<vmem_shared>>
      tpu.wait_indirect_dma semaphore(%arg16 : memref<!tpu.dma_semaphore, #tpu.memory_space<semaphore_mem>>) src(%dma_wait3A_496 : memref<128x64xf32, #tpu.memory_space<vmem>>) dst(%dma_wait3A_502 : memref<10240x64xf32, #tpu.memory_space<vmem_shared>>)
      %add3A_503 = arith.constant 2 : i32
      %add3A_504 = arith.addi %add3A_467, %add3A_503 : i32
      %min3A_505 = arith.constant 159 : i32
      %min3A_506 = arith.minsi %add3A_504, %min3A_505 : i32
      %dma_start3A_507 = arith.constant 1 : i32
      %dma_start3A_508 = arith.constant 0 : i32
      %dma_start3A_509 = arith.constant 0 : i32
      %dma_start3A_510 = tpu.memref_slice %arg8[%dma_start3A_507, %dma_start3A_508, %dma_start3A_509] : memref<4x128x64xf32, #tpu.memory_space<vmem>> -> memref<1x128x64xf32, #tpu.memory_space<vmem>>
      %dma_start3A_511 = tpu.memref_squeeze %dma_start3A_510 : memref<1x128x64xf32, #tpu.memory_space<vmem>> -> memref<128x64xf32, #tpu.memory_space<vmem>>
      %dma_start3A_512 = arith.constant 0 : i32
      %dma_start3A_513 = tpu.memref_slice %arg6[%min3A_506, %dma_start3A_512] : memref<160x128xi32, #tpu.memory_space<vmem>> -> memref<1x128xi32, #tpu.memory_space<vmem>>
      %dma_start3A_514 = tpu.memref_squeeze %dma_start3A_513 : memref<1x128xi32, #tpu.memory_space<vmem>> -> memref<128xi32, #tpu.memory_space<vmem>>
      %dma_start3A_515 = arith.constant 0 : i32
      %dma_start3A_516 = arith.constant 0 : i32
      %dma_start3A_517 = tpu.memref_slice %arg2[%dma_start3A_515, %dma_start3A_516] : memref<20000x64xf32, #tpu.memory_space<hbm>> -> memref<20000x64xf32, #tpu.memory_space<hbm>>
      tpu.enqueue_indirect_dma source(%dma_start3A_517 : memref<20000x64xf32, #tpu.memory_space<hbm>>) target(%dma_start3A_511 : memref<128x64xf32, #tpu.memory_space<vmem>>) offsets(%dma_start3A_514 : memref<128xi32, #tpu.memory_space<vmem>>) semaphore(%arg12 : memref<!tpu.dma_semaphore, #tpu.memory_space<semaphore_mem>>)
      %scan3A_518 = arith.constant 0 : i32
      scf.yield %scan3A_518 : i32
    }
    %scan3A_244 = arith.constant 39 : i32
    %dma_wait3A_245 = arith.constant 0 : i32
    %dma_wait3A_246 = arith.constant 0 : i32
    %dma_wait3A_247 = arith.constant 0 : i32
    %dma_wait3A_248 = arith.constant 0 : i32
    %dma_wait3A_249 = tpu.memref_slice %arg8[%dma_wait3A_246, %dma_wait3A_247, %dma_wait3A_248] : memref<4x128x64xf32, #tpu.memory_space<vmem>> -> memref<1x128x64xf32, #tpu.memory_space<vmem>>
    %dma_wait3A_250 = tpu.memref_squeeze %dma_wait3A_249 : memref<1x128x64xf32, #tpu.memory_space<vmem>> -> memref<128x64xf32, #tpu.memory_space<vmem>>
    %dma_wait3A_251 = arith.constant 0 : i32
    %dma_wait3A_252 = tpu.memref_slice %arg6[%dma_wait3A_245, %dma_wait3A_251] : memref<160x128xi32, #tpu.memory_space<vmem>> -> memref<1x128xi32, #tpu.memory_space<vmem>>
    %dma_wait3A_253 = tpu.memref_squeeze %dma_wait3A_252 : memref<1x128xi32, #tpu.memory_space<vmem>> -> memref<128xi32, #tpu.memory_space<vmem>>
    %dma_wait3A_254 = arith.constant 0 : i32
    %dma_wait3A_255 = arith.constant 0 : i32
    %dma_wait3A_256 = tpu.memref_slice %arg2[%dma_wait3A_254, %dma_wait3A_255] : memref<20000x64xf32, #tpu.memory_space<hbm>> -> memref<20000x64xf32, #tpu.memory_space<hbm>>
    tpu.wait_indirect_dma semaphore(%arg11 : memref<!tpu.dma_semaphore, #tpu.memory_space<semaphore_mem>>) src(%dma_wait3A_256 : memref<20000x64xf32, #tpu.memory_space<hbm>>) dst(%dma_wait3A_250 : memref<128x64xf32, #tpu.memory_space<vmem>>)
    %dma_wait3A_257 = arith.constant 0 : i32
    %dma_wait3A_258 = arith.constant 1 : i32
    %dma_wait3A_259 = arith.constant 0 : i32
    %dma_wait3A_260 = arith.constant 0 : i32
    %dma_wait3A_261 = tpu.memref_slice %arg8[%dma_wait3A_258, %dma_wait3A_259, %dma_wait3A_260] : memref<4x128x64xf32, #tpu.memory_space<vmem>> -> memref<1x128x64xf32, #tpu.memory_space<vmem>>
    %dma_wait3A_262 = tpu.memref_squeeze %dma_wait3A_261 : memref<1x128x64xf32, #tpu.memory_space<vmem>> -> memref<128x64xf32, #tpu.memory_space<vmem>>
    %dma_wait3A_263 = arith.constant 0 : i32
    %dma_wait3A_264 = tpu.memref_slice %arg6[%dma_wait3A_257, %dma_wait3A_263] : memref<160x128xi32, #tpu.memory_space<vmem>> -> memref<1x128xi32, #tpu.memory_space<vmem>>
    %dma_wait3A_265 = tpu.memref_squeeze %dma_wait3A_264 : memref<1x128xi32, #tpu.memory_space<vmem>> -> memref<128xi32, #tpu.memory_space<vmem>>
    %dma_wait3A_266 = arith.constant 0 : i32
    %dma_wait3A_267 = arith.constant 0 : i32
    %dma_wait3A_268 = tpu.memref_slice %arg2[%dma_wait3A_266, %dma_wait3A_267] : memref<20000x64xf32, #tpu.memory_space<hbm>> -> memref<20000x64xf32, #tpu.memory_space<hbm>>
    tpu.wait_indirect_dma semaphore(%arg12 : memref<!tpu.dma_semaphore, #tpu.memory_space<semaphore_mem>>) src(%dma_wait3A_268 : memref<20000x64xf32, #tpu.memory_space<hbm>>) dst(%dma_wait3A_262 : memref<128x64xf32, #tpu.memory_space<vmem>>)
    %dma_wait3A_269 = arith.constant 2 : i32
    %dma_wait3A_270 = arith.constant 0 : i32
    %dma_wait3A_271 = arith.constant 0 : i32
    %dma_wait3A_272 = arith.constant 0 : i32
    %dma_wait3A_273 = tpu.memref_slice %arg8[%dma_wait3A_269, %dma_wait3A_271, %dma_wait3A_272] : memref<4x128x64xf32, #tpu.memory_space<vmem>> -> memref<1x128x64xf32, #tpu.memory_space<vmem>>
    %dma_wait3A_274 = tpu.memref_squeeze %dma_wait3A_273 : memref<1x128x64xf32, #tpu.memory_space<vmem>> -> memref<128x64xf32, #tpu.memory_space<vmem>>
    %dma_wait3A_275 = arith.constant 0 : i32
    %dma_wait3A_276 = tpu.memref_slice %arg7[%dma_wait3A_270, %dma_wait3A_275] : memref<160x128xi32, #tpu.memory_space<vmem>> -> memref<1x128xi32, #tpu.memory_space<vmem>>
    %dma_wait3A_277 = tpu.memref_squeeze %dma_wait3A_276 : memref<1x128xi32, #tpu.memory_space<vmem>> -> memref<128xi32, #tpu.memory_space<vmem>>
    %dma_wait3A_278 = arith.constant 0 : i32
    %dma_wait3A_279 = arith.constant 0 : i32
    %dma_wait3A_280 = tpu.memref_slice %arg10[%dma_wait3A_278, %dma_wait3A_279] : memref<10240x64xf32, #tpu.memory_space<vmem_shared>> -> memref<10240x64xf32, #tpu.memory_space<vmem_shared>>
    tpu.wait_indirect_dma semaphore(%arg17 : memref<!tpu.dma_semaphore, #tpu.memory_space<semaphore_mem>>) src(%dma_wait3A_274 : memref<128x64xf32, #tpu.memory_space<vmem>>) dst(%dma_wait3A_280 : memref<10240x64xf32, #tpu.memory_space<vmem_shared>>)
    %dma_wait3A_281 = arith.constant 3 : i32
    %dma_wait3A_282 = arith.constant 0 : i32
    %dma_wait3A_283 = arith.constant 0 : i32
    %dma_wait3A_284 = arith.constant 0 : i32
    %dma_wait3A_285 = tpu.memref_slice %arg8[%dma_wait3A_281, %dma_wait3A_283, %dma_wait3A_284] : memref<4x128x64xf32, #tpu.memory_space<vmem>> -> memref<1x128x64xf32, #tpu.memory_space<vmem>>
    %dma_wait3A_286 = tpu.memref_squeeze %dma_wait3A_285 : memref<1x128x64xf32, #tpu.memory_space<vmem>> -> memref<128x64xf32, #tpu.memory_space<vmem>>
    %dma_wait3A_287 = arith.constant 0 : i32
    %dma_wait3A_288 = tpu.memref_slice %arg7[%dma_wait3A_282, %dma_wait3A_287] : memref<160x128xi32, #tpu.memory_space<vmem>> -> memref<1x128xi32, #tpu.memory_space<vmem>>
    %dma_wait3A_289 = tpu.memref_squeeze %dma_wait3A_288 : memref<1x128xi32, #tpu.memory_space<vmem>> -> memref<128xi32, #tpu.memory_space<vmem>>
    %dma_wait3A_290 = arith.constant 0 : i32
    %dma_wait3A_291 = arith.constant 0 : i32
    %dma_wait3A_292 = tpu.memref_slice %arg10[%dma_wait3A_290, %dma_wait3A_291] : memref<10240x64xf32, #tpu.memory_space<vmem_shared>> -> memref<10240x64xf32, #tpu.memory_space<vmem_shared>>
    tpu.wait_indirect_dma semaphore(%arg18 : memref<!tpu.dma_semaphore, #tpu.memory_space<semaphore_mem>>) src(%dma_wait3A_286 : memref<128x64xf32, #tpu.memory_space<vmem>>) dst(%dma_wait3A_292 : memref<10240x64xf32, #tpu.memory_space<vmem_shared>>)
    %barrier3A_293 = arith.constant 0 : index
    tpu.barrier barrier_id(%barrier3A_293)
    %mul3A_294 = arith.constant 640 : i32
    %mul3A_295 = arith.muli %arg1, %mul3A_294 : i32
    %mul3A_296 = arith.constant 10240 : i32
    %mul3A_297 = arith.muli %arg0, %mul3A_296 : i32
    %mul3A_298 = arith.constant 640 : i32
    %mul3A_299 = arith.muli %arg1, %mul3A_298 : i32
    %add3A_300 = arith.addi %mul3A_297, %mul3A_299 : i32
    "tpu.region"() ({
      %run_scoped3A = tpu.sem_alloc : memref<!tpu.dma_semaphore, #tpu.memory_space<semaphore_mem>>
      %dma_start3A_301 = arith.constant 0 : i32
      %dma_start3A_302 = tpu.memref_slice %arg5[%add3A_300, %dma_start3A_301] : memref<20480x64xf32, #tpu.memory_space<hbm>> -> memref<640x64xf32, #tpu.memory_space<hbm>>
      %dma_start3A_303 = arith.constant 0 : i32
      %dma_start3A_304 = tpu.memref_slice %arg10[%mul3A_295, %dma_start3A_303] : memref<10240x64xf32, #tpu.memory_space<vmem_shared>> -> memref<640x64xf32, #tpu.memory_space<vmem_shared>>
      tpu.enqueue_dma source(%dma_start3A_304 : memref<640x64xf32, #tpu.memory_space<vmem_shared>>) target(%dma_start3A_302 : memref<640x64xf32, #tpu.memory_space<hbm>>) target_semaphore(%run_scoped3A : memref<!tpu.dma_semaphore, #tpu.memory_space<semaphore_mem>>)
      %dma_wait3A_305 = arith.constant 0 : i32
      %dma_wait3A_306 = tpu.memref_slice %arg5[%add3A_300, %dma_wait3A_305] : memref<20480x64xf32, #tpu.memory_space<hbm>> -> memref<640x64xf32, #tpu.memory_space<hbm>>
      %dma_wait3A_307 = arith.constant 0 : i32
      %dma_wait3A_308 = tpu.memref_slice %arg10[%mul3A_295, %dma_wait3A_307] : memref<10240x64xf32, #tpu.memory_space<vmem_shared>> -> memref<640x64xf32, #tpu.memory_space<vmem_shared>>
      tpu.wait_dma2 semaphore(%run_scoped3A : memref<!tpu.dma_semaphore, #tpu.memory_space<semaphore_mem>>) src(%dma_wait3A_308 : memref<640x64xf32, #tpu.memory_space<vmem_shared>>) dst(%dma_wait3A_306 : memref<640x64xf32, #tpu.memory_space<hbm>>)
      tpu.yield
    }) : () -> ()
    return
  }
}

#map = affine_map<(d0, d1) -> (0, 0)>
module attributes {stable_mosaic.version = 14 : i64} {
  func.func @body(%arg0: i32, %arg1: i32, %arg2: memref<20000x32xf32, #tpu.memory_space<hbm>>, %arg3: memref<5120x128xi32, #tpu.memory_space<hbm>>, %arg4: memref<2560x128xi32, #tpu.memory_space<hbm>>, %arg5: memref<20480x32xf32, #tpu.memory_space<hbm>>, %arg6: memref<160x128xi32, #tpu.memory_space<vmem>>, %arg7: memref<160x128xi32, #tpu.memory_space<vmem>>, %arg8: memref<4x128x32xf32, #tpu.memory_space<vmem>>, %arg9: memref<128x32xf32, #tpu.memory_space<vmem>>, %arg10: memref<10240x32xf32, #tpu.memory_space<vmem_shared>>, %arg11: memref<!tpu.dma_semaphore, #tpu.memory_space<semaphore_mem>>, %arg12: memref<!tpu.dma_semaphore, #tpu.memory_space<semaphore_mem>>, %arg13: memref<!tpu.dma_semaphore, #tpu.memory_space<semaphore_mem>>, %arg14: memref<!tpu.dma_semaphore, #tpu.memory_space<semaphore_mem>>, %arg15: memref<!tpu.dma_semaphore, #tpu.memory_space<semaphore_mem>>, %arg16: memref<!tpu.dma_semaphore, #tpu.memory_space<semaphore_mem>>, %arg17: memref<!tpu.dma_semaphore, #tpu.memory_space<semaphore_mem>>, %arg18: memref<!tpu.dma_semaphore, #tpu.memory_space<semaphore_mem>>) attributes {dimension_semantics = [#tpu.dimension_semantics<core_parallel>, #tpu.dimension_semantics<subcore_parallel>], iteration_bounds = array<i64: 2, 16>, scalar_prefetch = 0 : i64, scratch_operands = 13 : i64, tpu.core_type = #tpu.core_type<sc_vector_subcore>, window_params = [{transform_indices = #map}, {transform_indices = #map}, {transform_indices = #map}, {transform_indices = #map}]} {
    %mul3A = arith.constant 16 : i32
    %mul3A_0 = arith.muli %arg0, %mul3A : i32
    %add3A = arith.addi %mul3A_0, %arg1 : i32
    %mul3A_1 = arith.constant 160 : i32
    %mul3A_2 = arith.muli %add3A, %mul3A_1 : i32
    %dma_start3A = arith.constant 0 : i32
    %dma_start3A_3 = tpu.memref_slice %arg3[%mul3A_2, %dma_start3A] : memref<5120x128xi32, #tpu.memory_space<hbm>> -> memref<160x128xi32, #tpu.memory_space<hbm>>
    %dma_start3A_4 = arith.constant 0 : i32
    %dma_start3A_5 = tpu.memref_slice %arg3[%mul3A_2, %dma_start3A_4] : memref<5120x128xi32, #tpu.memory_space<hbm>> -> memref<160x128xi32, #tpu.memory_space<hbm>>
    tpu.enqueue_dma source(%dma_start3A_5 : memref<160x128xi32, #tpu.memory_space<hbm>>) target(%arg6 : memref<160x128xi32, #tpu.memory_space<vmem>>) target_semaphore(%arg11 : memref<!tpu.dma_semaphore, #tpu.memory_space<semaphore_mem>>)
    %mul3A_6 = arith.constant 160 : i32
    %mul3A_7 = arith.muli %arg1, %mul3A_6 : i32
    %dma_start3A_8 = arith.constant 0 : i32
    %dma_start3A_9 = tpu.memref_slice %arg4[%mul3A_7, %dma_start3A_8] : memref<2560x128xi32, #tpu.memory_space<hbm>> -> memref<160x128xi32, #tpu.memory_space<hbm>>
    %dma_start3A_10 = arith.constant 0 : i32
    %dma_start3A_11 = tpu.memref_slice %arg4[%mul3A_7, %dma_start3A_10] : memref<2560x128xi32, #tpu.memory_space<hbm>> -> memref<160x128xi32, #tpu.memory_space<hbm>>
    tpu.enqueue_dma source(%dma_start3A_11 : memref<160x128xi32, #tpu.memory_space<hbm>>) target(%arg7 : memref<160x128xi32, #tpu.memory_space<vmem>>) target_semaphore(%arg12 : memref<!tpu.dma_semaphore, #tpu.memory_space<semaphore_mem>>)
    %broadcast_in_dim3A = arith.constant 0.000000e+00 : f32
    %broadcast_in_dim3A_12 = vector.broadcast %broadcast_in_dim3A : f32 to vector<16xf32>
    %scan3A = arith.constant 0 : i32
    %scan3A_13 = arith.constant 0 : i32
    %scan3A_14 = arith.constant 128 : i32
    %scan3A_15 = arith.addi %scan3A_13, %scan3A_14 : i32
    %scan3A_16 = arith.constant 1 : i32
    %scan3A_17 = scf.for %scan3A_301 = %scan3A_13 to %scan3A_15 step %scan3A_16 iter_args(%scan3A_302 = %scan3A) -> (i32)  : i32 {
      %swap3A = arith.index_cast %scan3A_301 : i32 to index
      %swap3A_303 = arith.constant 0 : index
      %swap3A_304 = tpu.vector_load %arg9[%swap3A, %swap3A_303] {strides = array<i32>} : memref<128x32xf32, #tpu.memory_space<vmem>>, vector<1x16xf32>,
      %swap3A_305 = vector.shape_cast %swap3A_304 : vector<1x16xf32> to vector<16xf32>
      %swap3A_306 = vector.shape_cast %broadcast_in_dim3A_12 : vector<16xf32> to vector<1x16xf32>
      tpu.vector_store %arg9[%swap3A, %swap3A_303], %swap3A_306 {strides = array<i32>} : memref<128x32xf32, #tpu.memory_space<vmem>>, vector<1x16xf32>,
      %swap3A_307 = arith.index_cast %scan3A_301 : i32 to index
      %swap3A_308 = arith.constant 16 : index
      %swap3A_309 = tpu.vector_load %arg9[%swap3A_307, %swap3A_308] {strides = array<i32>} : memref<128x32xf32, #tpu.memory_space<vmem>>, vector<1x16xf32>,
      %swap3A_310 = vector.shape_cast %swap3A_309 : vector<1x16xf32> to vector<16xf32>
      %swap3A_311 = vector.shape_cast %broadcast_in_dim3A_12 : vector<16xf32> to vector<1x16xf32>
      tpu.vector_store %arg9[%swap3A_307, %swap3A_308], %swap3A_311 {strides = array<i32>} : memref<128x32xf32, #tpu.memory_space<vmem>>, vector<1x16xf32>,
      %scan3A_312 = arith.constant 0 : i32
      scf.yield %scan3A_312 : i32
    }
    %scan3A_18 = arith.constant 128 : i32
    %mul3A_19 = arith.constant 640 : i32
    %mul3A_20 = arith.muli %arg1, %mul3A_19 : i32
    %add3A_21 = arith.constant 0 : i32
    %add3A_22 = arith.addi %mul3A_20, %add3A_21 : i32
    "tpu.region"() ({
      %run_scoped3A = tpu.sem_alloc : memref<!tpu.dma_semaphore, #tpu.memory_space<semaphore_mem>>
      %dma_start3A_301 = arith.constant 0 : i32
      %dma_start3A_302 = tpu.memref_slice %arg10[%add3A_22, %dma_start3A_301] : memref<10240x32xf32, #tpu.memory_space<vmem_shared>> -> memref<128x32xf32, #tpu.memory_space<vmem_shared>>
      %dma_start3A_303 = arith.constant 0 : i32
      %dma_start3A_304 = tpu.memref_slice %arg10[%add3A_22, %dma_start3A_303] : memref<10240x32xf32, #tpu.memory_space<vmem_shared>> -> memref<128x32xf32, #tpu.memory_space<vmem_shared>>
      tpu.enqueue_dma source(%arg9 : memref<128x32xf32, #tpu.memory_space<vmem>>) target(%dma_start3A_304 : memref<128x32xf32, #tpu.memory_space<vmem_shared>>) target_semaphore(%run_scoped3A : memref<!tpu.dma_semaphore, #tpu.memory_space<semaphore_mem>>)
      %dma_wait3A_305 = arith.constant 0 : i32
      %dma_wait3A_306 = tpu.memref_slice %arg10[%add3A_22, %dma_wait3A_305] : memref<10240x32xf32, #tpu.memory_space<vmem_shared>> -> memref<128x32xf32, #tpu.memory_space<vmem_shared>>
      %dma_wait3A_307 = arith.constant 0 : i32
      %dma_wait3A_308 = tpu.memref_slice %arg10[%add3A_22, %dma_wait3A_307] : memref<10240x32xf32, #tpu.memory_space<vmem_shared>> -> memref<128x32xf32, #tpu.memory_space<vmem_shared>>
      tpu.wait_dma2 semaphore(%run_scoped3A : memref<!tpu.dma_semaphore, #tpu.memory_space<semaphore_mem>>) src(%arg9 : memref<128x32xf32, #tpu.memory_space<vmem>>) dst(%dma_wait3A_308 : memref<128x32xf32, #tpu.memory_space<vmem_shared>>)
      tpu.yield
    }) : () -> ()
    %mul3A_23 = arith.constant 640 : i32
    %mul3A_24 = arith.muli %arg1, %mul3A_23 : i32
    %add3A_25 = arith.constant 128 : i32
    %add3A_26 = arith.addi %mul3A_24, %add3A_25 : i32
    "tpu.region"() ({
      %run_scoped3A = tpu.sem_alloc : memref<!tpu.dma_semaphore, #tpu.memory_space<semaphore_mem>>
      %dma_start3A_301 = arith.constant 0 : i32
      %dma_start3A_302 = tpu.memref_slice %arg10[%add3A_26, %dma_start3A_301] : memref<10240x32xf32, #tpu.memory_space<vmem_shared>> -> memref<128x32xf32, #tpu.memory_space<vmem_shared>>
      %dma_start3A_303 = arith.constant 0 : i32
      %dma_start3A_304 = tpu.memref_slice %arg10[%add3A_26, %dma_start3A_303] : memref<10240x32xf32, #tpu.memory_space<vmem_shared>> -> memref<128x32xf32, #tpu.memory_space<vmem_shared>>
      tpu.enqueue_dma source(%arg9 : memref<128x32xf32, #tpu.memory_space<vmem>>) target(%dma_start3A_304 : memref<128x32xf32, #tpu.memory_space<vmem_shared>>) target_semaphore(%run_scoped3A : memref<!tpu.dma_semaphore, #tpu.memory_space<semaphore_mem>>)
      %dma_wait3A_305 = arith.constant 0 : i32
      %dma_wait3A_306 = tpu.memref_slice %arg10[%add3A_26, %dma_wait3A_305] : memref<10240x32xf32, #tpu.memory_space<vmem_shared>> -> memref<128x32xf32, #tpu.memory_space<vmem_shared>>
      %dma_wait3A_307 = arith.constant 0 : i32
      %dma_wait3A_308 = tpu.memref_slice %arg10[%add3A_26, %dma_wait3A_307] : memref<10240x32xf32, #tpu.memory_space<vmem_shared>> -> memref<128x32xf32, #tpu.memory_space<vmem_shared>>
      tpu.wait_dma2 semaphore(%run_scoped3A : memref<!tpu.dma_semaphore, #tpu.memory_space<semaphore_mem>>) src(%arg9 : memref<128x32xf32, #tpu.memory_space<vmem>>) dst(%dma_wait3A_308 : memref<128x32xf32, #tpu.memory_space<vmem_shared>>)
      tpu.yield
    }) : () -> ()
    %mul3A_27 = arith.constant 640 : i32
    %mul3A_28 = arith.muli %arg1, %mul3A_27 : i32
    %add3A_29 = arith.constant 256 : i32
    %add3A_30 = arith.addi %mul3A_28, %add3A_29 : i32
    "tpu.region"() ({
      %run_scoped3A = tpu.sem_alloc : memref<!tpu.dma_semaphore, #tpu.memory_space<semaphore_mem>>
      %dma_start3A_301 = arith.constant 0 : i32
      %dma_start3A_302 = tpu.memref_slice %arg10[%add3A_30, %dma_start3A_301] : memref<10240x32xf32, #tpu.memory_space<vmem_shared>> -> memref<128x32xf32, #tpu.memory_space<vmem_shared>>
      %dma_start3A_303 = arith.constant 0 : i32
      %dma_start3A_304 = tpu.memref_slice %arg10[%add3A_30, %dma_start3A_303] : memref<10240x32xf32, #tpu.memory_space<vmem_shared>> -> memref<128x32xf32, #tpu.memory_space<vmem_shared>>
      tpu.enqueue_dma source(%arg9 : memref<128x32xf32, #tpu.memory_space<vmem>>) target(%dma_start3A_304 : memref<128x32xf32, #tpu.memory_space<vmem_shared>>) target_semaphore(%run_scoped3A : memref<!tpu.dma_semaphore, #tpu.memory_space<semaphore_mem>>)
      %dma_wait3A_305 = arith.constant 0 : i32
      %dma_wait3A_306 = tpu.memref_slice %arg10[%add3A_30, %dma_wait3A_305] : memref<10240x32xf32, #tpu.memory_space<vmem_shared>> -> memref<128x32xf32, #tpu.memory_space<vmem_shared>>
      %dma_wait3A_307 = arith.constant 0 : i32
      %dma_wait3A_308 = tpu.memref_slice %arg10[%add3A_30, %dma_wait3A_307] : memref<10240x32xf32, #tpu.memory_space<vmem_shared>> -> memref<128x32xf32, #tpu.memory_space<vmem_shared>>
      tpu.wait_dma2 semaphore(%run_scoped3A : memref<!tpu.dma_semaphore, #tpu.memory_space<semaphore_mem>>) src(%arg9 : memref<128x32xf32, #tpu.memory_space<vmem>>) dst(%dma_wait3A_308 : memref<128x32xf32, #tpu.memory_space<vmem_shared>>)
      tpu.yield
    }) : () -> ()
    %mul3A_31 = arith.constant 640 : i32
    %mul3A_32 = arith.muli %arg1, %mul3A_31 : i32
    %add3A_33 = arith.constant 384 : i32
    %add3A_34 = arith.addi %mul3A_32, %add3A_33 : i32
    "tpu.region"() ({
      %run_scoped3A = tpu.sem_alloc : memref<!tpu.dma_semaphore, #tpu.memory_space<semaphore_mem>>
      %dma_start3A_301 = arith.constant 0 : i32
      %dma_start3A_302 = tpu.memref_slice %arg10[%add3A_34, %dma_start3A_301] : memref<10240x32xf32, #tpu.memory_space<vmem_shared>> -> memref<128x32xf32, #tpu.memory_space<vmem_shared>>
      %dma_start3A_303 = arith.constant 0 : i32
      %dma_start3A_304 = tpu.memref_slice %arg10[%add3A_34, %dma_start3A_303] : memref<10240x32xf32, #tpu.memory_space<vmem_shared>> -> memref<128x32xf32, #tpu.memory_space<vmem_shared>>
      tpu.enqueue_dma source(%arg9 : memref<128x32xf32, #tpu.memory_space<vmem>>) target(%dma_start3A_304 : memref<128x32xf32, #tpu.memory_space<vmem_shared>>) target_semaphore(%run_scoped3A : memref<!tpu.dma_semaphore, #tpu.memory_space<semaphore_mem>>)
      %dma_wait3A_305 = arith.constant 0 : i32
      %dma_wait3A_306 = tpu.memref_slice %arg10[%add3A_34, %dma_wait3A_305] : memref<10240x32xf32, #tpu.memory_space<vmem_shared>> -> memref<128x32xf32, #tpu.memory_space<vmem_shared>>
      %dma_wait3A_307 = arith.constant 0 : i32
      %dma_wait3A_308 = tpu.memref_slice %arg10[%add3A_34, %dma_wait3A_307] : memref<10240x32xf32, #tpu.memory_space<vmem_shared>> -> memref<128x32xf32, #tpu.memory_space<vmem_shared>>
      tpu.wait_dma2 semaphore(%run_scoped3A : memref<!tpu.dma_semaphore, #tpu.memory_space<semaphore_mem>>) src(%arg9 : memref<128x32xf32, #tpu.memory_space<vmem>>) dst(%dma_wait3A_308 : memref<128x32xf32, #tpu.memory_space<vmem_shared>>)
      tpu.yield
    }) : () -> ()
    %mul3A_35 = arith.constant 640 : i32
    %mul3A_36 = arith.muli %arg1, %mul3A_35 : i32
    %add3A_37 = arith.constant 512 : i32
    %add3A_38 = arith.addi %mul3A_36, %add3A_37 : i32
    "tpu.region"() ({
      %run_scoped3A = tpu.sem_alloc : memref<!tpu.dma_semaphore, #tpu.memory_space<semaphore_mem>>
      %dma_start3A_301 = arith.constant 0 : i32
      %dma_start3A_302 = tpu.memref_slice %arg10[%add3A_38, %dma_start3A_301] : memref<10240x32xf32, #tpu.memory_space<vmem_shared>> -> memref<128x32xf32, #tpu.memory_space<vmem_shared>>
      %dma_start3A_303 = arith.constant 0 : i32
      %dma_start3A_304 = tpu.memref_slice %arg10[%add3A_38, %dma_start3A_303] : memref<10240x32xf32, #tpu.memory_space<vmem_shared>> -> memref<128x32xf32, #tpu.memory_space<vmem_shared>>
      tpu.enqueue_dma source(%arg9 : memref<128x32xf32, #tpu.memory_space<vmem>>) target(%dma_start3A_304 : memref<128x32xf32, #tpu.memory_space<vmem_shared>>) target_semaphore(%run_scoped3A : memref<!tpu.dma_semaphore, #tpu.memory_space<semaphore_mem>>)
      %dma_wait3A_305 = arith.constant 0 : i32
      %dma_wait3A_306 = tpu.memref_slice %arg10[%add3A_38, %dma_wait3A_305] : memref<10240x32xf32, #tpu.memory_space<vmem_shared>> -> memref<128x32xf32, #tpu.memory_space<vmem_shared>>
      %dma_wait3A_307 = arith.constant 0 : i32
      %dma_wait3A_308 = tpu.memref_slice %arg10[%add3A_38, %dma_wait3A_307] : memref<10240x32xf32, #tpu.memory_space<vmem_shared>> -> memref<128x32xf32, #tpu.memory_space<vmem_shared>>
      tpu.wait_dma2 semaphore(%run_scoped3A : memref<!tpu.dma_semaphore, #tpu.memory_space<semaphore_mem>>) src(%arg9 : memref<128x32xf32, #tpu.memory_space<vmem>>) dst(%dma_wait3A_308 : memref<128x32xf32, #tpu.memory_space<vmem_shared>>)
      tpu.yield
    }) : () -> ()
    %dma_wait3A = arith.constant 0 : i32
    %dma_wait3A_39 = tpu.memref_slice %arg3[%mul3A_2, %dma_wait3A] : memref<5120x128xi32, #tpu.memory_space<hbm>> -> memref<160x128xi32, #tpu.memory_space<hbm>>
    %dma_wait3A_40 = arith.constant 0 : i32
    %dma_wait3A_41 = tpu.memref_slice %arg3[%mul3A_2, %dma_wait3A_40] : memref<5120x128xi32, #tpu.memory_space<hbm>> -> memref<160x128xi32, #tpu.memory_space<hbm>>
    tpu.wait_dma2 semaphore(%arg11 : memref<!tpu.dma_semaphore, #tpu.memory_space<semaphore_mem>>) src(%dma_wait3A_41 : memref<160x128xi32, #tpu.memory_space<hbm>>) dst(%arg6 : memref<160x128xi32, #tpu.memory_space<vmem>>)
    %dma_wait3A_42 = arith.constant 0 : i32
    %dma_wait3A_43 = tpu.memref_slice %arg4[%mul3A_7, %dma_wait3A_42] : memref<2560x128xi32, #tpu.memory_space<hbm>> -> memref<160x128xi32, #tpu.memory_space<hbm>>
    %dma_wait3A_44 = arith.constant 0 : i32
    %dma_wait3A_45 = tpu.memref_slice %arg4[%mul3A_7, %dma_wait3A_44] : memref<2560x128xi32, #tpu.memory_space<hbm>> -> memref<160x128xi32, #tpu.memory_space<hbm>>
    tpu.wait_dma2 semaphore(%arg12 : memref<!tpu.dma_semaphore, #tpu.memory_space<semaphore_mem>>) src(%dma_wait3A_45 : memref<160x128xi32, #tpu.memory_space<hbm>>) dst(%arg7 : memref<160x128xi32, #tpu.memory_space<vmem>>)
    %barrier3A = arith.constant 0 : index
    tpu.barrier barrier_id(%barrier3A)
    %dma_start3A_46 = arith.constant 0 : i32
    %dma_start3A_47 = arith.constant 0 : i32
    %dma_start3A_48 = arith.constant 0 : i32
    %dma_start3A_49 = arith.constant 0 : i32
    %dma_start3A_50 = tpu.memref_slice %arg8[%dma_start3A_47, %dma_start3A_48, %dma_start3A_49] : memref<4x128x32xf32, #tpu.memory_space<vmem>> -> memref<1x128x32xf32, #tpu.memory_space<vmem>>
    %dma_start3A_51 = tpu.memref_squeeze %dma_start3A_50 : memref<1x128x32xf32, #tpu.memory_space<vmem>> -> memref<128x32xf32, #tpu.memory_space<vmem>>
    %dma_start3A_52 = arith.constant 0 : i32
    %dma_start3A_53 = tpu.memref_slice %arg6[%dma_start3A_46, %dma_start3A_52] : memref<160x128xi32, #tpu.memory_space<vmem>> -> memref<1x128xi32, #tpu.memory_space<vmem>>
    %dma_start3A_54 = tpu.memref_squeeze %dma_start3A_53 : memref<1x128xi32, #tpu.memory_space<vmem>> -> memref<128xi32, #tpu.memory_space<vmem>>
    %dma_start3A_55 = arith.constant 0 : i32
    %dma_start3A_56 = arith.constant 0 : i32
    %dma_start3A_57 = tpu.memref_slice %arg2[%dma_start3A_55, %dma_start3A_56] : memref<20000x32xf32, #tpu.memory_space<hbm>> -> memref<20000x32xf32, #tpu.memory_space<hbm>>
    tpu.enqueue_indirect_dma source(%dma_start3A_57 : memref<20000x32xf32, #tpu.memory_space<hbm>>) target(%dma_start3A_51 : memref<128x32xf32, #tpu.memory_space<vmem>>) offsets(%dma_start3A_54 : memref<128xi32, #tpu.memory_space<vmem>>) semaphore(%arg11 : memref<!tpu.dma_semaphore, #tpu.memory_space<semaphore_mem>>)
    %dma_start3A_58 = arith.constant 1 : i32
    %dma_start3A_59 = arith.constant 1 : i32
    %dma_start3A_60 = arith.constant 0 : i32
    %dma_start3A_61 = arith.constant 0 : i32
    %dma_start3A_62 = tpu.memref_slice %arg8[%dma_start3A_59, %dma_start3A_60, %dma_start3A_61] : memref<4x128x32xf32, #tpu.memory_space<vmem>> -> memref<1x128x32xf32, #tpu.memory_space<vmem>>
    %dma_start3A_63 = tpu.memref_squeeze %dma_start3A_62 : memref<1x128x32xf32, #tpu.memory_space<vmem>> -> memref<128x32xf32, #tpu.memory_space<vmem>>
    %dma_start3A_64 = arith.constant 0 : i32
    %dma_start3A_65 = tpu.memref_slice %arg6[%dma_start3A_58, %dma_start3A_64] : memref<160x128xi32, #tpu.memory_space<vmem>> -> memref<1x128xi32, #tpu.memory_space<vmem>>
    %dma_start3A_66 = tpu.memref_squeeze %dma_start3A_65 : memref<1x128xi32, #tpu.memory_space<vmem>> -> memref<128xi32, #tpu.memory_space<vmem>>
    %dma_start3A_67 = arith.constant 0 : i32
    %dma_start3A_68 = arith.constant 0 : i32
    %dma_start3A_69 = tpu.memref_slice %arg2[%dma_start3A_67, %dma_start3A_68] : memref<20000x32xf32, #tpu.memory_space<hbm>> -> memref<20000x32xf32, #tpu.memory_space<hbm>>
    tpu.enqueue_indirect_dma source(%dma_start3A_69 : memref<20000x32xf32, #tpu.memory_space<hbm>>) target(%dma_start3A_63 : memref<128x32xf32, #tpu.memory_space<vmem>>) offsets(%dma_start3A_66 : memref<128xi32, #tpu.memory_space<vmem>>) semaphore(%arg12 : memref<!tpu.dma_semaphore, #tpu.memory_space<semaphore_mem>>)
    %dma_wait3A_70 = arith.constant 0 : i32
    %dma_wait3A_71 = arith.constant 0 : i32
    %dma_wait3A_72 = arith.constant 0 : i32
    %dma_wait3A_73 = arith.constant 0 : i32
    %dma_wait3A_74 = tpu.memref_slice %arg8[%dma_wait3A_71, %dma_wait3A_72, %dma_wait3A_73] : memref<4x128x32xf32, #tpu.memory_space<vmem>> -> memref<1x128x32xf32, #tpu.memory_space<vmem>>
    %dma_wait3A_75 = tpu.memref_squeeze %dma_wait3A_74 : memref<1x128x32xf32, #tpu.memory_space<vmem>> -> memref<128x32xf32, #tpu.memory_space<vmem>>
    %dma_wait3A_76 = arith.constant 0 : i32
    %dma_wait3A_77 = tpu.memref_slice %arg6[%dma_wait3A_70, %dma_wait3A_76] : memref<160x128xi32, #tpu.memory_space<vmem>> -> memref<1x128xi32, #tpu.memory_space<vmem>>
    %dma_wait3A_78 = tpu.memref_squeeze %dma_wait3A_77 : memref<1x128xi32, #tpu.memory_space<vmem>> -> memref<128xi32, #tpu.memory_space<vmem>>
    %dma_wait3A_79 = arith.constant 0 : i32
    %dma_wait3A_80 = arith.constant 0 : i32
    %dma_wait3A_81 = tpu.memref_slice %arg2[%dma_wait3A_79, %dma_wait3A_80] : memref<20000x32xf32, #tpu.memory_space<hbm>> -> memref<20000x32xf32, #tpu.memory_space<hbm>>
    tpu.wait_indirect_dma semaphore(%arg11 : memref<!tpu.dma_semaphore, #tpu.memory_space<semaphore_mem>>) src(%dma_wait3A_81 : memref<20000x32xf32, #tpu.memory_space<hbm>>) dst(%dma_wait3A_75 : memref<128x32xf32, #tpu.memory_space<vmem>>)
    %dma_start3A_82 = arith.constant 0 : i32
    %dma_start3A_83 = arith.constant 0 : i32
    %dma_start3A_84 = arith.constant 0 : i32
    %dma_start3A_85 = arith.constant 0 : i32
    %dma_start3A_86 = tpu.memref_slice %arg8[%dma_start3A_82, %dma_start3A_84, %dma_start3A_85] : memref<4x128x32xf32, #tpu.memory_space<vmem>> -> memref<1x128x32xf32, #tpu.memory_space<vmem>>
    %dma_start3A_87 = tpu.memref_squeeze %dma_start3A_86 : memref<1x128x32xf32, #tpu.memory_space<vmem>> -> memref<128x32xf32, #tpu.memory_space<vmem>>
    %dma_start3A_88 = arith.constant 0 : i32
    %dma_start3A_89 = tpu.memref_slice %arg7[%dma_start3A_83, %dma_start3A_88] : memref<160x128xi32, #tpu.memory_space<vmem>> -> memref<1x128xi32, #tpu.memory_space<vmem>>
    %dma_start3A_90 = tpu.memref_squeeze %dma_start3A_89 : memref<1x128xi32, #tpu.memory_space<vmem>> -> memref<128xi32, #tpu.memory_space<vmem>>
    %dma_start3A_91 = arith.constant 0 : i32
    %dma_start3A_92 = arith.constant 0 : i32
    %dma_start3A_93 = tpu.memref_slice %arg10[%dma_start3A_91, %dma_start3A_92] : memref<10240x32xf32, #tpu.memory_space<vmem_shared>> -> memref<10240x32xf32, #tpu.memory_space<vmem_shared>>
    tpu.enqueue_indirect_dma source(%dma_start3A_87 : memref<128x32xf32, #tpu.memory_space<vmem>>) target(%dma_start3A_93 : memref<10240x32xf32, #tpu.memory_space<vmem_shared>>) offsets(%dma_start3A_90 : memref<128xi32, #tpu.memory_space<vmem>>) semaphore(%arg15 : memref<!tpu.dma_semaphore, #tpu.memory_space<semaphore_mem>>) {add = true}
    %dma_start3A_94 = arith.constant 2 : i32
    %dma_start3A_95 = arith.constant 2 : i32
    %dma_start3A_96 = arith.constant 0 : i32
    %dma_start3A_97 = arith.constant 0 : i32
    %dma_start3A_98 = tpu.memref_slice %arg8[%dma_start3A_95, %dma_start3A_96, %dma_start3A_97] : memref<4x128x32xf32, #tpu.memory_space<vmem>> -> memref<1x128x32xf32, #tpu.memory_space<vmem>>
    %dma_start3A_99 = tpu.memref_squeeze %dma_start3A_98 : memref<1x128x32xf32, #tpu.memory_space<vmem>> -> memref<128x32xf32, #tpu.memory_space<vmem>>
    %dma_start3A_100 = arith.constant 0 : i32
    %dma_start3A_101 = tpu.memref_slice %arg6[%dma_start3A_94, %dma_start3A_100] : memref<160x128xi32, #tpu.memory_space<vmem>> -> memref<1x128xi32, #tpu.memory_space<vmem>>
    %dma_start3A_102 = tpu.memref_squeeze %dma_start3A_101 : memref<1x128xi32, #tpu.memory_space<vmem>> -> memref<128xi32, #tpu.memory_space<vmem>>
    %dma_start3A_103 = arith.constant 0 : i32
    %dma_start3A_104 = arith.constant 0 : i32
    %dma_start3A_105 = tpu.memref_slice %arg2[%dma_start3A_103, %dma_start3A_104] : memref<20000x32xf32, #tpu.memory_space<hbm>> -> memref<20000x32xf32, #tpu.memory_space<hbm>>
    tpu.enqueue_indirect_dma source(%dma_start3A_105 : memref<20000x32xf32, #tpu.memory_space<hbm>>) target(%dma_start3A_99 : memref<128x32xf32, #tpu.memory_space<vmem>>) offsets(%dma_start3A_102 : memref<128xi32, #tpu.memory_space<vmem>>) semaphore(%arg13 : memref<!tpu.dma_semaphore, #tpu.memory_space<semaphore_mem>>)
    %dma_wait3A_106 = arith.constant 0 : i32
    %dma_wait3A_107 = arith.constant 1 : i32
    %dma_wait3A_108 = arith.constant 0 : i32
    %dma_wait3A_109 = arith.constant 0 : i32
    %dma_wait3A_110 = tpu.memref_slice %arg8[%dma_wait3A_107, %dma_wait3A_108, %dma_wait3A_109] : memref<4x128x32xf32, #tpu.memory_space<vmem>> -> memref<1x128x32xf32, #tpu.memory_space<vmem>>
    %dma_wait3A_111 = tpu.memref_squeeze %dma_wait3A_110 : memref<1x128x32xf32, #tpu.memory_space<vmem>> -> memref<128x32xf32, #tpu.memory_space<vmem>>
    %dma_wait3A_112 = arith.constant 0 : i32
    %dma_wait3A_113 = tpu.memref_slice %arg6[%dma_wait3A_106, %dma_wait3A_112] : memref<160x128xi32, #tpu.memory_space<vmem>> -> memref<1x128xi32, #tpu.memory_space<vmem>>
    %dma_wait3A_114 = tpu.memref_squeeze %dma_wait3A_113 : memref<1x128xi32, #tpu.memory_space<vmem>> -> memref<128xi32, #tpu.memory_space<vmem>>
    %dma_wait3A_115 = arith.constant 0 : i32
    %dma_wait3A_116 = arith.constant 0 : i32
    %dma_wait3A_117 = tpu.memref_slice %arg2[%dma_wait3A_115, %dma_wait3A_116] : memref<20000x32xf32, #tpu.memory_space<hbm>> -> memref<20000x32xf32, #tpu.memory_space<hbm>>
    tpu.wait_indirect_dma semaphore(%arg12 : memref<!tpu.dma_semaphore, #tpu.memory_space<semaphore_mem>>) src(%dma_wait3A_117 : memref<20000x32xf32, #tpu.memory_space<hbm>>) dst(%dma_wait3A_111 : memref<128x32xf32, #tpu.memory_space<vmem>>)
    %dma_start3A_118 = arith.constant 1 : i32
    %dma_start3A_119 = arith.constant 1 : i32
    %dma_start3A_120 = arith.constant 0 : i32
    %dma_start3A_121 = arith.constant 0 : i32
    %dma_start3A_122 = tpu.memref_slice %arg8[%dma_start3A_118, %dma_start3A_120, %dma_start3A_121] : memref<4x128x32xf32, #tpu.memory_space<vmem>> -> memref<1x128x32xf32, #tpu.memory_space<vmem>>
    %dma_start3A_123 = tpu.memref_squeeze %dma_start3A_122 : memref<1x128x32xf32, #tpu.memory_space<vmem>> -> memref<128x32xf32, #tpu.memory_space<vmem>>
    %dma_start3A_124 = arith.constant 0 : i32
    %dma_start3A_125 = tpu.memref_slice %arg7[%dma_start3A_119, %dma_start3A_124] : memref<160x128xi32, #tpu.memory_space<vmem>> -> memref<1x128xi32, #tpu.memory_space<vmem>>
    %dma_start3A_126 = tpu.memref_squeeze %dma_start3A_125 : memref<1x128xi32, #tpu.memory_space<vmem>> -> memref<128xi32, #tpu.memory_space<vmem>>
    %dma_start3A_127 = arith.constant 0 : i32
    %dma_start3A_128 = arith.constant 0 : i32
    %dma_start3A_129 = tpu.memref_slice %arg10[%dma_start3A_127, %dma_start3A_128] : memref<10240x32xf32, #tpu.memory_space<vmem_shared>> -> memref<10240x32xf32, #tpu.memory_space<vmem_shared>>
    tpu.enqueue_indirect_dma source(%dma_start3A_123 : memref<128x32xf32, #tpu.memory_space<vmem>>) target(%dma_start3A_129 : memref<10240x32xf32, #tpu.memory_space<vmem_shared>>) offsets(%dma_start3A_126 : memref<128xi32, #tpu.memory_space<vmem>>) semaphore(%arg16 : memref<!tpu.dma_semaphore, #tpu.memory_space<semaphore_mem>>) {add = true}
    %dma_start3A_130 = arith.constant 3 : i32
    %dma_start3A_131 = arith.constant 3 : i32
    %dma_start3A_132 = arith.constant 0 : i32
    %dma_start3A_133 = arith.constant 0 : i32
    %dma_start3A_134 = tpu.memref_slice %arg8[%dma_start3A_131, %dma_start3A_132, %dma_start3A_133] : memref<4x128x32xf32, #tpu.memory_space<vmem>> -> memref<1x128x32xf32, #tpu.memory_space<vmem>>
    %dma_start3A_135 = tpu.memref_squeeze %dma_start3A_134 : memref<1x128x32xf32, #tpu.memory_space<vmem>> -> memref<128x32xf32, #tpu.memory_space<vmem>>
    %dma_start3A_136 = arith.constant 0 : i32
    %dma_start3A_137 = tpu.memref_slice %arg6[%dma_start3A_130, %dma_start3A_136] : memref<160x128xi32, #tpu.memory_space<vmem>> -> memref<1x128xi32, #tpu.memory_space<vmem>>
    %dma_start3A_138 = tpu.memref_squeeze %dma_start3A_137 : memref<1x128xi32, #tpu.memory_space<vmem>> -> memref<128xi32, #tpu.memory_space<vmem>>
    %dma_start3A_139 = arith.constant 0 : i32
    %dma_start3A_140 = arith.constant 0 : i32
    %dma_start3A_141 = tpu.memref_slice %arg2[%dma_start3A_139, %dma_start3A_140] : memref<20000x32xf32, #tpu.memory_space<hbm>> -> memref<20000x32xf32, #tpu.memory_space<hbm>>
    tpu.enqueue_indirect_dma source(%dma_start3A_141 : memref<20000x32xf32, #tpu.memory_space<hbm>>) target(%dma_start3A_135 : memref<128x32xf32, #tpu.memory_space<vmem>>) offsets(%dma_start3A_138 : memref<128xi32, #tpu.memory_space<vmem>>) semaphore(%arg14 : memref<!tpu.dma_semaphore, #tpu.memory_space<semaphore_mem>>)
    %dma_wait3A_142 = arith.constant 0 : i32
    %dma_wait3A_143 = arith.constant 2 : i32
    %dma_wait3A_144 = arith.constant 0 : i32
    %dma_wait3A_145 = arith.constant 0 : i32
    %dma_wait3A_146 = tpu.memref_slice %arg8[%dma_wait3A_143, %dma_wait3A_144, %dma_wait3A_145] : memref<4x128x32xf32, #tpu.memory_space<vmem>> -> memref<1x128x32xf32, #tpu.memory_space<vmem>>
    %dma_wait3A_147 = tpu.memref_squeeze %dma_wait3A_146 : memref<1x128x32xf32, #tpu.memory_space<vmem>> -> memref<128x32xf32, #tpu.memory_space<vmem>>
    %dma_wait3A_148 = arith.constant 0 : i32
    %dma_wait3A_149 = tpu.memref_slice %arg6[%dma_wait3A_142, %dma_wait3A_148] : memref<160x128xi32, #tpu.memory_space<vmem>> -> memref<1x128xi32, #tpu.memory_space<vmem>>
    %dma_wait3A_150 = tpu.memref_squeeze %dma_wait3A_149 : memref<1x128xi32, #tpu.memory_space<vmem>> -> memref<128xi32, #tpu.memory_space<vmem>>
    %dma_wait3A_151 = arith.constant 0 : i32
    %dma_wait3A_152 = arith.constant 0 : i32
    %dma_wait3A_153 = tpu.memref_slice %arg2[%dma_wait3A_151, %dma_wait3A_152] : memref<20000x32xf32, #tpu.memory_space<hbm>> -> memref<20000x32xf32, #tpu.memory_space<hbm>>
    tpu.wait_indirect_dma semaphore(%arg13 : memref<!tpu.dma_semaphore, #tpu.memory_space<semaphore_mem>>) src(%dma_wait3A_153 : memref<20000x32xf32, #tpu.memory_space<hbm>>) dst(%dma_wait3A_147 : memref<128x32xf32, #tpu.memory_space<vmem>>)
    %dma_start3A_154 = arith.constant 2 : i32
    %dma_start3A_155 = arith.constant 2 : i32
    %dma_start3A_156 = arith.constant 0 : i32
    %dma_start3A_157 = arith.constant 0 : i32
    %dma_start3A_158 = tpu.memref_slice %arg8[%dma_start3A_154, %dma_start3A_156, %dma_start3A_157] : memref<4x128x32xf32, #tpu.memory_space<vmem>> -> memref<1x128x32xf32, #tpu.memory_space<vmem>>
    %dma_start3A_159 = tpu.memref_squeeze %dma_start3A_158 : memref<1x128x32xf32, #tpu.memory_space<vmem>> -> memref<128x32xf32, #tpu.memory_space<vmem>>
    %dma_start3A_160 = arith.constant 0 : i32
    %dma_start3A_161 = tpu.memref_slice %arg7[%dma_start3A_155, %dma_start3A_160] : memref<160x128xi32, #tpu.memory_space<vmem>> -> memref<1x128xi32, #tpu.memory_space<vmem>>
    %dma_start3A_162 = tpu.memref_squeeze %dma_start3A_161 : memref<1x128xi32, #tpu.memory_space<vmem>> -> memref<128xi32, #tpu.memory_space<vmem>>
    %dma_start3A_163 = arith.constant 0 : i32
    %dma_start3A_164 = arith.constant 0 : i32
    %dma_start3A_165 = tpu.memref_slice %arg10[%dma_start3A_163, %dma_start3A_164] : memref<10240x32xf32, #tpu.memory_space<vmem_shared>> -> memref<10240x32xf32, #tpu.memory_space<vmem_shared>>
    tpu.enqueue_indirect_dma source(%dma_start3A_159 : memref<128x32xf32, #tpu.memory_space<vmem>>) target(%dma_start3A_165 : memref<10240x32xf32, #tpu.memory_space<vmem_shared>>) offsets(%dma_start3A_162 : memref<128xi32, #tpu.memory_space<vmem>>) semaphore(%arg17 : memref<!tpu.dma_semaphore, #tpu.memory_space<semaphore_mem>>) {add = true}
    %dma_wait3A_166 = arith.constant 0 : i32
    %dma_wait3A_167 = arith.constant 0 : i32
    %dma_wait3A_168 = arith.constant 0 : i32
    %dma_wait3A_169 = arith.constant 0 : i32
    %dma_wait3A_170 = tpu.memref_slice %arg8[%dma_wait3A_166, %dma_wait3A_168, %dma_wait3A_169] : memref<4x128x32xf32, #tpu.memory_space<vmem>> -> memref<1x128x32xf32, #tpu.memory_space<vmem>>
    %dma_wait3A_171 = tpu.memref_squeeze %dma_wait3A_170 : memref<1x128x32xf32, #tpu.memory_space<vmem>> -> memref<128x32xf32, #tpu.memory_space<vmem>>
    %dma_wait3A_172 = arith.constant 0 : i32
    %dma_wait3A_173 = tpu.memref_slice %arg7[%dma_wait3A_167, %dma_wait3A_172] : memref<160x128xi32, #tpu.memory_space<vmem>> -> memref<1x128xi32, #tpu.memory_space<vmem>>
    %dma_wait3A_174 = tpu.memref_squeeze %dma_wait3A_173 : memref<1x128xi32, #tpu.memory_space<vmem>> -> memref<128xi32, #tpu.memory_space<vmem>>
    %dma_wait3A_175 = arith.constant 0 : i32
    %dma_wait3A_176 = arith.constant 0 : i32
    %dma_wait3A_177 = tpu.memref_slice %arg10[%dma_wait3A_175, %dma_wait3A_176] : memref<10240x32xf32, #tpu.memory_space<vmem_shared>> -> memref<10240x32xf32, #tpu.memory_space<vmem_shared>>
    tpu.wait_indirect_dma semaphore(%arg15 : memref<!tpu.dma_semaphore, #tpu.memory_space<semaphore_mem>>) src(%dma_wait3A_171 : memref<128x32xf32, #tpu.memory_space<vmem>>) dst(%dma_wait3A_177 : memref<10240x32xf32, #tpu.memory_space<vmem_shared>>)
    %dma_start3A_178 = arith.constant 4 : i32
    %dma_start3A_179 = arith.constant 0 : i32
    %dma_start3A_180 = arith.constant 0 : i32
    %dma_start3A_181 = arith.constant 0 : i32
    %dma_start3A_182 = tpu.memref_slice %arg8[%dma_start3A_179, %dma_start3A_180, %dma_start3A_181] : memref<4x128x32xf32, #tpu.memory_space<vmem>> -> memref<1x128x32xf32, #tpu.memory_space<vmem>>
    %dma_start3A_183 = tpu.memref_squeeze %dma_start3A_182 : memref<1x128x32xf32, #tpu.memory_space<vmem>> -> memref<128x32xf32, #tpu.memory_space<vmem>>
    %dma_start3A_184 = arith.constant 0 : i32
    %dma_start3A_185 = tpu.memref_slice %arg6[%dma_start3A_178, %dma_start3A_184] : memref<160x128xi32, #tpu.memory_space<vmem>> -> memref<1x128xi32, #tpu.memory_space<vmem>>
    %dma_start3A_186 = tpu.memref_squeeze %dma_start3A_185 : memref<1x128xi32, #tpu.memory_space<vmem>> -> memref<128xi32, #tpu.memory_space<vmem>>
    %dma_start3A_187 = arith.constant 0 : i32
    %dma_start3A_188 = arith.constant 0 : i32
    %dma_start3A_189 = tpu.memref_slice %arg2[%dma_start3A_187, %dma_start3A_188] : memref<20000x32xf32, #tpu.memory_space<hbm>> -> memref<20000x32xf32, #tpu.memory_space<hbm>>
    tpu.enqueue_indirect_dma source(%dma_start3A_189 : memref<20000x32xf32, #tpu.memory_space<hbm>>) target(%dma_start3A_183 : memref<128x32xf32, #tpu.memory_space<vmem>>) offsets(%dma_start3A_186 : memref<128xi32, #tpu.memory_space<vmem>>) semaphore(%arg11 : memref<!tpu.dma_semaphore, #tpu.memory_space<semaphore_mem>>)
    %dma_wait3A_190 = arith.constant 0 : i32
    %dma_wait3A_191 = arith.constant 3 : i32
    %dma_wait3A_192 = arith.constant 0 : i32
    %dma_wait3A_193 = arith.constant 0 : i32
    %dma_wait3A_194 = tpu.memref_slice %arg8[%dma_wait3A_191, %dma_wait3A_192, %dma_wait3A_193] : memref<4x128x32xf32, #tpu.memory_space<vmem>> -> memref<1x128x32xf32, #tpu.memory_space<vmem>>
    %dma_wait3A_195 = tpu.memref_squeeze %dma_wait3A_194 : memref<1x128x32xf32, #tpu.memory_space<vmem>> -> memref<128x32xf32, #tpu.memory_space<vmem>>
    %dma_wait3A_196 = arith.constant 0 : i32
    %dma_wait3A_197 = tpu.memref_slice %arg6[%dma_wait3A_190, %dma_wait3A_196] : memref<160x128xi32, #tpu.memory_space<vmem>> -> memref<1x128xi32, #tpu.memory_space<vmem>>
    %dma_wait3A_198 = tpu.memref_squeeze %dma_wait3A_197 : memref<1x128xi32, #tpu.memory_space<vmem>> -> memref<128xi32, #tpu.memory_space<vmem>>
    %dma_wait3A_199 = arith.constant 0 : i32
    %dma_wait3A_200 = arith.constant 0 : i32
    %dma_wait3A_201 = tpu.memref_slice %arg2[%dma_wait3A_199, %dma_wait3A_200] : memref<20000x32xf32, #tpu.memory_space<hbm>> -> memref<20000x32xf32, #tpu.memory_space<hbm>>
    tpu.wait_indirect_dma semaphore(%arg14 : memref<!tpu.dma_semaphore, #tpu.memory_space<semaphore_mem>>) src(%dma_wait3A_201 : memref<20000x32xf32, #tpu.memory_space<hbm>>) dst(%dma_wait3A_195 : memref<128x32xf32, #tpu.memory_space<vmem>>)
    %dma_start3A_202 = arith.constant 3 : i32
    %dma_start3A_203 = arith.constant 3 : i32
    %dma_start3A_204 = arith.constant 0 : i32
    %dma_start3A_205 = arith.constant 0 : i32
    %dma_start3A_206 = tpu.memref_slice %arg8[%dma_start3A_202, %dma_start3A_204, %dma_start3A_205] : memref<4x128x32xf32, #tpu.memory_space<vmem>> -> memref<1x128x32xf32, #tpu.memory_space<vmem>>
    %dma_start3A_207 = tpu.memref_squeeze %dma_start3A_206 : memref<1x128x32xf32, #tpu.memory_space<vmem>> -> memref<128x32xf32, #tpu.memory_space<vmem>>
    %dma_start3A_208 = arith.constant 0 : i32
    %dma_start3A_209 = tpu.memref_slice %arg7[%dma_start3A_203, %dma_start3A_208] : memref<160x128xi32, #tpu.memory_space<vmem>> -> memref<1x128xi32, #tpu.memory_space<vmem>>
    %dma_start3A_210 = tpu.memref_squeeze %dma_start3A_209 : memref<1x128xi32, #tpu.memory_space<vmem>> -> memref<128xi32, #tpu.memory_space<vmem>>
    %dma_start3A_211 = arith.constant 0 : i32
    %dma_start3A_212 = arith.constant 0 : i32
    %dma_start3A_213 = tpu.memref_slice %arg10[%dma_start3A_211, %dma_start3A_212] : memref<10240x32xf32, #tpu.memory_space<vmem_shared>> -> memref<10240x32xf32, #tpu.memory_space<vmem_shared>>
    tpu.enqueue_indirect_dma source(%dma_start3A_207 : memref<128x32xf32, #tpu.memory_space<vmem>>) target(%dma_start3A_213 : memref<10240x32xf32, #tpu.memory_space<vmem_shared>>) offsets(%dma_start3A_210 : memref<128xi32, #tpu.memory_space<vmem>>) semaphore(%arg18 : memref<!tpu.dma_semaphore, #tpu.memory_space<semaphore_mem>>) {add = true}
    %dma_wait3A_214 = arith.constant 1 : i32
    %dma_wait3A_215 = arith.constant 0 : i32
    %dma_wait3A_216 = arith.constant 0 : i32
    %dma_wait3A_217 = arith.constant 0 : i32
    %dma_wait3A_218 = tpu.memref_slice %arg8[%dma_wait3A_214, %dma_wait3A_216, %dma_wait3A_217] : memref<4x128x32xf32, #tpu.memory_space<vmem>> -> memref<1x128x32xf32, #tpu.memory_space<vmem>>
    %dma_wait3A_219 = tpu.memref_squeeze %dma_wait3A_218 : memref<1x128x32xf32, #tpu.memory_space<vmem>> -> memref<128x32xf32, #tpu.memory_space<vmem>>
    %dma_wait3A_220 = arith.constant 0 : i32
    %dma_wait3A_221 = tpu.memref_slice %arg7[%dma_wait3A_215, %dma_wait3A_220] : memref<160x128xi32, #tpu.memory_space<vmem>> -> memref<1x128xi32, #tpu.memory_space<vmem>>
    %dma_wait3A_222 = tpu.memref_squeeze %dma_wait3A_221 : memref<1x128xi32, #tpu.memory_space<vmem>> -> memref<128xi32, #tpu.memory_space<vmem>>
    %dma_wait3A_223 = arith.constant 0 : i32
    %dma_wait3A_224 = arith.constant 0 : i32
    %dma_wait3A_225 = tpu.memref_slice %arg10[%dma_wait3A_223, %dma_wait3A_224] : memref<10240x32xf32, #tpu.memory_space<vmem_shared>> -> memref<10240x32xf32, #tpu.memory_space<vmem_shared>>
    tpu.wait_indirect_dma semaphore(%arg16 : memref<!tpu.dma_semaphore, #tpu.memory_space<semaphore_mem>>) src(%dma_wait3A_219 : memref<128x32xf32, #tpu.memory_space<vmem>>) dst(%dma_wait3A_225 : memref<10240x32xf32, #tpu.memory_space<vmem_shared>>)
    %dma_start3A_226 = arith.constant 5 : i32
    %dma_start3A_227 = arith.constant 1 : i32
    %dma_start3A_228 = arith.constant 0 : i32
    %dma_start3A_229 = arith.constant 0 : i32
    %dma_start3A_230 = tpu.memref_slice %arg8[%dma_start3A_227, %dma_start3A_228, %dma_start3A_229] : memref<4x128x32xf32, #tpu.memory_space<vmem>> -> memref<1x128x32xf32, #tpu.memory_space<vmem>>
    %dma_start3A_231 = tpu.memref_squeeze %dma_start3A_230 : memref<1x128x32xf32, #tpu.memory_space<vmem>> -> memref<128x32xf32, #tpu.memory_space<vmem>>
    %dma_start3A_232 = arith.constant 0 : i32
    %dma_start3A_233 = tpu.memref_slice %arg6[%dma_start3A_226, %dma_start3A_232] : memref<160x128xi32, #tpu.memory_space<vmem>> -> memref<1x128xi32, #tpu.memory_space<vmem>>
    %dma_start3A_234 = tpu.memref_squeeze %dma_start3A_233 : memref<1x128xi32, #tpu.memory_space<vmem>> -> memref<128xi32, #tpu.memory_space<vmem>>
    %dma_start3A_235 = arith.constant 0 : i32
    %dma_start3A_236 = arith.constant 0 : i32
    %dma_start3A_237 = tpu.memref_slice %arg2[%dma_start3A_235, %dma_start3A_236] : memref<20000x32xf32, #tpu.memory_space<hbm>> -> memref<20000x32xf32, #tpu.memory_space<hbm>>
    tpu.enqueue_indirect_dma source(%dma_start3A_237 : memref<20000x32xf32, #tpu.memory_space<hbm>>) target(%dma_start3A_231 : memref<128x32xf32, #tpu.memory_space<vmem>>) offsets(%dma_start3A_234 : memref<128xi32, #tpu.memory_space<vmem>>) semaphore(%arg12 : memref<!tpu.dma_semaphore, #tpu.memory_space<semaphore_mem>>)
    %scan3A_238 = arith.constant 0 : i32
    %scan3A_239 = arith.constant 1 : i32
    %scan3A_240 = arith.constant 39 : i32
    %scan3A_241 = arith.addi %scan3A_239, %scan3A_240 : i32
    %scan3A_242 = arith.constant 1 : i32
    %scan3A_243 = scf.for %scan3A_301 = %scan3A_239 to %scan3A_241 step %scan3A_242 iter_args(%scan3A_302 = %scan3A_238) -> (i32)  : i32 {
      %mul3A_303 = arith.constant 4 : i32
      %mul3A_304 = arith.muli %mul3A_303, %scan3A_301 : i32
      %add3A_305 = arith.constant 0 : i32
      %add3A_306 = arith.addi %mul3A_304, %add3A_305 : i32
      %dma_wait3A_307 = arith.constant 0 : i32
      %dma_wait3A_308 = arith.constant 0 : i32
      %dma_wait3A_309 = arith.constant 0 : i32
      %dma_wait3A_310 = arith.constant 0 : i32
      %dma_wait3A_311 = tpu.memref_slice %arg8[%dma_wait3A_308, %dma_wait3A_309, %dma_wait3A_310] : memref<4x128x32xf32, #tpu.memory_space<vmem>> -> memref<1x128x32xf32, #tpu.memory_space<vmem>>
      %dma_wait3A_312 = tpu.memref_squeeze %dma_wait3A_311 : memref<1x128x32xf32, #tpu.memory_space<vmem>> -> memref<128x32xf32, #tpu.memory_space<vmem>>
      %dma_wait3A_313 = arith.constant 0 : i32
      %dma_wait3A_314 = tpu.memref_slice %arg6[%dma_wait3A_307, %dma_wait3A_313] : memref<160x128xi32, #tpu.memory_space<vmem>> -> memref<1x128xi32, #tpu.memory_space<vmem>>
      %dma_wait3A_315 = tpu.memref_squeeze %dma_wait3A_314 : memref<1x128xi32, #tpu.memory_space<vmem>> -> memref<128xi32, #tpu.memory_space<vmem>>
      %dma_wait3A_316 = arith.constant 0 : i32
      %dma_wait3A_317 = arith.constant 0 : i32
      %dma_wait3A_318 = tpu.memref_slice %arg2[%dma_wait3A_316, %dma_wait3A_317] : memref<20000x32xf32, #tpu.memory_space<hbm>> -> memref<20000x32xf32, #tpu.memory_space<hbm>>
      tpu.wait_indirect_dma semaphore(%arg11 : memref<!tpu.dma_semaphore, #tpu.memory_space<semaphore_mem>>) src(%dma_wait3A_318 : memref<20000x32xf32, #tpu.memory_space<hbm>>) dst(%dma_wait3A_312 : memref<128x32xf32, #tpu.memory_space<vmem>>)
      %dma_start3A_319 = arith.constant 0 : i32
      %dma_start3A_320 = arith.constant 0 : i32
      %dma_start3A_321 = arith.constant 0 : i32
      %dma_start3A_322 = tpu.memref_slice %arg8[%dma_start3A_319, %dma_start3A_320, %dma_start3A_321] : memref<4x128x32xf32, #tpu.memory_space<vmem>> -> memref<1x128x32xf32, #tpu.memory_space<vmem>>
      %dma_start3A_323 = tpu.memref_squeeze %dma_start3A_322 : memref<1x128x32xf32, #tpu.memory_space<vmem>> -> memref<128x32xf32, #tpu.memory_space<vmem>>
      %dma_start3A_324 = arith.constant 0 : i32
      %dma_start3A_325 = tpu.memref_slice %arg7[%add3A_306, %dma_start3A_324] : memref<160x128xi32, #tpu.memory_space<vmem>> -> memref<1x128xi32, #tpu.memory_space<vmem>>
      %dma_start3A_326 = tpu.memref_squeeze %dma_start3A_325 : memref<1x128xi32, #tpu.memory_space<vmem>> -> memref<128xi32, #tpu.memory_space<vmem>>
      %dma_start3A_327 = arith.constant 0 : i32
      %dma_start3A_328 = arith.constant 0 : i32
      %dma_start3A_329 = tpu.memref_slice %arg10[%dma_start3A_327, %dma_start3A_328] : memref<10240x32xf32, #tpu.memory_space<vmem_shared>> -> memref<10240x32xf32, #tpu.memory_space<vmem_shared>>
      tpu.enqueue_indirect_dma source(%dma_start3A_323 : memref<128x32xf32, #tpu.memory_space<vmem>>) target(%dma_start3A_329 : memref<10240x32xf32, #tpu.memory_space<vmem_shared>>) offsets(%dma_start3A_326 : memref<128xi32, #tpu.memory_space<vmem>>) semaphore(%arg15 : memref<!tpu.dma_semaphore, #tpu.memory_space<semaphore_mem>>) {add = true}
      %dma_wait3A_330 = arith.constant 2 : i32
      %dma_wait3A_331 = arith.constant 0 : i32
      %dma_wait3A_332 = arith.constant 0 : i32
      %dma_wait3A_333 = arith.constant 0 : i32
      %dma_wait3A_334 = tpu.memref_slice %arg8[%dma_wait3A_330, %dma_wait3A_332, %dma_wait3A_333] : memref<4x128x32xf32, #tpu.memory_space<vmem>> -> memref<1x128x32xf32, #tpu.memory_space<vmem>>
      %dma_wait3A_335 = tpu.memref_squeeze %dma_wait3A_334 : memref<1x128x32xf32, #tpu.memory_space<vmem>> -> memref<128x32xf32, #tpu.memory_space<vmem>>
      %dma_wait3A_336 = arith.constant 0 : i32
      %dma_wait3A_337 = tpu.memref_slice %arg7[%dma_wait3A_331, %dma_wait3A_336] : memref<160x128xi32, #tpu.memory_space<vmem>> -> memref<1x128xi32, #tpu.memory_space<vmem>>
      %dma_wait3A_338 = tpu.memref_squeeze %dma_wait3A_337 : memref<1x128xi32, #tpu.memory_space<vmem>> -> memref<128xi32, #tpu.memory_space<vmem>>
      %dma_wait3A_339 = arith.constant 0 : i32
      %dma_wait3A_340 = arith.constant 0 : i32
      %dma_wait3A_341 = tpu.memref_slice %arg10[%dma_wait3A_339, %dma_wait3A_340] : memref<10240x32xf32, #tpu.memory_space<vmem_shared>> -> memref<10240x32xf32, #tpu.memory_space<vmem_shared>>
      tpu.wait_indirect_dma semaphore(%arg17 : memref<!tpu.dma_semaphore, #tpu.memory_space<semaphore_mem>>) src(%dma_wait3A_335 : memref<128x32xf32, #tpu.memory_space<vmem>>) dst(%dma_wait3A_341 : memref<10240x32xf32, #tpu.memory_space<vmem_shared>>)
      %add3A_342 = arith.constant 2 : i32
      %add3A_343 = arith.addi %add3A_306, %add3A_342 : i32
      %min3A = arith.constant 159 : i32
      %min3A_344 = arith.minsi %add3A_343, %min3A : i32
      %dma_start3A_345 = arith.constant 2 : i32
      %dma_start3A_346 = arith.constant 0 : i32
      %dma_start3A_347 = arith.constant 0 : i32
      %dma_start3A_348 = tpu.memref_slice %arg8[%dma_start3A_345, %dma_start3A_346, %dma_start3A_347] : memref<4x128x32xf32, #tpu.memory_space<vmem>> -> memref<1x128x32xf32, #tpu.memory_space<vmem>>
      %dma_start3A_349 = tpu.memref_squeeze %dma_start3A_348 : memref<1x128x32xf32, #tpu.memory_space<vmem>> -> memref<128x32xf32, #tpu.memory_space<vmem>>
      %dma_start3A_350 = arith.constant 0 : i32
      %dma_start3A_351 = tpu.memref_slice %arg6[%min3A_344, %dma_start3A_350] : memref<160x128xi32, #tpu.memory_space<vmem>> -> memref<1x128xi32, #tpu.memory_space<vmem>>
      %dma_start3A_352 = tpu.memref_squeeze %dma_start3A_351 : memref<1x128xi32, #tpu.memory_space<vmem>> -> memref<128xi32, #tpu.memory_space<vmem>>
      %dma_start3A_353 = arith.constant 0 : i32
      %dma_start3A_354 = arith.constant 0 : i32
      %dma_start3A_355 = tpu.memref_slice %arg2[%dma_start3A_353, %dma_start3A_354] : memref<20000x32xf32, #tpu.memory_space<hbm>> -> memref<20000x32xf32, #tpu.memory_space<hbm>>
      tpu.enqueue_indirect_dma source(%dma_start3A_355 : memref<20000x32xf32, #tpu.memory_space<hbm>>) target(%dma_start3A_349 : memref<128x32xf32, #tpu.memory_space<vmem>>) offsets(%dma_start3A_352 : memref<128xi32, #tpu.memory_space<vmem>>) semaphore(%arg13 : memref<!tpu.dma_semaphore, #tpu.memory_space<semaphore_mem>>)
      %mul3A_356 = arith.constant 4 : i32
      %mul3A_357 = arith.muli %mul3A_356, %scan3A_301 : i32
      %add3A_358 = arith.constant 1 : i32
      %add3A_359 = arith.addi %mul3A_357, %add3A_358 : i32
      %dma_wait3A_360 = arith.constant 0 : i32
      %dma_wait3A_361 = arith.constant 1 : i32
      %dma_wait3A_362 = arith.constant 0 : i32
      %dma_wait3A_363 = arith.constant 0 : i32
      %dma_wait3A_364 = tpu.memref_slice %arg8[%dma_wait3A_361, %dma_wait3A_362, %dma_wait3A_363] : memref<4x128x32xf32, #tpu.memory_space<vmem>> -> memref<1x128x32xf32, #tpu.memory_space<vmem>>
      %dma_wait3A_365 = tpu.memref_squeeze %dma_wait3A_364 : memref<1x128x32xf32, #tpu.memory_space<vmem>> -> memref<128x32xf32, #tpu.memory_space<vmem>>
      %dma_wait3A_366 = arith.constant 0 : i32
      %dma_wait3A_367 = tpu.memref_slice %arg6[%dma_wait3A_360, %dma_wait3A_366] : memref<160x128xi32, #tpu.memory_space<vmem>> -> memref<1x128xi32, #tpu.memory_space<vmem>>
      %dma_wait3A_368 = tpu.memref_squeeze %dma_wait3A_367 : memref<1x128xi32, #tpu.memory_space<vmem>> -> memref<128xi32, #tpu.memory_space<vmem>>
      %dma_wait3A_369 = arith.constant 0 : i32
      %dma_wait3A_370 = arith.constant 0 : i32
      %dma_wait3A_371 = tpu.memref_slice %arg2[%dma_wait3A_369, %dma_wait3A_370] : memref<20000x32xf32, #tpu.memory_space<hbm>> -> memref<20000x32xf32, #tpu.memory_space<hbm>>
      tpu.wait_indirect_dma semaphore(%arg12 : memref<!tpu.dma_semaphore, #tpu.memory_space<semaphore_mem>>) src(%dma_wait3A_371 : memref<20000x32xf32, #tpu.memory_space<hbm>>) dst(%dma_wait3A_365 : memref<128x32xf32, #tpu.memory_space<vmem>>)
      %dma_start3A_372 = arith.constant 1 : i32
      %dma_start3A_373 = arith.constant 0 : i32
      %dma_start3A_374 = arith.constant 0 : i32
      %dma_start3A_375 = tpu.memref_slice %arg8[%dma_start3A_372, %dma_start3A_373, %dma_start3A_374] : memref<4x128x32xf32, #tpu.memory_space<vmem>> -> memref<1x128x32xf32, #tpu.memory_space<vmem>>
      %dma_start3A_376 = tpu.memref_squeeze %dma_start3A_375 : memref<1x128x32xf32, #tpu.memory_space<vmem>> -> memref<128x32xf32, #tpu.memory_space<vmem>>
      %dma_start3A_377 = arith.constant 0 : i32
      %dma_start3A_378 = tpu.memref_slice %arg7[%add3A_359, %dma_start3A_377] : memref<160x128xi32, #tpu.memory_space<vmem>> -> memref<1x128xi32, #tpu.memory_space<vmem>>
      %dma_start3A_379 = tpu.memref_squeeze %dma_start3A_378 : memref<1x128xi32, #tpu.memory_space<vmem>> -> memref<128xi32, #tpu.memory_space<vmem>>
      %dma_start3A_380 = arith.constant 0 : i32
      %dma_start3A_381 = arith.constant 0 : i32
      %dma_start3A_382 = tpu.memref_slice %arg10[%dma_start3A_380, %dma_start3A_381] : memref<10240x32xf32, #tpu.memory_space<vmem_shared>> -> memref<10240x32xf32, #tpu.memory_space<vmem_shared>>
      tpu.enqueue_indirect_dma source(%dma_start3A_376 : memref<128x32xf32, #tpu.memory_space<vmem>>) target(%dma_start3A_382 : memref<10240x32xf32, #tpu.memory_space<vmem_shared>>) offsets(%dma_start3A_379 : memref<128xi32, #tpu.memory_space<vmem>>) semaphore(%arg16 : memref<!tpu.dma_semaphore, #tpu.memory_space<semaphore_mem>>) {add = true}
      %dma_wait3A_383 = arith.constant 3 : i32
      %dma_wait3A_384 = arith.constant 0 : i32
      %dma_wait3A_385 = arith.constant 0 : i32
      %dma_wait3A_386 = arith.constant 0 : i32
      %dma_wait3A_387 = tpu.memref_slice %arg8[%dma_wait3A_383, %dma_wait3A_385, %dma_wait3A_386] : memref<4x128x32xf32, #tpu.memory_space<vmem>> -> memref<1x128x32xf32, #tpu.memory_space<vmem>>
      %dma_wait3A_388 = tpu.memref_squeeze %dma_wait3A_387 : memref<1x128x32xf32, #tpu.memory_space<vmem>> -> memref<128x32xf32, #tpu.memory_space<vmem>>
      %dma_wait3A_389 = arith.constant 0 : i32
      %dma_wait3A_390 = tpu.memref_slice %arg7[%dma_wait3A_384, %dma_wait3A_389] : memref<160x128xi32, #tpu.memory_space<vmem>> -> memref<1x128xi32, #tpu.memory_space<vmem>>
      %dma_wait3A_391 = tpu.memref_squeeze %dma_wait3A_390 : memref<1x128xi32, #tpu.memory_space<vmem>> -> memref<128xi32, #tpu.memory_space<vmem>>
      %dma_wait3A_392 = arith.constant 0 : i32
      %dma_wait3A_393 = arith.constant 0 : i32
      %dma_wait3A_394 = tpu.memref_slice %arg10[%dma_wait3A_392, %dma_wait3A_393] : memref<10240x32xf32, #tpu.memory_space<vmem_shared>> -> memref<10240x32xf32, #tpu.memory_space<vmem_shared>>
      tpu.wait_indirect_dma semaphore(%arg18 : memref<!tpu.dma_semaphore, #tpu.memory_space<semaphore_mem>>) src(%dma_wait3A_388 : memref<128x32xf32, #tpu.memory_space<vmem>>) dst(%dma_wait3A_394 : memref<10240x32xf32, #tpu.memory_space<vmem_shared>>)
      %add3A_395 = arith.constant 2 : i32
      %add3A_396 = arith.addi %add3A_359, %add3A_395 : i32
      %min3A_397 = arith.constant 159 : i32
      %min3A_398 = arith.minsi %add3A_396, %min3A_397 : i32
      %dma_start3A_399 = arith.constant 3 : i32
      %dma_start3A_400 = arith.constant 0 : i32
      %dma_start3A_401 = arith.constant 0 : i32
      %dma_start3A_402 = tpu.memref_slice %arg8[%dma_start3A_399, %dma_start3A_400, %dma_start3A_401] : memref<4x128x32xf32, #tpu.memory_space<vmem>> -> memref<1x128x32xf32, #tpu.memory_space<vmem>>
      %dma_start3A_403 = tpu.memref_squeeze %dma_start3A_402 : memref<1x128x32xf32, #tpu.memory_space<vmem>> -> memref<128x32xf32, #tpu.memory_space<vmem>>
      %dma_start3A_404 = arith.constant 0 : i32
      %dma_start3A_405 = tpu.memref_slice %arg6[%min3A_398, %dma_start3A_404] : memref<160x128xi32, #tpu.memory_space<vmem>> -> memref<1x128xi32, #tpu.memory_space<vmem>>
      %dma_start3A_406 = tpu.memref_squeeze %dma_start3A_405 : memref<1x128xi32, #tpu.memory_space<vmem>> -> memref<128xi32, #tpu.memory_space<vmem>>
      %dma_start3A_407 = arith.constant 0 : i32
      %dma_start3A_408 = arith.constant 0 : i32
      %dma_start3A_409 = tpu.memref_slice %arg2[%dma_start3A_407, %dma_start3A_408] : memref<20000x32xf32, #tpu.memory_space<hbm>> -> memref<20000x32xf32, #tpu.memory_space<hbm>>
      tpu.enqueue_indirect_dma source(%dma_start3A_409 : memref<20000x32xf32, #tpu.memory_space<hbm>>) target(%dma_start3A_403 : memref<128x32xf32, #tpu.memory_space<vmem>>) offsets(%dma_start3A_406 : memref<128xi32, #tpu.memory_space<vmem>>) semaphore(%arg14 : memref<!tpu.dma_semaphore, #tpu.memory_space<semaphore_mem>>)
      %mul3A_410 = arith.constant 4 : i32
      %mul3A_411 = arith.muli %mul3A_410, %scan3A_301 : i32
      %add3A_412 = arith.constant 2 : i32
      %add3A_413 = arith.addi %mul3A_411, %add3A_412 : i32
      %dma_wait3A_414 = arith.constant 0 : i32
      %dma_wait3A_415 = arith.constant 2 : i32
      %dma_wait3A_416 = arith.constant 0 : i32
      %dma_wait3A_417 = arith.constant 0 : i32
      %dma_wait3A_418 = tpu.memref_slice %arg8[%dma_wait3A_415, %dma_wait3A_416, %dma_wait3A_417] : memref<4x128x32xf32, #tpu.memory_space<vmem>> -> memref<1x128x32xf32, #tpu.memory_space<vmem>>
      %dma_wait3A_419 = tpu.memref_squeeze %dma_wait3A_418 : memref<1x128x32xf32, #tpu.memory_space<vmem>> -> memref<128x32xf32, #tpu.memory_space<vmem>>
      %dma_wait3A_420 = arith.constant 0 : i32
      %dma_wait3A_421 = tpu.memref_slice %arg6[%dma_wait3A_414, %dma_wait3A_420] : memref<160x128xi32, #tpu.memory_space<vmem>> -> memref<1x128xi32, #tpu.memory_space<vmem>>
      %dma_wait3A_422 = tpu.memref_squeeze %dma_wait3A_421 : memref<1x128xi32, #tpu.memory_space<vmem>> -> memref<128xi32, #tpu.memory_space<vmem>>
      %dma_wait3A_423 = arith.constant 0 : i32
      %dma_wait3A_424 = arith.constant 0 : i32
      %dma_wait3A_425 = tpu.memref_slice %arg2[%dma_wait3A_423, %dma_wait3A_424] : memref<20000x32xf32, #tpu.memory_space<hbm>> -> memref<20000x32xf32, #tpu.memory_space<hbm>>
      tpu.wait_indirect_dma semaphore(%arg13 : memref<!tpu.dma_semaphore, #tpu.memory_space<semaphore_mem>>) src(%dma_wait3A_425 : memref<20000x32xf32, #tpu.memory_space<hbm>>) dst(%dma_wait3A_419 : memref<128x32xf32, #tpu.memory_space<vmem>>)
      %dma_start3A_426 = arith.constant 2 : i32
      %dma_start3A_427 = arith.constant 0 : i32
      %dma_start3A_428 = arith.constant 0 : i32
      %dma_start3A_429 = tpu.memref_slice %arg8[%dma_start3A_426, %dma_start3A_427, %dma_start3A_428] : memref<4x128x32xf32, #tpu.memory_space<vmem>> -> memref<1x128x32xf32, #tpu.memory_space<vmem>>
      %dma_start3A_430 = tpu.memref_squeeze %dma_start3A_429 : memref<1x128x32xf32, #tpu.memory_space<vmem>> -> memref<128x32xf32, #tpu.memory_space<vmem>>
      %dma_start3A_431 = arith.constant 0 : i32
      %dma_start3A_432 = tpu.memref_slice %arg7[%add3A_413, %dma_start3A_431] : memref<160x128xi32, #tpu.memory_space<vmem>> -> memref<1x128xi32, #tpu.memory_space<vmem>>
      %dma_start3A_433 = tpu.memref_squeeze %dma_start3A_432 : memref<1x128xi32, #tpu.memory_space<vmem>> -> memref<128xi32, #tpu.memory_space<vmem>>
      %dma_start3A_434 = arith.constant 0 : i32
      %dma_start3A_435 = arith.constant 0 : i32
      %dma_start3A_436 = tpu.memref_slice %arg10[%dma_start3A_434, %dma_start3A_435] : memref<10240x32xf32, #tpu.memory_space<vmem_shared>> -> memref<10240x32xf32, #tpu.memory_space<vmem_shared>>
      tpu.enqueue_indirect_dma source(%dma_start3A_430 : memref<128x32xf32, #tpu.memory_space<vmem>>) target(%dma_start3A_436 : memref<10240x32xf32, #tpu.memory_space<vmem_shared>>) offsets(%dma_start3A_433 : memref<128xi32, #tpu.memory_space<vmem>>) semaphore(%arg17 : memref<!tpu.dma_semaphore, #tpu.memory_space<semaphore_mem>>) {add = true}
      %dma_wait3A_437 = arith.constant 0 : i32
      %dma_wait3A_438 = arith.constant 0 : i32
      %dma_wait3A_439 = arith.constant 0 : i32
      %dma_wait3A_440 = arith.constant 0 : i32
      %dma_wait3A_441 = tpu.memref_slice %arg8[%dma_wait3A_437, %dma_wait3A_439, %dma_wait3A_440] : memref<4x128x32xf32, #tpu.memory_space<vmem>> -> memref<1x128x32xf32, #tpu.memory_space<vmem>>
      %dma_wait3A_442 = tpu.memref_squeeze %dma_wait3A_441 : memref<1x128x32xf32, #tpu.memory_space<vmem>> -> memref<128x32xf32, #tpu.memory_space<vmem>>
      %dma_wait3A_443 = arith.constant 0 : i32
      %dma_wait3A_444 = tpu.memref_slice %arg7[%dma_wait3A_438, %dma_wait3A_443] : memref<160x128xi32, #tpu.memory_space<vmem>> -> memref<1x128xi32, #tpu.memory_space<vmem>>
      %dma_wait3A_445 = tpu.memref_squeeze %dma_wait3A_444 : memref<1x128xi32, #tpu.memory_space<vmem>> -> memref<128xi32, #tpu.memory_space<vmem>>
      %dma_wait3A_446 = arith.constant 0 : i32
      %dma_wait3A_447 = arith.constant 0 : i32
      %dma_wait3A_448 = tpu.memref_slice %arg10[%dma_wait3A_446, %dma_wait3A_447] : memref<10240x32xf32, #tpu.memory_space<vmem_shared>> -> memref<10240x32xf32, #tpu.memory_space<vmem_shared>>
      tpu.wait_indirect_dma semaphore(%arg15 : memref<!tpu.dma_semaphore, #tpu.memory_space<semaphore_mem>>) src(%dma_wait3A_442 : memref<128x32xf32, #tpu.memory_space<vmem>>) dst(%dma_wait3A_448 : memref<10240x32xf32, #tpu.memory_space<vmem_shared>>)
      %add3A_449 = arith.constant 2 : i32
      %add3A_450 = arith.addi %add3A_413, %add3A_449 : i32
      %min3A_451 = arith.constant 159 : i32
      %min3A_452 = arith.minsi %add3A_450, %min3A_451 : i32
      %dma_start3A_453 = arith.constant 0 : i32
      %dma_start3A_454 = arith.constant 0 : i32
      %dma_start3A_455 = arith.constant 0 : i32
      %dma_start3A_456 = tpu.memref_slice %arg8[%dma_start3A_453, %dma_start3A_454, %dma_start3A_455] : memref<4x128x32xf32, #tpu.memory_space<vmem>> -> memref<1x128x32xf32, #tpu.memory_space<vmem>>
      %dma_start3A_457 = tpu.memref_squeeze %dma_start3A_456 : memref<1x128x32xf32, #tpu.memory_space<vmem>> -> memref<128x32xf32, #tpu.memory_space<vmem>>
      %dma_start3A_458 = arith.constant 0 : i32
      %dma_start3A_459 = tpu.memref_slice %arg6[%min3A_452, %dma_start3A_458] : memref<160x128xi32, #tpu.memory_space<vmem>> -> memref<1x128xi32, #tpu.memory_space<vmem>>
      %dma_start3A_460 = tpu.memref_squeeze %dma_start3A_459 : memref<1x128xi32, #tpu.memory_space<vmem>> -> memref<128xi32, #tpu.memory_space<vmem>>
      %dma_start3A_461 = arith.constant 0 : i32
      %dma_start3A_462 = arith.constant 0 : i32
      %dma_start3A_463 = tpu.memref_slice %arg2[%dma_start3A_461, %dma_start3A_462] : memref<20000x32xf32, #tpu.memory_space<hbm>> -> memref<20000x32xf32, #tpu.memory_space<hbm>>
      tpu.enqueue_indirect_dma source(%dma_start3A_463 : memref<20000x32xf32, #tpu.memory_space<hbm>>) target(%dma_start3A_457 : memref<128x32xf32, #tpu.memory_space<vmem>>) offsets(%dma_start3A_460 : memref<128xi32, #tpu.memory_space<vmem>>) semaphore(%arg11 : memref<!tpu.dma_semaphore, #tpu.memory_space<semaphore_mem>>)
      %mul3A_464 = arith.constant 4 : i32
      %mul3A_465 = arith.muli %mul3A_464, %scan3A_301 : i32
      %add3A_466 = arith.constant 3 : i32
      %add3A_467 = arith.addi %mul3A_465, %add3A_466 : i32
      %dma_wait3A_468 = arith.constant 0 : i32
      %dma_wait3A_469 = arith.constant 3 : i32
      %dma_wait3A_470 = arith.constant 0 : i32
      %dma_wait3A_471 = arith.constant 0 : i32
      %dma_wait3A_472 = tpu.memref_slice %arg8[%dma_wait3A_469, %dma_wait3A_470, %dma_wait3A_471] : memref<4x128x32xf32, #tpu.memory_space<vmem>> -> memref<1x128x32xf32, #tpu.memory_space<vmem>>
      %dma_wait3A_473 = tpu.memref_squeeze %dma_wait3A_472 : memref<1x128x32xf32, #tpu.memory_space<vmem>> -> memref<128x32xf32, #tpu.memory_space<vmem>>
      %dma_wait3A_474 = arith.constant 0 : i32
      %dma_wait3A_475 = tpu.memref_slice %arg6[%dma_wait3A_468, %dma_wait3A_474] : memref<160x128xi32, #tpu.memory_space<vmem>> -> memref<1x128xi32, #tpu.memory_space<vmem>>
      %dma_wait3A_476 = tpu.memref_squeeze %dma_wait3A_475 : memref<1x128xi32, #tpu.memory_space<vmem>> -> memref<128xi32, #tpu.memory_space<vmem>>
      %dma_wait3A_477 = arith.constant 0 : i32
      %dma_wait3A_478 = arith.constant 0 : i32
      %dma_wait3A_479 = tpu.memref_slice %arg2[%dma_wait3A_477, %dma_wait3A_478] : memref<20000x32xf32, #tpu.memory_space<hbm>> -> memref<20000x32xf32, #tpu.memory_space<hbm>>
      tpu.wait_indirect_dma semaphore(%arg14 : memref<!tpu.dma_semaphore, #tpu.memory_space<semaphore_mem>>) src(%dma_wait3A_479 : memref<20000x32xf32, #tpu.memory_space<hbm>>) dst(%dma_wait3A_473 : memref<128x32xf32, #tpu.memory_space<vmem>>)
      %dma_start3A_480 = arith.constant 3 : i32
      %dma_start3A_481 = arith.constant 0 : i32
      %dma_start3A_482 = arith.constant 0 : i32
      %dma_start3A_483 = tpu.memref_slice %arg8[%dma_start3A_480, %dma_start3A_481, %dma_start3A_482] : memref<4x128x32xf32, #tpu.memory_space<vmem>> -> memref<1x128x32xf32, #tpu.memory_space<vmem>>
      %dma_start3A_484 = tpu.memref_squeeze %dma_start3A_483 : memref<1x128x32xf32, #tpu.memory_space<vmem>> -> memref<128x32xf32, #tpu.memory_space<vmem>>
      %dma_start3A_485 = arith.constant 0 : i32
      %dma_start3A_486 = tpu.memref_slice %arg7[%add3A_467, %dma_start3A_485] : memref<160x128xi32, #tpu.memory_space<vmem>> -> memref<1x128xi32, #tpu.memory_space<vmem>>
      %dma_start3A_487 = tpu.memref_squeeze %dma_start3A_486 : memref<1x128xi32, #tpu.memory_space<vmem>> -> memref<128xi32, #tpu.memory_space<vmem>>
      %dma_start3A_488 = arith.constant 0 : i32
      %dma_start3A_489 = arith.constant 0 : i32
      %dma_start3A_490 = tpu.memref_slice %arg10[%dma_start3A_488, %dma_start3A_489] : memref<10240x32xf32, #tpu.memory_space<vmem_shared>> -> memref<10240x32xf32, #tpu.memory_space<vmem_shared>>
      tpu.enqueue_indirect_dma source(%dma_start3A_484 : memref<128x32xf32, #tpu.memory_space<vmem>>) target(%dma_start3A_490 : memref<10240x32xf32, #tpu.memory_space<vmem_shared>>) offsets(%dma_start3A_487 : memref<128xi32, #tpu.memory_space<vmem>>) semaphore(%arg18 : memref<!tpu.dma_semaphore, #tpu.memory_space<semaphore_mem>>) {add = true}
      %dma_wait3A_491 = arith.constant 1 : i32
      %dma_wait3A_492 = arith.constant 0 : i32
      %dma_wait3A_493 = arith.constant 0 : i32
      %dma_wait3A_494 = arith.constant 0 : i32
      %dma_wait3A_495 = tpu.memref_slice %arg8[%dma_wait3A_491, %dma_wait3A_493, %dma_wait3A_494] : memref<4x128x32xf32, #tpu.memory_space<vmem>> -> memref<1x128x32xf32, #tpu.memory_space<vmem>>
      %dma_wait3A_496 = tpu.memref_squeeze %dma_wait3A_495 : memref<1x128x32xf32, #tpu.memory_space<vmem>> -> memref<128x32xf32, #tpu.memory_space<vmem>>
      %dma_wait3A_497 = arith.constant 0 : i32
      %dma_wait3A_498 = tpu.memref_slice %arg7[%dma_wait3A_492, %dma_wait3A_497] : memref<160x128xi32, #tpu.memory_space<vmem>> -> memref<1x128xi32, #tpu.memory_space<vmem>>
      %dma_wait3A_499 = tpu.memref_squeeze %dma_wait3A_498 : memref<1x128xi32, #tpu.memory_space<vmem>> -> memref<128xi32, #tpu.memory_space<vmem>>
      %dma_wait3A_500 = arith.constant 0 : i32
      %dma_wait3A_501 = arith.constant 0 : i32
      %dma_wait3A_502 = tpu.memref_slice %arg10[%dma_wait3A_500, %dma_wait3A_501] : memref<10240x32xf32, #tpu.memory_space<vmem_shared>> -> memref<10240x32xf32, #tpu.memory_space<vmem_shared>>
      tpu.wait_indirect_dma semaphore(%arg16 : memref<!tpu.dma_semaphore, #tpu.memory_space<semaphore_mem>>) src(%dma_wait3A_496 : memref<128x32xf32, #tpu.memory_space<vmem>>) dst(%dma_wait3A_502 : memref<10240x32xf32, #tpu.memory_space<vmem_shared>>)
      %add3A_503 = arith.constant 2 : i32
      %add3A_504 = arith.addi %add3A_467, %add3A_503 : i32
      %min3A_505 = arith.constant 159 : i32
      %min3A_506 = arith.minsi %add3A_504, %min3A_505 : i32
      %dma_start3A_507 = arith.constant 1 : i32
      %dma_start3A_508 = arith.constant 0 : i32
      %dma_start3A_509 = arith.constant 0 : i32
      %dma_start3A_510 = tpu.memref_slice %arg8[%dma_start3A_507, %dma_start3A_508, %dma_start3A_509] : memref<4x128x32xf32, #tpu.memory_space<vmem>> -> memref<1x128x32xf32, #tpu.memory_space<vmem>>
      %dma_start3A_511 = tpu.memref_squeeze %dma_start3A_510 : memref<1x128x32xf32, #tpu.memory_space<vmem>> -> memref<128x32xf32, #tpu.memory_space<vmem>>
      %dma_start3A_512 = arith.constant 0 : i32
      %dma_start3A_513 = tpu.memref_slice %arg6[%min3A_506, %dma_start3A_512] : memref<160x128xi32, #tpu.memory_space<vmem>> -> memref<1x128xi32, #tpu.memory_space<vmem>>
      %dma_start3A_514 = tpu.memref_squeeze %dma_start3A_513 : memref<1x128xi32, #tpu.memory_space<vmem>> -> memref<128xi32, #tpu.memory_space<vmem>>
      %dma_start3A_515 = arith.constant 0 : i32
      %dma_start3A_516 = arith.constant 0 : i32
      %dma_start3A_517 = tpu.memref_slice %arg2[%dma_start3A_515, %dma_start3A_516] : memref<20000x32xf32, #tpu.memory_space<hbm>> -> memref<20000x32xf32, #tpu.memory_space<hbm>>
      tpu.enqueue_indirect_dma source(%dma_start3A_517 : memref<20000x32xf32, #tpu.memory_space<hbm>>) target(%dma_start3A_511 : memref<128x32xf32, #tpu.memory_space<vmem>>) offsets(%dma_start3A_514 : memref<128xi32, #tpu.memory_space<vmem>>) semaphore(%arg12 : memref<!tpu.dma_semaphore, #tpu.memory_space<semaphore_mem>>)
      %scan3A_518 = arith.constant 0 : i32
      scf.yield %scan3A_518 : i32
    }
    %scan3A_244 = arith.constant 39 : i32
    %dma_wait3A_245 = arith.constant 0 : i32
    %dma_wait3A_246 = arith.constant 0 : i32
    %dma_wait3A_247 = arith.constant 0 : i32
    %dma_wait3A_248 = arith.constant 0 : i32
    %dma_wait3A_249 = tpu.memref_slice %arg8[%dma_wait3A_246, %dma_wait3A_247, %dma_wait3A_248] : memref<4x128x32xf32, #tpu.memory_space<vmem>> -> memref<1x128x32xf32, #tpu.memory_space<vmem>>
    %dma_wait3A_250 = tpu.memref_squeeze %dma_wait3A_249 : memref<1x128x32xf32, #tpu.memory_space<vmem>> -> memref<128x32xf32, #tpu.memory_space<vmem>>
    %dma_wait3A_251 = arith.constant 0 : i32
    %dma_wait3A_252 = tpu.memref_slice %arg6[%dma_wait3A_245, %dma_wait3A_251] : memref<160x128xi32, #tpu.memory_space<vmem>> -> memref<1x128xi32, #tpu.memory_space<vmem>>
    %dma_wait3A_253 = tpu.memref_squeeze %dma_wait3A_252 : memref<1x128xi32, #tpu.memory_space<vmem>> -> memref<128xi32, #tpu.memory_space<vmem>>
    %dma_wait3A_254 = arith.constant 0 : i32
    %dma_wait3A_255 = arith.constant 0 : i32
    %dma_wait3A_256 = tpu.memref_slice %arg2[%dma_wait3A_254, %dma_wait3A_255] : memref<20000x32xf32, #tpu.memory_space<hbm>> -> memref<20000x32xf32, #tpu.memory_space<hbm>>
    tpu.wait_indirect_dma semaphore(%arg11 : memref<!tpu.dma_semaphore, #tpu.memory_space<semaphore_mem>>) src(%dma_wait3A_256 : memref<20000x32xf32, #tpu.memory_space<hbm>>) dst(%dma_wait3A_250 : memref<128x32xf32, #tpu.memory_space<vmem>>)
    %dma_wait3A_257 = arith.constant 0 : i32
    %dma_wait3A_258 = arith.constant 1 : i32
    %dma_wait3A_259 = arith.constant 0 : i32
    %dma_wait3A_260 = arith.constant 0 : i32
    %dma_wait3A_261 = tpu.memref_slice %arg8[%dma_wait3A_258, %dma_wait3A_259, %dma_wait3A_260] : memref<4x128x32xf32, #tpu.memory_space<vmem>> -> memref<1x128x32xf32, #tpu.memory_space<vmem>>
    %dma_wait3A_262 = tpu.memref_squeeze %dma_wait3A_261 : memref<1x128x32xf32, #tpu.memory_space<vmem>> -> memref<128x32xf32, #tpu.memory_space<vmem>>
    %dma_wait3A_263 = arith.constant 0 : i32
    %dma_wait3A_264 = tpu.memref_slice %arg6[%dma_wait3A_257, %dma_wait3A_263] : memref<160x128xi32, #tpu.memory_space<vmem>> -> memref<1x128xi32, #tpu.memory_space<vmem>>
    %dma_wait3A_265 = tpu.memref_squeeze %dma_wait3A_264 : memref<1x128xi32, #tpu.memory_space<vmem>> -> memref<128xi32, #tpu.memory_space<vmem>>
    %dma_wait3A_266 = arith.constant 0 : i32
    %dma_wait3A_267 = arith.constant 0 : i32
    %dma_wait3A_268 = tpu.memref_slice %arg2[%dma_wait3A_266, %dma_wait3A_267] : memref<20000x32xf32, #tpu.memory_space<hbm>> -> memref<20000x32xf32, #tpu.memory_space<hbm>>
    tpu.wait_indirect_dma semaphore(%arg12 : memref<!tpu.dma_semaphore, #tpu.memory_space<semaphore_mem>>) src(%dma_wait3A_268 : memref<20000x32xf32, #tpu.memory_space<hbm>>) dst(%dma_wait3A_262 : memref<128x32xf32, #tpu.memory_space<vmem>>)
    %dma_wait3A_269 = arith.constant 2 : i32
    %dma_wait3A_270 = arith.constant 0 : i32
    %dma_wait3A_271 = arith.constant 0 : i32
    %dma_wait3A_272 = arith.constant 0 : i32
    %dma_wait3A_273 = tpu.memref_slice %arg8[%dma_wait3A_269, %dma_wait3A_271, %dma_wait3A_272] : memref<4x128x32xf32, #tpu.memory_space<vmem>> -> memref<1x128x32xf32, #tpu.memory_space<vmem>>
    %dma_wait3A_274 = tpu.memref_squeeze %dma_wait3A_273 : memref<1x128x32xf32, #tpu.memory_space<vmem>> -> memref<128x32xf32, #tpu.memory_space<vmem>>
    %dma_wait3A_275 = arith.constant 0 : i32
    %dma_wait3A_276 = tpu.memref_slice %arg7[%dma_wait3A_270, %dma_wait3A_275] : memref<160x128xi32, #tpu.memory_space<vmem>> -> memref<1x128xi32, #tpu.memory_space<vmem>>
    %dma_wait3A_277 = tpu.memref_squeeze %dma_wait3A_276 : memref<1x128xi32, #tpu.memory_space<vmem>> -> memref<128xi32, #tpu.memory_space<vmem>>
    %dma_wait3A_278 = arith.constant 0 : i32
    %dma_wait3A_279 = arith.constant 0 : i32
    %dma_wait3A_280 = tpu.memref_slice %arg10[%dma_wait3A_278, %dma_wait3A_279] : memref<10240x32xf32, #tpu.memory_space<vmem_shared>> -> memref<10240x32xf32, #tpu.memory_space<vmem_shared>>
    tpu.wait_indirect_dma semaphore(%arg17 : memref<!tpu.dma_semaphore, #tpu.memory_space<semaphore_mem>>) src(%dma_wait3A_274 : memref<128x32xf32, #tpu.memory_space<vmem>>) dst(%dma_wait3A_280 : memref<10240x32xf32, #tpu.memory_space<vmem_shared>>)
    %dma_wait3A_281 = arith.constant 3 : i32
    %dma_wait3A_282 = arith.constant 0 : i32
    %dma_wait3A_283 = arith.constant 0 : i32
    %dma_wait3A_284 = arith.constant 0 : i32
    %dma_wait3A_285 = tpu.memref_slice %arg8[%dma_wait3A_281, %dma_wait3A_283, %dma_wait3A_284] : memref<4x128x32xf32, #tpu.memory_space<vmem>> -> memref<1x128x32xf32, #tpu.memory_space<vmem>>
    %dma_wait3A_286 = tpu.memref_squeeze %dma_wait3A_285 : memref<1x128x32xf32, #tpu.memory_space<vmem>> -> memref<128x32xf32, #tpu.memory_space<vmem>>
    %dma_wait3A_287 = arith.constant 0 : i32
    %dma_wait3A_288 = tpu.memref_slice %arg7[%dma_wait3A_282, %dma_wait3A_287] : memref<160x128xi32, #tpu.memory_space<vmem>> -> memref<1x128xi32, #tpu.memory_space<vmem>>
    %dma_wait3A_289 = tpu.memref_squeeze %dma_wait3A_288 : memref<1x128xi32, #tpu.memory_space<vmem>> -> memref<128xi32, #tpu.memory_space<vmem>>
    %dma_wait3A_290 = arith.constant 0 : i32
    %dma_wait3A_291 = arith.constant 0 : i32
    %dma_wait3A_292 = tpu.memref_slice %arg10[%dma_wait3A_290, %dma_wait3A_291] : memref<10240x32xf32, #tpu.memory_space<vmem_shared>> -> memref<10240x32xf32, #tpu.memory_space<vmem_shared>>
    tpu.wait_indirect_dma semaphore(%arg18 : memref<!tpu.dma_semaphore, #tpu.memory_space<semaphore_mem>>) src(%dma_wait3A_286 : memref<128x32xf32, #tpu.memory_space<vmem>>) dst(%dma_wait3A_292 : memref<10240x32xf32, #tpu.memory_space<vmem_shared>>)
    %barrier3A_293 = arith.constant 0 : index
    tpu.barrier barrier_id(%barrier3A_293)
    %mul3A_294 = arith.constant 640 : i32
    %mul3A_295 = arith.muli %arg1, %mul3A_294 : i32
    %mul3A_296 = arith.constant 10240 : i32
    %mul3A_297 = arith.muli %arg0, %mul3A_296 : i32
    %mul3A_298 = arith.constant 640 : i32
    %mul3A_299 = arith.muli %arg1, %mul3A_298 : i32
    %add3A_300 = arith.addi %mul3A_297, %mul3A_299 : i32
    "tpu.region"() ({
      %run_scoped3A = tpu.sem_alloc : memref<!tpu.dma_semaphore, #tpu.memory_space<semaphore_mem>>
      %dma_start3A_301 = arith.constant 0 : i32
      %dma_start3A_302 = tpu.memref_slice %arg5[%add3A_300, %dma_start3A_301] : memref<20480x32xf32, #tpu.memory_space<hbm>> -> memref<640x32xf32, #tpu.memory_space<hbm>>
      %dma_start3A_303 = arith.constant 0 : i32
      %dma_start3A_304 = tpu.memref_slice %arg10[%mul3A_295, %dma_start3A_303] : memref<10240x32xf32, #tpu.memory_space<vmem_shared>> -> memref<640x32xf32, #tpu.memory_space<vmem_shared>>
      tpu.enqueue_dma source(%dma_start3A_304 : memref<640x32xf32, #tpu.memory_space<vmem_shared>>) target(%dma_start3A_302 : memref<640x32xf32, #tpu.memory_space<hbm>>) target_semaphore(%run_scoped3A : memref<!tpu.dma_semaphore, #tpu.memory_space<semaphore_mem>>)
      %dma_wait3A_305 = arith.constant 0 : i32
      %dma_wait3A_306 = tpu.memref_slice %arg5[%add3A_300, %dma_wait3A_305] : memref<20480x32xf32, #tpu.memory_space<hbm>> -> memref<640x32xf32, #tpu.memory_space<hbm>>
      %dma_wait3A_307 = arith.constant 0 : i32
      %dma_wait3A_308 = tpu.memref_slice %arg10[%mul3A_295, %dma_wait3A_307] : memref<10240x32xf32, #tpu.memory_space<vmem_shared>> -> memref<640x32xf32, #tpu.memory_space<vmem_shared>>
      tpu.wait_dma2 semaphore(%run_scoped3A : memref<!tpu.dma_semaphore, #tpu.memory_space<semaphore_mem>>) src(%dma_wait3A_308 : memref<640x32xf32, #tpu.memory_space<vmem_shared>>) dst(%dma_wait3A_306 : memref<640x32xf32, #tpu.memory_space<hbm>>)
      tpu.yield
    }) : () -> ()
    return
  }
}

#map = affine_map<(d0, d1) -> (0, 0)>
module attributes {stable_mosaic.version = 14 : i64} {
  func.func @body(%arg0: i32, %arg1: i32, %arg2: memref<2560x128xi32, #tpu.memory_space<hbm>>, %arg3: memref<20480x16xf32, #tpu.memory_space<hbm>>, %arg4: memref<80x128xi32, #tpu.memory_space<vmem>>, %arg5: memref<128x16xf32, #tpu.memory_space<vmem>>, %arg6: memref<640x16xf32, #tpu.memory_space<vmem>>, %arg7: memref<640x16xf32, #tpu.memory_space<vmem>>, %arg8: memref<10240x16xf32, #tpu.memory_space<vmem_shared>>) attributes {dimension_semantics = [#tpu.dimension_semantics<core_parallel>, #tpu.dimension_semantics<subcore_parallel>], iteration_bounds = array<i64: 2, 16>, scalar_prefetch = 0 : i64, scratch_operands = 5 : i64, tpu.core_type = #tpu.core_type<sc_vector_subcore>, window_params = [{transform_indices = #map}, {transform_indices = #map}]} {
    %mul3A = arith.constant 2 : i32
    %mul3A_0 = arith.muli %arg1, %mul3A : i32
    %add3A = arith.addi %mul3A_0, %arg0 : i32
    %mul3A_1 = arith.constant 80 : i32
    %mul3A_2 = arith.muli %add3A, %mul3A_1 : i32
    "tpu.region"() ({
      %run_scoped3A = tpu.sem_alloc : memref<!tpu.dma_semaphore, #tpu.memory_space<semaphore_mem>>
      %dma_start3A = arith.constant 0 : i32
      %dma_start3A_36 = tpu.memref_slice %arg2[%mul3A_2, %dma_start3A] : memref<2560x128xi32, #tpu.memory_space<hbm>> -> memref<80x128xi32, #tpu.memory_space<hbm>>
      %dma_start3A_37 = arith.constant 0 : i32
      %dma_start3A_38 = tpu.memref_slice %arg2[%mul3A_2, %dma_start3A_37] : memref<2560x128xi32, #tpu.memory_space<hbm>> -> memref<80x128xi32, #tpu.memory_space<hbm>>
      tpu.enqueue_dma source(%dma_start3A_38 : memref<80x128xi32, #tpu.memory_space<hbm>>) target(%arg4 : memref<80x128xi32, #tpu.memory_space<vmem>>) target_semaphore(%run_scoped3A : memref<!tpu.dma_semaphore, #tpu.memory_space<semaphore_mem>>)
      %dma_wait3A = arith.constant 0 : i32
      %dma_wait3A_39 = tpu.memref_slice %arg2[%mul3A_2, %dma_wait3A] : memref<2560x128xi32, #tpu.memory_space<hbm>> -> memref<80x128xi32, #tpu.memory_space<hbm>>
      %dma_wait3A_40 = arith.constant 0 : i32
      %dma_wait3A_41 = tpu.memref_slice %arg2[%mul3A_2, %dma_wait3A_40] : memref<2560x128xi32, #tpu.memory_space<hbm>> -> memref<80x128xi32, #tpu.memory_space<hbm>>
      tpu.wait_dma2 semaphore(%run_scoped3A : memref<!tpu.dma_semaphore, #tpu.memory_space<semaphore_mem>>) src(%dma_wait3A_41 : memref<80x128xi32, #tpu.memory_space<hbm>>) dst(%arg4 : memref<80x128xi32, #tpu.memory_space<vmem>>)
      tpu.yield
    }) : () -> ()
    %broadcast_in_dim3A = arith.constant 1.000000e+00 : f32
    %broadcast_in_dim3A_3 = vector.broadcast %broadcast_in_dim3A : f32 to vector<16xf32>
    %scan3A = arith.constant 0 : i32
    %scan3A_4 = arith.constant 0 : i32
    %scan3A_5 = arith.constant 128 : i32
    %scan3A_6 = arith.addi %scan3A_4, %scan3A_5 : i32
    %scan3A_7 = arith.constant 1 : i32
    %scan3A_8 = scf.for %scan3A_36 = %scan3A_4 to %scan3A_6 step %scan3A_7 iter_args(%scan3A_37 = %scan3A) -> (i32)  : i32 {
      %swap3A = arith.index_cast %scan3A_36 : i32 to index
      %swap3A_38 = arith.constant 0 : index
      %swap3A_39 = tpu.vector_load %arg5[%swap3A, %swap3A_38] {strides = array<i32>} : memref<128x16xf32, #tpu.memory_space<vmem>>, vector<1x16xf32>,
      %swap3A_40 = vector.shape_cast %swap3A_39 : vector<1x16xf32> to vector<16xf32>
      %swap3A_41 = vector.shape_cast %broadcast_in_dim3A_3 : vector<16xf32> to vector<1x16xf32>
      tpu.vector_store %arg5[%swap3A, %swap3A_38], %swap3A_41 {strides = array<i32>} : memref<128x16xf32, #tpu.memory_space<vmem>>, vector<1x16xf32>,
      %scan3A_42 = arith.constant 0 : i32
      scf.yield %scan3A_42 : i32
    }
    %scan3A_9 = arith.constant 128 : i32
    %broadcast_in_dim3A_10 = arith.constant 0.000000e+00 : f32
    %broadcast_in_dim3A_11 = vector.broadcast %broadcast_in_dim3A_10 : f32 to vector<16xf32>
    %scan3A_12 = arith.constant 0 : i32
    %scan3A_13 = arith.constant 0 : i32
    %scan3A_14 = arith.constant 640 : i32
    %scan3A_15 = arith.addi %scan3A_13, %scan3A_14 : i32
    %scan3A_16 = arith.constant 1 : i32
    %scan3A_17 = scf.for %scan3A_36 = %scan3A_13 to %scan3A_15 step %scan3A_16 iter_args(%scan3A_37 = %scan3A_12) -> (i32)  : i32 {
      %swap3A = arith.index_cast %scan3A_36 : i32 to index
      %swap3A_38 = arith.constant 0 : index
      %swap3A_39 = tpu.vector_load %arg6[%swap3A, %swap3A_38] {strides = array<i32>} : memref<640x16xf32, #tpu.memory_space<vmem>>, vector<1x16xf32>,
      %swap3A_40 = vector.shape_cast %swap3A_39 : vector<1x16xf32> to vector<16xf32>
      %swap3A_41 = vector.shape_cast %broadcast_in_dim3A_11 : vector<16xf32> to vector<1x16xf32>
      tpu.vector_store %arg6[%swap3A, %swap3A_38], %swap3A_41 {strides = array<i32>} : memref<640x16xf32, #tpu.memory_space<vmem>>, vector<1x16xf32>,
      %scan3A_42 = arith.constant 0 : i32
      scf.yield %scan3A_42 : i32
    }
    %scan3A_18 = arith.constant 640 : i32
    %mul3A_19 = arith.constant 640 : i32
    %mul3A_20 = arith.muli %arg1, %mul3A_19 : i32
    "tpu.region"() ({
      %run_scoped3A = tpu.sem_alloc : memref<!tpu.dma_semaphore, #tpu.memory_space<semaphore_mem>>
      %dma_start3A = arith.constant 0 : i32
      %dma_start3A_36 = tpu.memref_slice %arg8[%mul3A_20, %dma_start3A] : memref<10240x16xf32, #tpu.memory_space<vmem_shared>> -> memref<640x16xf32, #tpu.memory_space<vmem_shared>>
      %dma_start3A_37 = arith.constant 0 : i32
      %dma_start3A_38 = tpu.memref_slice %arg8[%mul3A_20, %dma_start3A_37] : memref<10240x16xf32, #tpu.memory_space<vmem_shared>> -> memref<640x16xf32, #tpu.memory_space<vmem_shared>>
      tpu.enqueue_dma source(%arg6 : memref<640x16xf32, #tpu.memory_space<vmem>>) target(%dma_start3A_38 : memref<640x16xf32, #tpu.memory_space<vmem_shared>>) target_semaphore(%run_scoped3A : memref<!tpu.dma_semaphore, #tpu.memory_space<semaphore_mem>>)
      %dma_wait3A = arith.constant 0 : i32
      %dma_wait3A_39 = tpu.memref_slice %arg8[%mul3A_20, %dma_wait3A] : memref<10240x16xf32, #tpu.memory_space<vmem_shared>> -> memref<640x16xf32, #tpu.memory_space<vmem_shared>>
      %dma_wait3A_40 = arith.constant 0 : i32
      %dma_wait3A_41 = tpu.memref_slice %arg8[%mul3A_20, %dma_wait3A_40] : memref<10240x16xf32, #tpu.memory_space<vmem_shared>> -> memref<640x16xf32, #tpu.memory_space<vmem_shared>>
      tpu.wait_dma2 semaphore(%run_scoped3A : memref<!tpu.dma_semaphore, #tpu.memory_space<semaphore_mem>>) src(%arg6 : memref<640x16xf32, #tpu.memory_space<vmem>>) dst(%dma_wait3A_41 : memref<640x16xf32, #tpu.memory_space<vmem_shared>>)
      tpu.yield
    }) : () -> ()
    %barrier3A = arith.constant 0 : index
    tpu.barrier barrier_id(%barrier3A)
    %scan3A_21 = arith.constant 0 : i32
    %scan3A_22 = arith.constant 0 : i32
    %scan3A_23 = arith.constant 80 : i32
    %scan3A_24 = arith.addi %scan3A_22, %scan3A_23 : i32
    %scan3A_25 = arith.constant 1 : i32
    %scan3A_26 = scf.for %scan3A_36 = %scan3A_22 to %scan3A_24 step %scan3A_25 iter_args(%scan3A_37 = %scan3A_21) -> (i32)  : i32 {
      "tpu.region"() ({
        %run_scoped3A = tpu.sem_alloc : memref<!tpu.dma_semaphore, #tpu.memory_space<semaphore_mem>>
        %dma_start3A = arith.constant 0 : i32
        %dma_start3A_39 = tpu.memref_slice %arg4[%scan3A_36, %dma_start3A] : memref<80x128xi32, #tpu.memory_space<vmem>> -> memref<1x128xi32, #tpu.memory_space<vmem>>
        %dma_start3A_40 = tpu.memref_squeeze %dma_start3A_39 : memref<1x128xi32, #tpu.memory_space<vmem>> -> memref<128xi32, #tpu.memory_space<vmem>>
        %dma_start3A_41 = arith.constant 0 : i32
        %dma_start3A_42 = arith.constant 0 : i32
        %dma_start3A_43 = tpu.memref_slice %arg8[%dma_start3A_41, %dma_start3A_42] : memref<10240x16xf32, #tpu.memory_space<vmem_shared>> -> memref<10240x16xf32, #tpu.memory_space<vmem_shared>>
        tpu.enqueue_indirect_dma source(%arg5 : memref<128x16xf32, #tpu.memory_space<vmem>>) target(%dma_start3A_43 : memref<10240x16xf32, #tpu.memory_space<vmem_shared>>) offsets(%dma_start3A_40 : memref<128xi32, #tpu.memory_space<vmem>>) semaphore(%run_scoped3A : memref<!tpu.dma_semaphore, #tpu.memory_space<semaphore_mem>>) {add = true}
        %dma_wait3A = arith.constant 0 : i32
        %dma_wait3A_44 = tpu.memref_slice %arg4[%scan3A_36, %dma_wait3A] : memref<80x128xi32, #tpu.memory_space<vmem>> -> memref<1x128xi32, #tpu.memory_space<vmem>>
        %dma_wait3A_45 = tpu.memref_squeeze %dma_wait3A_44 : memref<1x128xi32, #tpu.memory_space<vmem>> -> memref<128xi32, #tpu.memory_space<vmem>>
        %dma_wait3A_46 = arith.constant 0 : i32
        %dma_wait3A_47 = arith.constant 0 : i32
        %dma_wait3A_48 = tpu.memref_slice %arg8[%dma_wait3A_46, %dma_wait3A_47] : memref<10240x16xf32, #tpu.memory_space<vmem_shared>> -> memref<10240x16xf32, #tpu.memory_space<vmem_shared>>
        tpu.wait_indirect_dma semaphore(%run_scoped3A : memref<!tpu.dma_semaphore, #tpu.memory_space<semaphore_mem>>) src(%arg5 : memref<128x16xf32, #tpu.memory_space<vmem>>) dst(%dma_wait3A_48 : memref<10240x16xf32, #tpu.memory_space<vmem_shared>>)
        tpu.yield
      }) : () -> ()
      %scan3A_38 = arith.constant 0 : i32
      scf.yield %scan3A_38 : i32
    }
    %scan3A_27 = arith.constant 80 : i32
    %barrier3A_28 = arith.constant 0 : index
    tpu.barrier barrier_id(%barrier3A_28)
    %mul3A_29 = arith.constant 640 : i32
    %mul3A_30 = arith.muli %arg1, %mul3A_29 : i32
    "tpu.region"() ({
      %run_scoped3A = tpu.sem_alloc : memref<!tpu.dma_semaphore, #tpu.memory_space<semaphore_mem>>
      %dma_start3A = arith.constant 0 : i32
      %dma_start3A_36 = tpu.memref_slice %arg8[%mul3A_30, %dma_start3A] : memref<10240x16xf32, #tpu.memory_space<vmem_shared>> -> memref<640x16xf32, #tpu.memory_space<vmem_shared>>
      %dma_start3A_37 = arith.constant 0 : i32
      %dma_start3A_38 = tpu.memref_slice %arg8[%mul3A_30, %dma_start3A_37] : memref<10240x16xf32, #tpu.memory_space<vmem_shared>> -> memref<640x16xf32, #tpu.memory_space<vmem_shared>>
      tpu.enqueue_dma source(%dma_start3A_38 : memref<640x16xf32, #tpu.memory_space<vmem_shared>>) target(%arg7 : memref<640x16xf32, #tpu.memory_space<vmem>>) target_semaphore(%run_scoped3A : memref<!tpu.dma_semaphore, #tpu.memory_space<semaphore_mem>>)
      %dma_wait3A = arith.constant 0 : i32
      %dma_wait3A_39 = tpu.memref_slice %arg8[%mul3A_30, %dma_wait3A] : memref<10240x16xf32, #tpu.memory_space<vmem_shared>> -> memref<640x16xf32, #tpu.memory_space<vmem_shared>>
      %dma_wait3A_40 = arith.constant 0 : i32
      %dma_wait3A_41 = tpu.memref_slice %arg8[%mul3A_30, %dma_wait3A_40] : memref<10240x16xf32, #tpu.memory_space<vmem_shared>> -> memref<640x16xf32, #tpu.memory_space<vmem_shared>>
      tpu.wait_dma2 semaphore(%run_scoped3A : memref<!tpu.dma_semaphore, #tpu.memory_space<semaphore_mem>>) src(%dma_wait3A_41 : memref<640x16xf32, #tpu.memory_space<vmem_shared>>) dst(%arg7 : memref<640x16xf32, #tpu.memory_space<vmem>>)
      tpu.yield
    }) : () -> ()
    %mul3A_31 = arith.constant 10240 : i32
    %mul3A_32 = arith.muli %arg0, %mul3A_31 : i32
    %mul3A_33 = arith.constant 640 : i32
    %mul3A_34 = arith.muli %arg1, %mul3A_33 : i32
    %add3A_35 = arith.addi %mul3A_32, %mul3A_34 : i32
    "tpu.region"() ({
      %run_scoped3A = tpu.sem_alloc : memref<!tpu.dma_semaphore, #tpu.memory_space<semaphore_mem>>
      %dma_start3A = arith.constant 0 : i32
      %dma_start3A_36 = tpu.memref_slice %arg3[%add3A_35, %dma_start3A] : memref<20480x16xf32, #tpu.memory_space<hbm>> -> memref<640x16xf32, #tpu.memory_space<hbm>>
      %dma_start3A_37 = arith.constant 0 : i32
      %dma_start3A_38 = tpu.memref_slice %arg3[%add3A_35, %dma_start3A_37] : memref<20480x16xf32, #tpu.memory_space<hbm>> -> memref<640x16xf32, #tpu.memory_space<hbm>>
      tpu.enqueue_dma source(%arg7 : memref<640x16xf32, #tpu.memory_space<vmem>>) target(%dma_start3A_38 : memref<640x16xf32, #tpu.memory_space<hbm>>) target_semaphore(%run_scoped3A : memref<!tpu.dma_semaphore, #tpu.memory_space<semaphore_mem>>)
      %dma_wait3A = arith.constant 0 : i32
      %dma_wait3A_39 = tpu.memref_slice %arg3[%add3A_35, %dma_wait3A] : memref<20480x16xf32, #tpu.memory_space<hbm>> -> memref<640x16xf32, #tpu.memory_space<hbm>>
      %dma_wait3A_40 = arith.constant 0 : i32
      %dma_wait3A_41 = tpu.memref_slice %arg3[%add3A_35, %dma_wait3A_40] : memref<20480x16xf32, #tpu.memory_space<hbm>> -> memref<640x16xf32, #tpu.memory_space<hbm>>
      tpu.wait_dma2 semaphore(%run_scoped3A : memref<!tpu.dma_semaphore, #tpu.memory_space<semaphore_mem>>) src(%arg7 : memref<640x16xf32, #tpu.memory_space<vmem>>) dst(%dma_wait3A_41 : memref<640x16xf32, #tpu.memory_space<hbm>>)
      tpu.yield
    }) : () -> ()
    return
  }
}

#map = affine_map<(d0, d1) -> (0, 0)>
module attributes {stable_mosaic.version = 14 : i64} {
  func.func @body(%arg0: i32, %arg1: i32, %arg2: memref<20000x64xf32, #tpu.memory_space<hbm>>, %arg3: memref<5120x128xi32, #tpu.memory_space<hbm>>, %arg4: memref<2560x128xi32, #tpu.memory_space<hbm>>, %arg5: memref<20480x64xf32, #tpu.memory_space<hbm>>, %arg6: memref<160x128xi32, #tpu.memory_space<vmem>>, %arg7: memref<160x128xi32, #tpu.memory_space<vmem>>, %arg8: memref<4x128x64xf32, #tpu.memory_space<vmem>>, %arg9: memref<128x64xf32, #tpu.memory_space<vmem>>, %arg10: memref<10240x64xf32, #tpu.memory_space<vmem_shared>>, %arg11: memref<!tpu.dma_semaphore, #tpu.memory_space<semaphore_mem>>, %arg12: memref<!tpu.dma_semaphore, #tpu.memory_space<semaphore_mem>>, %arg13: memref<!tpu.dma_semaphore, #tpu.memory_space<semaphore_mem>>, %arg14: memref<!tpu.dma_semaphore, #tpu.memory_space<semaphore_mem>>, %arg15: memref<!tpu.dma_semaphore, #tpu.memory_space<semaphore_mem>>, %arg16: memref<!tpu.dma_semaphore, #tpu.memory_space<semaphore_mem>>, %arg17: memref<!tpu.dma_semaphore, #tpu.memory_space<semaphore_mem>>, %arg18: memref<!tpu.dma_semaphore, #tpu.memory_space<semaphore_mem>>) attributes {dimension_semantics = [#tpu.dimension_semantics<core_parallel>, #tpu.dimension_semantics<subcore_parallel>], iteration_bounds = array<i64: 2, 16>, scalar_prefetch = 0 : i64, scratch_operands = 13 : i64, tpu.core_type = #tpu.core_type<sc_vector_subcore>, window_params = [{transform_indices = #map}, {transform_indices = #map}, {transform_indices = #map}, {transform_indices = #map}]} {
    %mul3A = arith.constant 16 : i32
    %mul3A_0 = arith.muli %arg0, %mul3A : i32
    %add3A = arith.addi %mul3A_0, %arg1 : i32
    %mul3A_1 = arith.constant 160 : i32
    %mul3A_2 = arith.muli %add3A, %mul3A_1 : i32
    %dma_start3A = arith.constant 0 : i32
    %dma_start3A_3 = tpu.memref_slice %arg3[%mul3A_2, %dma_start3A] : memref<5120x128xi32, #tpu.memory_space<hbm>> -> memref<160x128xi32, #tpu.memory_space<hbm>>
    %dma_start3A_4 = arith.constant 0 : i32
    %dma_start3A_5 = tpu.memref_slice %arg3[%mul3A_2, %dma_start3A_4] : memref<5120x128xi32, #tpu.memory_space<hbm>> -> memref<160x128xi32, #tpu.memory_space<hbm>>
    tpu.enqueue_dma source(%dma_start3A_5 : memref<160x128xi32, #tpu.memory_space<hbm>>) target(%arg6 : memref<160x128xi32, #tpu.memory_space<vmem>>) target_semaphore(%arg11 : memref<!tpu.dma_semaphore, #tpu.memory_space<semaphore_mem>>)
    %mul3A_6 = arith.constant 160 : i32
    %mul3A_7 = arith.muli %arg1, %mul3A_6 : i32
    %dma_start3A_8 = arith.constant 0 : i32
    %dma_start3A_9 = tpu.memref_slice %arg4[%mul3A_7, %dma_start3A_8] : memref<2560x128xi32, #tpu.memory_space<hbm>> -> memref<160x128xi32, #tpu.memory_space<hbm>>
    %dma_start3A_10 = arith.constant 0 : i32
    %dma_start3A_11 = tpu.memref_slice %arg4[%mul3A_7, %dma_start3A_10] : memref<2560x128xi32, #tpu.memory_space<hbm>> -> memref<160x128xi32, #tpu.memory_space<hbm>>
    tpu.enqueue_dma source(%dma_start3A_11 : memref<160x128xi32, #tpu.memory_space<hbm>>) target(%arg7 : memref<160x128xi32, #tpu.memory_space<vmem>>) target_semaphore(%arg12 : memref<!tpu.dma_semaphore, #tpu.memory_space<semaphore_mem>>)
    %broadcast_in_dim3A = arith.constant 0.000000e+00 : f32
    %broadcast_in_dim3A_12 = vector.broadcast %broadcast_in_dim3A : f32 to vector<16xf32>
    %scan3A = arith.constant 0 : i32
    %scan3A_13 = arith.constant 0 : i32
    %scan3A_14 = arith.constant 128 : i32
    %scan3A_15 = arith.addi %scan3A_13, %scan3A_14 : i32
    %scan3A_16 = arith.constant 1 : i32
    %scan3A_17 = scf.for %scan3A_301 = %scan3A_13 to %scan3A_15 step %scan3A_16 iter_args(%scan3A_302 = %scan3A) -> (i32)  : i32 {
      %swap3A = arith.index_cast %scan3A_301 : i32 to index
      %swap3A_303 = arith.constant 0 : index
      %swap3A_304 = tpu.vector_load %arg9[%swap3A, %swap3A_303] {strides = array<i32>} : memref<128x64xf32, #tpu.memory_space<vmem>>, vector<1x16xf32>,
      %swap3A_305 = vector.shape_cast %swap3A_304 : vector<1x16xf32> to vector<16xf32>
      %swap3A_306 = vector.shape_cast %broadcast_in_dim3A_12 : vector<16xf32> to vector<1x16xf32>
      tpu.vector_store %arg9[%swap3A, %swap3A_303], %swap3A_306 {strides = array<i32>} : memref<128x64xf32, #tpu.memory_space<vmem>>, vector<1x16xf32>,
      %swap3A_307 = arith.index_cast %scan3A_301 : i32 to index
      %swap3A_308 = arith.constant 16 : index
      %swap3A_309 = tpu.vector_load %arg9[%swap3A_307, %swap3A_308] {strides = array<i32>} : memref<128x64xf32, #tpu.memory_space<vmem>>, vector<1x16xf32>,
      %swap3A_310 = vector.shape_cast %swap3A_309 : vector<1x16xf32> to vector<16xf32>
      %swap3A_311 = vector.shape_cast %broadcast_in_dim3A_12 : vector<16xf32> to vector<1x16xf32>
      tpu.vector_store %arg9[%swap3A_307, %swap3A_308], %swap3A_311 {strides = array<i32>} : memref<128x64xf32, #tpu.memory_space<vmem>>, vector<1x16xf32>,
      %swap3A_312 = arith.index_cast %scan3A_301 : i32 to index
      %swap3A_313 = arith.constant 32 : index
      %swap3A_314 = tpu.vector_load %arg9[%swap3A_312, %swap3A_313] {strides = array<i32>} : memref<128x64xf32, #tpu.memory_space<vmem>>, vector<1x16xf32>,
      %swap3A_315 = vector.shape_cast %swap3A_314 : vector<1x16xf32> to vector<16xf32>
      %swap3A_316 = vector.shape_cast %broadcast_in_dim3A_12 : vector<16xf32> to vector<1x16xf32>
      tpu.vector_store %arg9[%swap3A_312, %swap3A_313], %swap3A_316 {strides = array<i32>} : memref<128x64xf32, #tpu.memory_space<vmem>>, vector<1x16xf32>,
      %swap3A_317 = arith.index_cast %scan3A_301 : i32 to index
      %swap3A_318 = arith.constant 48 : index
      %swap3A_319 = tpu.vector_load %arg9[%swap3A_317, %swap3A_318] {strides = array<i32>} : memref<128x64xf32, #tpu.memory_space<vmem>>, vector<1x16xf32>,
      %swap3A_320 = vector.shape_cast %swap3A_319 : vector<1x16xf32> to vector<16xf32>
      %swap3A_321 = vector.shape_cast %broadcast_in_dim3A_12 : vector<16xf32> to vector<1x16xf32>
      tpu.vector_store %arg9[%swap3A_317, %swap3A_318], %swap3A_321 {strides = array<i32>} : memref<128x64xf32, #tpu.memory_space<vmem>>, vector<1x16xf32>,
      %scan3A_322 = arith.constant 0 : i32
      scf.yield %scan3A_322 : i32
    }
    %scan3A_18 = arith.constant 128 : i32
    %mul3A_19 = arith.constant 640 : i32
    %mul3A_20 = arith.muli %arg1, %mul3A_19 : i32
    %add3A_21 = arith.constant 0 : i32
    %add3A_22 = arith.addi %mul3A_20, %add3A_21 : i32
    "tpu.region"() ({
      %run_scoped3A = tpu.sem_alloc : memref<!tpu.dma_semaphore, #tpu.memory_space<semaphore_mem>>
      %dma_start3A_301 = arith.constant 0 : i32
      %dma_start3A_302 = tpu.memref_slice %arg10[%add3A_22, %dma_start3A_301] : memref<10240x64xf32, #tpu.memory_space<vmem_shared>> -> memref<128x64xf32, #tpu.memory_space<vmem_shared>>
      %dma_start3A_303 = arith.constant 0 : i32
      %dma_start3A_304 = tpu.memref_slice %arg10[%add3A_22, %dma_start3A_303] : memref<10240x64xf32, #tpu.memory_space<vmem_shared>> -> memref<128x64xf32, #tpu.memory_space<vmem_shared>>
      tpu.enqueue_dma source(%arg9 : memref<128x64xf32, #tpu.memory_space<vmem>>) target(%dma_start3A_304 : memref<128x64xf32, #tpu.memory_space<vmem_shared>>) target_semaphore(%run_scoped3A : memref<!tpu.dma_semaphore, #tpu.memory_space<semaphore_mem>>)
      %dma_wait3A_305 = arith.constant 0 : i32
      %dma_wait3A_306 = tpu.memref_slice %arg10[%add3A_22, %dma_wait3A_305] : memref<10240x64xf32, #tpu.memory_space<vmem_shared>> -> memref<128x64xf32, #tpu.memory_space<vmem_shared>>
      %dma_wait3A_307 = arith.constant 0 : i32
      %dma_wait3A_308 = tpu.memref_slice %arg10[%add3A_22, %dma_wait3A_307] : memref<10240x64xf32, #tpu.memory_space<vmem_shared>> -> memref<128x64xf32, #tpu.memory_space<vmem_shared>>
      tpu.wait_dma2 semaphore(%run_scoped3A : memref<!tpu.dma_semaphore, #tpu.memory_space<semaphore_mem>>) src(%arg9 : memref<128x64xf32, #tpu.memory_space<vmem>>) dst(%dma_wait3A_308 : memref<128x64xf32, #tpu.memory_space<vmem_shared>>)
      tpu.yield
    }) : () -> ()
    %mul3A_23 = arith.constant 640 : i32
    %mul3A_24 = arith.muli %arg1, %mul3A_23 : i32
    %add3A_25 = arith.constant 128 : i32
    %add3A_26 = arith.addi %mul3A_24, %add3A_25 : i32
    "tpu.region"() ({
      %run_scoped3A = tpu.sem_alloc : memref<!tpu.dma_semaphore, #tpu.memory_space<semaphore_mem>>
      %dma_start3A_301 = arith.constant 0 : i32
      %dma_start3A_302 = tpu.memref_slice %arg10[%add3A_26, %dma_start3A_301] : memref<10240x64xf32, #tpu.memory_space<vmem_shared>> -> memref<128x64xf32, #tpu.memory_space<vmem_shared>>
      %dma_start3A_303 = arith.constant 0 : i32
      %dma_start3A_304 = tpu.memref_slice %arg10[%add3A_26, %dma_start3A_303] : memref<10240x64xf32, #tpu.memory_space<vmem_shared>> -> memref<128x64xf32, #tpu.memory_space<vmem_shared>>
      tpu.enqueue_dma source(%arg9 : memref<128x64xf32, #tpu.memory_space<vmem>>) target(%dma_start3A_304 : memref<128x64xf32, #tpu.memory_space<vmem_shared>>) target_semaphore(%run_scoped3A : memref<!tpu.dma_semaphore, #tpu.memory_space<semaphore_mem>>)
      %dma_wait3A_305 = arith.constant 0 : i32
      %dma_wait3A_306 = tpu.memref_slice %arg10[%add3A_26, %dma_wait3A_305] : memref<10240x64xf32, #tpu.memory_space<vmem_shared>> -> memref<128x64xf32, #tpu.memory_space<vmem_shared>>
      %dma_wait3A_307 = arith.constant 0 : i32
      %dma_wait3A_308 = tpu.memref_slice %arg10[%add3A_26, %dma_wait3A_307] : memref<10240x64xf32, #tpu.memory_space<vmem_shared>> -> memref<128x64xf32, #tpu.memory_space<vmem_shared>>
      tpu.wait_dma2 semaphore(%run_scoped3A : memref<!tpu.dma_semaphore, #tpu.memory_space<semaphore_mem>>) src(%arg9 : memref<128x64xf32, #tpu.memory_space<vmem>>) dst(%dma_wait3A_308 : memref<128x64xf32, #tpu.memory_space<vmem_shared>>)
      tpu.yield
    }) : () -> ()
    %mul3A_27 = arith.constant 640 : i32
    %mul3A_28 = arith.muli %arg1, %mul3A_27 : i32
    %add3A_29 = arith.constant 256 : i32
    %add3A_30 = arith.addi %mul3A_28, %add3A_29 : i32
    "tpu.region"() ({
      %run_scoped3A = tpu.sem_alloc : memref<!tpu.dma_semaphore, #tpu.memory_space<semaphore_mem>>
      %dma_start3A_301 = arith.constant 0 : i32
      %dma_start3A_302 = tpu.memref_slice %arg10[%add3A_30, %dma_start3A_301] : memref<10240x64xf32, #tpu.memory_space<vmem_shared>> -> memref<128x64xf32, #tpu.memory_space<vmem_shared>>
      %dma_start3A_303 = arith.constant 0 : i32
      %dma_start3A_304 = tpu.memref_slice %arg10[%add3A_30, %dma_start3A_303] : memref<10240x64xf32, #tpu.memory_space<vmem_shared>> -> memref<128x64xf32, #tpu.memory_space<vmem_shared>>
      tpu.enqueue_dma source(%arg9 : memref<128x64xf32, #tpu.memory_space<vmem>>) target(%dma_start3A_304 : memref<128x64xf32, #tpu.memory_space<vmem_shared>>) target_semaphore(%run_scoped3A : memref<!tpu.dma_semaphore, #tpu.memory_space<semaphore_mem>>)
      %dma_wait3A_305 = arith.constant 0 : i32
      %dma_wait3A_306 = tpu.memref_slice %arg10[%add3A_30, %dma_wait3A_305] : memref<10240x64xf32, #tpu.memory_space<vmem_shared>> -> memref<128x64xf32, #tpu.memory_space<vmem_shared>>
      %dma_wait3A_307 = arith.constant 0 : i32
      %dma_wait3A_308 = tpu.memref_slice %arg10[%add3A_30, %dma_wait3A_307] : memref<10240x64xf32, #tpu.memory_space<vmem_shared>> -> memref<128x64xf32, #tpu.memory_space<vmem_shared>>
      tpu.wait_dma2 semaphore(%run_scoped3A : memref<!tpu.dma_semaphore, #tpu.memory_space<semaphore_mem>>) src(%arg9 : memref<128x64xf32, #tpu.memory_space<vmem>>) dst(%dma_wait3A_308 : memref<128x64xf32, #tpu.memory_space<vmem_shared>>)
      tpu.yield
    }) : () -> ()
    %mul3A_31 = arith.constant 640 : i32
    %mul3A_32 = arith.muli %arg1, %mul3A_31 : i32
    %add3A_33 = arith.constant 384 : i32
    %add3A_34 = arith.addi %mul3A_32, %add3A_33 : i32
    "tpu.region"() ({
      %run_scoped3A = tpu.sem_alloc : memref<!tpu.dma_semaphore, #tpu.memory_space<semaphore_mem>>
      %dma_start3A_301 = arith.constant 0 : i32
      %dma_start3A_302 = tpu.memref_slice %arg10[%add3A_34, %dma_start3A_301] : memref<10240x64xf32, #tpu.memory_space<vmem_shared>> -> memref<128x64xf32, #tpu.memory_space<vmem_shared>>
      %dma_start3A_303 = arith.constant 0 : i32
      %dma_start3A_304 = tpu.memref_slice %arg10[%add3A_34, %dma_start3A_303] : memref<10240x64xf32, #tpu.memory_space<vmem_shared>> -> memref<128x64xf32, #tpu.memory_space<vmem_shared>>
      tpu.enqueue_dma source(%arg9 : memref<128x64xf32, #tpu.memory_space<vmem>>) target(%dma_start3A_304 : memref<128x64xf32, #tpu.memory_space<vmem_shared>>) target_semaphore(%run_scoped3A : memref<!tpu.dma_semaphore, #tpu.memory_space<semaphore_mem>>)
      %dma_wait3A_305 = arith.constant 0 : i32
      %dma_wait3A_306 = tpu.memref_slice %arg10[%add3A_34, %dma_wait3A_305] : memref<10240x64xf32, #tpu.memory_space<vmem_shared>> -> memref<128x64xf32, #tpu.memory_space<vmem_shared>>
      %dma_wait3A_307 = arith.constant 0 : i32
      %dma_wait3A_308 = tpu.memref_slice %arg10[%add3A_34, %dma_wait3A_307] : memref<10240x64xf32, #tpu.memory_space<vmem_shared>> -> memref<128x64xf32, #tpu.memory_space<vmem_shared>>
      tpu.wait_dma2 semaphore(%run_scoped3A : memref<!tpu.dma_semaphore, #tpu.memory_space<semaphore_mem>>) src(%arg9 : memref<128x64xf32, #tpu.memory_space<vmem>>) dst(%dma_wait3A_308 : memref<128x64xf32, #tpu.memory_space<vmem_shared>>)
      tpu.yield
    }) : () -> ()
    %mul3A_35 = arith.constant 640 : i32
    %mul3A_36 = arith.muli %arg1, %mul3A_35 : i32
    %add3A_37 = arith.constant 512 : i32
    %add3A_38 = arith.addi %mul3A_36, %add3A_37 : i32
    "tpu.region"() ({
      %run_scoped3A = tpu.sem_alloc : memref<!tpu.dma_semaphore, #tpu.memory_space<semaphore_mem>>
      %dma_start3A_301 = arith.constant 0 : i32
      %dma_start3A_302 = tpu.memref_slice %arg10[%add3A_38, %dma_start3A_301] : memref<10240x64xf32, #tpu.memory_space<vmem_shared>> -> memref<128x64xf32, #tpu.memory_space<vmem_shared>>
      %dma_start3A_303 = arith.constant 0 : i32
      %dma_start3A_304 = tpu.memref_slice %arg10[%add3A_38, %dma_start3A_303] : memref<10240x64xf32, #tpu.memory_space<vmem_shared>> -> memref<128x64xf32, #tpu.memory_space<vmem_shared>>
      tpu.enqueue_dma source(%arg9 : memref<128x64xf32, #tpu.memory_space<vmem>>) target(%dma_start3A_304 : memref<128x64xf32, #tpu.memory_space<vmem_shared>>) target_semaphore(%run_scoped3A : memref<!tpu.dma_semaphore, #tpu.memory_space<semaphore_mem>>)
      %dma_wait3A_305 = arith.constant 0 : i32
      %dma_wait3A_306 = tpu.memref_slice %arg10[%add3A_38, %dma_wait3A_305] : memref<10240x64xf32, #tpu.memory_space<vmem_shared>> -> memref<128x64xf32, #tpu.memory_space<vmem_shared>>
      %dma_wait3A_307 = arith.constant 0 : i32
      %dma_wait3A_308 = tpu.memref_slice %arg10[%add3A_38, %dma_wait3A_307] : memref<10240x64xf32, #tpu.memory_space<vmem_shared>> -> memref<128x64xf32, #tpu.memory_space<vmem_shared>>
      tpu.wait_dma2 semaphore(%run_scoped3A : memref<!tpu.dma_semaphore, #tpu.memory_space<semaphore_mem>>) src(%arg9 : memref<128x64xf32, #tpu.memory_space<vmem>>) dst(%dma_wait3A_308 : memref<128x64xf32, #tpu.memory_space<vmem_shared>>)
      tpu.yield
    }) : () -> ()
    %dma_wait3A = arith.constant 0 : i32
    %dma_wait3A_39 = tpu.memref_slice %arg3[%mul3A_2, %dma_wait3A] : memref<5120x128xi32, #tpu.memory_space<hbm>> -> memref<160x128xi32, #tpu.memory_space<hbm>>
    %dma_wait3A_40 = arith.constant 0 : i32
    %dma_wait3A_41 = tpu.memref_slice %arg3[%mul3A_2, %dma_wait3A_40] : memref<5120x128xi32, #tpu.memory_space<hbm>> -> memref<160x128xi32, #tpu.memory_space<hbm>>
    tpu.wait_dma2 semaphore(%arg11 : memref<!tpu.dma_semaphore, #tpu.memory_space<semaphore_mem>>) src(%dma_wait3A_41 : memref<160x128xi32, #tpu.memory_space<hbm>>) dst(%arg6 : memref<160x128xi32, #tpu.memory_space<vmem>>)
    %dma_wait3A_42 = arith.constant 0 : i32
    %dma_wait3A_43 = tpu.memref_slice %arg4[%mul3A_7, %dma_wait3A_42] : memref<2560x128xi32, #tpu.memory_space<hbm>> -> memref<160x128xi32, #tpu.memory_space<hbm>>
    %dma_wait3A_44 = arith.constant 0 : i32
    %dma_wait3A_45 = tpu.memref_slice %arg4[%mul3A_7, %dma_wait3A_44] : memref<2560x128xi32, #tpu.memory_space<hbm>> -> memref<160x128xi32, #tpu.memory_space<hbm>>
    tpu.wait_dma2 semaphore(%arg12 : memref<!tpu.dma_semaphore, #tpu.memory_space<semaphore_mem>>) src(%dma_wait3A_45 : memref<160x128xi32, #tpu.memory_space<hbm>>) dst(%arg7 : memref<160x128xi32, #tpu.memory_space<vmem>>)
    %barrier3A = arith.constant 0 : index
    tpu.barrier barrier_id(%barrier3A)
    %dma_start3A_46 = arith.constant 0 : i32
    %dma_start3A_47 = arith.constant 0 : i32
    %dma_start3A_48 = arith.constant 0 : i32
    %dma_start3A_49 = arith.constant 0 : i32
    %dma_start3A_50 = tpu.memref_slice %arg8[%dma_start3A_47, %dma_start3A_48, %dma_start3A_49] : memref<4x128x64xf32, #tpu.memory_space<vmem>> -> memref<1x128x64xf32, #tpu.memory_space<vmem>>
    %dma_start3A_51 = tpu.memref_squeeze %dma_start3A_50 : memref<1x128x64xf32, #tpu.memory_space<vmem>> -> memref<128x64xf32, #tpu.memory_space<vmem>>
    %dma_start3A_52 = arith.constant 0 : i32
    %dma_start3A_53 = tpu.memref_slice %arg6[%dma_start3A_46, %dma_start3A_52] : memref<160x128xi32, #tpu.memory_space<vmem>> -> memref<1x128xi32, #tpu.memory_space<vmem>>
    %dma_start3A_54 = tpu.memref_squeeze %dma_start3A_53 : memref<1x128xi32, #tpu.memory_space<vmem>> -> memref<128xi32, #tpu.memory_space<vmem>>
    %dma_start3A_55 = arith.constant 0 : i32
    %dma_start3A_56 = arith.constant 0 : i32
    %dma_start3A_57 = tpu.memref_slice %arg2[%dma_start3A_55, %dma_start3A_56] : memref<20000x64xf32, #tpu.memory_space<hbm>> -> memref<20000x64xf32, #tpu.memory_space<hbm>>
    tpu.enqueue_indirect_dma source(%dma_start3A_57 : memref<20000x64xf32, #tpu.memory_space<hbm>>) target(%dma_start3A_51 : memref<128x64xf32, #tpu.memory_space<vmem>>) offsets(%dma_start3A_54 : memref<128xi32, #tpu.memory_space<vmem>>) semaphore(%arg11 : memref<!tpu.dma_semaphore, #tpu.memory_space<semaphore_mem>>)
    %dma_start3A_58 = arith.constant 1 : i32
    %dma_start3A_59 = arith.constant 1 : i32
    %dma_start3A_60 = arith.constant 0 : i32
    %dma_start3A_61 = arith.constant 0 : i32
    %dma_start3A_62 = tpu.memref_slice %arg8[%dma_start3A_59, %dma_start3A_60, %dma_start3A_61] : memref<4x128x64xf32, #tpu.memory_space<vmem>> -> memref<1x128x64xf32, #tpu.memory_space<vmem>>
    %dma_start3A_63 = tpu.memref_squeeze %dma_start3A_62 : memref<1x128x64xf32, #tpu.memory_space<vmem>> -> memref<128x64xf32, #tpu.memory_space<vmem>>
    %dma_start3A_64 = arith.constant 0 : i32
    %dma_start3A_65 = tpu.memref_slice %arg6[%dma_start3A_58, %dma_start3A_64] : memref<160x128xi32, #tpu.memory_space<vmem>> -> memref<1x128xi32, #tpu.memory_space<vmem>>
    %dma_start3A_66 = tpu.memref_squeeze %dma_start3A_65 : memref<1x128xi32, #tpu.memory_space<vmem>> -> memref<128xi32, #tpu.memory_space<vmem>>
    %dma_start3A_67 = arith.constant 0 : i32
    %dma_start3A_68 = arith.constant 0 : i32
    %dma_start3A_69 = tpu.memref_slice %arg2[%dma_start3A_67, %dma_start3A_68] : memref<20000x64xf32, #tpu.memory_space<hbm>> -> memref<20000x64xf32, #tpu.memory_space<hbm>>
    tpu.enqueue_indirect_dma source(%dma_start3A_69 : memref<20000x64xf32, #tpu.memory_space<hbm>>) target(%dma_start3A_63 : memref<128x64xf32, #tpu.memory_space<vmem>>) offsets(%dma_start3A_66 : memref<128xi32, #tpu.memory_space<vmem>>) semaphore(%arg12 : memref<!tpu.dma_semaphore, #tpu.memory_space<semaphore_mem>>)
    %dma_wait3A_70 = arith.constant 0 : i32
    %dma_wait3A_71 = arith.constant 0 : i32
    %dma_wait3A_72 = arith.constant 0 : i32
    %dma_wait3A_73 = arith.constant 0 : i32
    %dma_wait3A_74 = tpu.memref_slice %arg8[%dma_wait3A_71, %dma_wait3A_72, %dma_wait3A_73] : memref<4x128x64xf32, #tpu.memory_space<vmem>> -> memref<1x128x64xf32, #tpu.memory_space<vmem>>
    %dma_wait3A_75 = tpu.memref_squeeze %dma_wait3A_74 : memref<1x128x64xf32, #tpu.memory_space<vmem>> -> memref<128x64xf32, #tpu.memory_space<vmem>>
    %dma_wait3A_76 = arith.constant 0 : i32
    %dma_wait3A_77 = tpu.memref_slice %arg6[%dma_wait3A_70, %dma_wait3A_76] : memref<160x128xi32, #tpu.memory_space<vmem>> -> memref<1x128xi32, #tpu.memory_space<vmem>>
    %dma_wait3A_78 = tpu.memref_squeeze %dma_wait3A_77 : memref<1x128xi32, #tpu.memory_space<vmem>> -> memref<128xi32, #tpu.memory_space<vmem>>
    %dma_wait3A_79 = arith.constant 0 : i32
    %dma_wait3A_80 = arith.constant 0 : i32
    %dma_wait3A_81 = tpu.memref_slice %arg2[%dma_wait3A_79, %dma_wait3A_80] : memref<20000x64xf32, #tpu.memory_space<hbm>> -> memref<20000x64xf32, #tpu.memory_space<hbm>>
    tpu.wait_indirect_dma semaphore(%arg11 : memref<!tpu.dma_semaphore, #tpu.memory_space<semaphore_mem>>) src(%dma_wait3A_81 : memref<20000x64xf32, #tpu.memory_space<hbm>>) dst(%dma_wait3A_75 : memref<128x64xf32, #tpu.memory_space<vmem>>)
    %dma_start3A_82 = arith.constant 0 : i32
    %dma_start3A_83 = arith.constant 0 : i32
    %dma_start3A_84 = arith.constant 0 : i32
    %dma_start3A_85 = arith.constant 0 : i32
    %dma_start3A_86 = tpu.memref_slice %arg8[%dma_start3A_82, %dma_start3A_84, %dma_start3A_85] : memref<4x128x64xf32, #tpu.memory_space<vmem>> -> memref<1x128x64xf32, #tpu.memory_space<vmem>>
    %dma_start3A_87 = tpu.memref_squeeze %dma_start3A_86 : memref<1x128x64xf32, #tpu.memory_space<vmem>> -> memref<128x64xf32, #tpu.memory_space<vmem>>
    %dma_start3A_88 = arith.constant 0 : i32
    %dma_start3A_89 = tpu.memref_slice %arg7[%dma_start3A_83, %dma_start3A_88] : memref<160x128xi32, #tpu.memory_space<vmem>> -> memref<1x128xi32, #tpu.memory_space<vmem>>
    %dma_start3A_90 = tpu.memref_squeeze %dma_start3A_89 : memref<1x128xi32, #tpu.memory_space<vmem>> -> memref<128xi32, #tpu.memory_space<vmem>>
    %dma_start3A_91 = arith.constant 0 : i32
    %dma_start3A_92 = arith.constant 0 : i32
    %dma_start3A_93 = tpu.memref_slice %arg10[%dma_start3A_91, %dma_start3A_92] : memref<10240x64xf32, #tpu.memory_space<vmem_shared>> -> memref<10240x64xf32, #tpu.memory_space<vmem_shared>>
    tpu.enqueue_indirect_dma source(%dma_start3A_87 : memref<128x64xf32, #tpu.memory_space<vmem>>) target(%dma_start3A_93 : memref<10240x64xf32, #tpu.memory_space<vmem_shared>>) offsets(%dma_start3A_90 : memref<128xi32, #tpu.memory_space<vmem>>) semaphore(%arg15 : memref<!tpu.dma_semaphore, #tpu.memory_space<semaphore_mem>>) {add = true}
    %dma_start3A_94 = arith.constant 2 : i32
    %dma_start3A_95 = arith.constant 2 : i32
    %dma_start3A_96 = arith.constant 0 : i32
    %dma_start3A_97 = arith.constant 0 : i32
    %dma_start3A_98 = tpu.memref_slice %arg8[%dma_start3A_95, %dma_start3A_96, %dma_start3A_97] : memref<4x128x64xf32, #tpu.memory_space<vmem>> -> memref<1x128x64xf32, #tpu.memory_space<vmem>>
    %dma_start3A_99 = tpu.memref_squeeze %dma_start3A_98 : memref<1x128x64xf32, #tpu.memory_space<vmem>> -> memref<128x64xf32, #tpu.memory_space<vmem>>
    %dma_start3A_100 = arith.constant 0 : i32
    %dma_start3A_101 = tpu.memref_slice %arg6[%dma_start3A_94, %dma_start3A_100] : memref<160x128xi32, #tpu.memory_space<vmem>> -> memref<1x128xi32, #tpu.memory_space<vmem>>
    %dma_start3A_102 = tpu.memref_squeeze %dma_start3A_101 : memref<1x128xi32, #tpu.memory_space<vmem>> -> memref<128xi32, #tpu.memory_space<vmem>>
    %dma_start3A_103 = arith.constant 0 : i32
    %dma_start3A_104 = arith.constant 0 : i32
    %dma_start3A_105 = tpu.memref_slice %arg2[%dma_start3A_103, %dma_start3A_104] : memref<20000x64xf32, #tpu.memory_space<hbm>> -> memref<20000x64xf32, #tpu.memory_space<hbm>>
    tpu.enqueue_indirect_dma source(%dma_start3A_105 : memref<20000x64xf32, #tpu.memory_space<hbm>>) target(%dma_start3A_99 : memref<128x64xf32, #tpu.memory_space<vmem>>) offsets(%dma_start3A_102 : memref<128xi32, #tpu.memory_space<vmem>>) semaphore(%arg13 : memref<!tpu.dma_semaphore, #tpu.memory_space<semaphore_mem>>)
    %dma_wait3A_106 = arith.constant 0 : i32
    %dma_wait3A_107 = arith.constant 1 : i32
    %dma_wait3A_108 = arith.constant 0 : i32
    %dma_wait3A_109 = arith.constant 0 : i32
    %dma_wait3A_110 = tpu.memref_slice %arg8[%dma_wait3A_107, %dma_wait3A_108, %dma_wait3A_109] : memref<4x128x64xf32, #tpu.memory_space<vmem>> -> memref<1x128x64xf32, #tpu.memory_space<vmem>>
    %dma_wait3A_111 = tpu.memref_squeeze %dma_wait3A_110 : memref<1x128x64xf32, #tpu.memory_space<vmem>> -> memref<128x64xf32, #tpu.memory_space<vmem>>
    %dma_wait3A_112 = arith.constant 0 : i32
    %dma_wait3A_113 = tpu.memref_slice %arg6[%dma_wait3A_106, %dma_wait3A_112] : memref<160x128xi32, #tpu.memory_space<vmem>> -> memref<1x128xi32, #tpu.memory_space<vmem>>
    %dma_wait3A_114 = tpu.memref_squeeze %dma_wait3A_113 : memref<1x128xi32, #tpu.memory_space<vmem>> -> memref<128xi32, #tpu.memory_space<vmem>>
    %dma_wait3A_115 = arith.constant 0 : i32
    %dma_wait3A_116 = arith.constant 0 : i32
    %dma_wait3A_117 = tpu.memref_slice %arg2[%dma_wait3A_115, %dma_wait3A_116] : memref<20000x64xf32, #tpu.memory_space<hbm>> -> memref<20000x64xf32, #tpu.memory_space<hbm>>
    tpu.wait_indirect_dma semaphore(%arg12 : memref<!tpu.dma_semaphore, #tpu.memory_space<semaphore_mem>>) src(%dma_wait3A_117 : memref<20000x64xf32, #tpu.memory_space<hbm>>) dst(%dma_wait3A_111 : memref<128x64xf32, #tpu.memory_space<vmem>>)
    %dma_start3A_118 = arith.constant 1 : i32
    %dma_start3A_119 = arith.constant 1 : i32
    %dma_start3A_120 = arith.constant 0 : i32
    %dma_start3A_121 = arith.constant 0 : i32
    %dma_start3A_122 = tpu.memref_slice %arg8[%dma_start3A_118, %dma_start3A_120, %dma_start3A_121] : memref<4x128x64xf32, #tpu.memory_space<vmem>> -> memref<1x128x64xf32, #tpu.memory_space<vmem>>
    %dma_start3A_123 = tpu.memref_squeeze %dma_start3A_122 : memref<1x128x64xf32, #tpu.memory_space<vmem>> -> memref<128x64xf32, #tpu.memory_space<vmem>>
    %dma_start3A_124 = arith.constant 0 : i32
    %dma_start3A_125 = tpu.memref_slice %arg7[%dma_start3A_119, %dma_start3A_124] : memref<160x128xi32, #tpu.memory_space<vmem>> -> memref<1x128xi32, #tpu.memory_space<vmem>>
    %dma_start3A_126 = tpu.memref_squeeze %dma_start3A_125 : memref<1x128xi32, #tpu.memory_space<vmem>> -> memref<128xi32, #tpu.memory_space<vmem>>
    %dma_start3A_127 = arith.constant 0 : i32
    %dma_start3A_128 = arith.constant 0 : i32
    %dma_start3A_129 = tpu.memref_slice %arg10[%dma_start3A_127, %dma_start3A_128] : memref<10240x64xf32, #tpu.memory_space<vmem_shared>> -> memref<10240x64xf32, #tpu.memory_space<vmem_shared>>
    tpu.enqueue_indirect_dma source(%dma_start3A_123 : memref<128x64xf32, #tpu.memory_space<vmem>>) target(%dma_start3A_129 : memref<10240x64xf32, #tpu.memory_space<vmem_shared>>) offsets(%dma_start3A_126 : memref<128xi32, #tpu.memory_space<vmem>>) semaphore(%arg16 : memref<!tpu.dma_semaphore, #tpu.memory_space<semaphore_mem>>) {add = true}
    %dma_start3A_130 = arith.constant 3 : i32
    %dma_start3A_131 = arith.constant 3 : i32
    %dma_start3A_132 = arith.constant 0 : i32
    %dma_start3A_133 = arith.constant 0 : i32
    %dma_start3A_134 = tpu.memref_slice %arg8[%dma_start3A_131, %dma_start3A_132, %dma_start3A_133] : memref<4x128x64xf32, #tpu.memory_space<vmem>> -> memref<1x128x64xf32, #tpu.memory_space<vmem>>
    %dma_start3A_135 = tpu.memref_squeeze %dma_start3A_134 : memref<1x128x64xf32, #tpu.memory_space<vmem>> -> memref<128x64xf32, #tpu.memory_space<vmem>>
    %dma_start3A_136 = arith.constant 0 : i32
    %dma_start3A_137 = tpu.memref_slice %arg6[%dma_start3A_130, %dma_start3A_136] : memref<160x128xi32, #tpu.memory_space<vmem>> -> memref<1x128xi32, #tpu.memory_space<vmem>>
    %dma_start3A_138 = tpu.memref_squeeze %dma_start3A_137 : memref<1x128xi32, #tpu.memory_space<vmem>> -> memref<128xi32, #tpu.memory_space<vmem>>
    %dma_start3A_139 = arith.constant 0 : i32
    %dma_start3A_140 = arith.constant 0 : i32
    %dma_start3A_141 = tpu.memref_slice %arg2[%dma_start3A_139, %dma_start3A_140] : memref<20000x64xf32, #tpu.memory_space<hbm>> -> memref<20000x64xf32, #tpu.memory_space<hbm>>
    tpu.enqueue_indirect_dma source(%dma_start3A_141 : memref<20000x64xf32, #tpu.memory_space<hbm>>) target(%dma_start3A_135 : memref<128x64xf32, #tpu.memory_space<vmem>>) offsets(%dma_start3A_138 : memref<128xi32, #tpu.memory_space<vmem>>) semaphore(%arg14 : memref<!tpu.dma_semaphore, #tpu.memory_space<semaphore_mem>>)
    %dma_wait3A_142 = arith.constant 0 : i32
    %dma_wait3A_143 = arith.constant 2 : i32
    %dma_wait3A_144 = arith.constant 0 : i32
    %dma_wait3A_145 = arith.constant 0 : i32
    %dma_wait3A_146 = tpu.memref_slice %arg8[%dma_wait3A_143, %dma_wait3A_144, %dma_wait3A_145] : memref<4x128x64xf32, #tpu.memory_space<vmem>> -> memref<1x128x64xf32, #tpu.memory_space<vmem>>
    %dma_wait3A_147 = tpu.memref_squeeze %dma_wait3A_146 : memref<1x128x64xf32, #tpu.memory_space<vmem>> -> memref<128x64xf32, #tpu.memory_space<vmem>>
    %dma_wait3A_148 = arith.constant 0 : i32
    %dma_wait3A_149 = tpu.memref_slice %arg6[%dma_wait3A_142, %dma_wait3A_148] : memref<160x128xi32, #tpu.memory_space<vmem>> -> memref<1x128xi32, #tpu.memory_space<vmem>>
    %dma_wait3A_150 = tpu.memref_squeeze %dma_wait3A_149 : memref<1x128xi32, #tpu.memory_space<vmem>> -> memref<128xi32, #tpu.memory_space<vmem>>
    %dma_wait3A_151 = arith.constant 0 : i32
    %dma_wait3A_152 = arith.constant 0 : i32
    %dma_wait3A_153 = tpu.memref_slice %arg2[%dma_wait3A_151, %dma_wait3A_152] : memref<20000x64xf32, #tpu.memory_space<hbm>> -> memref<20000x64xf32, #tpu.memory_space<hbm>>
    tpu.wait_indirect_dma semaphore(%arg13 : memref<!tpu.dma_semaphore, #tpu.memory_space<semaphore_mem>>) src(%dma_wait3A_153 : memref<20000x64xf32, #tpu.memory_space<hbm>>) dst(%dma_wait3A_147 : memref<128x64xf32, #tpu.memory_space<vmem>>)
    %dma_start3A_154 = arith.constant 2 : i32
    %dma_start3A_155 = arith.constant 2 : i32
    %dma_start3A_156 = arith.constant 0 : i32
    %dma_start3A_157 = arith.constant 0 : i32
    %dma_start3A_158 = tpu.memref_slice %arg8[%dma_start3A_154, %dma_start3A_156, %dma_start3A_157] : memref<4x128x64xf32, #tpu.memory_space<vmem>> -> memref<1x128x64xf32, #tpu.memory_space<vmem>>
    %dma_start3A_159 = tpu.memref_squeeze %dma_start3A_158 : memref<1x128x64xf32, #tpu.memory_space<vmem>> -> memref<128x64xf32, #tpu.memory_space<vmem>>
    %dma_start3A_160 = arith.constant 0 : i32
    %dma_start3A_161 = tpu.memref_slice %arg7[%dma_start3A_155, %dma_start3A_160] : memref<160x128xi32, #tpu.memory_space<vmem>> -> memref<1x128xi32, #tpu.memory_space<vmem>>
    %dma_start3A_162 = tpu.memref_squeeze %dma_start3A_161 : memref<1x128xi32, #tpu.memory_space<vmem>> -> memref<128xi32, #tpu.memory_space<vmem>>
    %dma_start3A_163 = arith.constant 0 : i32
    %dma_start3A_164 = arith.constant 0 : i32
    %dma_start3A_165 = tpu.memref_slice %arg10[%dma_start3A_163, %dma_start3A_164] : memref<10240x64xf32, #tpu.memory_space<vmem_shared>> -> memref<10240x64xf32, #tpu.memory_space<vmem_shared>>
    tpu.enqueue_indirect_dma source(%dma_start3A_159 : memref<128x64xf32, #tpu.memory_space<vmem>>) target(%dma_start3A_165 : memref<10240x64xf32, #tpu.memory_space<vmem_shared>>) offsets(%dma_start3A_162 : memref<128xi32, #tpu.memory_space<vmem>>) semaphore(%arg17 : memref<!tpu.dma_semaphore, #tpu.memory_space<semaphore_mem>>) {add = true}
    %dma_wait3A_166 = arith.constant 0 : i32
    %dma_wait3A_167 = arith.constant 0 : i32
    %dma_wait3A_168 = arith.constant 0 : i32
    %dma_wait3A_169 = arith.constant 0 : i32
    %dma_wait3A_170 = tpu.memref_slice %arg8[%dma_wait3A_166, %dma_wait3A_168, %dma_wait3A_169] : memref<4x128x64xf32, #tpu.memory_space<vmem>> -> memref<1x128x64xf32, #tpu.memory_space<vmem>>
    %dma_wait3A_171 = tpu.memref_squeeze %dma_wait3A_170 : memref<1x128x64xf32, #tpu.memory_space<vmem>> -> memref<128x64xf32, #tpu.memory_space<vmem>>
    %dma_wait3A_172 = arith.constant 0 : i32
    %dma_wait3A_173 = tpu.memref_slice %arg7[%dma_wait3A_167, %dma_wait3A_172] : memref<160x128xi32, #tpu.memory_space<vmem>> -> memref<1x128xi32, #tpu.memory_space<vmem>>
    %dma_wait3A_174 = tpu.memref_squeeze %dma_wait3A_173 : memref<1x128xi32, #tpu.memory_space<vmem>> -> memref<128xi32, #tpu.memory_space<vmem>>
    %dma_wait3A_175 = arith.constant 0 : i32
    %dma_wait3A_176 = arith.constant 0 : i32
    %dma_wait3A_177 = tpu.memref_slice %arg10[%dma_wait3A_175, %dma_wait3A_176] : memref<10240x64xf32, #tpu.memory_space<vmem_shared>> -> memref<10240x64xf32, #tpu.memory_space<vmem_shared>>
    tpu.wait_indirect_dma semaphore(%arg15 : memref<!tpu.dma_semaphore, #tpu.memory_space<semaphore_mem>>) src(%dma_wait3A_171 : memref<128x64xf32, #tpu.memory_space<vmem>>) dst(%dma_wait3A_177 : memref<10240x64xf32, #tpu.memory_space<vmem_shared>>)
    %dma_start3A_178 = arith.constant 4 : i32
    %dma_start3A_179 = arith.constant 0 : i32
    %dma_start3A_180 = arith.constant 0 : i32
    %dma_start3A_181 = arith.constant 0 : i32
    %dma_start3A_182 = tpu.memref_slice %arg8[%dma_start3A_179, %dma_start3A_180, %dma_start3A_181] : memref<4x128x64xf32, #tpu.memory_space<vmem>> -> memref<1x128x64xf32, #tpu.memory_space<vmem>>
    %dma_start3A_183 = tpu.memref_squeeze %dma_start3A_182 : memref<1x128x64xf32, #tpu.memory_space<vmem>> -> memref<128x64xf32, #tpu.memory_space<vmem>>
    %dma_start3A_184 = arith.constant 0 : i32
    %dma_start3A_185 = tpu.memref_slice %arg6[%dma_start3A_178, %dma_start3A_184] : memref<160x128xi32, #tpu.memory_space<vmem>> -> memref<1x128xi32, #tpu.memory_space<vmem>>
    %dma_start3A_186 = tpu.memref_squeeze %dma_start3A_185 : memref<1x128xi32, #tpu.memory_space<vmem>> -> memref<128xi32, #tpu.memory_space<vmem>>
    %dma_start3A_187 = arith.constant 0 : i32
    %dma_start3A_188 = arith.constant 0 : i32
    %dma_start3A_189 = tpu.memref_slice %arg2[%dma_start3A_187, %dma_start3A_188] : memref<20000x64xf32, #tpu.memory_space<hbm>> -> memref<20000x64xf32, #tpu.memory_space<hbm>>
    tpu.enqueue_indirect_dma source(%dma_start3A_189 : memref<20000x64xf32, #tpu.memory_space<hbm>>) target(%dma_start3A_183 : memref<128x64xf32, #tpu.memory_space<vmem>>) offsets(%dma_start3A_186 : memref<128xi32, #tpu.memory_space<vmem>>) semaphore(%arg11 : memref<!tpu.dma_semaphore, #tpu.memory_space<semaphore_mem>>)
    %dma_wait3A_190 = arith.constant 0 : i32
    %dma_wait3A_191 = arith.constant 3 : i32
    %dma_wait3A_192 = arith.constant 0 : i32
    %dma_wait3A_193 = arith.constant 0 : i32
    %dma_wait3A_194 = tpu.memref_slice %arg8[%dma_wait3A_191, %dma_wait3A_192, %dma_wait3A_193] : memref<4x128x64xf32, #tpu.memory_space<vmem>> -> memref<1x128x64xf32, #tpu.memory_space<vmem>>
    %dma_wait3A_195 = tpu.memref_squeeze %dma_wait3A_194 : memref<1x128x64xf32, #tpu.memory_space<vmem>> -> memref<128x64xf32, #tpu.memory_space<vmem>>
    %dma_wait3A_196 = arith.constant 0 : i32
    %dma_wait3A_197 = tpu.memref_slice %arg6[%dma_wait3A_190, %dma_wait3A_196] : memref<160x128xi32, #tpu.memory_space<vmem>> -> memref<1x128xi32, #tpu.memory_space<vmem>>
    %dma_wait3A_198 = tpu.memref_squeeze %dma_wait3A_197 : memref<1x128xi32, #tpu.memory_space<vmem>> -> memref<128xi32, #tpu.memory_space<vmem>>
    %dma_wait3A_199 = arith.constant 0 : i32
    %dma_wait3A_200 = arith.constant 0 : i32
    %dma_wait3A_201 = tpu.memref_slice %arg2[%dma_wait3A_199, %dma_wait3A_200] : memref<20000x64xf32, #tpu.memory_space<hbm>> -> memref<20000x64xf32, #tpu.memory_space<hbm>>
    tpu.wait_indirect_dma semaphore(%arg14 : memref<!tpu.dma_semaphore, #tpu.memory_space<semaphore_mem>>) src(%dma_wait3A_201 : memref<20000x64xf32, #tpu.memory_space<hbm>>) dst(%dma_wait3A_195 : memref<128x64xf32, #tpu.memory_space<vmem>>)
    %dma_start3A_202 = arith.constant 3 : i32
    %dma_start3A_203 = arith.constant 3 : i32
    %dma_start3A_204 = arith.constant 0 : i32
    %dma_start3A_205 = arith.constant 0 : i32
    %dma_start3A_206 = tpu.memref_slice %arg8[%dma_start3A_202, %dma_start3A_204, %dma_start3A_205] : memref<4x128x64xf32, #tpu.memory_space<vmem>> -> memref<1x128x64xf32, #tpu.memory_space<vmem>>
    %dma_start3A_207 = tpu.memref_squeeze %dma_start3A_206 : memref<1x128x64xf32, #tpu.memory_space<vmem>> -> memref<128x64xf32, #tpu.memory_space<vmem>>
    %dma_start3A_208 = arith.constant 0 : i32
    %dma_start3A_209 = tpu.memref_slice %arg7[%dma_start3A_203, %dma_start3A_208] : memref<160x128xi32, #tpu.memory_space<vmem>> -> memref<1x128xi32, #tpu.memory_space<vmem>>
    %dma_start3A_210 = tpu.memref_squeeze %dma_start3A_209 : memref<1x128xi32, #tpu.memory_space<vmem>> -> memref<128xi32, #tpu.memory_space<vmem>>
    %dma_start3A_211 = arith.constant 0 : i32
    %dma_start3A_212 = arith.constant 0 : i32
    %dma_start3A_213 = tpu.memref_slice %arg10[%dma_start3A_211, %dma_start3A_212] : memref<10240x64xf32, #tpu.memory_space<vmem_shared>> -> memref<10240x64xf32, #tpu.memory_space<vmem_shared>>
    tpu.enqueue_indirect_dma source(%dma_start3A_207 : memref<128x64xf32, #tpu.memory_space<vmem>>) target(%dma_start3A_213 : memref<10240x64xf32, #tpu.memory_space<vmem_shared>>) offsets(%dma_start3A_210 : memref<128xi32, #tpu.memory_space<vmem>>) semaphore(%arg18 : memref<!tpu.dma_semaphore, #tpu.memory_space<semaphore_mem>>) {add = true}
    %dma_wait3A_214 = arith.constant 1 : i32
    %dma_wait3A_215 = arith.constant 0 : i32
    %dma_wait3A_216 = arith.constant 0 : i32
    %dma_wait3A_217 = arith.constant 0 : i32
    %dma_wait3A_218 = tpu.memref_slice %arg8[%dma_wait3A_214, %dma_wait3A_216, %dma_wait3A_217] : memref<4x128x64xf32, #tpu.memory_space<vmem>> -> memref<1x128x64xf32, #tpu.memory_space<vmem>>
    %dma_wait3A_219 = tpu.memref_squeeze %dma_wait3A_218 : memref<1x128x64xf32, #tpu.memory_space<vmem>> -> memref<128x64xf32, #tpu.memory_space<vmem>>
    %dma_wait3A_220 = arith.constant 0 : i32
    %dma_wait3A_221 = tpu.memref_slice %arg7[%dma_wait3A_215, %dma_wait3A_220] : memref<160x128xi32, #tpu.memory_space<vmem>> -> memref<1x128xi32, #tpu.memory_space<vmem>>
    %dma_wait3A_222 = tpu.memref_squeeze %dma_wait3A_221 : memref<1x128xi32, #tpu.memory_space<vmem>> -> memref<128xi32, #tpu.memory_space<vmem>>
    %dma_wait3A_223 = arith.constant 0 : i32
    %dma_wait3A_224 = arith.constant 0 : i32
    %dma_wait3A_225 = tpu.memref_slice %arg10[%dma_wait3A_223, %dma_wait3A_224] : memref<10240x64xf32, #tpu.memory_space<vmem_shared>> -> memref<10240x64xf32, #tpu.memory_space<vmem_shared>>
    tpu.wait_indirect_dma semaphore(%arg16 : memref<!tpu.dma_semaphore, #tpu.memory_space<semaphore_mem>>) src(%dma_wait3A_219 : memref<128x64xf32, #tpu.memory_space<vmem>>) dst(%dma_wait3A_225 : memref<10240x64xf32, #tpu.memory_space<vmem_shared>>)
    %dma_start3A_226 = arith.constant 5 : i32
    %dma_start3A_227 = arith.constant 1 : i32
    %dma_start3A_228 = arith.constant 0 : i32
    %dma_start3A_229 = arith.constant 0 : i32
    %dma_start3A_230 = tpu.memref_slice %arg8[%dma_start3A_227, %dma_start3A_228, %dma_start3A_229] : memref<4x128x64xf32, #tpu.memory_space<vmem>> -> memref<1x128x64xf32, #tpu.memory_space<vmem>>
    %dma_start3A_231 = tpu.memref_squeeze %dma_start3A_230 : memref<1x128x64xf32, #tpu.memory_space<vmem>> -> memref<128x64xf32, #tpu.memory_space<vmem>>
    %dma_start3A_232 = arith.constant 0 : i32
    %dma_start3A_233 = tpu.memref_slice %arg6[%dma_start3A_226, %dma_start3A_232] : memref<160x128xi32, #tpu.memory_space<vmem>> -> memref<1x128xi32, #tpu.memory_space<vmem>>
    %dma_start3A_234 = tpu.memref_squeeze %dma_start3A_233 : memref<1x128xi32, #tpu.memory_space<vmem>> -> memref<128xi32, #tpu.memory_space<vmem>>
    %dma_start3A_235 = arith.constant 0 : i32
    %dma_start3A_236 = arith.constant 0 : i32
    %dma_start3A_237 = tpu.memref_slice %arg2[%dma_start3A_235, %dma_start3A_236] : memref<20000x64xf32, #tpu.memory_space<hbm>> -> memref<20000x64xf32, #tpu.memory_space<hbm>>
    tpu.enqueue_indirect_dma source(%dma_start3A_237 : memref<20000x64xf32, #tpu.memory_space<hbm>>) target(%dma_start3A_231 : memref<128x64xf32, #tpu.memory_space<vmem>>) offsets(%dma_start3A_234 : memref<128xi32, #tpu.memory_space<vmem>>) semaphore(%arg12 : memref<!tpu.dma_semaphore, #tpu.memory_space<semaphore_mem>>)
    %scan3A_238 = arith.constant 0 : i32
    %scan3A_239 = arith.constant 1 : i32
    %scan3A_240 = arith.constant 39 : i32
    %scan3A_241 = arith.addi %scan3A_239, %scan3A_240 : i32
    %scan3A_242 = arith.constant 1 : i32
    %scan3A_243 = scf.for %scan3A_301 = %scan3A_239 to %scan3A_241 step %scan3A_242 iter_args(%scan3A_302 = %scan3A_238) -> (i32)  : i32 {
      %mul3A_303 = arith.constant 4 : i32
      %mul3A_304 = arith.muli %mul3A_303, %scan3A_301 : i32
      %add3A_305 = arith.constant 0 : i32
      %add3A_306 = arith.addi %mul3A_304, %add3A_305 : i32
      %dma_wait3A_307 = arith.constant 0 : i32
      %dma_wait3A_308 = arith.constant 0 : i32
      %dma_wait3A_309 = arith.constant 0 : i32
      %dma_wait3A_310 = arith.constant 0 : i32
      %dma_wait3A_311 = tpu.memref_slice %arg8[%dma_wait3A_308, %dma_wait3A_309, %dma_wait3A_310] : memref<4x128x64xf32, #tpu.memory_space<vmem>> -> memref<1x128x64xf32, #tpu.memory_space<vmem>>
      %dma_wait3A_312 = tpu.memref_squeeze %dma_wait3A_311 : memref<1x128x64xf32, #tpu.memory_space<vmem>> -> memref<128x64xf32, #tpu.memory_space<vmem>>
      %dma_wait3A_313 = arith.constant 0 : i32
      %dma_wait3A_314 = tpu.memref_slice %arg6[%dma_wait3A_307, %dma_wait3A_313] : memref<160x128xi32, #tpu.memory_space<vmem>> -> memref<1x128xi32, #tpu.memory_space<vmem>>
      %dma_wait3A_315 = tpu.memref_squeeze %dma_wait3A_314 : memref<1x128xi32, #tpu.memory_space<vmem>> -> memref<128xi32, #tpu.memory_space<vmem>>
      %dma_wait3A_316 = arith.constant 0 : i32
      %dma_wait3A_317 = arith.constant 0 : i32
      %dma_wait3A_318 = tpu.memref_slice %arg2[%dma_wait3A_316, %dma_wait3A_317] : memref<20000x64xf32, #tpu.memory_space<hbm>> -> memref<20000x64xf32, #tpu.memory_space<hbm>>
      tpu.wait_indirect_dma semaphore(%arg11 : memref<!tpu.dma_semaphore, #tpu.memory_space<semaphore_mem>>) src(%dma_wait3A_318 : memref<20000x64xf32, #tpu.memory_space<hbm>>) dst(%dma_wait3A_312 : memref<128x64xf32, #tpu.memory_space<vmem>>)
      %dma_start3A_319 = arith.constant 0 : i32
      %dma_start3A_320 = arith.constant 0 : i32
      %dma_start3A_321 = arith.constant 0 : i32
      %dma_start3A_322 = tpu.memref_slice %arg8[%dma_start3A_319, %dma_start3A_320, %dma_start3A_321] : memref<4x128x64xf32, #tpu.memory_space<vmem>> -> memref<1x128x64xf32, #tpu.memory_space<vmem>>
      %dma_start3A_323 = tpu.memref_squeeze %dma_start3A_322 : memref<1x128x64xf32, #tpu.memory_space<vmem>> -> memref<128x64xf32, #tpu.memory_space<vmem>>
      %dma_start3A_324 = arith.constant 0 : i32
      %dma_start3A_325 = tpu.memref_slice %arg7[%add3A_306, %dma_start3A_324] : memref<160x128xi32, #tpu.memory_space<vmem>> -> memref<1x128xi32, #tpu.memory_space<vmem>>
      %dma_start3A_326 = tpu.memref_squeeze %dma_start3A_325 : memref<1x128xi32, #tpu.memory_space<vmem>> -> memref<128xi32, #tpu.memory_space<vmem>>
      %dma_start3A_327 = arith.constant 0 : i32
      %dma_start3A_328 = arith.constant 0 : i32
      %dma_start3A_329 = tpu.memref_slice %arg10[%dma_start3A_327, %dma_start3A_328] : memref<10240x64xf32, #tpu.memory_space<vmem_shared>> -> memref<10240x64xf32, #tpu.memory_space<vmem_shared>>
      tpu.enqueue_indirect_dma source(%dma_start3A_323 : memref<128x64xf32, #tpu.memory_space<vmem>>) target(%dma_start3A_329 : memref<10240x64xf32, #tpu.memory_space<vmem_shared>>) offsets(%dma_start3A_326 : memref<128xi32, #tpu.memory_space<vmem>>) semaphore(%arg15 : memref<!tpu.dma_semaphore, #tpu.memory_space<semaphore_mem>>) {add = true}
      %dma_wait3A_330 = arith.constant 2 : i32
      %dma_wait3A_331 = arith.constant 0 : i32
      %dma_wait3A_332 = arith.constant 0 : i32
      %dma_wait3A_333 = arith.constant 0 : i32
      %dma_wait3A_334 = tpu.memref_slice %arg8[%dma_wait3A_330, %dma_wait3A_332, %dma_wait3A_333] : memref<4x128x64xf32, #tpu.memory_space<vmem>> -> memref<1x128x64xf32, #tpu.memory_space<vmem>>
      %dma_wait3A_335 = tpu.memref_squeeze %dma_wait3A_334 : memref<1x128x64xf32, #tpu.memory_space<vmem>> -> memref<128x64xf32, #tpu.memory_space<vmem>>
      %dma_wait3A_336 = arith.constant 0 : i32
      %dma_wait3A_337 = tpu.memref_slice %arg7[%dma_wait3A_331, %dma_wait3A_336] : memref<160x128xi32, #tpu.memory_space<vmem>> -> memref<1x128xi32, #tpu.memory_space<vmem>>
      %dma_wait3A_338 = tpu.memref_squeeze %dma_wait3A_337 : memref<1x128xi32, #tpu.memory_space<vmem>> -> memref<128xi32, #tpu.memory_space<vmem>>
      %dma_wait3A_339 = arith.constant 0 : i32
      %dma_wait3A_340 = arith.constant 0 : i32
      %dma_wait3A_341 = tpu.memref_slice %arg10[%dma_wait3A_339, %dma_wait3A_340] : memref<10240x64xf32, #tpu.memory_space<vmem_shared>> -> memref<10240x64xf32, #tpu.memory_space<vmem_shared>>
      tpu.wait_indirect_dma semaphore(%arg17 : memref<!tpu.dma_semaphore, #tpu.memory_space<semaphore_mem>>) src(%dma_wait3A_335 : memref<128x64xf32, #tpu.memory_space<vmem>>) dst(%dma_wait3A_341 : memref<10240x64xf32, #tpu.memory_space<vmem_shared>>)
      %add3A_342 = arith.constant 2 : i32
      %add3A_343 = arith.addi %add3A_306, %add3A_342 : i32
      %min3A = arith.constant 159 : i32
      %min3A_344 = arith.minsi %add3A_343, %min3A : i32
      %dma_start3A_345 = arith.constant 2 : i32
      %dma_start3A_346 = arith.constant 0 : i32
      %dma_start3A_347 = arith.constant 0 : i32
      %dma_start3A_348 = tpu.memref_slice %arg8[%dma_start3A_345, %dma_start3A_346, %dma_start3A_347] : memref<4x128x64xf32, #tpu.memory_space<vmem>> -> memref<1x128x64xf32, #tpu.memory_space<vmem>>
      %dma_start3A_349 = tpu.memref_squeeze %dma_start3A_348 : memref<1x128x64xf32, #tpu.memory_space<vmem>> -> memref<128x64xf32, #tpu.memory_space<vmem>>
      %dma_start3A_350 = arith.constant 0 : i32
      %dma_start3A_351 = tpu.memref_slice %arg6[%min3A_344, %dma_start3A_350] : memref<160x128xi32, #tpu.memory_space<vmem>> -> memref<1x128xi32, #tpu.memory_space<vmem>>
      %dma_start3A_352 = tpu.memref_squeeze %dma_start3A_351 : memref<1x128xi32, #tpu.memory_space<vmem>> -> memref<128xi32, #tpu.memory_space<vmem>>
      %dma_start3A_353 = arith.constant 0 : i32
      %dma_start3A_354 = arith.constant 0 : i32
      %dma_start3A_355 = tpu.memref_slice %arg2[%dma_start3A_353, %dma_start3A_354] : memref<20000x64xf32, #tpu.memory_space<hbm>> -> memref<20000x64xf32, #tpu.memory_space<hbm>>
      tpu.enqueue_indirect_dma source(%dma_start3A_355 : memref<20000x64xf32, #tpu.memory_space<hbm>>) target(%dma_start3A_349 : memref<128x64xf32, #tpu.memory_space<vmem>>) offsets(%dma_start3A_352 : memref<128xi32, #tpu.memory_space<vmem>>) semaphore(%arg13 : memref<!tpu.dma_semaphore, #tpu.memory_space<semaphore_mem>>)
      %mul3A_356 = arith.constant 4 : i32
      %mul3A_357 = arith.muli %mul3A_356, %scan3A_301 : i32
      %add3A_358 = arith.constant 1 : i32
      %add3A_359 = arith.addi %mul3A_357, %add3A_358 : i32
      %dma_wait3A_360 = arith.constant 0 : i32
      %dma_wait3A_361 = arith.constant 1 : i32
      %dma_wait3A_362 = arith.constant 0 : i32
      %dma_wait3A_363 = arith.constant 0 : i32
      %dma_wait3A_364 = tpu.memref_slice %arg8[%dma_wait3A_361, %dma_wait3A_362, %dma_wait3A_363] : memref<4x128x64xf32, #tpu.memory_space<vmem>> -> memref<1x128x64xf32, #tpu.memory_space<vmem>>
      %dma_wait3A_365 = tpu.memref_squeeze %dma_wait3A_364 : memref<1x128x64xf32, #tpu.memory_space<vmem>> -> memref<128x64xf32, #tpu.memory_space<vmem>>
      %dma_wait3A_366 = arith.constant 0 : i32
      %dma_wait3A_367 = tpu.memref_slice %arg6[%dma_wait3A_360, %dma_wait3A_366] : memref<160x128xi32, #tpu.memory_space<vmem>> -> memref<1x128xi32, #tpu.memory_space<vmem>>
      %dma_wait3A_368 = tpu.memref_squeeze %dma_wait3A_367 : memref<1x128xi32, #tpu.memory_space<vmem>> -> memref<128xi32, #tpu.memory_space<vmem>>
      %dma_wait3A_369 = arith.constant 0 : i32
      %dma_wait3A_370 = arith.constant 0 : i32
      %dma_wait3A_371 = tpu.memref_slice %arg2[%dma_wait3A_369, %dma_wait3A_370] : memref<20000x64xf32, #tpu.memory_space<hbm>> -> memref<20000x64xf32, #tpu.memory_space<hbm>>
      tpu.wait_indirect_dma semaphore(%arg12 : memref<!tpu.dma_semaphore, #tpu.memory_space<semaphore_mem>>) src(%dma_wait3A_371 : memref<20000x64xf32, #tpu.memory_space<hbm>>) dst(%dma_wait3A_365 : memref<128x64xf32, #tpu.memory_space<vmem>>)
      %dma_start3A_372 = arith.constant 1 : i32
      %dma_start3A_373 = arith.constant 0 : i32
      %dma_start3A_374 = arith.constant 0 : i32
      %dma_start3A_375 = tpu.memref_slice %arg8[%dma_start3A_372, %dma_start3A_373, %dma_start3A_374] : memref<4x128x64xf32, #tpu.memory_space<vmem>> -> memref<1x128x64xf32, #tpu.memory_space<vmem>>
      %dma_start3A_376 = tpu.memref_squeeze %dma_start3A_375 : memref<1x128x64xf32, #tpu.memory_space<vmem>> -> memref<128x64xf32, #tpu.memory_space<vmem>>
      %dma_start3A_377 = arith.constant 0 : i32
      %dma_start3A_378 = tpu.memref_slice %arg7[%add3A_359, %dma_start3A_377] : memref<160x128xi32, #tpu.memory_space<vmem>> -> memref<1x128xi32, #tpu.memory_space<vmem>>
      %dma_start3A_379 = tpu.memref_squeeze %dma_start3A_378 : memref<1x128xi32, #tpu.memory_space<vmem>> -> memref<128xi32, #tpu.memory_space<vmem>>
      %dma_start3A_380 = arith.constant 0 : i32
      %dma_start3A_381 = arith.constant 0 : i32
      %dma_start3A_382 = tpu.memref_slice %arg10[%dma_start3A_380, %dma_start3A_381] : memref<10240x64xf32, #tpu.memory_space<vmem_shared>> -> memref<10240x64xf32, #tpu.memory_space<vmem_shared>>
      tpu.enqueue_indirect_dma source(%dma_start3A_376 : memref<128x64xf32, #tpu.memory_space<vmem>>) target(%dma_start3A_382 : memref<10240x64xf32, #tpu.memory_space<vmem_shared>>) offsets(%dma_start3A_379 : memref<128xi32, #tpu.memory_space<vmem>>) semaphore(%arg16 : memref<!tpu.dma_semaphore, #tpu.memory_space<semaphore_mem>>) {add = true}
      %dma_wait3A_383 = arith.constant 3 : i32
      %dma_wait3A_384 = arith.constant 0 : i32
      %dma_wait3A_385 = arith.constant 0 : i32
      %dma_wait3A_386 = arith.constant 0 : i32
      %dma_wait3A_387 = tpu.memref_slice %arg8[%dma_wait3A_383, %dma_wait3A_385, %dma_wait3A_386] : memref<4x128x64xf32, #tpu.memory_space<vmem>> -> memref<1x128x64xf32, #tpu.memory_space<vmem>>
      %dma_wait3A_388 = tpu.memref_squeeze %dma_wait3A_387 : memref<1x128x64xf32, #tpu.memory_space<vmem>> -> memref<128x64xf32, #tpu.memory_space<vmem>>
      %dma_wait3A_389 = arith.constant 0 : i32
      %dma_wait3A_390 = tpu.memref_slice %arg7[%dma_wait3A_384, %dma_wait3A_389] : memref<160x128xi32, #tpu.memory_space<vmem>> -> memref<1x128xi32, #tpu.memory_space<vmem>>
      %dma_wait3A_391 = tpu.memref_squeeze %dma_wait3A_390 : memref<1x128xi32, #tpu.memory_space<vmem>> -> memref<128xi32, #tpu.memory_space<vmem>>
      %dma_wait3A_392 = arith.constant 0 : i32
      %dma_wait3A_393 = arith.constant 0 : i32
      %dma_wait3A_394 = tpu.memref_slice %arg10[%dma_wait3A_392, %dma_wait3A_393] : memref<10240x64xf32, #tpu.memory_space<vmem_shared>> -> memref<10240x64xf32, #tpu.memory_space<vmem_shared>>
      tpu.wait_indirect_dma semaphore(%arg18 : memref<!tpu.dma_semaphore, #tpu.memory_space<semaphore_mem>>) src(%dma_wait3A_388 : memref<128x64xf32, #tpu.memory_space<vmem>>) dst(%dma_wait3A_394 : memref<10240x64xf32, #tpu.memory_space<vmem_shared>>)
      %add3A_395 = arith.constant 2 : i32
      %add3A_396 = arith.addi %add3A_359, %add3A_395 : i32
      %min3A_397 = arith.constant 159 : i32
      %min3A_398 = arith.minsi %add3A_396, %min3A_397 : i32
      %dma_start3A_399 = arith.constant 3 : i32
      %dma_start3A_400 = arith.constant 0 : i32
      %dma_start3A_401 = arith.constant 0 : i32
      %dma_start3A_402 = tpu.memref_slice %arg8[%dma_start3A_399, %dma_start3A_400, %dma_start3A_401] : memref<4x128x64xf32, #tpu.memory_space<vmem>> -> memref<1x128x64xf32, #tpu.memory_space<vmem>>
      %dma_start3A_403 = tpu.memref_squeeze %dma_start3A_402 : memref<1x128x64xf32, #tpu.memory_space<vmem>> -> memref<128x64xf32, #tpu.memory_space<vmem>>
      %dma_start3A_404 = arith.constant 0 : i32
      %dma_start3A_405 = tpu.memref_slice %arg6[%min3A_398, %dma_start3A_404] : memref<160x128xi32, #tpu.memory_space<vmem>> -> memref<1x128xi32, #tpu.memory_space<vmem>>
      %dma_start3A_406 = tpu.memref_squeeze %dma_start3A_405 : memref<1x128xi32, #tpu.memory_space<vmem>> -> memref<128xi32, #tpu.memory_space<vmem>>
      %dma_start3A_407 = arith.constant 0 : i32
      %dma_start3A_408 = arith.constant 0 : i32
      %dma_start3A_409 = tpu.memref_slice %arg2[%dma_start3A_407, %dma_start3A_408] : memref<20000x64xf32, #tpu.memory_space<hbm>> -> memref<20000x64xf32, #tpu.memory_space<hbm>>
      tpu.enqueue_indirect_dma source(%dma_start3A_409 : memref<20000x64xf32, #tpu.memory_space<hbm>>) target(%dma_start3A_403 : memref<128x64xf32, #tpu.memory_space<vmem>>) offsets(%dma_start3A_406 : memref<128xi32, #tpu.memory_space<vmem>>) semaphore(%arg14 : memref<!tpu.dma_semaphore, #tpu.memory_space<semaphore_mem>>)
      %mul3A_410 = arith.constant 4 : i32
      %mul3A_411 = arith.muli %mul3A_410, %scan3A_301 : i32
      %add3A_412 = arith.constant 2 : i32
      %add3A_413 = arith.addi %mul3A_411, %add3A_412 : i32
      %dma_wait3A_414 = arith.constant 0 : i32
      %dma_wait3A_415 = arith.constant 2 : i32
      %dma_wait3A_416 = arith.constant 0 : i32
      %dma_wait3A_417 = arith.constant 0 : i32
      %dma_wait3A_418 = tpu.memref_slice %arg8[%dma_wait3A_415, %dma_wait3A_416, %dma_wait3A_417] : memref<4x128x64xf32, #tpu.memory_space<vmem>> -> memref<1x128x64xf32, #tpu.memory_space<vmem>>
      %dma_wait3A_419 = tpu.memref_squeeze %dma_wait3A_418 : memref<1x128x64xf32, #tpu.memory_space<vmem>> -> memref<128x64xf32, #tpu.memory_space<vmem>>
      %dma_wait3A_420 = arith.constant 0 : i32
      %dma_wait3A_421 = tpu.memref_slice %arg6[%dma_wait3A_414, %dma_wait3A_420] : memref<160x128xi32, #tpu.memory_space<vmem>> -> memref<1x128xi32, #tpu.memory_space<vmem>>
      %dma_wait3A_422 = tpu.memref_squeeze %dma_wait3A_421 : memref<1x128xi32, #tpu.memory_space<vmem>> -> memref<128xi32, #tpu.memory_space<vmem>>
      %dma_wait3A_423 = arith.constant 0 : i32
      %dma_wait3A_424 = arith.constant 0 : i32
      %dma_wait3A_425 = tpu.memref_slice %arg2[%dma_wait3A_423, %dma_wait3A_424] : memref<20000x64xf32, #tpu.memory_space<hbm>> -> memref<20000x64xf32, #tpu.memory_space<hbm>>
      tpu.wait_indirect_dma semaphore(%arg13 : memref<!tpu.dma_semaphore, #tpu.memory_space<semaphore_mem>>) src(%dma_wait3A_425 : memref<20000x64xf32, #tpu.memory_space<hbm>>) dst(%dma_wait3A_419 : memref<128x64xf32, #tpu.memory_space<vmem>>)
      %dma_start3A_426 = arith.constant 2 : i32
      %dma_start3A_427 = arith.constant 0 : i32
      %dma_start3A_428 = arith.constant 0 : i32
      %dma_start3A_429 = tpu.memref_slice %arg8[%dma_start3A_426, %dma_start3A_427, %dma_start3A_428] : memref<4x128x64xf32, #tpu.memory_space<vmem>> -> memref<1x128x64xf32, #tpu.memory_space<vmem>>
      %dma_start3A_430 = tpu.memref_squeeze %dma_start3A_429 : memref<1x128x64xf32, #tpu.memory_space<vmem>> -> memref<128x64xf32, #tpu.memory_space<vmem>>
      %dma_start3A_431 = arith.constant 0 : i32
      %dma_start3A_432 = tpu.memref_slice %arg7[%add3A_413, %dma_start3A_431] : memref<160x128xi32, #tpu.memory_space<vmem>> -> memref<1x128xi32, #tpu.memory_space<vmem>>
      %dma_start3A_433 = tpu.memref_squeeze %dma_start3A_432 : memref<1x128xi32, #tpu.memory_space<vmem>> -> memref<128xi32, #tpu.memory_space<vmem>>
      %dma_start3A_434 = arith.constant 0 : i32
      %dma_start3A_435 = arith.constant 0 : i32
      %dma_start3A_436 = tpu.memref_slice %arg10[%dma_start3A_434, %dma_start3A_435] : memref<10240x64xf32, #tpu.memory_space<vmem_shared>> -> memref<10240x64xf32, #tpu.memory_space<vmem_shared>>
      tpu.enqueue_indirect_dma source(%dma_start3A_430 : memref<128x64xf32, #tpu.memory_space<vmem>>) target(%dma_start3A_436 : memref<10240x64xf32, #tpu.memory_space<vmem_shared>>) offsets(%dma_start3A_433 : memref<128xi32, #tpu.memory_space<vmem>>) semaphore(%arg17 : memref<!tpu.dma_semaphore, #tpu.memory_space<semaphore_mem>>) {add = true}
      %dma_wait3A_437 = arith.constant 0 : i32
      %dma_wait3A_438 = arith.constant 0 : i32
      %dma_wait3A_439 = arith.constant 0 : i32
      %dma_wait3A_440 = arith.constant 0 : i32
      %dma_wait3A_441 = tpu.memref_slice %arg8[%dma_wait3A_437, %dma_wait3A_439, %dma_wait3A_440] : memref<4x128x64xf32, #tpu.memory_space<vmem>> -> memref<1x128x64xf32, #tpu.memory_space<vmem>>
      %dma_wait3A_442 = tpu.memref_squeeze %dma_wait3A_441 : memref<1x128x64xf32, #tpu.memory_space<vmem>> -> memref<128x64xf32, #tpu.memory_space<vmem>>
      %dma_wait3A_443 = arith.constant 0 : i32
      %dma_wait3A_444 = tpu.memref_slice %arg7[%dma_wait3A_438, %dma_wait3A_443] : memref<160x128xi32, #tpu.memory_space<vmem>> -> memref<1x128xi32, #tpu.memory_space<vmem>>
      %dma_wait3A_445 = tpu.memref_squeeze %dma_wait3A_444 : memref<1x128xi32, #tpu.memory_space<vmem>> -> memref<128xi32, #tpu.memory_space<vmem>>
      %dma_wait3A_446 = arith.constant 0 : i32
      %dma_wait3A_447 = arith.constant 0 : i32
      %dma_wait3A_448 = tpu.memref_slice %arg10[%dma_wait3A_446, %dma_wait3A_447] : memref<10240x64xf32, #tpu.memory_space<vmem_shared>> -> memref<10240x64xf32, #tpu.memory_space<vmem_shared>>
      tpu.wait_indirect_dma semaphore(%arg15 : memref<!tpu.dma_semaphore, #tpu.memory_space<semaphore_mem>>) src(%dma_wait3A_442 : memref<128x64xf32, #tpu.memory_space<vmem>>) dst(%dma_wait3A_448 : memref<10240x64xf32, #tpu.memory_space<vmem_shared>>)
      %add3A_449 = arith.constant 2 : i32
      %add3A_450 = arith.addi %add3A_413, %add3A_449 : i32
      %min3A_451 = arith.constant 159 : i32
      %min3A_452 = arith.minsi %add3A_450, %min3A_451 : i32
      %dma_start3A_453 = arith.constant 0 : i32
      %dma_start3A_454 = arith.constant 0 : i32
      %dma_start3A_455 = arith.constant 0 : i32
      %dma_start3A_456 = tpu.memref_slice %arg8[%dma_start3A_453, %dma_start3A_454, %dma_start3A_455] : memref<4x128x64xf32, #tpu.memory_space<vmem>> -> memref<1x128x64xf32, #tpu.memory_space<vmem>>
      %dma_start3A_457 = tpu.memref_squeeze %dma_start3A_456 : memref<1x128x64xf32, #tpu.memory_space<vmem>> -> memref<128x64xf32, #tpu.memory_space<vmem>>
      %dma_start3A_458 = arith.constant 0 : i32
      %dma_start3A_459 = tpu.memref_slice %arg6[%min3A_452, %dma_start3A_458] : memref<160x128xi32, #tpu.memory_space<vmem>> -> memref<1x128xi32, #tpu.memory_space<vmem>>
      %dma_start3A_460 = tpu.memref_squeeze %dma_start3A_459 : memref<1x128xi32, #tpu.memory_space<vmem>> -> memref<128xi32, #tpu.memory_space<vmem>>
      %dma_start3A_461 = arith.constant 0 : i32
      %dma_start3A_462 = arith.constant 0 : i32
      %dma_start3A_463 = tpu.memref_slice %arg2[%dma_start3A_461, %dma_start3A_462] : memref<20000x64xf32, #tpu.memory_space<hbm>> -> memref<20000x64xf32, #tpu.memory_space<hbm>>
      tpu.enqueue_indirect_dma source(%dma_start3A_463 : memref<20000x64xf32, #tpu.memory_space<hbm>>) target(%dma_start3A_457 : memref<128x64xf32, #tpu.memory_space<vmem>>) offsets(%dma_start3A_460 : memref<128xi32, #tpu.memory_space<vmem>>) semaphore(%arg11 : memref<!tpu.dma_semaphore, #tpu.memory_space<semaphore_mem>>)
      %mul3A_464 = arith.constant 4 : i32
      %mul3A_465 = arith.muli %mul3A_464, %scan3A_301 : i32
      %add3A_466 = arith.constant 3 : i32
      %add3A_467 = arith.addi %mul3A_465, %add3A_466 : i32
      %dma_wait3A_468 = arith.constant 0 : i32
      %dma_wait3A_469 = arith.constant 3 : i32
      %dma_wait3A_470 = arith.constant 0 : i32
      %dma_wait3A_471 = arith.constant 0 : i32
      %dma_wait3A_472 = tpu.memref_slice %arg8[%dma_wait3A_469, %dma_wait3A_470, %dma_wait3A_471] : memref<4x128x64xf32, #tpu.memory_space<vmem>> -> memref<1x128x64xf32, #tpu.memory_space<vmem>>
      %dma_wait3A_473 = tpu.memref_squeeze %dma_wait3A_472 : memref<1x128x64xf32, #tpu.memory_space<vmem>> -> memref<128x64xf32, #tpu.memory_space<vmem>>
      %dma_wait3A_474 = arith.constant 0 : i32
      %dma_wait3A_475 = tpu.memref_slice %arg6[%dma_wait3A_468, %dma_wait3A_474] : memref<160x128xi32, #tpu.memory_space<vmem>> -> memref<1x128xi32, #tpu.memory_space<vmem>>
      %dma_wait3A_476 = tpu.memref_squeeze %dma_wait3A_475 : memref<1x128xi32, #tpu.memory_space<vmem>> -> memref<128xi32, #tpu.memory_space<vmem>>
      %dma_wait3A_477 = arith.constant 0 : i32
      %dma_wait3A_478 = arith.constant 0 : i32
      %dma_wait3A_479 = tpu.memref_slice %arg2[%dma_wait3A_477, %dma_wait3A_478] : memref<20000x64xf32, #tpu.memory_space<hbm>> -> memref<20000x64xf32, #tpu.memory_space<hbm>>
      tpu.wait_indirect_dma semaphore(%arg14 : memref<!tpu.dma_semaphore, #tpu.memory_space<semaphore_mem>>) src(%dma_wait3A_479 : memref<20000x64xf32, #tpu.memory_space<hbm>>) dst(%dma_wait3A_473 : memref<128x64xf32, #tpu.memory_space<vmem>>)
      %dma_start3A_480 = arith.constant 3 : i32
      %dma_start3A_481 = arith.constant 0 : i32
      %dma_start3A_482 = arith.constant 0 : i32
      %dma_start3A_483 = tpu.memref_slice %arg8[%dma_start3A_480, %dma_start3A_481, %dma_start3A_482] : memref<4x128x64xf32, #tpu.memory_space<vmem>> -> memref<1x128x64xf32, #tpu.memory_space<vmem>>
      %dma_start3A_484 = tpu.memref_squeeze %dma_start3A_483 : memref<1x128x64xf32, #tpu.memory_space<vmem>> -> memref<128x64xf32, #tpu.memory_space<vmem>>
      %dma_start3A_485 = arith.constant 0 : i32
      %dma_start3A_486 = tpu.memref_slice %arg7[%add3A_467, %dma_start3A_485] : memref<160x128xi32, #tpu.memory_space<vmem>> -> memref<1x128xi32, #tpu.memory_space<vmem>>
      %dma_start3A_487 = tpu.memref_squeeze %dma_start3A_486 : memref<1x128xi32, #tpu.memory_space<vmem>> -> memref<128xi32, #tpu.memory_space<vmem>>
      %dma_start3A_488 = arith.constant 0 : i32
      %dma_start3A_489 = arith.constant 0 : i32
      %dma_start3A_490 = tpu.memref_slice %arg10[%dma_start3A_488, %dma_start3A_489] : memref<10240x64xf32, #tpu.memory_space<vmem_shared>> -> memref<10240x64xf32, #tpu.memory_space<vmem_shared>>
      tpu.enqueue_indirect_dma source(%dma_start3A_484 : memref<128x64xf32, #tpu.memory_space<vmem>>) target(%dma_start3A_490 : memref<10240x64xf32, #tpu.memory_space<vmem_shared>>) offsets(%dma_start3A_487 : memref<128xi32, #tpu.memory_space<vmem>>) semaphore(%arg18 : memref<!tpu.dma_semaphore, #tpu.memory_space<semaphore_mem>>) {add = true}
      %dma_wait3A_491 = arith.constant 1 : i32
      %dma_wait3A_492 = arith.constant 0 : i32
      %dma_wait3A_493 = arith.constant 0 : i32
      %dma_wait3A_494 = arith.constant 0 : i32
      %dma_wait3A_495 = tpu.memref_slice %arg8[%dma_wait3A_491, %dma_wait3A_493, %dma_wait3A_494] : memref<4x128x64xf32, #tpu.memory_space<vmem>> -> memref<1x128x64xf32, #tpu.memory_space<vmem>>
      %dma_wait3A_496 = tpu.memref_squeeze %dma_wait3A_495 : memref<1x128x64xf32, #tpu.memory_space<vmem>> -> memref<128x64xf32, #tpu.memory_space<vmem>>
      %dma_wait3A_497 = arith.constant 0 : i32
      %dma_wait3A_498 = tpu.memref_slice %arg7[%dma_wait3A_492, %dma_wait3A_497] : memref<160x128xi32, #tpu.memory_space<vmem>> -> memref<1x128xi32, #tpu.memory_space<vmem>>
      %dma_wait3A_499 = tpu.memref_squeeze %dma_wait3A_498 : memref<1x128xi32, #tpu.memory_space<vmem>> -> memref<128xi32, #tpu.memory_space<vmem>>
      %dma_wait3A_500 = arith.constant 0 : i32
      %dma_wait3A_501 = arith.constant 0 : i32
      %dma_wait3A_502 = tpu.memref_slice %arg10[%dma_wait3A_500, %dma_wait3A_501] : memref<10240x64xf32, #tpu.memory_space<vmem_shared>> -> memref<10240x64xf32, #tpu.memory_space<vmem_shared>>
      tpu.wait_indirect_dma semaphore(%arg16 : memref<!tpu.dma_semaphore, #tpu.memory_space<semaphore_mem>>) src(%dma_wait3A_496 : memref<128x64xf32, #tpu.memory_space<vmem>>) dst(%dma_wait3A_502 : memref<10240x64xf32, #tpu.memory_space<vmem_shared>>)
      %add3A_503 = arith.constant 2 : i32
      %add3A_504 = arith.addi %add3A_467, %add3A_503 : i32
      %min3A_505 = arith.constant 159 : i32
      %min3A_506 = arith.minsi %add3A_504, %min3A_505 : i32
      %dma_start3A_507 = arith.constant 1 : i32
      %dma_start3A_508 = arith.constant 0 : i32
      %dma_start3A_509 = arith.constant 0 : i32
      %dma_start3A_510 = tpu.memref_slice %arg8[%dma_start3A_507, %dma_start3A_508, %dma_start3A_509] : memref<4x128x64xf32, #tpu.memory_space<vmem>> -> memref<1x128x64xf32, #tpu.memory_space<vmem>>
      %dma_start3A_511 = tpu.memref_squeeze %dma_start3A_510 : memref<1x128x64xf32, #tpu.memory_space<vmem>> -> memref<128x64xf32, #tpu.memory_space<vmem>>
      %dma_start3A_512 = arith.constant 0 : i32
      %dma_start3A_513 = tpu.memref_slice %arg6[%min3A_506, %dma_start3A_512] : memref<160x128xi32, #tpu.memory_space<vmem>> -> memref<1x128xi32, #tpu.memory_space<vmem>>
      %dma_start3A_514 = tpu.memref_squeeze %dma_start3A_513 : memref<1x128xi32, #tpu.memory_space<vmem>> -> memref<128xi32, #tpu.memory_space<vmem>>
      %dma_start3A_515 = arith.constant 0 : i32
      %dma_start3A_516 = arith.constant 0 : i32
      %dma_start3A_517 = tpu.memref_slice %arg2[%dma_start3A_515, %dma_start3A_516] : memref<20000x64xf32, #tpu.memory_space<hbm>> -> memref<20000x64xf32, #tpu.memory_space<hbm>>
      tpu.enqueue_indirect_dma source(%dma_start3A_517 : memref<20000x64xf32, #tpu.memory_space<hbm>>) target(%dma_start3A_511 : memref<128x64xf32, #tpu.memory_space<vmem>>) offsets(%dma_start3A_514 : memref<128xi32, #tpu.memory_space<vmem>>) semaphore(%arg12 : memref<!tpu.dma_semaphore, #tpu.memory_space<semaphore_mem>>)
      %scan3A_518 = arith.constant 0 : i32
      scf.yield %scan3A_518 : i32
    }
    %scan3A_244 = arith.constant 39 : i32
    %dma_wait3A_245 = arith.constant 0 : i32
    %dma_wait3A_246 = arith.constant 0 : i32
    %dma_wait3A_247 = arith.constant 0 : i32
    %dma_wait3A_248 = arith.constant 0 : i32
    %dma_wait3A_249 = tpu.memref_slice %arg8[%dma_wait3A_246, %dma_wait3A_247, %dma_wait3A_248] : memref<4x128x64xf32, #tpu.memory_space<vmem>> -> memref<1x128x64xf32, #tpu.memory_space<vmem>>
    %dma_wait3A_250 = tpu.memref_squeeze %dma_wait3A_249 : memref<1x128x64xf32, #tpu.memory_space<vmem>> -> memref<128x64xf32, #tpu.memory_space<vmem>>
    %dma_wait3A_251 = arith.constant 0 : i32
    %dma_wait3A_252 = tpu.memref_slice %arg6[%dma_wait3A_245, %dma_wait3A_251] : memref<160x128xi32, #tpu.memory_space<vmem>> -> memref<1x128xi32, #tpu.memory_space<vmem>>
    %dma_wait3A_253 = tpu.memref_squeeze %dma_wait3A_252 : memref<1x128xi32, #tpu.memory_space<vmem>> -> memref<128xi32, #tpu.memory_space<vmem>>
    %dma_wait3A_254 = arith.constant 0 : i32
    %dma_wait3A_255 = arith.constant 0 : i32
    %dma_wait3A_256 = tpu.memref_slice %arg2[%dma_wait3A_254, %dma_wait3A_255] : memref<20000x64xf32, #tpu.memory_space<hbm>> -> memref<20000x64xf32, #tpu.memory_space<hbm>>
    tpu.wait_indirect_dma semaphore(%arg11 : memref<!tpu.dma_semaphore, #tpu.memory_space<semaphore_mem>>) src(%dma_wait3A_256 : memref<20000x64xf32, #tpu.memory_space<hbm>>) dst(%dma_wait3A_250 : memref<128x64xf32, #tpu.memory_space<vmem>>)
    %dma_wait3A_257 = arith.constant 0 : i32
    %dma_wait3A_258 = arith.constant 1 : i32
    %dma_wait3A_259 = arith.constant 0 : i32
    %dma_wait3A_260 = arith.constant 0 : i32
    %dma_wait3A_261 = tpu.memref_slice %arg8[%dma_wait3A_258, %dma_wait3A_259, %dma_wait3A_260] : memref<4x128x64xf32, #tpu.memory_space<vmem>> -> memref<1x128x64xf32, #tpu.memory_space<vmem>>
    %dma_wait3A_262 = tpu.memref_squeeze %dma_wait3A_261 : memref<1x128x64xf32, #tpu.memory_space<vmem>> -> memref<128x64xf32, #tpu.memory_space<vmem>>
    %dma_wait3A_263 = arith.constant 0 : i32
    %dma_wait3A_264 = tpu.memref_slice %arg6[%dma_wait3A_257, %dma_wait3A_263] : memref<160x128xi32, #tpu.memory_space<vmem>> -> memref<1x128xi32, #tpu.memory_space<vmem>>
    %dma_wait3A_265 = tpu.memref_squeeze %dma_wait3A_264 : memref<1x128xi32, #tpu.memory_space<vmem>> -> memref<128xi32, #tpu.memory_space<vmem>>
    %dma_wait3A_266 = arith.constant 0 : i32
    %dma_wait3A_267 = arith.constant 0 : i32
    %dma_wait3A_268 = tpu.memref_slice %arg2[%dma_wait3A_266, %dma_wait3A_267] : memref<20000x64xf32, #tpu.memory_space<hbm>> -> memref<20000x64xf32, #tpu.memory_space<hbm>>
    tpu.wait_indirect_dma semaphore(%arg12 : memref<!tpu.dma_semaphore, #tpu.memory_space<semaphore_mem>>) src(%dma_wait3A_268 : memref<20000x64xf32, #tpu.memory_space<hbm>>) dst(%dma_wait3A_262 : memref<128x64xf32, #tpu.memory_space<vmem>>)
    %dma_wait3A_269 = arith.constant 2 : i32
    %dma_wait3A_270 = arith.constant 0 : i32
    %dma_wait3A_271 = arith.constant 0 : i32
    %dma_wait3A_272 = arith.constant 0 : i32
    %dma_wait3A_273 = tpu.memref_slice %arg8[%dma_wait3A_269, %dma_wait3A_271, %dma_wait3A_272] : memref<4x128x64xf32, #tpu.memory_space<vmem>> -> memref<1x128x64xf32, #tpu.memory_space<vmem>>
    %dma_wait3A_274 = tpu.memref_squeeze %dma_wait3A_273 : memref<1x128x64xf32, #tpu.memory_space<vmem>> -> memref<128x64xf32, #tpu.memory_space<vmem>>
    %dma_wait3A_275 = arith.constant 0 : i32
    %dma_wait3A_276 = tpu.memref_slice %arg7[%dma_wait3A_270, %dma_wait3A_275] : memref<160x128xi32, #tpu.memory_space<vmem>> -> memref<1x128xi32, #tpu.memory_space<vmem>>
    %dma_wait3A_277 = tpu.memref_squeeze %dma_wait3A_276 : memref<1x128xi32, #tpu.memory_space<vmem>> -> memref<128xi32, #tpu.memory_space<vmem>>
    %dma_wait3A_278 = arith.constant 0 : i32
    %dma_wait3A_279 = arith.constant 0 : i32
    %dma_wait3A_280 = tpu.memref_slice %arg10[%dma_wait3A_278, %dma_wait3A_279] : memref<10240x64xf32, #tpu.memory_space<vmem_shared>> -> memref<10240x64xf32, #tpu.memory_space<vmem_shared>>
    tpu.wait_indirect_dma semaphore(%arg17 : memref<!tpu.dma_semaphore, #tpu.memory_space<semaphore_mem>>) src(%dma_wait3A_274 : memref<128x64xf32, #tpu.memory_space<vmem>>) dst(%dma_wait3A_280 : memref<10240x64xf32, #tpu.memory_space<vmem_shared>>)
    %dma_wait3A_281 = arith.constant 3 : i32
    %dma_wait3A_282 = arith.constant 0 : i32
    %dma_wait3A_283 = arith.constant 0 : i32
    %dma_wait3A_284 = arith.constant 0 : i32
    %dma_wait3A_285 = tpu.memref_slice %arg8[%dma_wait3A_281, %dma_wait3A_283, %dma_wait3A_284] : memref<4x128x64xf32, #tpu.memory_space<vmem>> -> memref<1x128x64xf32, #tpu.memory_space<vmem>>
    %dma_wait3A_286 = tpu.memref_squeeze %dma_wait3A_285 : memref<1x128x64xf32, #tpu.memory_space<vmem>> -> memref<128x64xf32, #tpu.memory_space<vmem>>
    %dma_wait3A_287 = arith.constant 0 : i32
    %dma_wait3A_288 = tpu.memref_slice %arg7[%dma_wait3A_282, %dma_wait3A_287] : memref<160x128xi32, #tpu.memory_space<vmem>> -> memref<1x128xi32, #tpu.memory_space<vmem>>
    %dma_wait3A_289 = tpu.memref_squeeze %dma_wait3A_288 : memref<1x128xi32, #tpu.memory_space<vmem>> -> memref<128xi32, #tpu.memory_space<vmem>>
    %dma_wait3A_290 = arith.constant 0 : i32
    %dma_wait3A_291 = arith.constant 0 : i32
    %dma_wait3A_292 = tpu.memref_slice %arg10[%dma_wait3A_290, %dma_wait3A_291] : memref<10240x64xf32, #tpu.memory_space<vmem_shared>> -> memref<10240x64xf32, #tpu.memory_space<vmem_shared>>
    tpu.wait_indirect_dma semaphore(%arg18 : memref<!tpu.dma_semaphore, #tpu.memory_space<semaphore_mem>>) src(%dma_wait3A_286 : memref<128x64xf32, #tpu.memory_space<vmem>>) dst(%dma_wait3A_292 : memref<10240x64xf32, #tpu.memory_space<vmem_shared>>)
    %barrier3A_293 = arith.constant 0 : index
    tpu.barrier barrier_id(%barrier3A_293)
    %mul3A_294 = arith.constant 640 : i32
    %mul3A_295 = arith.muli %arg1, %mul3A_294 : i32
    %mul3A_296 = arith.constant 10240 : i32
    %mul3A_297 = arith.muli %arg0, %mul3A_296 : i32
    %mul3A_298 = arith.constant 640 : i32
    %mul3A_299 = arith.muli %arg1, %mul3A_298 : i32
    %add3A_300 = arith.addi %mul3A_297, %mul3A_299 : i32
    "tpu.region"() ({
      %run_scoped3A = tpu.sem_alloc : memref<!tpu.dma_semaphore, #tpu.memory_space<semaphore_mem>>
      %dma_start3A_301 = arith.constant 0 : i32
      %dma_start3A_302 = tpu.memref_slice %arg5[%add3A_300, %dma_start3A_301] : memref<20480x64xf32, #tpu.memory_space<hbm>> -> memref<640x64xf32, #tpu.memory_space<hbm>>
      %dma_start3A_303 = arith.constant 0 : i32
      %dma_start3A_304 = tpu.memref_slice %arg10[%mul3A_295, %dma_start3A_303] : memref<10240x64xf32, #tpu.memory_space<vmem_shared>> -> memref<640x64xf32, #tpu.memory_space<vmem_shared>>
      tpu.enqueue_dma source(%dma_start3A_304 : memref<640x64xf32, #tpu.memory_space<vmem_shared>>) target(%dma_start3A_302 : memref<640x64xf32, #tpu.memory_space<hbm>>) target_semaphore(%run_scoped3A : memref<!tpu.dma_semaphore, #tpu.memory_space<semaphore_mem>>)
      %dma_wait3A_305 = arith.constant 0 : i32
      %dma_wait3A_306 = tpu.memref_slice %arg5[%add3A_300, %dma_wait3A_305] : memref<20480x64xf32, #tpu.memory_space<hbm>> -> memref<640x64xf32, #tpu.memory_space<hbm>>
      %dma_wait3A_307 = arith.constant 0 : i32
      %dma_wait3A_308 = tpu.memref_slice %arg10[%mul3A_295, %dma_wait3A_307] : memref<10240x64xf32, #tpu.memory_space<vmem_shared>> -> memref<640x64xf32, #tpu.memory_space<vmem_shared>>
      tpu.wait_dma2 semaphore(%run_scoped3A : memref<!tpu.dma_semaphore, #tpu.memory_space<semaphore_mem>>) src(%dma_wait3A_308 : memref<640x64xf32, #tpu.memory_space<vmem_shared>>) dst(%dma_wait3A_306 : memref<640x64xf32, #tpu.memory_space<hbm>>)
      tpu.yield
    }) : () -> ()
    return
  }
}

#map = affine_map<(d0, d1) -> (0, 0)>
module attributes {stable_mosaic.version = 14 : i64} {
  func.func @body(%arg0: i32, %arg1: i32, %arg2: memref<20000x32xf32, #tpu.memory_space<hbm>>, %arg3: memref<5120x128xi32, #tpu.memory_space<hbm>>, %arg4: memref<2560x128xi32, #tpu.memory_space<hbm>>, %arg5: memref<20480x32xf32, #tpu.memory_space<hbm>>, %arg6: memref<160x128xi32, #tpu.memory_space<vmem>>, %arg7: memref<160x128xi32, #tpu.memory_space<vmem>>, %arg8: memref<4x128x32xf32, #tpu.memory_space<vmem>>, %arg9: memref<128x32xf32, #tpu.memory_space<vmem>>, %arg10: memref<10240x32xf32, #tpu.memory_space<vmem_shared>>, %arg11: memref<!tpu.dma_semaphore, #tpu.memory_space<semaphore_mem>>, %arg12: memref<!tpu.dma_semaphore, #tpu.memory_space<semaphore_mem>>, %arg13: memref<!tpu.dma_semaphore, #tpu.memory_space<semaphore_mem>>, %arg14: memref<!tpu.dma_semaphore, #tpu.memory_space<semaphore_mem>>, %arg15: memref<!tpu.dma_semaphore, #tpu.memory_space<semaphore_mem>>, %arg16: memref<!tpu.dma_semaphore, #tpu.memory_space<semaphore_mem>>, %arg17: memref<!tpu.dma_semaphore, #tpu.memory_space<semaphore_mem>>, %arg18: memref<!tpu.dma_semaphore, #tpu.memory_space<semaphore_mem>>) attributes {dimension_semantics = [#tpu.dimension_semantics<core_parallel>, #tpu.dimension_semantics<subcore_parallel>], iteration_bounds = array<i64: 2, 16>, scalar_prefetch = 0 : i64, scratch_operands = 13 : i64, tpu.core_type = #tpu.core_type<sc_vector_subcore>, window_params = [{transform_indices = #map}, {transform_indices = #map}, {transform_indices = #map}, {transform_indices = #map}]} {
    %mul3A = arith.constant 16 : i32
    %mul3A_0 = arith.muli %arg0, %mul3A : i32
    %add3A = arith.addi %mul3A_0, %arg1 : i32
    %mul3A_1 = arith.constant 160 : i32
    %mul3A_2 = arith.muli %add3A, %mul3A_1 : i32
    %dma_start3A = arith.constant 0 : i32
    %dma_start3A_3 = tpu.memref_slice %arg3[%mul3A_2, %dma_start3A] : memref<5120x128xi32, #tpu.memory_space<hbm>> -> memref<160x128xi32, #tpu.memory_space<hbm>>
    %dma_start3A_4 = arith.constant 0 : i32
    %dma_start3A_5 = tpu.memref_slice %arg3[%mul3A_2, %dma_start3A_4] : memref<5120x128xi32, #tpu.memory_space<hbm>> -> memref<160x128xi32, #tpu.memory_space<hbm>>
    tpu.enqueue_dma source(%dma_start3A_5 : memref<160x128xi32, #tpu.memory_space<hbm>>) target(%arg6 : memref<160x128xi32, #tpu.memory_space<vmem>>) target_semaphore(%arg11 : memref<!tpu.dma_semaphore, #tpu.memory_space<semaphore_mem>>)
    %mul3A_6 = arith.constant 160 : i32
    %mul3A_7 = arith.muli %arg1, %mul3A_6 : i32
    %dma_start3A_8 = arith.constant 0 : i32
    %dma_start3A_9 = tpu.memref_slice %arg4[%mul3A_7, %dma_start3A_8] : memref<2560x128xi32, #tpu.memory_space<hbm>> -> memref<160x128xi32, #tpu.memory_space<hbm>>
    %dma_start3A_10 = arith.constant 0 : i32
    %dma_start3A_11 = tpu.memref_slice %arg4[%mul3A_7, %dma_start3A_10] : memref<2560x128xi32, #tpu.memory_space<hbm>> -> memref<160x128xi32, #tpu.memory_space<hbm>>
    tpu.enqueue_dma source(%dma_start3A_11 : memref<160x128xi32, #tpu.memory_space<hbm>>) target(%arg7 : memref<160x128xi32, #tpu.memory_space<vmem>>) target_semaphore(%arg12 : memref<!tpu.dma_semaphore, #tpu.memory_space<semaphore_mem>>)
    %broadcast_in_dim3A = arith.constant 0.000000e+00 : f32
    %broadcast_in_dim3A_12 = vector.broadcast %broadcast_in_dim3A : f32 to vector<16xf32>
    %scan3A = arith.constant 0 : i32
    %scan3A_13 = arith.constant 0 : i32
    %scan3A_14 = arith.constant 128 : i32
    %scan3A_15 = arith.addi %scan3A_13, %scan3A_14 : i32
    %scan3A_16 = arith.constant 1 : i32
    %scan3A_17 = scf.for %scan3A_301 = %scan3A_13 to %scan3A_15 step %scan3A_16 iter_args(%scan3A_302 = %scan3A) -> (i32)  : i32 {
      %swap3A = arith.index_cast %scan3A_301 : i32 to index
      %swap3A_303 = arith.constant 0 : index
      %swap3A_304 = tpu.vector_load %arg9[%swap3A, %swap3A_303] {strides = array<i32>} : memref<128x32xf32, #tpu.memory_space<vmem>>, vector<1x16xf32>,
      %swap3A_305 = vector.shape_cast %swap3A_304 : vector<1x16xf32> to vector<16xf32>
      %swap3A_306 = vector.shape_cast %broadcast_in_dim3A_12 : vector<16xf32> to vector<1x16xf32>
      tpu.vector_store %arg9[%swap3A, %swap3A_303], %swap3A_306 {strides = array<i32>} : memref<128x32xf32, #tpu.memory_space<vmem>>, vector<1x16xf32>,
      %swap3A_307 = arith.index_cast %scan3A_301 : i32 to index
      %swap3A_308 = arith.constant 16 : index
      %swap3A_309 = tpu.vector_load %arg9[%swap3A_307, %swap3A_308] {strides = array<i32>} : memref<128x32xf32, #tpu.memory_space<vmem>>, vector<1x16xf32>,
      %swap3A_310 = vector.shape_cast %swap3A_309 : vector<1x16xf32> to vector<16xf32>
      %swap3A_311 = vector.shape_cast %broadcast_in_dim3A_12 : vector<16xf32> to vector<1x16xf32>
      tpu.vector_store %arg9[%swap3A_307, %swap3A_308], %swap3A_311 {strides = array<i32>} : memref<128x32xf32, #tpu.memory_space<vmem>>, vector<1x16xf32>,
      %scan3A_312 = arith.constant 0 : i32
      scf.yield %scan3A_312 : i32
    }
    %scan3A_18 = arith.constant 128 : i32
    %mul3A_19 = arith.constant 640 : i32
    %mul3A_20 = arith.muli %arg1, %mul3A_19 : i32
    %add3A_21 = arith.constant 0 : i32
    %add3A_22 = arith.addi %mul3A_20, %add3A_21 : i32
    "tpu.region"() ({
      %run_scoped3A = tpu.sem_alloc : memref<!tpu.dma_semaphore, #tpu.memory_space<semaphore_mem>>
      %dma_start3A_301 = arith.constant 0 : i32
      %dma_start3A_302 = tpu.memref_slice %arg10[%add3A_22, %dma_start3A_301] : memref<10240x32xf32, #tpu.memory_space<vmem_shared>> -> memref<128x32xf32, #tpu.memory_space<vmem_shared>>
      %dma_start3A_303 = arith.constant 0 : i32
      %dma_start3A_304 = tpu.memref_slice %arg10[%add3A_22, %dma_start3A_303] : memref<10240x32xf32, #tpu.memory_space<vmem_shared>> -> memref<128x32xf32, #tpu.memory_space<vmem_shared>>
      tpu.enqueue_dma source(%arg9 : memref<128x32xf32, #tpu.memory_space<vmem>>) target(%dma_start3A_304 : memref<128x32xf32, #tpu.memory_space<vmem_shared>>) target_semaphore(%run_scoped3A : memref<!tpu.dma_semaphore, #tpu.memory_space<semaphore_mem>>)
      %dma_wait3A_305 = arith.constant 0 : i32
      %dma_wait3A_306 = tpu.memref_slice %arg10[%add3A_22, %dma_wait3A_305] : memref<10240x32xf32, #tpu.memory_space<vmem_shared>> -> memref<128x32xf32, #tpu.memory_space<vmem_shared>>
      %dma_wait3A_307 = arith.constant 0 : i32
      %dma_wait3A_308 = tpu.memref_slice %arg10[%add3A_22, %dma_wait3A_307] : memref<10240x32xf32, #tpu.memory_space<vmem_shared>> -> memref<128x32xf32, #tpu.memory_space<vmem_shared>>
      tpu.wait_dma2 semaphore(%run_scoped3A : memref<!tpu.dma_semaphore, #tpu.memory_space<semaphore_mem>>) src(%arg9 : memref<128x32xf32, #tpu.memory_space<vmem>>) dst(%dma_wait3A_308 : memref<128x32xf32, #tpu.memory_space<vmem_shared>>)
      tpu.yield
    }) : () -> ()
    %mul3A_23 = arith.constant 640 : i32
    %mul3A_24 = arith.muli %arg1, %mul3A_23 : i32
    %add3A_25 = arith.constant 128 : i32
    %add3A_26 = arith.addi %mul3A_24, %add3A_25 : i32
    "tpu.region"() ({
      %run_scoped3A = tpu.sem_alloc : memref<!tpu.dma_semaphore, #tpu.memory_space<semaphore_mem>>
      %dma_start3A_301 = arith.constant 0 : i32
      %dma_start3A_302 = tpu.memref_slice %arg10[%add3A_26, %dma_start3A_301] : memref<10240x32xf32, #tpu.memory_space<vmem_shared>> -> memref<128x32xf32, #tpu.memory_space<vmem_shared>>
      %dma_start3A_303 = arith.constant 0 : i32
      %dma_start3A_304 = tpu.memref_slice %arg10[%add3A_26, %dma_start3A_303] : memref<10240x32xf32, #tpu.memory_space<vmem_shared>> -> memref<128x32xf32, #tpu.memory_space<vmem_shared>>
      tpu.enqueue_dma source(%arg9 : memref<128x32xf32, #tpu.memory_space<vmem>>) target(%dma_start3A_304 : memref<128x32xf32, #tpu.memory_space<vmem_shared>>) target_semaphore(%run_scoped3A : memref<!tpu.dma_semaphore, #tpu.memory_space<semaphore_mem>>)
      %dma_wait3A_305 = arith.constant 0 : i32
      %dma_wait3A_306 = tpu.memref_slice %arg10[%add3A_26, %dma_wait3A_305] : memref<10240x32xf32, #tpu.memory_space<vmem_shared>> -> memref<128x32xf32, #tpu.memory_space<vmem_shared>>
      %dma_wait3A_307 = arith.constant 0 : i32
      %dma_wait3A_308 = tpu.memref_slice %arg10[%add3A_26, %dma_wait3A_307] : memref<10240x32xf32, #tpu.memory_space<vmem_shared>> -> memref<128x32xf32, #tpu.memory_space<vmem_shared>>
      tpu.wait_dma2 semaphore(%run_scoped3A : memref<!tpu.dma_semaphore, #tpu.memory_space<semaphore_mem>>) src(%arg9 : memref<128x32xf32, #tpu.memory_space<vmem>>) dst(%dma_wait3A_308 : memref<128x32xf32, #tpu.memory_space<vmem_shared>>)
      tpu.yield
    }) : () -> ()
    %mul3A_27 = arith.constant 640 : i32
    %mul3A_28 = arith.muli %arg1, %mul3A_27 : i32
    %add3A_29 = arith.constant 256 : i32
    %add3A_30 = arith.addi %mul3A_28, %add3A_29 : i32
    "tpu.region"() ({
      %run_scoped3A = tpu.sem_alloc : memref<!tpu.dma_semaphore, #tpu.memory_space<semaphore_mem>>
      %dma_start3A_301 = arith.constant 0 : i32
      %dma_start3A_302 = tpu.memref_slice %arg10[%add3A_30, %dma_start3A_301] : memref<10240x32xf32, #tpu.memory_space<vmem_shared>> -> memref<128x32xf32, #tpu.memory_space<vmem_shared>>
      %dma_start3A_303 = arith.constant 0 : i32
      %dma_start3A_304 = tpu.memref_slice %arg10[%add3A_30, %dma_start3A_303] : memref<10240x32xf32, #tpu.memory_space<vmem_shared>> -> memref<128x32xf32, #tpu.memory_space<vmem_shared>>
      tpu.enqueue_dma source(%arg9 : memref<128x32xf32, #tpu.memory_space<vmem>>) target(%dma_start3A_304 : memref<128x32xf32, #tpu.memory_space<vmem_shared>>) target_semaphore(%run_scoped3A : memref<!tpu.dma_semaphore, #tpu.memory_space<semaphore_mem>>)
      %dma_wait3A_305 = arith.constant 0 : i32
      %dma_wait3A_306 = tpu.memref_slice %arg10[%add3A_30, %dma_wait3A_305] : memref<10240x32xf32, #tpu.memory_space<vmem_shared>> -> memref<128x32xf32, #tpu.memory_space<vmem_shared>>
      %dma_wait3A_307 = arith.constant 0 : i32
      %dma_wait3A_308 = tpu.memref_slice %arg10[%add3A_30, %dma_wait3A_307] : memref<10240x32xf32, #tpu.memory_space<vmem_shared>> -> memref<128x32xf32, #tpu.memory_space<vmem_shared>>
      tpu.wait_dma2 semaphore(%run_scoped3A : memref<!tpu.dma_semaphore, #tpu.memory_space<semaphore_mem>>) src(%arg9 : memref<128x32xf32, #tpu.memory_space<vmem>>) dst(%dma_wait3A_308 : memref<128x32xf32, #tpu.memory_space<vmem_shared>>)
      tpu.yield
    }) : () -> ()
    %mul3A_31 = arith.constant 640 : i32
    %mul3A_32 = arith.muli %arg1, %mul3A_31 : i32
    %add3A_33 = arith.constant 384 : i32
    %add3A_34 = arith.addi %mul3A_32, %add3A_33 : i32
    "tpu.region"() ({
      %run_scoped3A = tpu.sem_alloc : memref<!tpu.dma_semaphore, #tpu.memory_space<semaphore_mem>>
      %dma_start3A_301 = arith.constant 0 : i32
      %dma_start3A_302 = tpu.memref_slice %arg10[%add3A_34, %dma_start3A_301] : memref<10240x32xf32, #tpu.memory_space<vmem_shared>> -> memref<128x32xf32, #tpu.memory_space<vmem_shared>>
      %dma_start3A_303 = arith.constant 0 : i32
      %dma_start3A_304 = tpu.memref_slice %arg10[%add3A_34, %dma_start3A_303] : memref<10240x32xf32, #tpu.memory_space<vmem_shared>> -> memref<128x32xf32, #tpu.memory_space<vmem_shared>>
      tpu.enqueue_dma source(%arg9 : memref<128x32xf32, #tpu.memory_space<vmem>>) target(%dma_start3A_304 : memref<128x32xf32, #tpu.memory_space<vmem_shared>>) target_semaphore(%run_scoped3A : memref<!tpu.dma_semaphore, #tpu.memory_space<semaphore_mem>>)
      %dma_wait3A_305 = arith.constant 0 : i32
      %dma_wait3A_306 = tpu.memref_slice %arg10[%add3A_34, %dma_wait3A_305] : memref<10240x32xf32, #tpu.memory_space<vmem_shared>> -> memref<128x32xf32, #tpu.memory_space<vmem_shared>>
      %dma_wait3A_307 = arith.constant 0 : i32
      %dma_wait3A_308 = tpu.memref_slice %arg10[%add3A_34, %dma_wait3A_307] : memref<10240x32xf32, #tpu.memory_space<vmem_shared>> -> memref<128x32xf32, #tpu.memory_space<vmem_shared>>
      tpu.wait_dma2 semaphore(%run_scoped3A : memref<!tpu.dma_semaphore, #tpu.memory_space<semaphore_mem>>) src(%arg9 : memref<128x32xf32, #tpu.memory_space<vmem>>) dst(%dma_wait3A_308 : memref<128x32xf32, #tpu.memory_space<vmem_shared>>)
      tpu.yield
    }) : () -> ()
    %mul3A_35 = arith.constant 640 : i32
    %mul3A_36 = arith.muli %arg1, %mul3A_35 : i32
    %add3A_37 = arith.constant 512 : i32
    %add3A_38 = arith.addi %mul3A_36, %add3A_37 : i32
    "tpu.region"() ({
      %run_scoped3A = tpu.sem_alloc : memref<!tpu.dma_semaphore, #tpu.memory_space<semaphore_mem>>
      %dma_start3A_301 = arith.constant 0 : i32
      %dma_start3A_302 = tpu.memref_slice %arg10[%add3A_38, %dma_start3A_301] : memref<10240x32xf32, #tpu.memory_space<vmem_shared>> -> memref<128x32xf32, #tpu.memory_space<vmem_shared>>
      %dma_start3A_303 = arith.constant 0 : i32
      %dma_start3A_304 = tpu.memref_slice %arg10[%add3A_38, %dma_start3A_303] : memref<10240x32xf32, #tpu.memory_space<vmem_shared>> -> memref<128x32xf32, #tpu.memory_space<vmem_shared>>
      tpu.enqueue_dma source(%arg9 : memref<128x32xf32, #tpu.memory_space<vmem>>) target(%dma_start3A_304 : memref<128x32xf32, #tpu.memory_space<vmem_shared>>) target_semaphore(%run_scoped3A : memref<!tpu.dma_semaphore, #tpu.memory_space<semaphore_mem>>)
      %dma_wait3A_305 = arith.constant 0 : i32
      %dma_wait3A_306 = tpu.memref_slice %arg10[%add3A_38, %dma_wait3A_305] : memref<10240x32xf32, #tpu.memory_space<vmem_shared>> -> memref<128x32xf32, #tpu.memory_space<vmem_shared>>
      %dma_wait3A_307 = arith.constant 0 : i32
      %dma_wait3A_308 = tpu.memref_slice %arg10[%add3A_38, %dma_wait3A_307] : memref<10240x32xf32, #tpu.memory_space<vmem_shared>> -> memref<128x32xf32, #tpu.memory_space<vmem_shared>>
      tpu.wait_dma2 semaphore(%run_scoped3A : memref<!tpu.dma_semaphore, #tpu.memory_space<semaphore_mem>>) src(%arg9 : memref<128x32xf32, #tpu.memory_space<vmem>>) dst(%dma_wait3A_308 : memref<128x32xf32, #tpu.memory_space<vmem_shared>>)
      tpu.yield
    }) : () -> ()
    %dma_wait3A = arith.constant 0 : i32
    %dma_wait3A_39 = tpu.memref_slice %arg3[%mul3A_2, %dma_wait3A] : memref<5120x128xi32, #tpu.memory_space<hbm>> -> memref<160x128xi32, #tpu.memory_space<hbm>>
    %dma_wait3A_40 = arith.constant 0 : i32
    %dma_wait3A_41 = tpu.memref_slice %arg3[%mul3A_2, %dma_wait3A_40] : memref<5120x128xi32, #tpu.memory_space<hbm>> -> memref<160x128xi32, #tpu.memory_space<hbm>>
    tpu.wait_dma2 semaphore(%arg11 : memref<!tpu.dma_semaphore, #tpu.memory_space<semaphore_mem>>) src(%dma_wait3A_41 : memref<160x128xi32, #tpu.memory_space<hbm>>) dst(%arg6 : memref<160x128xi32, #tpu.memory_space<vmem>>)
    %dma_wait3A_42 = arith.constant 0 : i32
    %dma_wait3A_43 = tpu.memref_slice %arg4[%mul3A_7, %dma_wait3A_42] : memref<2560x128xi32, #tpu.memory_space<hbm>> -> memref<160x128xi32, #tpu.memory_space<hbm>>
    %dma_wait3A_44 = arith.constant 0 : i32
    %dma_wait3A_45 = tpu.memref_slice %arg4[%mul3A_7, %dma_wait3A_44] : memref<2560x128xi32, #tpu.memory_space<hbm>> -> memref<160x128xi32, #tpu.memory_space<hbm>>
    tpu.wait_dma2 semaphore(%arg12 : memref<!tpu.dma_semaphore, #tpu.memory_space<semaphore_mem>>) src(%dma_wait3A_45 : memref<160x128xi32, #tpu.memory_space<hbm>>) dst(%arg7 : memref<160x128xi32, #tpu.memory_space<vmem>>)
    %barrier3A = arith.constant 0 : index
    tpu.barrier barrier_id(%barrier3A)
    %dma_start3A_46 = arith.constant 0 : i32
    %dma_start3A_47 = arith.constant 0 : i32
    %dma_start3A_48 = arith.constant 0 : i32
    %dma_start3A_49 = arith.constant 0 : i32
    %dma_start3A_50 = tpu.memref_slice %arg8[%dma_start3A_47, %dma_start3A_48, %dma_start3A_49] : memref<4x128x32xf32, #tpu.memory_space<vmem>> -> memref<1x128x32xf32, #tpu.memory_space<vmem>>
    %dma_start3A_51 = tpu.memref_squeeze %dma_start3A_50 : memref<1x128x32xf32, #tpu.memory_space<vmem>> -> memref<128x32xf32, #tpu.memory_space<vmem>>
    %dma_start3A_52 = arith.constant 0 : i32
    %dma_start3A_53 = tpu.memref_slice %arg6[%dma_start3A_46, %dma_start3A_52] : memref<160x128xi32, #tpu.memory_space<vmem>> -> memref<1x128xi32, #tpu.memory_space<vmem>>
    %dma_start3A_54 = tpu.memref_squeeze %dma_start3A_53 : memref<1x128xi32, #tpu.memory_space<vmem>> -> memref<128xi32, #tpu.memory_space<vmem>>
    %dma_start3A_55 = arith.constant 0 : i32
    %dma_start3A_56 = arith.constant 0 : i32
    %dma_start3A_57 = tpu.memref_slice %arg2[%dma_start3A_55, %dma_start3A_56] : memref<20000x32xf32, #tpu.memory_space<hbm>> -> memref<20000x32xf32, #tpu.memory_space<hbm>>
    tpu.enqueue_indirect_dma source(%dma_start3A_57 : memref<20000x32xf32, #tpu.memory_space<hbm>>) target(%dma_start3A_51 : memref<128x32xf32, #tpu.memory_space<vmem>>) offsets(%dma_start3A_54 : memref<128xi32, #tpu.memory_space<vmem>>) semaphore(%arg11 : memref<!tpu.dma_semaphore, #tpu.memory_space<semaphore_mem>>)
    %dma_start3A_58 = arith.constant 1 : i32
    %dma_start3A_59 = arith.constant 1 : i32
    %dma_start3A_60 = arith.constant 0 : i32
    %dma_start3A_61 = arith.constant 0 : i32
    %dma_start3A_62 = tpu.memref_slice %arg8[%dma_start3A_59, %dma_start3A_60, %dma_start3A_61] : memref<4x128x32xf32, #tpu.memory_space<vmem>> -> memref<1x128x32xf32, #tpu.memory_space<vmem>>
    %dma_start3A_63 = tpu.memref_squeeze %dma_start3A_62 : memref<1x128x32xf32, #tpu.memory_space<vmem>> -> memref<128x32xf32, #tpu.memory_space<vmem>>
    %dma_start3A_64 = arith.constant 0 : i32
    %dma_start3A_65 = tpu.memref_slice %arg6[%dma_start3A_58, %dma_start3A_64] : memref<160x128xi32, #tpu.memory_space<vmem>> -> memref<1x128xi32, #tpu.memory_space<vmem>>
    %dma_start3A_66 = tpu.memref_squeeze %dma_start3A_65 : memref<1x128xi32, #tpu.memory_space<vmem>> -> memref<128xi32, #tpu.memory_space<vmem>>
    %dma_start3A_67 = arith.constant 0 : i32
    %dma_start3A_68 = arith.constant 0 : i32
    %dma_start3A_69 = tpu.memref_slice %arg2[%dma_start3A_67, %dma_start3A_68] : memref<20000x32xf32, #tpu.memory_space<hbm>> -> memref<20000x32xf32, #tpu.memory_space<hbm>>
    tpu.enqueue_indirect_dma source(%dma_start3A_69 : memref<20000x32xf32, #tpu.memory_space<hbm>>) target(%dma_start3A_63 : memref<128x32xf32, #tpu.memory_space<vmem>>) offsets(%dma_start3A_66 : memref<128xi32, #tpu.memory_space<vmem>>) semaphore(%arg12 : memref<!tpu.dma_semaphore, #tpu.memory_space<semaphore_mem>>)
    %dma_wait3A_70 = arith.constant 0 : i32
    %dma_wait3A_71 = arith.constant 0 : i32
    %dma_wait3A_72 = arith.constant 0 : i32
    %dma_wait3A_73 = arith.constant 0 : i32
    %dma_wait3A_74 = tpu.memref_slice %arg8[%dma_wait3A_71, %dma_wait3A_72, %dma_wait3A_73] : memref<4x128x32xf32, #tpu.memory_space<vmem>> -> memref<1x128x32xf32, #tpu.memory_space<vmem>>
    %dma_wait3A_75 = tpu.memref_squeeze %dma_wait3A_74 : memref<1x128x32xf32, #tpu.memory_space<vmem>> -> memref<128x32xf32, #tpu.memory_space<vmem>>
    %dma_wait3A_76 = arith.constant 0 : i32
    %dma_wait3A_77 = tpu.memref_slice %arg6[%dma_wait3A_70, %dma_wait3A_76] : memref<160x128xi32, #tpu.memory_space<vmem>> -> memref<1x128xi32, #tpu.memory_space<vmem>>
    %dma_wait3A_78 = tpu.memref_squeeze %dma_wait3A_77 : memref<1x128xi32, #tpu.memory_space<vmem>> -> memref<128xi32, #tpu.memory_space<vmem>>
    %dma_wait3A_79 = arith.constant 0 : i32
    %dma_wait3A_80 = arith.constant 0 : i32
    %dma_wait3A_81 = tpu.memref_slice %arg2[%dma_wait3A_79, %dma_wait3A_80] : memref<20000x32xf32, #tpu.memory_space<hbm>> -> memref<20000x32xf32, #tpu.memory_space<hbm>>
    tpu.wait_indirect_dma semaphore(%arg11 : memref<!tpu.dma_semaphore, #tpu.memory_space<semaphore_mem>>) src(%dma_wait3A_81 : memref<20000x32xf32, #tpu.memory_space<hbm>>) dst(%dma_wait3A_75 : memref<128x32xf32, #tpu.memory_space<vmem>>)
    %dma_start3A_82 = arith.constant 0 : i32
    %dma_start3A_83 = arith.constant 0 : i32
    %dma_start3A_84 = arith.constant 0 : i32
    %dma_start3A_85 = arith.constant 0 : i32
    %dma_start3A_86 = tpu.memref_slice %arg8[%dma_start3A_82, %dma_start3A_84, %dma_start3A_85] : memref<4x128x32xf32, #tpu.memory_space<vmem>> -> memref<1x128x32xf32, #tpu.memory_space<vmem>>
    %dma_start3A_87 = tpu.memref_squeeze %dma_start3A_86 : memref<1x128x32xf32, #tpu.memory_space<vmem>> -> memref<128x32xf32, #tpu.memory_space<vmem>>
    %dma_start3A_88 = arith.constant 0 : i32
    %dma_start3A_89 = tpu.memref_slice %arg7[%dma_start3A_83, %dma_start3A_88] : memref<160x128xi32, #tpu.memory_space<vmem>> -> memref<1x128xi32, #tpu.memory_space<vmem>>
    %dma_start3A_90 = tpu.memref_squeeze %dma_start3A_89 : memref<1x128xi32, #tpu.memory_space<vmem>> -> memref<128xi32, #tpu.memory_space<vmem>>
    %dma_start3A_91 = arith.constant 0 : i32
    %dma_start3A_92 = arith.constant 0 : i32
    %dma_start3A_93 = tpu.memref_slice %arg10[%dma_start3A_91, %dma_start3A_92] : memref<10240x32xf32, #tpu.memory_space<vmem_shared>> -> memref<10240x32xf32, #tpu.memory_space<vmem_shared>>
    tpu.enqueue_indirect_dma source(%dma_start3A_87 : memref<128x32xf32, #tpu.memory_space<vmem>>) target(%dma_start3A_93 : memref<10240x32xf32, #tpu.memory_space<vmem_shared>>) offsets(%dma_start3A_90 : memref<128xi32, #tpu.memory_space<vmem>>) semaphore(%arg15 : memref<!tpu.dma_semaphore, #tpu.memory_space<semaphore_mem>>) {add = true}
    %dma_start3A_94 = arith.constant 2 : i32
    %dma_start3A_95 = arith.constant 2 : i32
    %dma_start3A_96 = arith.constant 0 : i32
    %dma_start3A_97 = arith.constant 0 : i32
    %dma_start3A_98 = tpu.memref_slice %arg8[%dma_start3A_95, %dma_start3A_96, %dma_start3A_97] : memref<4x128x32xf32, #tpu.memory_space<vmem>> -> memref<1x128x32xf32, #tpu.memory_space<vmem>>
    %dma_start3A_99 = tpu.memref_squeeze %dma_start3A_98 : memref<1x128x32xf32, #tpu.memory_space<vmem>> -> memref<128x32xf32, #tpu.memory_space<vmem>>
    %dma_start3A_100 = arith.constant 0 : i32
    %dma_start3A_101 = tpu.memref_slice %arg6[%dma_start3A_94, %dma_start3A_100] : memref<160x128xi32, #tpu.memory_space<vmem>> -> memref<1x128xi32, #tpu.memory_space<vmem>>
    %dma_start3A_102 = tpu.memref_squeeze %dma_start3A_101 : memref<1x128xi32, #tpu.memory_space<vmem>> -> memref<128xi32, #tpu.memory_space<vmem>>
    %dma_start3A_103 = arith.constant 0 : i32
    %dma_start3A_104 = arith.constant 0 : i32
    %dma_start3A_105 = tpu.memref_slice %arg2[%dma_start3A_103, %dma_start3A_104] : memref<20000x32xf32, #tpu.memory_space<hbm>> -> memref<20000x32xf32, #tpu.memory_space<hbm>>
    tpu.enqueue_indirect_dma source(%dma_start3A_105 : memref<20000x32xf32, #tpu.memory_space<hbm>>) target(%dma_start3A_99 : memref<128x32xf32, #tpu.memory_space<vmem>>) offsets(%dma_start3A_102 : memref<128xi32, #tpu.memory_space<vmem>>) semaphore(%arg13 : memref<!tpu.dma_semaphore, #tpu.memory_space<semaphore_mem>>)
    %dma_wait3A_106 = arith.constant 0 : i32
    %dma_wait3A_107 = arith.constant 1 : i32
    %dma_wait3A_108 = arith.constant 0 : i32
    %dma_wait3A_109 = arith.constant 0 : i32
    %dma_wait3A_110 = tpu.memref_slice %arg8[%dma_wait3A_107, %dma_wait3A_108, %dma_wait3A_109] : memref<4x128x32xf32, #tpu.memory_space<vmem>> -> memref<1x128x32xf32, #tpu.memory_space<vmem>>
    %dma_wait3A_111 = tpu.memref_squeeze %dma_wait3A_110 : memref<1x128x32xf32, #tpu.memory_space<vmem>> -> memref<128x32xf32, #tpu.memory_space<vmem>>
    %dma_wait3A_112 = arith.constant 0 : i32
    %dma_wait3A_113 = tpu.memref_slice %arg6[%dma_wait3A_106, %dma_wait3A_112] : memref<160x128xi32, #tpu.memory_space<vmem>> -> memref<1x128xi32, #tpu.memory_space<vmem>>
    %dma_wait3A_114 = tpu.memref_squeeze %dma_wait3A_113 : memref<1x128xi32, #tpu.memory_space<vmem>> -> memref<128xi32, #tpu.memory_space<vmem>>
    %dma_wait3A_115 = arith.constant 0 : i32
    %dma_wait3A_116 = arith.constant 0 : i32
    %dma_wait3A_117 = tpu.memref_slice %arg2[%dma_wait3A_115, %dma_wait3A_116] : memref<20000x32xf32, #tpu.memory_space<hbm>> -> memref<20000x32xf32, #tpu.memory_space<hbm>>
    tpu.wait_indirect_dma semaphore(%arg12 : memref<!tpu.dma_semaphore, #tpu.memory_space<semaphore_mem>>) src(%dma_wait3A_117 : memref<20000x32xf32, #tpu.memory_space<hbm>>) dst(%dma_wait3A_111 : memref<128x32xf32, #tpu.memory_space<vmem>>)
    %dma_start3A_118 = arith.constant 1 : i32
    %dma_start3A_119 = arith.constant 1 : i32
    %dma_start3A_120 = arith.constant 0 : i32
    %dma_start3A_121 = arith.constant 0 : i32
    %dma_start3A_122 = tpu.memref_slice %arg8[%dma_start3A_118, %dma_start3A_120, %dma_start3A_121] : memref<4x128x32xf32, #tpu.memory_space<vmem>> -> memref<1x128x32xf32, #tpu.memory_space<vmem>>
    %dma_start3A_123 = tpu.memref_squeeze %dma_start3A_122 : memref<1x128x32xf32, #tpu.memory_space<vmem>> -> memref<128x32xf32, #tpu.memory_space<vmem>>
    %dma_start3A_124 = arith.constant 0 : i32
    %dma_start3A_125 = tpu.memref_slice %arg7[%dma_start3A_119, %dma_start3A_124] : memref<160x128xi32, #tpu.memory_space<vmem>> -> memref<1x128xi32, #tpu.memory_space<vmem>>
    %dma_start3A_126 = tpu.memref_squeeze %dma_start3A_125 : memref<1x128xi32, #tpu.memory_space<vmem>> -> memref<128xi32, #tpu.memory_space<vmem>>
    %dma_start3A_127 = arith.constant 0 : i32
    %dma_start3A_128 = arith.constant 0 : i32
    %dma_start3A_129 = tpu.memref_slice %arg10[%dma_start3A_127, %dma_start3A_128] : memref<10240x32xf32, #tpu.memory_space<vmem_shared>> -> memref<10240x32xf32, #tpu.memory_space<vmem_shared>>
    tpu.enqueue_indirect_dma source(%dma_start3A_123 : memref<128x32xf32, #tpu.memory_space<vmem>>) target(%dma_start3A_129 : memref<10240x32xf32, #tpu.memory_space<vmem_shared>>) offsets(%dma_start3A_126 : memref<128xi32, #tpu.memory_space<vmem>>) semaphore(%arg16 : memref<!tpu.dma_semaphore, #tpu.memory_space<semaphore_mem>>) {add = true}
    %dma_start3A_130 = arith.constant 3 : i32
    %dma_start3A_131 = arith.constant 3 : i32
    %dma_start3A_132 = arith.constant 0 : i32
    %dma_start3A_133 = arith.constant 0 : i32
    %dma_start3A_134 = tpu.memref_slice %arg8[%dma_start3A_131, %dma_start3A_132, %dma_start3A_133] : memref<4x128x32xf32, #tpu.memory_space<vmem>> -> memref<1x128x32xf32, #tpu.memory_space<vmem>>
    %dma_start3A_135 = tpu.memref_squeeze %dma_start3A_134 : memref<1x128x32xf32, #tpu.memory_space<vmem>> -> memref<128x32xf32, #tpu.memory_space<vmem>>
    %dma_start3A_136 = arith.constant 0 : i32
    %dma_start3A_137 = tpu.memref_slice %arg6[%dma_start3A_130, %dma_start3A_136] : memref<160x128xi32, #tpu.memory_space<vmem>> -> memref<1x128xi32, #tpu.memory_space<vmem>>
    %dma_start3A_138 = tpu.memref_squeeze %dma_start3A_137 : memref<1x128xi32, #tpu.memory_space<vmem>> -> memref<128xi32, #tpu.memory_space<vmem>>
    %dma_start3A_139 = arith.constant 0 : i32
    %dma_start3A_140 = arith.constant 0 : i32
    %dma_start3A_141 = tpu.memref_slice %arg2[%dma_start3A_139, %dma_start3A_140] : memref<20000x32xf32, #tpu.memory_space<hbm>> -> memref<20000x32xf32, #tpu.memory_space<hbm>>
    tpu.enqueue_indirect_dma source(%dma_start3A_141 : memref<20000x32xf32, #tpu.memory_space<hbm>>) target(%dma_start3A_135 : memref<128x32xf32, #tpu.memory_space<vmem>>) offsets(%dma_start3A_138 : memref<128xi32, #tpu.memory_space<vmem>>) semaphore(%arg14 : memref<!tpu.dma_semaphore, #tpu.memory_space<semaphore_mem>>)
    %dma_wait3A_142 = arith.constant 0 : i32
    %dma_wait3A_143 = arith.constant 2 : i32
    %dma_wait3A_144 = arith.constant 0 : i32
    %dma_wait3A_145 = arith.constant 0 : i32
    %dma_wait3A_146 = tpu.memref_slice %arg8[%dma_wait3A_143, %dma_wait3A_144, %dma_wait3A_145] : memref<4x128x32xf32, #tpu.memory_space<vmem>> -> memref<1x128x32xf32, #tpu.memory_space<vmem>>
    %dma_wait3A_147 = tpu.memref_squeeze %dma_wait3A_146 : memref<1x128x32xf32, #tpu.memory_space<vmem>> -> memref<128x32xf32, #tpu.memory_space<vmem>>
    %dma_wait3A_148 = arith.constant 0 : i32
    %dma_wait3A_149 = tpu.memref_slice %arg6[%dma_wait3A_142, %dma_wait3A_148] : memref<160x128xi32, #tpu.memory_space<vmem>> -> memref<1x128xi32, #tpu.memory_space<vmem>>
    %dma_wait3A_150 = tpu.memref_squeeze %dma_wait3A_149 : memref<1x128xi32, #tpu.memory_space<vmem>> -> memref<128xi32, #tpu.memory_space<vmem>>
    %dma_wait3A_151 = arith.constant 0 : i32
    %dma_wait3A_152 = arith.constant 0 : i32
    %dma_wait3A_153 = tpu.memref_slice %arg2[%dma_wait3A_151, %dma_wait3A_152] : memref<20000x32xf32, #tpu.memory_space<hbm>> -> memref<20000x32xf32, #tpu.memory_space<hbm>>
    tpu.wait_indirect_dma semaphore(%arg13 : memref<!tpu.dma_semaphore, #tpu.memory_space<semaphore_mem>>) src(%dma_wait3A_153 : memref<20000x32xf32, #tpu.memory_space<hbm>>) dst(%dma_wait3A_147 : memref<128x32xf32, #tpu.memory_space<vmem>>)
    %dma_start3A_154 = arith.constant 2 : i32
    %dma_start3A_155 = arith.constant 2 : i32
    %dma_start3A_156 = arith.constant 0 : i32
    %dma_start3A_157 = arith.constant 0 : i32
    %dma_start3A_158 = tpu.memref_slice %arg8[%dma_start3A_154, %dma_start3A_156, %dma_start3A_157] : memref<4x128x32xf32, #tpu.memory_space<vmem>> -> memref<1x128x32xf32, #tpu.memory_space<vmem>>
    %dma_start3A_159 = tpu.memref_squeeze %dma_start3A_158 : memref<1x128x32xf32, #tpu.memory_space<vmem>> -> memref<128x32xf32, #tpu.memory_space<vmem>>
    %dma_start3A_160 = arith.constant 0 : i32
    %dma_start3A_161 = tpu.memref_slice %arg7[%dma_start3A_155, %dma_start3A_160] : memref<160x128xi32, #tpu.memory_space<vmem>> -> memref<1x128xi32, #tpu.memory_space<vmem>>
    %dma_start3A_162 = tpu.memref_squeeze %dma_start3A_161 : memref<1x128xi32, #tpu.memory_space<vmem>> -> memref<128xi32, #tpu.memory_space<vmem>>
    %dma_start3A_163 = arith.constant 0 : i32
    %dma_start3A_164 = arith.constant 0 : i32
    %dma_start3A_165 = tpu.memref_slice %arg10[%dma_start3A_163, %dma_start3A_164] : memref<10240x32xf32, #tpu.memory_space<vmem_shared>> -> memref<10240x32xf32, #tpu.memory_space<vmem_shared>>
    tpu.enqueue_indirect_dma source(%dma_start3A_159 : memref<128x32xf32, #tpu.memory_space<vmem>>) target(%dma_start3A_165 : memref<10240x32xf32, #tpu.memory_space<vmem_shared>>) offsets(%dma_start3A_162 : memref<128xi32, #tpu.memory_space<vmem>>) semaphore(%arg17 : memref<!tpu.dma_semaphore, #tpu.memory_space<semaphore_mem>>) {add = true}
    %dma_wait3A_166 = arith.constant 0 : i32
    %dma_wait3A_167 = arith.constant 0 : i32
    %dma_wait3A_168 = arith.constant 0 : i32
    %dma_wait3A_169 = arith.constant 0 : i32
    %dma_wait3A_170 = tpu.memref_slice %arg8[%dma_wait3A_166, %dma_wait3A_168, %dma_wait3A_169] : memref<4x128x32xf32, #tpu.memory_space<vmem>> -> memref<1x128x32xf32, #tpu.memory_space<vmem>>
    %dma_wait3A_171 = tpu.memref_squeeze %dma_wait3A_170 : memref<1x128x32xf32, #tpu.memory_space<vmem>> -> memref<128x32xf32, #tpu.memory_space<vmem>>
    %dma_wait3A_172 = arith.constant 0 : i32
    %dma_wait3A_173 = tpu.memref_slice %arg7[%dma_wait3A_167, %dma_wait3A_172] : memref<160x128xi32, #tpu.memory_space<vmem>> -> memref<1x128xi32, #tpu.memory_space<vmem>>
    %dma_wait3A_174 = tpu.memref_squeeze %dma_wait3A_173 : memref<1x128xi32, #tpu.memory_space<vmem>> -> memref<128xi32, #tpu.memory_space<vmem>>
    %dma_wait3A_175 = arith.constant 0 : i32
    %dma_wait3A_176 = arith.constant 0 : i32
    %dma_wait3A_177 = tpu.memref_slice %arg10[%dma_wait3A_175, %dma_wait3A_176] : memref<10240x32xf32, #tpu.memory_space<vmem_shared>> -> memref<10240x32xf32, #tpu.memory_space<vmem_shared>>
    tpu.wait_indirect_dma semaphore(%arg15 : memref<!tpu.dma_semaphore, #tpu.memory_space<semaphore_mem>>) src(%dma_wait3A_171 : memref<128x32xf32, #tpu.memory_space<vmem>>) dst(%dma_wait3A_177 : memref<10240x32xf32, #tpu.memory_space<vmem_shared>>)
    %dma_start3A_178 = arith.constant 4 : i32
    %dma_start3A_179 = arith.constant 0 : i32
    %dma_start3A_180 = arith.constant 0 : i32
    %dma_start3A_181 = arith.constant 0 : i32
    %dma_start3A_182 = tpu.memref_slice %arg8[%dma_start3A_179, %dma_start3A_180, %dma_start3A_181] : memref<4x128x32xf32, #tpu.memory_space<vmem>> -> memref<1x128x32xf32, #tpu.memory_space<vmem>>
    %dma_start3A_183 = tpu.memref_squeeze %dma_start3A_182 : memref<1x128x32xf32, #tpu.memory_space<vmem>> -> memref<128x32xf32, #tpu.memory_space<vmem>>
    %dma_start3A_184 = arith.constant 0 : i32
    %dma_start3A_185 = tpu.memref_slice %arg6[%dma_start3A_178, %dma_start3A_184] : memref<160x128xi32, #tpu.memory_space<vmem>> -> memref<1x128xi32, #tpu.memory_space<vmem>>
    %dma_start3A_186 = tpu.memref_squeeze %dma_start3A_185 : memref<1x128xi32, #tpu.memory_space<vmem>> -> memref<128xi32, #tpu.memory_space<vmem>>
    %dma_start3A_187 = arith.constant 0 : i32
    %dma_start3A_188 = arith.constant 0 : i32
    %dma_start3A_189 = tpu.memref_slice %arg2[%dma_start3A_187, %dma_start3A_188] : memref<20000x32xf32, #tpu.memory_space<hbm>> -> memref<20000x32xf32, #tpu.memory_space<hbm>>
    tpu.enqueue_indirect_dma source(%dma_start3A_189 : memref<20000x32xf32, #tpu.memory_space<hbm>>) target(%dma_start3A_183 : memref<128x32xf32, #tpu.memory_space<vmem>>) offsets(%dma_start3A_186 : memref<128xi32, #tpu.memory_space<vmem>>) semaphore(%arg11 : memref<!tpu.dma_semaphore, #tpu.memory_space<semaphore_mem>>)
    %dma_wait3A_190 = arith.constant 0 : i32
    %dma_wait3A_191 = arith.constant 3 : i32
    %dma_wait3A_192 = arith.constant 0 : i32
    %dma_wait3A_193 = arith.constant 0 : i32
    %dma_wait3A_194 = tpu.memref_slice %arg8[%dma_wait3A_191, %dma_wait3A_192, %dma_wait3A_193] : memref<4x128x32xf32, #tpu.memory_space<vmem>> -> memref<1x128x32xf32, #tpu.memory_space<vmem>>
    %dma_wait3A_195 = tpu.memref_squeeze %dma_wait3A_194 : memref<1x128x32xf32, #tpu.memory_space<vmem>> -> memref<128x32xf32, #tpu.memory_space<vmem>>
    %dma_wait3A_196 = arith.constant 0 : i32
    %dma_wait3A_197 = tpu.memref_slice %arg6[%dma_wait3A_190, %dma_wait3A_196] : memref<160x128xi32, #tpu.memory_space<vmem>> -> memref<1x128xi32, #tpu.memory_space<vmem>>
    %dma_wait3A_198 = tpu.memref_squeeze %dma_wait3A_197 : memref<1x128xi32, #tpu.memory_space<vmem>> -> memref<128xi32, #tpu.memory_space<vmem>>
    %dma_wait3A_199 = arith.constant 0 : i32
    %dma_wait3A_200 = arith.constant 0 : i32
    %dma_wait3A_201 = tpu.memref_slice %arg2[%dma_wait3A_199, %dma_wait3A_200] : memref<20000x32xf32, #tpu.memory_space<hbm>> -> memref<20000x32xf32, #tpu.memory_space<hbm>>
    tpu.wait_indirect_dma semaphore(%arg14 : memref<!tpu.dma_semaphore, #tpu.memory_space<semaphore_mem>>) src(%dma_wait3A_201 : memref<20000x32xf32, #tpu.memory_space<hbm>>) dst(%dma_wait3A_195 : memref<128x32xf32, #tpu.memory_space<vmem>>)
    %dma_start3A_202 = arith.constant 3 : i32
    %dma_start3A_203 = arith.constant 3 : i32
    %dma_start3A_204 = arith.constant 0 : i32
    %dma_start3A_205 = arith.constant 0 : i32
    %dma_start3A_206 = tpu.memref_slice %arg8[%dma_start3A_202, %dma_start3A_204, %dma_start3A_205] : memref<4x128x32xf32, #tpu.memory_space<vmem>> -> memref<1x128x32xf32, #tpu.memory_space<vmem>>
    %dma_start3A_207 = tpu.memref_squeeze %dma_start3A_206 : memref<1x128x32xf32, #tpu.memory_space<vmem>> -> memref<128x32xf32, #tpu.memory_space<vmem>>
    %dma_start3A_208 = arith.constant 0 : i32
    %dma_start3A_209 = tpu.memref_slice %arg7[%dma_start3A_203, %dma_start3A_208] : memref<160x128xi32, #tpu.memory_space<vmem>> -> memref<1x128xi32, #tpu.memory_space<vmem>>
    %dma_start3A_210 = tpu.memref_squeeze %dma_start3A_209 : memref<1x128xi32, #tpu.memory_space<vmem>> -> memref<128xi32, #tpu.memory_space<vmem>>
    %dma_start3A_211 = arith.constant 0 : i32
    %dma_start3A_212 = arith.constant 0 : i32
    %dma_start3A_213 = tpu.memref_slice %arg10[%dma_start3A_211, %dma_start3A_212] : memref<10240x32xf32, #tpu.memory_space<vmem_shared>> -> memref<10240x32xf32, #tpu.memory_space<vmem_shared>>
    tpu.enqueue_indirect_dma source(%dma_start3A_207 : memref<128x32xf32, #tpu.memory_space<vmem>>) target(%dma_start3A_213 : memref<10240x32xf32, #tpu.memory_space<vmem_shared>>) offsets(%dma_start3A_210 : memref<128xi32, #tpu.memory_space<vmem>>) semaphore(%arg18 : memref<!tpu.dma_semaphore, #tpu.memory_space<semaphore_mem>>) {add = true}
    %dma_wait3A_214 = arith.constant 1 : i32
    %dma_wait3A_215 = arith.constant 0 : i32
    %dma_wait3A_216 = arith.constant 0 : i32
    %dma_wait3A_217 = arith.constant 0 : i32
    %dma_wait3A_218 = tpu.memref_slice %arg8[%dma_wait3A_214, %dma_wait3A_216, %dma_wait3A_217] : memref<4x128x32xf32, #tpu.memory_space<vmem>> -> memref<1x128x32xf32, #tpu.memory_space<vmem>>
    %dma_wait3A_219 = tpu.memref_squeeze %dma_wait3A_218 : memref<1x128x32xf32, #tpu.memory_space<vmem>> -> memref<128x32xf32, #tpu.memory_space<vmem>>
    %dma_wait3A_220 = arith.constant 0 : i32
    %dma_wait3A_221 = tpu.memref_slice %arg7[%dma_wait3A_215, %dma_wait3A_220] : memref<160x128xi32, #tpu.memory_space<vmem>> -> memref<1x128xi32, #tpu.memory_space<vmem>>
    %dma_wait3A_222 = tpu.memref_squeeze %dma_wait3A_221 : memref<1x128xi32, #tpu.memory_space<vmem>> -> memref<128xi32, #tpu.memory_space<vmem>>
    %dma_wait3A_223 = arith.constant 0 : i32
    %dma_wait3A_224 = arith.constant 0 : i32
    %dma_wait3A_225 = tpu.memref_slice %arg10[%dma_wait3A_223, %dma_wait3A_224] : memref<10240x32xf32, #tpu.memory_space<vmem_shared>> -> memref<10240x32xf32, #tpu.memory_space<vmem_shared>>
    tpu.wait_indirect_dma semaphore(%arg16 : memref<!tpu.dma_semaphore, #tpu.memory_space<semaphore_mem>>) src(%dma_wait3A_219 : memref<128x32xf32, #tpu.memory_space<vmem>>) dst(%dma_wait3A_225 : memref<10240x32xf32, #tpu.memory_space<vmem_shared>>)
    %dma_start3A_226 = arith.constant 5 : i32
    %dma_start3A_227 = arith.constant 1 : i32
    %dma_start3A_228 = arith.constant 0 : i32
    %dma_start3A_229 = arith.constant 0 : i32
    %dma_start3A_230 = tpu.memref_slice %arg8[%dma_start3A_227, %dma_start3A_228, %dma_start3A_229] : memref<4x128x32xf32, #tpu.memory_space<vmem>> -> memref<1x128x32xf32, #tpu.memory_space<vmem>>
    %dma_start3A_231 = tpu.memref_squeeze %dma_start3A_230 : memref<1x128x32xf32, #tpu.memory_space<vmem>> -> memref<128x32xf32, #tpu.memory_space<vmem>>
    %dma_start3A_232 = arith.constant 0 : i32
    %dma_start3A_233 = tpu.memref_slice %arg6[%dma_start3A_226, %dma_start3A_232] : memref<160x128xi32, #tpu.memory_space<vmem>> -> memref<1x128xi32, #tpu.memory_space<vmem>>
    %dma_start3A_234 = tpu.memref_squeeze %dma_start3A_233 : memref<1x128xi32, #tpu.memory_space<vmem>> -> memref<128xi32, #tpu.memory_space<vmem>>
    %dma_start3A_235 = arith.constant 0 : i32
    %dma_start3A_236 = arith.constant 0 : i32
    %dma_start3A_237 = tpu.memref_slice %arg2[%dma_start3A_235, %dma_start3A_236] : memref<20000x32xf32, #tpu.memory_space<hbm>> -> memref<20000x32xf32, #tpu.memory_space<hbm>>
    tpu.enqueue_indirect_dma source(%dma_start3A_237 : memref<20000x32xf32, #tpu.memory_space<hbm>>) target(%dma_start3A_231 : memref<128x32xf32, #tpu.memory_space<vmem>>) offsets(%dma_start3A_234 : memref<128xi32, #tpu.memory_space<vmem>>) semaphore(%arg12 : memref<!tpu.dma_semaphore, #tpu.memory_space<semaphore_mem>>)
    %scan3A_238 = arith.constant 0 : i32
    %scan3A_239 = arith.constant 1 : i32
    %scan3A_240 = arith.constant 39 : i32
    %scan3A_241 = arith.addi %scan3A_239, %scan3A_240 : i32
    %scan3A_242 = arith.constant 1 : i32
    %scan3A_243 = scf.for %scan3A_301 = %scan3A_239 to %scan3A_241 step %scan3A_242 iter_args(%scan3A_302 = %scan3A_238) -> (i32)  : i32 {
      %mul3A_303 = arith.constant 4 : i32
      %mul3A_304 = arith.muli %mul3A_303, %scan3A_301 : i32
      %add3A_305 = arith.constant 0 : i32
      %add3A_306 = arith.addi %mul3A_304, %add3A_305 : i32
      %dma_wait3A_307 = arith.constant 0 : i32
      %dma_wait3A_308 = arith.constant 0 : i32
      %dma_wait3A_309 = arith.constant 0 : i32
      %dma_wait3A_310 = arith.constant 0 : i32
      %dma_wait3A_311 = tpu.memref_slice %arg8[%dma_wait3A_308, %dma_wait3A_309, %dma_wait3A_310] : memref<4x128x32xf32, #tpu.memory_space<vmem>> -> memref<1x128x32xf32, #tpu.memory_space<vmem>>
      %dma_wait3A_312 = tpu.memref_squeeze %dma_wait3A_311 : memref<1x128x32xf32, #tpu.memory_space<vmem>> -> memref<128x32xf32, #tpu.memory_space<vmem>>
      %dma_wait3A_313 = arith.constant 0 : i32
      %dma_wait3A_314 = tpu.memref_slice %arg6[%dma_wait3A_307, %dma_wait3A_313] : memref<160x128xi32, #tpu.memory_space<vmem>> -> memref<1x128xi32, #tpu.memory_space<vmem>>
      %dma_wait3A_315 = tpu.memref_squeeze %dma_wait3A_314 : memref<1x128xi32, #tpu.memory_space<vmem>> -> memref<128xi32, #tpu.memory_space<vmem>>
      %dma_wait3A_316 = arith.constant 0 : i32
      %dma_wait3A_317 = arith.constant 0 : i32
      %dma_wait3A_318 = tpu.memref_slice %arg2[%dma_wait3A_316, %dma_wait3A_317] : memref<20000x32xf32, #tpu.memory_space<hbm>> -> memref<20000x32xf32, #tpu.memory_space<hbm>>
      tpu.wait_indirect_dma semaphore(%arg11 : memref<!tpu.dma_semaphore, #tpu.memory_space<semaphore_mem>>) src(%dma_wait3A_318 : memref<20000x32xf32, #tpu.memory_space<hbm>>) dst(%dma_wait3A_312 : memref<128x32xf32, #tpu.memory_space<vmem>>)
      %dma_start3A_319 = arith.constant 0 : i32
      %dma_start3A_320 = arith.constant 0 : i32
      %dma_start3A_321 = arith.constant 0 : i32
      %dma_start3A_322 = tpu.memref_slice %arg8[%dma_start3A_319, %dma_start3A_320, %dma_start3A_321] : memref<4x128x32xf32, #tpu.memory_space<vmem>> -> memref<1x128x32xf32, #tpu.memory_space<vmem>>
      %dma_start3A_323 = tpu.memref_squeeze %dma_start3A_322 : memref<1x128x32xf32, #tpu.memory_space<vmem>> -> memref<128x32xf32, #tpu.memory_space<vmem>>
      %dma_start3A_324 = arith.constant 0 : i32
      %dma_start3A_325 = tpu.memref_slice %arg7[%add3A_306, %dma_start3A_324] : memref<160x128xi32, #tpu.memory_space<vmem>> -> memref<1x128xi32, #tpu.memory_space<vmem>>
      %dma_start3A_326 = tpu.memref_squeeze %dma_start3A_325 : memref<1x128xi32, #tpu.memory_space<vmem>> -> memref<128xi32, #tpu.memory_space<vmem>>
      %dma_start3A_327 = arith.constant 0 : i32
      %dma_start3A_328 = arith.constant 0 : i32
      %dma_start3A_329 = tpu.memref_slice %arg10[%dma_start3A_327, %dma_start3A_328] : memref<10240x32xf32, #tpu.memory_space<vmem_shared>> -> memref<10240x32xf32, #tpu.memory_space<vmem_shared>>
      tpu.enqueue_indirect_dma source(%dma_start3A_323 : memref<128x32xf32, #tpu.memory_space<vmem>>) target(%dma_start3A_329 : memref<10240x32xf32, #tpu.memory_space<vmem_shared>>) offsets(%dma_start3A_326 : memref<128xi32, #tpu.memory_space<vmem>>) semaphore(%arg15 : memref<!tpu.dma_semaphore, #tpu.memory_space<semaphore_mem>>) {add = true}
      %dma_wait3A_330 = arith.constant 2 : i32
      %dma_wait3A_331 = arith.constant 0 : i32
      %dma_wait3A_332 = arith.constant 0 : i32
      %dma_wait3A_333 = arith.constant 0 : i32
      %dma_wait3A_334 = tpu.memref_slice %arg8[%dma_wait3A_330, %dma_wait3A_332, %dma_wait3A_333] : memref<4x128x32xf32, #tpu.memory_space<vmem>> -> memref<1x128x32xf32, #tpu.memory_space<vmem>>
      %dma_wait3A_335 = tpu.memref_squeeze %dma_wait3A_334 : memref<1x128x32xf32, #tpu.memory_space<vmem>> -> memref<128x32xf32, #tpu.memory_space<vmem>>
      %dma_wait3A_336 = arith.constant 0 : i32
      %dma_wait3A_337 = tpu.memref_slice %arg7[%dma_wait3A_331, %dma_wait3A_336] : memref<160x128xi32, #tpu.memory_space<vmem>> -> memref<1x128xi32, #tpu.memory_space<vmem>>
      %dma_wait3A_338 = tpu.memref_squeeze %dma_wait3A_337 : memref<1x128xi32, #tpu.memory_space<vmem>> -> memref<128xi32, #tpu.memory_space<vmem>>
      %dma_wait3A_339 = arith.constant 0 : i32
      %dma_wait3A_340 = arith.constant 0 : i32
      %dma_wait3A_341 = tpu.memref_slice %arg10[%dma_wait3A_339, %dma_wait3A_340] : memref<10240x32xf32, #tpu.memory_space<vmem_shared>> -> memref<10240x32xf32, #tpu.memory_space<vmem_shared>>
      tpu.wait_indirect_dma semaphore(%arg17 : memref<!tpu.dma_semaphore, #tpu.memory_space<semaphore_mem>>) src(%dma_wait3A_335 : memref<128x32xf32, #tpu.memory_space<vmem>>) dst(%dma_wait3A_341 : memref<10240x32xf32, #tpu.memory_space<vmem_shared>>)
      %add3A_342 = arith.constant 2 : i32
      %add3A_343 = arith.addi %add3A_306, %add3A_342 : i32
      %min3A = arith.constant 159 : i32
      %min3A_344 = arith.minsi %add3A_343, %min3A : i32
      %dma_start3A_345 = arith.constant 2 : i32
      %dma_start3A_346 = arith.constant 0 : i32
      %dma_start3A_347 = arith.constant 0 : i32
      %dma_start3A_348 = tpu.memref_slice %arg8[%dma_start3A_345, %dma_start3A_346, %dma_start3A_347] : memref<4x128x32xf32, #tpu.memory_space<vmem>> -> memref<1x128x32xf32, #tpu.memory_space<vmem>>
      %dma_start3A_349 = tpu.memref_squeeze %dma_start3A_348 : memref<1x128x32xf32, #tpu.memory_space<vmem>> -> memref<128x32xf32, #tpu.memory_space<vmem>>
      %dma_start3A_350 = arith.constant 0 : i32
      %dma_start3A_351 = tpu.memref_slice %arg6[%min3A_344, %dma_start3A_350] : memref<160x128xi32, #tpu.memory_space<vmem>> -> memref<1x128xi32, #tpu.memory_space<vmem>>
      %dma_start3A_352 = tpu.memref_squeeze %dma_start3A_351 : memref<1x128xi32, #tpu.memory_space<vmem>> -> memref<128xi32, #tpu.memory_space<vmem>>
      %dma_start3A_353 = arith.constant 0 : i32
      %dma_start3A_354 = arith.constant 0 : i32
      %dma_start3A_355 = tpu.memref_slice %arg2[%dma_start3A_353, %dma_start3A_354] : memref<20000x32xf32, #tpu.memory_space<hbm>> -> memref<20000x32xf32, #tpu.memory_space<hbm>>
      tpu.enqueue_indirect_dma source(%dma_start3A_355 : memref<20000x32xf32, #tpu.memory_space<hbm>>) target(%dma_start3A_349 : memref<128x32xf32, #tpu.memory_space<vmem>>) offsets(%dma_start3A_352 : memref<128xi32, #tpu.memory_space<vmem>>) semaphore(%arg13 : memref<!tpu.dma_semaphore, #tpu.memory_space<semaphore_mem>>)
      %mul3A_356 = arith.constant 4 : i32
      %mul3A_357 = arith.muli %mul3A_356, %scan3A_301 : i32
      %add3A_358 = arith.constant 1 : i32
      %add3A_359 = arith.addi %mul3A_357, %add3A_358 : i32
      %dma_wait3A_360 = arith.constant 0 : i32
      %dma_wait3A_361 = arith.constant 1 : i32
      %dma_wait3A_362 = arith.constant 0 : i32
      %dma_wait3A_363 = arith.constant 0 : i32
      %dma_wait3A_364 = tpu.memref_slice %arg8[%dma_wait3A_361, %dma_wait3A_362, %dma_wait3A_363] : memref<4x128x32xf32, #tpu.memory_space<vmem>> -> memref<1x128x32xf32, #tpu.memory_space<vmem>>
      %dma_wait3A_365 = tpu.memref_squeeze %dma_wait3A_364 : memref<1x128x32xf32, #tpu.memory_space<vmem>> -> memref<128x32xf32, #tpu.memory_space<vmem>>
      %dma_wait3A_366 = arith.constant 0 : i32
      %dma_wait3A_367 = tpu.memref_slice %arg6[%dma_wait3A_360, %dma_wait3A_366] : memref<160x128xi32, #tpu.memory_space<vmem>> -> memref<1x128xi32, #tpu.memory_space<vmem>>
      %dma_wait3A_368 = tpu.memref_squeeze %dma_wait3A_367 : memref<1x128xi32, #tpu.memory_space<vmem>> -> memref<128xi32, #tpu.memory_space<vmem>>
      %dma_wait3A_369 = arith.constant 0 : i32
      %dma_wait3A_370 = arith.constant 0 : i32
      %dma_wait3A_371 = tpu.memref_slice %arg2[%dma_wait3A_369, %dma_wait3A_370] : memref<20000x32xf32, #tpu.memory_space<hbm>> -> memref<20000x32xf32, #tpu.memory_space<hbm>>
      tpu.wait_indirect_dma semaphore(%arg12 : memref<!tpu.dma_semaphore, #tpu.memory_space<semaphore_mem>>) src(%dma_wait3A_371 : memref<20000x32xf32, #tpu.memory_space<hbm>>) dst(%dma_wait3A_365 : memref<128x32xf32, #tpu.memory_space<vmem>>)
      %dma_start3A_372 = arith.constant 1 : i32
      %dma_start3A_373 = arith.constant 0 : i32
      %dma_start3A_374 = arith.constant 0 : i32
      %dma_start3A_375 = tpu.memref_slice %arg8[%dma_start3A_372, %dma_start3A_373, %dma_start3A_374] : memref<4x128x32xf32, #tpu.memory_space<vmem>> -> memref<1x128x32xf32, #tpu.memory_space<vmem>>
      %dma_start3A_376 = tpu.memref_squeeze %dma_start3A_375 : memref<1x128x32xf32, #tpu.memory_space<vmem>> -> memref<128x32xf32, #tpu.memory_space<vmem>>
      %dma_start3A_377 = arith.constant 0 : i32
      %dma_start3A_378 = tpu.memref_slice %arg7[%add3A_359, %dma_start3A_377] : memref<160x128xi32, #tpu.memory_space<vmem>> -> memref<1x128xi32, #tpu.memory_space<vmem>>
      %dma_start3A_379 = tpu.memref_squeeze %dma_start3A_378 : memref<1x128xi32, #tpu.memory_space<vmem>> -> memref<128xi32, #tpu.memory_space<vmem>>
      %dma_start3A_380 = arith.constant 0 : i32
      %dma_start3A_381 = arith.constant 0 : i32
      %dma_start3A_382 = tpu.memref_slice %arg10[%dma_start3A_380, %dma_start3A_381] : memref<10240x32xf32, #tpu.memory_space<vmem_shared>> -> memref<10240x32xf32, #tpu.memory_space<vmem_shared>>
      tpu.enqueue_indirect_dma source(%dma_start3A_376 : memref<128x32xf32, #tpu.memory_space<vmem>>) target(%dma_start3A_382 : memref<10240x32xf32, #tpu.memory_space<vmem_shared>>) offsets(%dma_start3A_379 : memref<128xi32, #tpu.memory_space<vmem>>) semaphore(%arg16 : memref<!tpu.dma_semaphore, #tpu.memory_space<semaphore_mem>>) {add = true}
      %dma_wait3A_383 = arith.constant 3 : i32
      %dma_wait3A_384 = arith.constant 0 : i32
      %dma_wait3A_385 = arith.constant 0 : i32
      %dma_wait3A_386 = arith.constant 0 : i32
      %dma_wait3A_387 = tpu.memref_slice %arg8[%dma_wait3A_383, %dma_wait3A_385, %dma_wait3A_386] : memref<4x128x32xf32, #tpu.memory_space<vmem>> -> memref<1x128x32xf32, #tpu.memory_space<vmem>>
      %dma_wait3A_388 = tpu.memref_squeeze %dma_wait3A_387 : memref<1x128x32xf32, #tpu.memory_space<vmem>> -> memref<128x32xf32, #tpu.memory_space<vmem>>
      %dma_wait3A_389 = arith.constant 0 : i32
      %dma_wait3A_390 = tpu.memref_slice %arg7[%dma_wait3A_384, %dma_wait3A_389] : memref<160x128xi32, #tpu.memory_space<vmem>> -> memref<1x128xi32, #tpu.memory_space<vmem>>
      %dma_wait3A_391 = tpu.memref_squeeze %dma_wait3A_390 : memref<1x128xi32, #tpu.memory_space<vmem>> -> memref<128xi32, #tpu.memory_space<vmem>>
      %dma_wait3A_392 = arith.constant 0 : i32
      %dma_wait3A_393 = arith.constant 0 : i32
      %dma_wait3A_394 = tpu.memref_slice %arg10[%dma_wait3A_392, %dma_wait3A_393] : memref<10240x32xf32, #tpu.memory_space<vmem_shared>> -> memref<10240x32xf32, #tpu.memory_space<vmem_shared>>
      tpu.wait_indirect_dma semaphore(%arg18 : memref<!tpu.dma_semaphore, #tpu.memory_space<semaphore_mem>>) src(%dma_wait3A_388 : memref<128x32xf32, #tpu.memory_space<vmem>>) dst(%dma_wait3A_394 : memref<10240x32xf32, #tpu.memory_space<vmem_shared>>)
      %add3A_395 = arith.constant 2 : i32
      %add3A_396 = arith.addi %add3A_359, %add3A_395 : i32
      %min3A_397 = arith.constant 159 : i32
      %min3A_398 = arith.minsi %add3A_396, %min3A_397 : i32
      %dma_start3A_399 = arith.constant 3 : i32
      %dma_start3A_400 = arith.constant 0 : i32
      %dma_start3A_401 = arith.constant 0 : i32
      %dma_start3A_402 = tpu.memref_slice %arg8[%dma_start3A_399, %dma_start3A_400, %dma_start3A_401] : memref<4x128x32xf32, #tpu.memory_space<vmem>> -> memref<1x128x32xf32, #tpu.memory_space<vmem>>
      %dma_start3A_403 = tpu.memref_squeeze %dma_start3A_402 : memref<1x128x32xf32, #tpu.memory_space<vmem>> -> memref<128x32xf32, #tpu.memory_space<vmem>>
      %dma_start3A_404 = arith.constant 0 : i32
      %dma_start3A_405 = tpu.memref_slice %arg6[%min3A_398, %dma_start3A_404] : memref<160x128xi32, #tpu.memory_space<vmem>> -> memref<1x128xi32, #tpu.memory_space<vmem>>
      %dma_start3A_406 = tpu.memref_squeeze %dma_start3A_405 : memref<1x128xi32, #tpu.memory_space<vmem>> -> memref<128xi32, #tpu.memory_space<vmem>>
      %dma_start3A_407 = arith.constant 0 : i32
      %dma_start3A_408 = arith.constant 0 : i32
      %dma_start3A_409 = tpu.memref_slice %arg2[%dma_start3A_407, %dma_start3A_408] : memref<20000x32xf32, #tpu.memory_space<hbm>> -> memref<20000x32xf32, #tpu.memory_space<hbm>>
      tpu.enqueue_indirect_dma source(%dma_start3A_409 : memref<20000x32xf32, #tpu.memory_space<hbm>>) target(%dma_start3A_403 : memref<128x32xf32, #tpu.memory_space<vmem>>) offsets(%dma_start3A_406 : memref<128xi32, #tpu.memory_space<vmem>>) semaphore(%arg14 : memref<!tpu.dma_semaphore, #tpu.memory_space<semaphore_mem>>)
      %mul3A_410 = arith.constant 4 : i32
      %mul3A_411 = arith.muli %mul3A_410, %scan3A_301 : i32
      %add3A_412 = arith.constant 2 : i32
      %add3A_413 = arith.addi %mul3A_411, %add3A_412 : i32
      %dma_wait3A_414 = arith.constant 0 : i32
      %dma_wait3A_415 = arith.constant 2 : i32
      %dma_wait3A_416 = arith.constant 0 : i32
      %dma_wait3A_417 = arith.constant 0 : i32
      %dma_wait3A_418 = tpu.memref_slice %arg8[%dma_wait3A_415, %dma_wait3A_416, %dma_wait3A_417] : memref<4x128x32xf32, #tpu.memory_space<vmem>> -> memref<1x128x32xf32, #tpu.memory_space<vmem>>
      %dma_wait3A_419 = tpu.memref_squeeze %dma_wait3A_418 : memref<1x128x32xf32, #tpu.memory_space<vmem>> -> memref<128x32xf32, #tpu.memory_space<vmem>>
      %dma_wait3A_420 = arith.constant 0 : i32
      %dma_wait3A_421 = tpu.memref_slice %arg6[%dma_wait3A_414, %dma_wait3A_420] : memref<160x128xi32, #tpu.memory_space<vmem>> -> memref<1x128xi32, #tpu.memory_space<vmem>>
      %dma_wait3A_422 = tpu.memref_squeeze %dma_wait3A_421 : memref<1x128xi32, #tpu.memory_space<vmem>> -> memref<128xi32, #tpu.memory_space<vmem>>
      %dma_wait3A_423 = arith.constant 0 : i32
      %dma_wait3A_424 = arith.constant 0 : i32
      %dma_wait3A_425 = tpu.memref_slice %arg2[%dma_wait3A_423, %dma_wait3A_424] : memref<20000x32xf32, #tpu.memory_space<hbm>> -> memref<20000x32xf32, #tpu.memory_space<hbm>>
      tpu.wait_indirect_dma semaphore(%arg13 : memref<!tpu.dma_semaphore, #tpu.memory_space<semaphore_mem>>) src(%dma_wait3A_425 : memref<20000x32xf32, #tpu.memory_space<hbm>>) dst(%dma_wait3A_419 : memref<128x32xf32, #tpu.memory_space<vmem>>)
      %dma_start3A_426 = arith.constant 2 : i32
      %dma_start3A_427 = arith.constant 0 : i32
      %dma_start3A_428 = arith.constant 0 : i32
      %dma_start3A_429 = tpu.memref_slice %arg8[%dma_start3A_426, %dma_start3A_427, %dma_start3A_428] : memref<4x128x32xf32, #tpu.memory_space<vmem>> -> memref<1x128x32xf32, #tpu.memory_space<vmem>>
      %dma_start3A_430 = tpu.memref_squeeze %dma_start3A_429 : memref<1x128x32xf32, #tpu.memory_space<vmem>> -> memref<128x32xf32, #tpu.memory_space<vmem>>
      %dma_start3A_431 = arith.constant 0 : i32
      %dma_start3A_432 = tpu.memref_slice %arg7[%add3A_413, %dma_start3A_431] : memref<160x128xi32, #tpu.memory_space<vmem>> -> memref<1x128xi32, #tpu.memory_space<vmem>>
      %dma_start3A_433 = tpu.memref_squeeze %dma_start3A_432 : memref<1x128xi32, #tpu.memory_space<vmem>> -> memref<128xi32, #tpu.memory_space<vmem>>
      %dma_start3A_434 = arith.constant 0 : i32
      %dma_start3A_435 = arith.constant 0 : i32
      %dma_start3A_436 = tpu.memref_slice %arg10[%dma_start3A_434, %dma_start3A_435] : memref<10240x32xf32, #tpu.memory_space<vmem_shared>> -> memref<10240x32xf32, #tpu.memory_space<vmem_shared>>
      tpu.enqueue_indirect_dma source(%dma_start3A_430 : memref<128x32xf32, #tpu.memory_space<vmem>>) target(%dma_start3A_436 : memref<10240x32xf32, #tpu.memory_space<vmem_shared>>) offsets(%dma_start3A_433 : memref<128xi32, #tpu.memory_space<vmem>>) semaphore(%arg17 : memref<!tpu.dma_semaphore, #tpu.memory_space<semaphore_mem>>) {add = true}
      %dma_wait3A_437 = arith.constant 0 : i32
      %dma_wait3A_438 = arith.constant 0 : i32
      %dma_wait3A_439 = arith.constant 0 : i32
      %dma_wait3A_440 = arith.constant 0 : i32
      %dma_wait3A_441 = tpu.memref_slice %arg8[%dma_wait3A_437, %dma_wait3A_439, %dma_wait3A_440] : memref<4x128x32xf32, #tpu.memory_space<vmem>> -> memref<1x128x32xf32, #tpu.memory_space<vmem>>
      %dma_wait3A_442 = tpu.memref_squeeze %dma_wait3A_441 : memref<1x128x32xf32, #tpu.memory_space<vmem>> -> memref<128x32xf32, #tpu.memory_space<vmem>>
      %dma_wait3A_443 = arith.constant 0 : i32
      %dma_wait3A_444 = tpu.memref_slice %arg7[%dma_wait3A_438, %dma_wait3A_443] : memref<160x128xi32, #tpu.memory_space<vmem>> -> memref<1x128xi32, #tpu.memory_space<vmem>>
      %dma_wait3A_445 = tpu.memref_squeeze %dma_wait3A_444 : memref<1x128xi32, #tpu.memory_space<vmem>> -> memref<128xi32, #tpu.memory_space<vmem>>
      %dma_wait3A_446 = arith.constant 0 : i32
      %dma_wait3A_447 = arith.constant 0 : i32
      %dma_wait3A_448 = tpu.memref_slice %arg10[%dma_wait3A_446, %dma_wait3A_447] : memref<10240x32xf32, #tpu.memory_space<vmem_shared>> -> memref<10240x32xf32, #tpu.memory_space<vmem_shared>>
      tpu.wait_indirect_dma semaphore(%arg15 : memref<!tpu.dma_semaphore, #tpu.memory_space<semaphore_mem>>) src(%dma_wait3A_442 : memref<128x32xf32, #tpu.memory_space<vmem>>) dst(%dma_wait3A_448 : memref<10240x32xf32, #tpu.memory_space<vmem_shared>>)
      %add3A_449 = arith.constant 2 : i32
      %add3A_450 = arith.addi %add3A_413, %add3A_449 : i32
      %min3A_451 = arith.constant 159 : i32
      %min3A_452 = arith.minsi %add3A_450, %min3A_451 : i32
      %dma_start3A_453 = arith.constant 0 : i32
      %dma_start3A_454 = arith.constant 0 : i32
      %dma_start3A_455 = arith.constant 0 : i32
      %dma_start3A_456 = tpu.memref_slice %arg8[%dma_start3A_453, %dma_start3A_454, %dma_start3A_455] : memref<4x128x32xf32, #tpu.memory_space<vmem>> -> memref<1x128x32xf32, #tpu.memory_space<vmem>>
      %dma_start3A_457 = tpu.memref_squeeze %dma_start3A_456 : memref<1x128x32xf32, #tpu.memory_space<vmem>> -> memref<128x32xf32, #tpu.memory_space<vmem>>
      %dma_start3A_458 = arith.constant 0 : i32
      %dma_start3A_459 = tpu.memref_slice %arg6[%min3A_452, %dma_start3A_458] : memref<160x128xi32, #tpu.memory_space<vmem>> -> memref<1x128xi32, #tpu.memory_space<vmem>>
      %dma_start3A_460 = tpu.memref_squeeze %dma_start3A_459 : memref<1x128xi32, #tpu.memory_space<vmem>> -> memref<128xi32, #tpu.memory_space<vmem>>
      %dma_start3A_461 = arith.constant 0 : i32
      %dma_start3A_462 = arith.constant 0 : i32
      %dma_start3A_463 = tpu.memref_slice %arg2[%dma_start3A_461, %dma_start3A_462] : memref<20000x32xf32, #tpu.memory_space<hbm>> -> memref<20000x32xf32, #tpu.memory_space<hbm>>
      tpu.enqueue_indirect_dma source(%dma_start3A_463 : memref<20000x32xf32, #tpu.memory_space<hbm>>) target(%dma_start3A_457 : memref<128x32xf32, #tpu.memory_space<vmem>>) offsets(%dma_start3A_460 : memref<128xi32, #tpu.memory_space<vmem>>) semaphore(%arg11 : memref<!tpu.dma_semaphore, #tpu.memory_space<semaphore_mem>>)
      %mul3A_464 = arith.constant 4 : i32
      %mul3A_465 = arith.muli %mul3A_464, %scan3A_301 : i32
      %add3A_466 = arith.constant 3 : i32
      %add3A_467 = arith.addi %mul3A_465, %add3A_466 : i32
      %dma_wait3A_468 = arith.constant 0 : i32
      %dma_wait3A_469 = arith.constant 3 : i32
      %dma_wait3A_470 = arith.constant 0 : i32
      %dma_wait3A_471 = arith.constant 0 : i32
      %dma_wait3A_472 = tpu.memref_slice %arg8[%dma_wait3A_469, %dma_wait3A_470, %dma_wait3A_471] : memref<4x128x32xf32, #tpu.memory_space<vmem>> -> memref<1x128x32xf32, #tpu.memory_space<vmem>>
      %dma_wait3A_473 = tpu.memref_squeeze %dma_wait3A_472 : memref<1x128x32xf32, #tpu.memory_space<vmem>> -> memref<128x32xf32, #tpu.memory_space<vmem>>
      %dma_wait3A_474 = arith.constant 0 : i32
      %dma_wait3A_475 = tpu.memref_slice %arg6[%dma_wait3A_468, %dma_wait3A_474] : memref<160x128xi32, #tpu.memory_space<vmem>> -> memref<1x128xi32, #tpu.memory_space<vmem>>
      %dma_wait3A_476 = tpu.memref_squeeze %dma_wait3A_475 : memref<1x128xi32, #tpu.memory_space<vmem>> -> memref<128xi32, #tpu.memory_space<vmem>>
      %dma_wait3A_477 = arith.constant 0 : i32
      %dma_wait3A_478 = arith.constant 0 : i32
      %dma_wait3A_479 = tpu.memref_slice %arg2[%dma_wait3A_477, %dma_wait3A_478] : memref<20000x32xf32, #tpu.memory_space<hbm>> -> memref<20000x32xf32, #tpu.memory_space<hbm>>
      tpu.wait_indirect_dma semaphore(%arg14 : memref<!tpu.dma_semaphore, #tpu.memory_space<semaphore_mem>>) src(%dma_wait3A_479 : memref<20000x32xf32, #tpu.memory_space<hbm>>) dst(%dma_wait3A_473 : memref<128x32xf32, #tpu.memory_space<vmem>>)
      %dma_start3A_480 = arith.constant 3 : i32
      %dma_start3A_481 = arith.constant 0 : i32
      %dma_start3A_482 = arith.constant 0 : i32
      %dma_start3A_483 = tpu.memref_slice %arg8[%dma_start3A_480, %dma_start3A_481, %dma_start3A_482] : memref<4x128x32xf32, #tpu.memory_space<vmem>> -> memref<1x128x32xf32, #tpu.memory_space<vmem>>
      %dma_start3A_484 = tpu.memref_squeeze %dma_start3A_483 : memref<1x128x32xf32, #tpu.memory_space<vmem>> -> memref<128x32xf32, #tpu.memory_space<vmem>>
      %dma_start3A_485 = arith.constant 0 : i32
      %dma_start3A_486 = tpu.memref_slice %arg7[%add3A_467, %dma_start3A_485] : memref<160x128xi32, #tpu.memory_space<vmem>> -> memref<1x128xi32, #tpu.memory_space<vmem>>
      %dma_start3A_487 = tpu.memref_squeeze %dma_start3A_486 : memref<1x128xi32, #tpu.memory_space<vmem>> -> memref<128xi32, #tpu.memory_space<vmem>>
      %dma_start3A_488 = arith.constant 0 : i32
      %dma_start3A_489 = arith.constant 0 : i32
      %dma_start3A_490 = tpu.memref_slice %arg10[%dma_start3A_488, %dma_start3A_489] : memref<10240x32xf32, #tpu.memory_space<vmem_shared>> -> memref<10240x32xf32, #tpu.memory_space<vmem_shared>>
      tpu.enqueue_indirect_dma source(%dma_start3A_484 : memref<128x32xf32, #tpu.memory_space<vmem>>) target(%dma_start3A_490 : memref<10240x32xf32, #tpu.memory_space<vmem_shared>>) offsets(%dma_start3A_487 : memref<128xi32, #tpu.memory_space<vmem>>) semaphore(%arg18 : memref<!tpu.dma_semaphore, #tpu.memory_space<semaphore_mem>>) {add = true}
      %dma_wait3A_491 = arith.constant 1 : i32
      %dma_wait3A_492 = arith.constant 0 : i32
      %dma_wait3A_493 = arith.constant 0 : i32
      %dma_wait3A_494 = arith.constant 0 : i32
      %dma_wait3A_495 = tpu.memref_slice %arg8[%dma_wait3A_491, %dma_wait3A_493, %dma_wait3A_494] : memref<4x128x32xf32, #tpu.memory_space<vmem>> -> memref<1x128x32xf32, #tpu.memory_space<vmem>>
      %dma_wait3A_496 = tpu.memref_squeeze %dma_wait3A_495 : memref<1x128x32xf32, #tpu.memory_space<vmem>> -> memref<128x32xf32, #tpu.memory_space<vmem>>
      %dma_wait3A_497 = arith.constant 0 : i32
      %dma_wait3A_498 = tpu.memref_slice %arg7[%dma_wait3A_492, %dma_wait3A_497] : memref<160x128xi32, #tpu.memory_space<vmem>> -> memref<1x128xi32, #tpu.memory_space<vmem>>
      %dma_wait3A_499 = tpu.memref_squeeze %dma_wait3A_498 : memref<1x128xi32, #tpu.memory_space<vmem>> -> memref<128xi32, #tpu.memory_space<vmem>>
      %dma_wait3A_500 = arith.constant 0 : i32
      %dma_wait3A_501 = arith.constant 0 : i32
      %dma_wait3A_502 = tpu.memref_slice %arg10[%dma_wait3A_500, %dma_wait3A_501] : memref<10240x32xf32, #tpu.memory_space<vmem_shared>> -> memref<10240x32xf32, #tpu.memory_space<vmem_shared>>
      tpu.wait_indirect_dma semaphore(%arg16 : memref<!tpu.dma_semaphore, #tpu.memory_space<semaphore_mem>>) src(%dma_wait3A_496 : memref<128x32xf32, #tpu.memory_space<vmem>>) dst(%dma_wait3A_502 : memref<10240x32xf32, #tpu.memory_space<vmem_shared>>)
      %add3A_503 = arith.constant 2 : i32
      %add3A_504 = arith.addi %add3A_467, %add3A_503 : i32
      %min3A_505 = arith.constant 159 : i32
      %min3A_506 = arith.minsi %add3A_504, %min3A_505 : i32
      %dma_start3A_507 = arith.constant 1 : i32
      %dma_start3A_508 = arith.constant 0 : i32
      %dma_start3A_509 = arith.constant 0 : i32
      %dma_start3A_510 = tpu.memref_slice %arg8[%dma_start3A_507, %dma_start3A_508, %dma_start3A_509] : memref<4x128x32xf32, #tpu.memory_space<vmem>> -> memref<1x128x32xf32, #tpu.memory_space<vmem>>
      %dma_start3A_511 = tpu.memref_squeeze %dma_start3A_510 : memref<1x128x32xf32, #tpu.memory_space<vmem>> -> memref<128x32xf32, #tpu.memory_space<vmem>>
      %dma_start3A_512 = arith.constant 0 : i32
      %dma_start3A_513 = tpu.memref_slice %arg6[%min3A_506, %dma_start3A_512] : memref<160x128xi32, #tpu.memory_space<vmem>> -> memref<1x128xi32, #tpu.memory_space<vmem>>
      %dma_start3A_514 = tpu.memref_squeeze %dma_start3A_513 : memref<1x128xi32, #tpu.memory_space<vmem>> -> memref<128xi32, #tpu.memory_space<vmem>>
      %dma_start3A_515 = arith.constant 0 : i32
      %dma_start3A_516 = arith.constant 0 : i32
      %dma_start3A_517 = tpu.memref_slice %arg2[%dma_start3A_515, %dma_start3A_516] : memref<20000x32xf32, #tpu.memory_space<hbm>> -> memref<20000x32xf32, #tpu.memory_space<hbm>>
      tpu.enqueue_indirect_dma source(%dma_start3A_517 : memref<20000x32xf32, #tpu.memory_space<hbm>>) target(%dma_start3A_511 : memref<128x32xf32, #tpu.memory_space<vmem>>) offsets(%dma_start3A_514 : memref<128xi32, #tpu.memory_space<vmem>>) semaphore(%arg12 : memref<!tpu.dma_semaphore, #tpu.memory_space<semaphore_mem>>)
      %scan3A_518 = arith.constant 0 : i32
      scf.yield %scan3A_518 : i32
    }
    %scan3A_244 = arith.constant 39 : i32
    %dma_wait3A_245 = arith.constant 0 : i32
    %dma_wait3A_246 = arith.constant 0 : i32
    %dma_wait3A_247 = arith.constant 0 : i32
    %dma_wait3A_248 = arith.constant 0 : i32
    %dma_wait3A_249 = tpu.memref_slice %arg8[%dma_wait3A_246, %dma_wait3A_247, %dma_wait3A_248] : memref<4x128x32xf32, #tpu.memory_space<vmem>> -> memref<1x128x32xf32, #tpu.memory_space<vmem>>
    %dma_wait3A_250 = tpu.memref_squeeze %dma_wait3A_249 : memref<1x128x32xf32, #tpu.memory_space<vmem>> -> memref<128x32xf32, #tpu.memory_space<vmem>>
    %dma_wait3A_251 = arith.constant 0 : i32
    %dma_wait3A_252 = tpu.memref_slice %arg6[%dma_wait3A_245, %dma_wait3A_251] : memref<160x128xi32, #tpu.memory_space<vmem>> -> memref<1x128xi32, #tpu.memory_space<vmem>>
    %dma_wait3A_253 = tpu.memref_squeeze %dma_wait3A_252 : memref<1x128xi32, #tpu.memory_space<vmem>> -> memref<128xi32, #tpu.memory_space<vmem>>
    %dma_wait3A_254 = arith.constant 0 : i32
    %dma_wait3A_255 = arith.constant 0 : i32
    %dma_wait3A_256 = tpu.memref_slice %arg2[%dma_wait3A_254, %dma_wait3A_255] : memref<20000x32xf32, #tpu.memory_space<hbm>> -> memref<20000x32xf32, #tpu.memory_space<hbm>>
    tpu.wait_indirect_dma semaphore(%arg11 : memref<!tpu.dma_semaphore, #tpu.memory_space<semaphore_mem>>) src(%dma_wait3A_256 : memref<20000x32xf32, #tpu.memory_space<hbm>>) dst(%dma_wait3A_250 : memref<128x32xf32, #tpu.memory_space<vmem>>)
    %dma_wait3A_257 = arith.constant 0 : i32
    %dma_wait3A_258 = arith.constant 1 : i32
    %dma_wait3A_259 = arith.constant 0 : i32
    %dma_wait3A_260 = arith.constant 0 : i32
    %dma_wait3A_261 = tpu.memref_slice %arg8[%dma_wait3A_258, %dma_wait3A_259, %dma_wait3A_260] : memref<4x128x32xf32, #tpu.memory_space<vmem>> -> memref<1x128x32xf32, #tpu.memory_space<vmem>>
    %dma_wait3A_262 = tpu.memref_squeeze %dma_wait3A_261 : memref<1x128x32xf32, #tpu.memory_space<vmem>> -> memref<128x32xf32, #tpu.memory_space<vmem>>
    %dma_wait3A_263 = arith.constant 0 : i32
    %dma_wait3A_264 = tpu.memref_slice %arg6[%dma_wait3A_257, %dma_wait3A_263] : memref<160x128xi32, #tpu.memory_space<vmem>> -> memref<1x128xi32, #tpu.memory_space<vmem>>
    %dma_wait3A_265 = tpu.memref_squeeze %dma_wait3A_264 : memref<1x128xi32, #tpu.memory_space<vmem>> -> memref<128xi32, #tpu.memory_space<vmem>>
    %dma_wait3A_266 = arith.constant 0 : i32
    %dma_wait3A_267 = arith.constant 0 : i32
    %dma_wait3A_268 = tpu.memref_slice %arg2[%dma_wait3A_266, %dma_wait3A_267] : memref<20000x32xf32, #tpu.memory_space<hbm>> -> memref<20000x32xf32, #tpu.memory_space<hbm>>
    tpu.wait_indirect_dma semaphore(%arg12 : memref<!tpu.dma_semaphore, #tpu.memory_space<semaphore_mem>>) src(%dma_wait3A_268 : memref<20000x32xf32, #tpu.memory_space<hbm>>) dst(%dma_wait3A_262 : memref<128x32xf32, #tpu.memory_space<vmem>>)
    %dma_wait3A_269 = arith.constant 2 : i32
    %dma_wait3A_270 = arith.constant 0 : i32
    %dma_wait3A_271 = arith.constant 0 : i32
    %dma_wait3A_272 = arith.constant 0 : i32
    %dma_wait3A_273 = tpu.memref_slice %arg8[%dma_wait3A_269, %dma_wait3A_271, %dma_wait3A_272] : memref<4x128x32xf32, #tpu.memory_space<vmem>> -> memref<1x128x32xf32, #tpu.memory_space<vmem>>
    %dma_wait3A_274 = tpu.memref_squeeze %dma_wait3A_273 : memref<1x128x32xf32, #tpu.memory_space<vmem>> -> memref<128x32xf32, #tpu.memory_space<vmem>>
    %dma_wait3A_275 = arith.constant 0 : i32
    %dma_wait3A_276 = tpu.memref_slice %arg7[%dma_wait3A_270, %dma_wait3A_275] : memref<160x128xi32, #tpu.memory_space<vmem>> -> memref<1x128xi32, #tpu.memory_space<vmem>>
    %dma_wait3A_277 = tpu.memref_squeeze %dma_wait3A_276 : memref<1x128xi32, #tpu.memory_space<vmem>> -> memref<128xi32, #tpu.memory_space<vmem>>
    %dma_wait3A_278 = arith.constant 0 : i32
    %dma_wait3A_279 = arith.constant 0 : i32
    %dma_wait3A_280 = tpu.memref_slice %arg10[%dma_wait3A_278, %dma_wait3A_279] : memref<10240x32xf32, #tpu.memory_space<vmem_shared>> -> memref<10240x32xf32, #tpu.memory_space<vmem_shared>>
    tpu.wait_indirect_dma semaphore(%arg17 : memref<!tpu.dma_semaphore, #tpu.memory_space<semaphore_mem>>) src(%dma_wait3A_274 : memref<128x32xf32, #tpu.memory_space<vmem>>) dst(%dma_wait3A_280 : memref<10240x32xf32, #tpu.memory_space<vmem_shared>>)
    %dma_wait3A_281 = arith.constant 3 : i32
    %dma_wait3A_282 = arith.constant 0 : i32
    %dma_wait3A_283 = arith.constant 0 : i32
    %dma_wait3A_284 = arith.constant 0 : i32
    %dma_wait3A_285 = tpu.memref_slice %arg8[%dma_wait3A_281, %dma_wait3A_283, %dma_wait3A_284] : memref<4x128x32xf32, #tpu.memory_space<vmem>> -> memref<1x128x32xf32, #tpu.memory_space<vmem>>
    %dma_wait3A_286 = tpu.memref_squeeze %dma_wait3A_285 : memref<1x128x32xf32, #tpu.memory_space<vmem>> -> memref<128x32xf32, #tpu.memory_space<vmem>>
    %dma_wait3A_287 = arith.constant 0 : i32
    %dma_wait3A_288 = tpu.memref_slice %arg7[%dma_wait3A_282, %dma_wait3A_287] : memref<160x128xi32, #tpu.memory_space<vmem>> -> memref<1x128xi32, #tpu.memory_space<vmem>>
    %dma_wait3A_289 = tpu.memref_squeeze %dma_wait3A_288 : memref<1x128xi32, #tpu.memory_space<vmem>> -> memref<128xi32, #tpu.memory_space<vmem>>
    %dma_wait3A_290 = arith.constant 0 : i32
    %dma_wait3A_291 = arith.constant 0 : i32
    %dma_wait3A_292 = tpu.memref_slice %arg10[%dma_wait3A_290, %dma_wait3A_291] : memref<10240x32xf32, #tpu.memory_space<vmem_shared>> -> memref<10240x32xf32, #tpu.memory_space<vmem_shared>>
    tpu.wait_indirect_dma semaphore(%arg18 : memref<!tpu.dma_semaphore, #tpu.memory_space<semaphore_mem>>) src(%dma_wait3A_286 : memref<128x32xf32, #tpu.memory_space<vmem>>) dst(%dma_wait3A_292 : memref<10240x32xf32, #tpu.memory_space<vmem_shared>>)
    %barrier3A_293 = arith.constant 0 : index
    tpu.barrier barrier_id(%barrier3A_293)
    %mul3A_294 = arith.constant 640 : i32
    %mul3A_295 = arith.muli %arg1, %mul3A_294 : i32
    %mul3A_296 = arith.constant 10240 : i32
    %mul3A_297 = arith.muli %arg0, %mul3A_296 : i32
    %mul3A_298 = arith.constant 640 : i32
    %mul3A_299 = arith.muli %arg1, %mul3A_298 : i32
    %add3A_300 = arith.addi %mul3A_297, %mul3A_299 : i32
    "tpu.region"() ({
      %run_scoped3A = tpu.sem_alloc : memref<!tpu.dma_semaphore, #tpu.memory_space<semaphore_mem>>
      %dma_start3A_301 = arith.constant 0 : i32
      %dma_start3A_302 = tpu.memref_slice %arg5[%add3A_300, %dma_start3A_301] : memref<20480x32xf32, #tpu.memory_space<hbm>> -> memref<640x32xf32, #tpu.memory_space<hbm>>
      %dma_start3A_303 = arith.constant 0 : i32
      %dma_start3A_304 = tpu.memref_slice %arg10[%mul3A_295, %dma_start3A_303] : memref<10240x32xf32, #tpu.memory_space<vmem_shared>> -> memref<640x32xf32, #tpu.memory_space<vmem_shared>>
      tpu.enqueue_dma source(%dma_start3A_304 : memref<640x32xf32, #tpu.memory_space<vmem_shared>>) target(%dma_start3A_302 : memref<640x32xf32, #tpu.memory_space<hbm>>) target_semaphore(%run_scoped3A : memref<!tpu.dma_semaphore, #tpu.memory_space<semaphore_mem>>)
      %dma_wait3A_305 = arith.constant 0 : i32
      %dma_wait3A_306 = tpu.memref_slice %arg5[%add3A_300, %dma_wait3A_305] : memref<20480x32xf32, #tpu.memory_space<hbm>> -> memref<640x32xf32, #tpu.memory_space<hbm>>
      %dma_wait3A_307 = arith.constant 0 : i32
      %dma_wait3A_308 = tpu.memref_slice %arg10[%mul3A_295, %dma_wait3A_307] : memref<10240x32xf32, #tpu.memory_space<vmem_shared>> -> memref<640x32xf32, #tpu.memory_space<vmem_shared>>
      tpu.wait_dma2 semaphore(%run_scoped3A : memref<!tpu.dma_semaphore, #tpu.memory_space<semaphore_mem>>) src(%dma_wait3A_308 : memref<640x32xf32, #tpu.memory_space<vmem_shared>>) dst(%dma_wait3A_306 : memref<640x32xf32, #tpu.memory_space<hbm>>)
      tpu.yield
    }) : () -> ()
    return
  }
}

module attributes {stable_mosaic.version = 14 : i64} {
  func.func @_l1_body(%arg0: i32, %arg1: memref<2x2000x64xf32, #tpu.memory_space<vmem>>, %arg2: memref<2x2000x16xf32, #tpu.memory_space<vmem>>, %arg3: memref<2000x128xf32, #tpu.memory_space<vmem>>, %arg4: memref<128x128xf32, #tpu.memory_space<vmem>>, %arg5: memref<128x128xf32, #tpu.memory_space<vmem>>, %arg6: memref<1x128xf32, #tpu.memory_space<vmem>>, %arg7: memref<2000x128xf32, #tpu.memory_space<vmem>>, %arg8: memref<2x2000x64xf32, #tpu.memory_space<vmem>>) attributes {dimension_semantics = [#tpu.dimension_semantics<arbitrary>], iteration_bounds = array<i64: 5>, scalar_prefetch = 0 : i64, scratch_operands = 0 : i64, tpu.core_type = #tpu.core_type<tc>, window_params = [{transform_indices = @transform_0, window_bounds = array<i64: 2, 2000, 64>}, {transform_indices = @transform_1, window_bounds = array<i64: 2, 2000, 16>}, {transform_indices = @transform_2, window_bounds = array<i64: 2000, 128>}, {pipeline_mode = #tpu.pipeline_mode<synchronous>, transform_indices = @transform_3, window_bounds = array<i64: 128, 128>}, {pipeline_mode = #tpu.pipeline_mode<synchronous>, transform_indices = @transform_4, window_bounds = array<i64: 128, 128>}, {pipeline_mode = #tpu.pipeline_mode<synchronous>, transform_indices = @transform_5, window_bounds = array<i64: 1, 128>}, {transform_indices = @transform_6, window_bounds = array<i64: 2000, 128>}, {transform_indices = @transform_7, window_bounds = array<i64: 2, 2000, 64>}]} {
    %get3A = arith.constant 0 : index
    %get3A_0 = arith.constant 0 : index
    %get3A_1 = arith.constant 0 : index
    %get3A_2 = vector.load %arg1[%get3A, %get3A_0, %get3A_1] : memref<2x2000x64xf32, #tpu.memory_space<vmem>>, vector<1x2000x64xf32>
    %get3A_3 = vector.shape_cast %get3A_2 : vector<1x2000x64xf32> to vector<2000x64xf32>
    %get3A_4 = arith.constant 1 : index
    %get3A_5 = arith.constant 0 : index
    %get3A_6 = arith.constant 0 : index
    %get3A_7 = vector.load %arg1[%get3A_4, %get3A_5, %get3A_6] : memref<2x2000x64xf32, #tpu.memory_space<vmem>>, vector<1x2000x64xf32>
    %get3A_8 = vector.shape_cast %get3A_7 : vector<1x2000x64xf32> to vector<2000x64xf32>
    %concatenate3A = tpu.concatenate %get3A_3, %get3A_8 in 1 : vector<2000x64xf32>, vector<2000x64xf32> -> vector<2000x128xf32>
    %get3A_9 = arith.constant 0 : index
    %get3A_10 = arith.constant 0 : index
    %get3A_11 = arith.constant 0 : index
    %get3A_12 = vector.load %arg2[%get3A_9, %get3A_10, %get3A_11] : memref<2x2000x16xf32, #tpu.memory_space<vmem>>, vector<1x2000x1xf32>
    %get3A_13 = vector.shape_cast %get3A_12 : vector<1x2000x1xf32> to vector<2000x1xf32>
    %get3A_14 = arith.constant 1 : index
    %get3A_15 = arith.constant 0 : index
    %get3A_16 = arith.constant 0 : index
    %get3A_17 = vector.load %arg2[%get3A_14, %get3A_15, %get3A_16] : memref<2x2000x16xf32, #tpu.memory_space<vmem>>, vector<1x2000x1xf32>
    %get3A_18 = vector.shape_cast %get3A_17 : vector<1x2000x1xf32> to vector<2000x1xf32>
    %add3A = arith.addf %get3A_13, %get3A_18 : vector<2000x1xf32>
    %mul3A = arith.constant 1.000000e-03 : f32
    %mul3A_19 = vector.broadcast %mul3A : f32 to vector<2000x128xf32>
    %mul3A_20 = arith.mulf %concatenate3A, %mul3A_19 : vector<2000x128xf32>
    %mul3A_21 = arith.constant 5.000000e-01 : f32
    %mul3A_22 = vector.broadcast %mul3A_21 : f32 to vector<2000x1xf32>
    %mul3A_23 = arith.mulf %mul3A_22, %add3A : vector<2000x1xf32>
    %sub3A = vector.broadcast %mul3A_23 : vector<2000x1xf32> to vector<2000x128xf32>
    %sub3A_24 = arith.subf %mul3A_20, %sub3A : vector<2000x128xf32>
    %max3A = arith.constant 1.000000e+00 : f32
    %max3A_25 = vector.broadcast %max3A : f32 to vector<2000x1xf32>
    %max3A_26 = arith.maximumf %add3A, %max3A_25 : vector<2000x1xf32>
    %div3A = vector.broadcast %max3A_26 : vector<2000x1xf32> to vector<2000x128xf32>
    %div3A_27 = arith.divf %sub3A_24, %div3A : vector<2000x128xf32>
    %get3A_28 = arith.constant 0 : index
    %get3A_29 = arith.constant 0 : index
    %get3A_30 = vector.load %arg3[%get3A_28, %get3A_29] : memref<2000x128xf32, #tpu.memory_space<vmem>>, vector<2000x128xf32>
    %mul3A_31 = arith.constant 1.000000e-03 : f32
    %mul3A_32 = vector.broadcast %mul3A_31 : f32 to vector<2000x128xf32>
    %mul3A_33 = arith.mulf %get3A_30, %mul3A_32 : vector<2000x128xf32>
    %sub3A_34 = arith.constant 5.000000e-01 : f32
    %sub3A_35 = vector.broadcast %sub3A_34 : f32 to vector<2000x128xf32>
    %sub3A_36 = arith.subf %mul3A_33, %sub3A_35 : vector<2000x128xf32>
    %get3A_37 = arith.constant 0 : index
    %get3A_38 = arith.constant 0 : index
    %get3A_39 = vector.load %arg4[%get3A_37, %get3A_38] : memref<128x128xf32, #tpu.memory_space<vmem>>, vector<128x128xf32>
    %dot_general3A = arith.constant dense<0.000000e+00> : vector<2000x128xf32>
    %dot_general3A_40 = tpu.matmul %div3A_27, %get3A_39, %dot_general3A {dimension_numbers = #tpu.dot_dimension_numbers<[1], [0], [0], [1], [0, 0, 1, 1], [], []>, transpose_lhs_hint = false} : vector<2000x128xf32>, vector<128x128xf32>, vector<2000x128xf32> -> vector<2000x128xf32>
    %get3A_41 = arith.constant 0 : index
    %get3A_42 = arith.constant 0 : index
    %get3A_43 = vector.load %arg5[%get3A_41, %get3A_42] : memref<128x128xf32, #tpu.memory_space<vmem>>, vector<128x128xf32>
    %dot_general3A_44 = arith.constant dense<0.000000e+00> : vector<2000x128xf32>
    %dot_general3A_45 = tpu.matmul %sub3A_36, %get3A_43, %dot_general3A_44 {dimension_numbers = #tpu.dot_dimension_numbers<[1], [0], [0], [1], [0, 0, 1, 1], [], []>, transpose_lhs_hint = false} : vector<2000x128xf32>, vector<128x128xf32>, vector<2000x128xf32> -> vector<2000x128xf32>
    %add3A_46 = arith.addf %dot_general3A_40, %dot_general3A_45 : vector<2000x128xf32>
    %get3A_47 = arith.constant 0 : index
    %get3A_48 = arith.constant 0 : index
    %get3A_49 = vector.load %arg6[%get3A_47, %get3A_48] : memref<1x128xf32, #tpu.memory_space<vmem>>, vector<1x128xf32>
    %add3A_50 = vector.broadcast %get3A_49 : vector<1x128xf32> to vector<2000x128xf32>
    %add3A_51 = arith.addf %add3A_46, %add3A_50 : vector<2000x128xf32>
    %sin3A = math.sin %add3A_51 : vector<2000x128xf32>
    %swap3A = arith.constant 0 : index
    %swap3A_52 = arith.constant 0 : index
    %swap3A_53 = vector.load %arg7[%swap3A, %swap3A_52] : memref<2000x128xf32, #tpu.memory_space<vmem>>, vector<2000x128xf32>
    tpu.vector_store %arg7[%swap3A, %swap3A_52], %sin3A {strides = array<i32>} : memref<2000x128xf32, #tpu.memory_space<vmem>>, vector<2000x128xf32>,
    %slice3A = vector.extract_strided_slice %sin3A {offsets = [0, 0], sizes = [2000, 64], strides = [1, 1]} : vector<2000x128xf32> to vector<2000x64xf32>
    %swap3A_54 = arith.constant 0 : index
    %swap3A_55 = arith.constant 0 : index
    %swap3A_56 = arith.constant 0 : index
    %swap3A_57 = vector.load %arg8[%swap3A_54, %swap3A_55, %swap3A_56] : memref<2x2000x64xf32, #tpu.memory_space<vmem>>, vector<1x2000x64xf32>
    %swap3A_58 = vector.shape_cast %swap3A_57 : vector<1x2000x64xf32> to vector<2000x64xf32>
    %swap3A_59 = vector.shape_cast %slice3A : vector<2000x64xf32> to vector<1x2000x64xf32>
    tpu.vector_store %arg8[%swap3A_54, %swap3A_55, %swap3A_56], %swap3A_59 {strides = array<i32>} : memref<2x2000x64xf32, #tpu.memory_space<vmem>>, vector<1x2000x64xf32>,
    %slice3A_60 = vector.extract_strided_slice %sin3A {offsets = [0, 64], sizes = [2000, 64], strides = [1, 1]} : vector<2000x128xf32> to vector<2000x64xf32>
    %swap3A_61 = arith.constant 1 : index
    %swap3A_62 = arith.constant 0 : index
    %swap3A_63 = arith.constant 0 : index
    %swap3A_64 = vector.load %arg8[%swap3A_61, %swap3A_62, %swap3A_63] : memref<2x2000x64xf32, #tpu.memory_space<vmem>>, vector<1x2000x64xf32>
    %swap3A_65 = vector.shape_cast %swap3A_64 : vector<1x2000x64xf32> to vector<2000x64xf32>
    %swap3A_66 = vector.shape_cast %slice3A_60 : vector<2000x64xf32> to vector<1x2000x64xf32>
    tpu.vector_store %arg8[%swap3A_61, %swap3A_62, %swap3A_63], %swap3A_66 {strides = array<i32>} : memref<2x2000x64xf32, #tpu.memory_space<vmem>>, vector<1x2000x64xf32>,
    return
  }
  func.func @transform_0(%arg0: i32) -> (i32, i32, i32) {
    %c0_i32 = arith.constant 0 : i32
    %c0_i32_0 = arith.constant 0 : i32
    %c0_i32_1 = arith.constant 0 : i32
    return %c0_i32, %arg0, %c0_i32_0 : i32, i32, i32
  }
  func.func @transform_1(%arg0: i32) -> (i32, i32, i32) {
    %c0_i32 = arith.constant 0 : i32
    %c0_i32_0 = arith.constant 0 : i32
    %c0_i32_1 = arith.constant 0 : i32
    return %c0_i32, %arg0, %c0_i32_0 : i32, i32, i32
  }
  func.func @transform_2(%arg0: i32) -> (i32, i32) {
    %c0_i32 = arith.constant 0 : i32
    %c0_i32_0 = arith.constant 0 : i32
    return %arg0, %c0_i32 : i32, i32
  }
  func.func @transform_3(%arg0: i32) -> (i32, i32) {
    %c0_i32 = arith.constant 0 : i32
    %c0_i32_0 = arith.constant 0 : i32
    %c0_i32_1 = arith.constant 0 : i32
    return %c0_i32, %c0_i32_0 : i32, i32
  }
  func.func @transform_4(%arg0: i32) -> (i32, i32) {
    %c0_i32 = arith.constant 0 : i32
    %c0_i32_0 = arith.constant 0 : i32
    %c0_i32_1 = arith.constant 0 : i32
    return %c0_i32, %c0_i32_0 : i32, i32
  }
  func.func @transform_5(%arg0: i32) -> (i32, i32) {
    %c0_i32 = arith.constant 0 : i32
    %c0_i32_0 = arith.constant 0 : i32
    %c0_i32_1 = arith.constant 0 : i32
    return %c0_i32, %c0_i32_0 : i32, i32
  }
  func.func @transform_6(%arg0: i32) -> (i32, i32) {
    %c0_i32 = arith.constant 0 : i32
    %c0_i32_0 = arith.constant 0 : i32
    return %arg0, %c0_i32 : i32, i32
  }
  func.func @transform_7(%arg0: i32) -> (i32, i32, i32) {
    %c0_i32 = arith.constant 0 : i32
    %c0_i32_0 = arith.constant 0 : i32
    %c0_i32_1 = arith.constant 0 : i32
    return %c0_i32, %arg0, %c0_i32_0 : i32, i32, i32
  }
}

module attributes {stable_mosaic.version = 14 : i64} {
  func.func @_l2_body(%arg0: i32, %arg1: memref<2x2000x64xf32, #tpu.memory_space<vmem>>, %arg2: memref<2x2000x16xf32, #tpu.memory_space<vmem>>, %arg3: memref<2000x128xf32, #tpu.memory_space<vmem>>, %arg4: memref<128x128xf32, #tpu.memory_space<vmem>>, %arg5: memref<128x128xf32, #tpu.memory_space<vmem>>, %arg6: memref<1x128xf32, #tpu.memory_space<vmem>>, %arg7: memref<2000x64xf32, #tpu.memory_space<vmem>>, %arg8: memref<2000x64xf32, #tpu.memory_space<vmem>>, %arg9: memref<2000x64xf32, #tpu.memory_space<vmem>>, %arg10: memref<2000x64xf32, #tpu.memory_space<vmem>>, %arg11: memref<2x2000x32xf32, #tpu.memory_space<vmem>>) attributes {dimension_semantics = [#tpu.dimension_semantics<arbitrary>], iteration_bounds = array<i64: 5>, scalar_prefetch = 0 : i64, scratch_operands = 0 : i64, tpu.core_type = #tpu.core_type<tc>, window_params = [{transform_indices = @transform_0, window_bounds = array<i64: 2, 2000, 64>}, {transform_indices = @transform_1, window_bounds = array<i64: 2, 2000, 16>}, {transform_indices = @transform_2, window_bounds = array<i64: 2000, 128>}, {pipeline_mode = #tpu.pipeline_mode<synchronous>, transform_indices = @transform_3, window_bounds = array<i64: 128, 128>}, {pipeline_mode = #tpu.pipeline_mode<synchronous>, transform_indices = @transform_4, window_bounds = array<i64: 128, 128>}, {pipeline_mode = #tpu.pipeline_mode<synchronous>, transform_indices = @transform_5, window_bounds = array<i64: 1, 128>}, {transform_indices = @transform_6, window_bounds = array<i64: 2000, 64>}, {transform_indices = @transform_7, window_bounds = array<i64: 2000, 64>}, {transform_indices = @transform_8, window_bounds = array<i64: 2000, 64>}, {transform_indices = @transform_9, window_bounds = array<i64: 2000, 64>}, {transform_indices = @transform_10, window_bounds = array<i64: 2, 2000, 32>}]} {
    %get3A = arith.constant 0 : index
    %get3A_0 = arith.constant 0 : index
    %get3A_1 = arith.constant 0 : index
    %get3A_2 = vector.load %arg1[%get3A, %get3A_0, %get3A_1] : memref<2x2000x64xf32, #tpu.memory_space<vmem>>, vector<1x2000x64xf32>
    %get3A_3 = vector.shape_cast %get3A_2 : vector<1x2000x64xf32> to vector<2000x64xf32>
    %get3A_4 = arith.constant 1 : index
    %get3A_5 = arith.constant 0 : index
    %get3A_6 = arith.constant 0 : index
    %get3A_7 = vector.load %arg1[%get3A_4, %get3A_5, %get3A_6] : memref<2x2000x64xf32, #tpu.memory_space<vmem>>, vector<1x2000x64xf32>
    %get3A_8 = vector.shape_cast %get3A_7 : vector<1x2000x64xf32> to vector<2000x64xf32>
    %concatenate3A = tpu.concatenate %get3A_3, %get3A_8 in 1 : vector<2000x64xf32>, vector<2000x64xf32> -> vector<2000x128xf32>
    %get3A_9 = arith.constant 0 : index
    %get3A_10 = arith.constant 0 : index
    %get3A_11 = arith.constant 0 : index
    %get3A_12 = vector.load %arg2[%get3A_9, %get3A_10, %get3A_11] : memref<2x2000x16xf32, #tpu.memory_space<vmem>>, vector<1x2000x1xf32>
    %get3A_13 = vector.shape_cast %get3A_12 : vector<1x2000x1xf32> to vector<2000x1xf32>
    %get3A_14 = arith.constant 1 : index
    %get3A_15 = arith.constant 0 : index
    %get3A_16 = arith.constant 0 : index
    %get3A_17 = vector.load %arg2[%get3A_14, %get3A_15, %get3A_16] : memref<2x2000x16xf32, #tpu.memory_space<vmem>>, vector<1x2000x1xf32>
    %get3A_18 = vector.shape_cast %get3A_17 : vector<1x2000x1xf32> to vector<2000x1xf32>
    %add3A = arith.addf %get3A_13, %get3A_18 : vector<2000x1xf32>
    %max3A = arith.constant 1.000000e+00 : f32
    %max3A_19 = vector.broadcast %max3A : f32 to vector<2000x1xf32>
    %max3A_20 = arith.maximumf %add3A, %max3A_19 : vector<2000x1xf32>
    %div3A = vector.broadcast %max3A_20 : vector<2000x1xf32> to vector<2000x128xf32>
    %div3A_21 = arith.divf %concatenate3A, %div3A : vector<2000x128xf32>
    %get3A_22 = arith.constant 0 : index
    %get3A_23 = arith.constant 0 : index
    %get3A_24 = vector.load %arg4[%get3A_22, %get3A_23] : memref<128x128xf32, #tpu.memory_space<vmem>>, vector<128x128xf32>
    %dot_general3A = arith.constant dense<0.000000e+00> : vector<2000x128xf32>
    %dot_general3A_25 = tpu.matmul %div3A_21, %get3A_24, %dot_general3A {dimension_numbers = #tpu.dot_dimension_numbers<[1], [0], [0], [1], [0, 0, 1, 1], [], []>, transpose_lhs_hint = false} : vector<2000x128xf32>, vector<128x128xf32>, vector<2000x128xf32> -> vector<2000x128xf32>
    %get3A_26 = arith.constant 0 : index
    %get3A_27 = arith.constant 0 : index
    %get3A_28 = vector.load %arg3[%get3A_26, %get3A_27] : memref<2000x128xf32, #tpu.memory_space<vmem>>, vector<2000x128xf32>
    %get3A_29 = arith.constant 0 : index
    %get3A_30 = arith.constant 0 : index
    %get3A_31 = vector.load %arg5[%get3A_29, %get3A_30] : memref<128x128xf32, #tpu.memory_space<vmem>>, vector<128x128xf32>
    %dot_general3A_32 = arith.constant dense<0.000000e+00> : vector<2000x128xf32>
    %dot_general3A_33 = tpu.matmul %get3A_28, %get3A_31, %dot_general3A_32 {dimension_numbers = #tpu.dot_dimension_numbers<[1], [0], [0], [1], [0, 0, 1, 1], [], []>, transpose_lhs_hint = false} : vector<2000x128xf32>, vector<128x128xf32>, vector<2000x128xf32> -> vector<2000x128xf32>
    %add3A_34 = arith.addf %dot_general3A_25, %dot_general3A_33 : vector<2000x128xf32>
    %get3A_35 = arith.constant 0 : index
    %get3A_36 = arith.constant 0 : index
    %get3A_37 = vector.load %arg6[%get3A_35, %get3A_36] : memref<1x128xf32, #tpu.memory_space<vmem>>, vector<1x128xf32>
    %add3A_38 = vector.broadcast %get3A_37 : vector<1x128xf32> to vector<2000x128xf32>
    %add3A_39 = arith.addf %add3A_34, %add3A_38 : vector<2000x128xf32>
    %slice3A = vector.extract_strided_slice %add3A_39 {offsets = [0, 0], sizes = [2000, 64], strides = [1, 1]} : vector<2000x128xf32> to vector<2000x64xf32>
    %slice3A_40 = vector.extract_strided_slice %add3A_39 {offsets = [0, 64], sizes = [2000, 64], strides = [1, 1]} : vector<2000x128xf32> to vector<2000x64xf32>
    %swap3A = arith.constant 0 : index
    %swap3A_41 = arith.constant 0 : index
    %swap3A_42 = vector.load %arg8[%swap3A, %swap3A_41] : memref<2000x64xf32, #tpu.memory_space<vmem>>, vector<2000x64xf32>
    tpu.vector_store %arg8[%swap3A, %swap3A_41], %slice3A {strides = array<i32>} : memref<2000x64xf32, #tpu.memory_space<vmem>>, vector<2000x64xf32>,
    %swap3A_43 = arith.constant 0 : index
    %swap3A_44 = arith.constant 0 : index
    %swap3A_45 = vector.load %arg9[%swap3A_43, %swap3A_44] : memref<2000x64xf32, #tpu.memory_space<vmem>>, vector<2000x64xf32>
    tpu.vector_store %arg9[%swap3A_43, %swap3A_44], %slice3A_40 {strides = array<i32>} : memref<2000x64xf32, #tpu.memory_space<vmem>>, vector<2000x64xf32>,
    %exp3A = math.exp %slice3A_40 : vector<2000x64xf32>
    %get3A_46 = arith.constant 0 : index
    %get3A_47 = arith.constant 0 : index
    %get3A_48 = vector.load %arg7[%get3A_46, %get3A_47] : memref<2000x64xf32, #tpu.memory_space<vmem>>, vector<2000x64xf32>
    %mul3A = arith.mulf %exp3A, %get3A_48 : vector<2000x64xf32>
    %add3A_49 = arith.addf %slice3A, %mul3A : vector<2000x64xf32>
    %swap3A_50 = arith.constant 0 : index
    %swap3A_51 = arith.constant 0 : index
    %swap3A_52 = vector.load %arg10[%swap3A_50, %swap3A_51] : memref<2000x64xf32, #tpu.memory_space<vmem>>, vector<2000x64xf32>
    tpu.vector_store %arg10[%swap3A_50, %swap3A_51], %add3A_49 {strides = array<i32>} : memref<2000x64xf32, #tpu.memory_space<vmem>>, vector<2000x64xf32>,
    %slice3A_53 = vector.extract_strided_slice %add3A_49 {offsets = [0, 0], sizes = [2000, 32], strides = [1, 1]} : vector<2000x64xf32> to vector<2000x32xf32>
    %swap3A_54 = arith.constant 0 : index
    %swap3A_55 = arith.constant 0 : index
    %swap3A_56 = arith.constant 0 : index
    %swap3A_57 = vector.load %arg11[%swap3A_54, %swap3A_55, %swap3A_56] : memref<2x2000x32xf32, #tpu.memory_space<vmem>>, vector<1x2000x32xf32>
    %swap3A_58 = vector.shape_cast %swap3A_57 : vector<1x2000x32xf32> to vector<2000x32xf32>
    %swap3A_59 = vector.shape_cast %slice3A_53 : vector<2000x32xf32> to vector<1x2000x32xf32>
    tpu.vector_store %arg11[%swap3A_54, %swap3A_55, %swap3A_56], %swap3A_59 {strides = array<i32>} : memref<2x2000x32xf32, #tpu.memory_space<vmem>>, vector<1x2000x32xf32>,
    %slice3A_60 = vector.extract_strided_slice %add3A_49 {offsets = [0, 32], sizes = [2000, 32], strides = [1, 1]} : vector<2000x64xf32> to vector<2000x32xf32>
    %swap3A_61 = arith.constant 1 : index
    %swap3A_62 = arith.constant 0 : index
    %swap3A_63 = arith.constant 0 : index
    %swap3A_64 = vector.load %arg11[%swap3A_61, %swap3A_62, %swap3A_63] : memref<2x2000x32xf32, #tpu.memory_space<vmem>>, vector<1x2000x32xf32>
    %swap3A_65 = vector.shape_cast %swap3A_64 : vector<1x2000x32xf32> to vector<2000x32xf32>
    %swap3A_66 = vector.shape_cast %slice3A_60 : vector<2000x32xf32> to vector<1x2000x32xf32>
    tpu.vector_store %arg11[%swap3A_61, %swap3A_62, %swap3A_63], %swap3A_66 {strides = array<i32>} : memref<2x2000x32xf32, #tpu.memory_space<vmem>>, vector<1x2000x32xf32>,
    return
  }
  func.func @transform_0(%arg0: i32) -> (i32, i32, i32) {
    %c0_i32 = arith.constant 0 : i32
    %c0_i32_0 = arith.constant 0 : i32
    %c0_i32_1 = arith.constant 0 : i32
    return %c0_i32, %arg0, %c0_i32_0 : i32, i32, i32
  }
  func.func @transform_1(%arg0: i32) -> (i32, i32, i32) {
    %c0_i32 = arith.constant 0 : i32
    %c0_i32_0 = arith.constant 0 : i32
    %c0_i32_1 = arith.constant 0 : i32
    return %c0_i32, %arg0, %c0_i32_0 : i32, i32, i32
  }
  func.func @transform_2(%arg0: i32) -> (i32, i32) {
    %c0_i32 = arith.constant 0 : i32
    %c0_i32_0 = arith.constant 0 : i32
    return %arg0, %c0_i32 : i32, i32
  }
  func.func @transform_3(%arg0: i32) -> (i32, i32) {
    %c0_i32 = arith.constant 0 : i32
    %c0_i32_0 = arith.constant 0 : i32
    %c0_i32_1 = arith.constant 0 : i32
    return %c0_i32, %c0_i32_0 : i32, i32
  }
  func.func @transform_4(%arg0: i32) -> (i32, i32) {
    %c0_i32 = arith.constant 0 : i32
    %c0_i32_0 = arith.constant 0 : i32
    %c0_i32_1 = arith.constant 0 : i32
    return %c0_i32, %c0_i32_0 : i32, i32
  }
  func.func @transform_5(%arg0: i32) -> (i32, i32) {
    %c0_i32 = arith.constant 0 : i32
    %c0_i32_0 = arith.constant 0 : i32
    %c0_i32_1 = arith.constant 0 : i32
    return %c0_i32, %c0_i32_0 : i32, i32
  }
  func.func @transform_6(%arg0: i32) -> (i32, i32) {
    %c0_i32 = arith.constant 0 : i32
    %c0_i32_0 = arith.constant 0 : i32
    return %arg0, %c0_i32 : i32, i32
  }
  func.func @transform_7(%arg0: i32) -> (i32, i32) {
    %c0_i32 = arith.constant 0 : i32
    %c0_i32_0 = arith.constant 0 : i32
    return %arg0, %c0_i32 : i32, i32
  }
  func.func @transform_8(%arg0: i32) -> (i32, i32) {
    %c0_i32 = arith.constant 0 : i32
    %c0_i32_0 = arith.constant 0 : i32
    return %arg0, %c0_i32 : i32, i32
  }
  func.func @transform_9(%arg0: i32) -> (i32, i32) {
    %c0_i32 = arith.constant 0 : i32
    %c0_i32_0 = arith.constant 0 : i32
    return %arg0, %c0_i32 : i32, i32
  }
  func.func @transform_10(%arg0: i32) -> (i32, i32, i32) {
    %c0_i32 = arith.constant 0 : i32
    %c0_i32_0 = arith.constant 0 : i32
    %c0_i32_1 = arith.constant 0 : i32
    return %c0_i32, %arg0, %c0_i32_0 : i32, i32, i32
  }
}

module attributes {stable_mosaic.version = 14 : i64} {
  func.func @_l3_body(%arg0: i32, %arg1: memref<2x2000x32xf32, #tpu.memory_space<vmem>>, %arg2: memref<2x2000x16xf32, #tpu.memory_space<vmem>>, %arg3: memref<2000x64xf32, #tpu.memory_space<vmem>>, %arg4: memref<64x64xf32, #tpu.memory_space<vmem>>, %arg5: memref<64x64xf32, #tpu.memory_space<vmem>>, %arg6: memref<1x64xf32, #tpu.memory_space<vmem>>, %arg7: memref<2000x64xf32, #tpu.memory_space<vmem>>, %arg8: memref<2x2000x32xf32, #tpu.memory_space<vmem>>) attributes {dimension_semantics = [#tpu.dimension_semantics<arbitrary>], iteration_bounds = array<i64: 5>, scalar_prefetch = 0 : i64, scratch_operands = 0 : i64, tpu.core_type = #tpu.core_type<tc>, window_params = [{transform_indices = @transform_0, window_bounds = array<i64: 2, 2000, 32>}, {transform_indices = @transform_1, window_bounds = array<i64: 2, 2000, 16>}, {transform_indices = @transform_2, window_bounds = array<i64: 2000, 64>}, {pipeline_mode = #tpu.pipeline_mode<synchronous>, transform_indices = @transform_3, window_bounds = array<i64: 64, 64>}, {pipeline_mode = #tpu.pipeline_mode<synchronous>, transform_indices = @transform_4, window_bounds = array<i64: 64, 64>}, {pipeline_mode = #tpu.pipeline_mode<synchronous>, transform_indices = @transform_5, window_bounds = array<i64: 1, 64>}, {transform_indices = @transform_6, window_bounds = array<i64: 2000, 64>}, {transform_indices = @transform_7, window_bounds = array<i64: 2, 2000, 32>}]} {
    %get3A = arith.constant 0 : index
    %get3A_0 = arith.constant 0 : index
    %get3A_1 = arith.constant 0 : index
    %get3A_2 = vector.load %arg1[%get3A, %get3A_0, %get3A_1] : memref<2x2000x32xf32, #tpu.memory_space<vmem>>, vector<1x2000x32xf32>
    %get3A_3 = vector.shape_cast %get3A_2 : vector<1x2000x32xf32> to vector<2000x32xf32>
    %get3A_4 = arith.constant 1 : index
    %get3A_5 = arith.constant 0 : index
    %get3A_6 = arith.constant 0 : index
    %get3A_7 = vector.load %arg1[%get3A_4, %get3A_5, %get3A_6] : memref<2x2000x32xf32, #tpu.memory_space<vmem>>, vector<1x2000x32xf32>
    %get3A_8 = vector.shape_cast %get3A_7 : vector<1x2000x32xf32> to vector<2000x32xf32>
    %concatenate3A = tpu.concatenate %get3A_3, %get3A_8 in 1 : vector<2000x32xf32>, vector<2000x32xf32> -> vector<2000x64xf32>
    %get3A_9 = arith.constant 0 : index
    %get3A_10 = arith.constant 0 : index
    %get3A_11 = arith.constant 0 : index
    %get3A_12 = vector.load %arg2[%get3A_9, %get3A_10, %get3A_11] : memref<2x2000x16xf32, #tpu.memory_space<vmem>>, vector<1x2000x1xf32>
    %get3A_13 = vector.shape_cast %get3A_12 : vector<1x2000x1xf32> to vector<2000x1xf32>
    %get3A_14 = arith.constant 1 : index
    %get3A_15 = arith.constant 0 : index
    %get3A_16 = arith.constant 0 : index
    %get3A_17 = vector.load %arg2[%get3A_14, %get3A_15, %get3A_16] : memref<2x2000x16xf32, #tpu.memory_space<vmem>>, vector<1x2000x1xf32>
    %get3A_18 = vector.shape_cast %get3A_17 : vector<1x2000x1xf32> to vector<2000x1xf32>
    %add3A = arith.addf %get3A_13, %get3A_18 : vector<2000x1xf32>
    %max3A = arith.constant 1.000000e+00 : f32
    %max3A_19 = vector.broadcast %max3A : f32 to vector<2000x1xf32>
    %max3A_20 = arith.maximumf %add3A, %max3A_19 : vector<2000x1xf32>
    %div3A = vector.broadcast %max3A_20 : vector<2000x1xf32> to vector<2000x64xf32>
    %div3A_21 = arith.divf %concatenate3A, %div3A : vector<2000x64xf32>
    %get3A_22 = arith.constant 0 : index
    %get3A_23 = arith.constant 0 : index
    %get3A_24 = vector.load %arg4[%get3A_22, %get3A_23] : memref<64x64xf32, #tpu.memory_space<vmem>>, vector<64x64xf32>
    %dot_general3A = arith.constant dense<0.000000e+00> : vector<2000x64xf32>
    %dot_general3A_25 = tpu.matmul %div3A_21, %get3A_24, %dot_general3A {dimension_numbers = #tpu.dot_dimension_numbers<[1], [0], [0], [1], [0, 0, 1, 1], [], []>, transpose_lhs_hint = false} : vector<2000x64xf32>, vector<64x64xf32>, vector<2000x64xf32> -> vector<2000x64xf32>
    %get3A_26 = arith.constant 0 : index
    %get3A_27 = arith.constant 0 : index
    %get3A_28 = vector.load %arg3[%get3A_26, %get3A_27] : memref<2000x64xf32, #tpu.memory_space<vmem>>, vector<2000x64xf32>
    %get3A_29 = arith.constant 0 : index
    %get3A_30 = arith.constant 0 : index
    %get3A_31 = vector.load %arg5[%get3A_29, %get3A_30] : memref<64x64xf32, #tpu.memory_space<vmem>>, vector<64x64xf32>
    %dot_general3A_32 = arith.constant dense<0.000000e+00> : vector<2000x64xf32>
    %dot_general3A_33 = tpu.matmul %get3A_28, %get3A_31, %dot_general3A_32 {dimension_numbers = #tpu.dot_dimension_numbers<[1], [0], [0], [1], [0, 0, 1, 1], [], []>, transpose_lhs_hint = false} : vector<2000x64xf32>, vector<64x64xf32>, vector<2000x64xf32> -> vector<2000x64xf32>
    %add3A_34 = arith.addf %dot_general3A_25, %dot_general3A_33 : vector<2000x64xf32>
    %get3A_35 = arith.constant 0 : index
    %get3A_36 = arith.constant 0 : index
    %get3A_37 = vector.load %arg6[%get3A_35, %get3A_36] : memref<1x64xf32, #tpu.memory_space<vmem>>, vector<1x64xf32>
    %add3A_38 = vector.broadcast %get3A_37 : vector<1x64xf32> to vector<2000x64xf32>
    %add3A_39 = arith.addf %add3A_34, %add3A_38 : vector<2000x64xf32>
    %max3A_40 = arith.constant 0.000000e+00 : f32
    %max3A_41 = vector.broadcast %max3A_40 : f32 to vector<2000x64xf32>
    %max3A_42 = arith.maximumf %add3A_39, %max3A_41 : vector<2000x64xf32>
    %swap3A = arith.constant 0 : index
    %swap3A_43 = arith.constant 0 : index
    %swap3A_44 = vector.load %arg7[%swap3A, %swap3A_43] : memref<2000x64xf32, #tpu.memory_space<vmem>>, vector<2000x64xf32>
    tpu.vector_store %arg7[%swap3A, %swap3A_43], %max3A_42 {strides = array<i32>} : memref<2000x64xf32, #tpu.memory_space<vmem>>, vector<2000x64xf32>,
    %slice3A = vector.extract_strided_slice %max3A_42 {offsets = [0, 0], sizes = [2000, 32], strides = [1, 1]} : vector<2000x64xf32> to vector<2000x32xf32>
    %swap3A_45 = arith.constant 0 : index
    %swap3A_46 = arith.constant 0 : index
    %swap3A_47 = arith.constant 0 : index
    %swap3A_48 = vector.load %arg8[%swap3A_45, %swap3A_46, %swap3A_47] : memref<2x2000x32xf32, #tpu.memory_space<vmem>>, vector<1x2000x32xf32>
    %swap3A_49 = vector.shape_cast %swap3A_48 : vector<1x2000x32xf32> to vector<2000x32xf32>
    %swap3A_50 = vector.shape_cast %slice3A : vector<2000x32xf32> to vector<1x2000x32xf32>
    tpu.vector_store %arg8[%swap3A_45, %swap3A_46, %swap3A_47], %swap3A_50 {strides = array<i32>} : memref<2x2000x32xf32, #tpu.memory_space<vmem>>, vector<1x2000x32xf32>,
    %slice3A_51 = vector.extract_strided_slice %max3A_42 {offsets = [0, 32], sizes = [2000, 32], strides = [1, 1]} : vector<2000x64xf32> to vector<2000x32xf32>
    %swap3A_52 = arith.constant 1 : index
    %swap3A_53 = arith.constant 0 : index
    %swap3A_54 = arith.constant 0 : index
    %swap3A_55 = vector.load %arg8[%swap3A_52, %swap3A_53, %swap3A_54] : memref<2x2000x32xf32, #tpu.memory_space<vmem>>, vector<1x2000x32xf32>
    %swap3A_56 = vector.shape_cast %swap3A_55 : vector<1x2000x32xf32> to vector<2000x32xf32>
    %swap3A_57 = vector.shape_cast %slice3A_51 : vector<2000x32xf32> to vector<1x2000x32xf32>
    tpu.vector_store %arg8[%swap3A_52, %swap3A_53, %swap3A_54], %swap3A_57 {strides = array<i32>} : memref<2x2000x32xf32, #tpu.memory_space<vmem>>, vector<1x2000x32xf32>,
    return
  }
  func.func @transform_0(%arg0: i32) -> (i32, i32, i32) {
    %c0_i32 = arith.constant 0 : i32
    %c0_i32_0 = arith.constant 0 : i32
    %c0_i32_1 = arith.constant 0 : i32
    return %c0_i32, %arg0, %c0_i32_0 : i32, i32, i32
  }
  func.func @transform_1(%arg0: i32) -> (i32, i32, i32) {
    %c0_i32 = arith.constant 0 : i32
    %c0_i32_0 = arith.constant 0 : i32
    %c0_i32_1 = arith.constant 0 : i32
    return %c0_i32, %arg0, %c0_i32_0 : i32, i32, i32
  }
  func.func @transform_2(%arg0: i32) -> (i32, i32) {
    %c0_i32 = arith.constant 0 : i32
    %c0_i32_0 = arith.constant 0 : i32
    return %arg0, %c0_i32 : i32, i32
  }
  func.func @transform_3(%arg0: i32) -> (i32, i32) {
    %c0_i32 = arith.constant 0 : i32
    %c0_i32_0 = arith.constant 0 : i32
    %c0_i32_1 = arith.constant 0 : i32
    return %c0_i32, %c0_i32_0 : i32, i32
  }
  func.func @transform_4(%arg0: i32) -> (i32, i32) {
    %c0_i32 = arith.constant 0 : i32
    %c0_i32_0 = arith.constant 0 : i32
    %c0_i32_1 = arith.constant 0 : i32
    return %c0_i32, %c0_i32_0 : i32, i32
  }
  func.func @transform_5(%arg0: i32) -> (i32, i32) {
    %c0_i32 = arith.constant 0 : i32
    %c0_i32_0 = arith.constant 0 : i32
    %c0_i32_1 = arith.constant 0 : i32
    return %c0_i32, %c0_i32_0 : i32, i32
  }
  func.func @transform_6(%arg0: i32) -> (i32, i32) {
    %c0_i32 = arith.constant 0 : i32
    %c0_i32_0 = arith.constant 0 : i32
    return %arg0, %c0_i32 : i32, i32
  }
  func.func @transform_7(%arg0: i32) -> (i32, i32, i32) {
    %c0_i32 = arith.constant 0 : i32
    %c0_i32_0 = arith.constant 0 : i32
    %c0_i32_1 = arith.constant 0 : i32
    return %c0_i32, %arg0, %c0_i32_0 : i32, i32, i32
  }
}

module attributes {stable_mosaic.version = 14 : i64} {
  func.func @_l4_body(%arg0: i32, %arg1: memref<2x2000x32xf32, #tpu.memory_space<vmem>>, %arg2: memref<2x2000x16xf32, #tpu.memory_space<vmem>>, %arg3: memref<2000x64xf32, #tpu.memory_space<vmem>>, %arg4: memref<64x64xf32, #tpu.memory_space<vmem>>, %arg5: memref<64x64xf32, #tpu.memory_space<vmem>>, %arg6: memref<1x64xf32, #tpu.memory_space<vmem>>, %arg7: memref<64x128xf32, #tpu.memory_space<vmem>>, %arg8: memref<1x128xf32, #tpu.memory_space<vmem>>, %arg9: memref<2000x128xf32, #tpu.memory_space<vmem>>) attributes {dimension_semantics = [#tpu.dimension_semantics<arbitrary>], iteration_bounds = array<i64: 5>, scalar_prefetch = 0 : i64, scratch_operands = 0 : i64, tpu.core_type = #tpu.core_type<tc>, window_params = [{transform_indices = @transform_0, window_bounds = array<i64: 2, 2000, 32>}, {transform_indices = @transform_1, window_bounds = array<i64: 2, 2000, 16>}, {transform_indices = @transform_2, window_bounds = array<i64: 2000, 64>}, {pipeline_mode = #tpu.pipeline_mode<synchronous>, transform_indices = @transform_3, window_bounds = array<i64: 64, 64>}, {pipeline_mode = #tpu.pipeline_mode<synchronous>, transform_indices = @transform_4, window_bounds = array<i64: 64, 64>}, {pipeline_mode = #tpu.pipeline_mode<synchronous>, transform_indices = @transform_5, window_bounds = array<i64: 1, 64>}, {pipeline_mode = #tpu.pipeline_mode<synchronous>, transform_indices = @transform_6, window_bounds = array<i64: 64, 128>}, {pipeline_mode = #tpu.pipeline_mode<synchronous>, transform_indices = @transform_7, window_bounds = array<i64: 1, 128>}, {transform_indices = @transform_8, window_bounds = array<i64: 2000, 128>}]} {
    %get3A = arith.constant 0 : index
    %get3A_0 = arith.constant 0 : index
    %get3A_1 = arith.constant 0 : index
    %get3A_2 = vector.load %arg1[%get3A, %get3A_0, %get3A_1] : memref<2x2000x32xf32, #tpu.memory_space<vmem>>, vector<1x2000x32xf32>
    %get3A_3 = vector.shape_cast %get3A_2 : vector<1x2000x32xf32> to vector<2000x32xf32>
    %get3A_4 = arith.constant 1 : index
    %get3A_5 = arith.constant 0 : index
    %get3A_6 = arith.constant 0 : index
    %get3A_7 = vector.load %arg1[%get3A_4, %get3A_5, %get3A_6] : memref<2x2000x32xf32, #tpu.memory_space<vmem>>, vector<1x2000x32xf32>
    %get3A_8 = vector.shape_cast %get3A_7 : vector<1x2000x32xf32> to vector<2000x32xf32>
    %concatenate3A = tpu.concatenate %get3A_3, %get3A_8 in 1 : vector<2000x32xf32>, vector<2000x32xf32> -> vector<2000x64xf32>
    %get3A_9 = arith.constant 0 : index
    %get3A_10 = arith.constant 0 : index
    %get3A_11 = arith.constant 0 : index
    %get3A_12 = vector.load %arg2[%get3A_9, %get3A_10, %get3A_11] : memref<2x2000x16xf32, #tpu.memory_space<vmem>>, vector<1x2000x1xf32>
    %get3A_13 = vector.shape_cast %get3A_12 : vector<1x2000x1xf32> to vector<2000x1xf32>
    %get3A_14 = arith.constant 1 : index
    %get3A_15 = arith.constant 0 : index
    %get3A_16 = arith.constant 0 : index
    %get3A_17 = vector.load %arg2[%get3A_14, %get3A_15, %get3A_16] : memref<2x2000x16xf32, #tpu.memory_space<vmem>>, vector<1x2000x1xf32>
    %get3A_18 = vector.shape_cast %get3A_17 : vector<1x2000x1xf32> to vector<2000x1xf32>
    %add3A = arith.addf %get3A_13, %get3A_18 : vector<2000x1xf32>
    %max3A = arith.constant 1.000000e+00 : f32
    %max3A_19 = vector.broadcast %max3A : f32 to vector<2000x1xf32>
    %max3A_20 = arith.maximumf %add3A, %max3A_19 : vector<2000x1xf32>
    %div3A = vector.broadcast %max3A_20 : vector<2000x1xf32> to vector<2000x64xf32>
    %div3A_21 = arith.divf %concatenate3A, %div3A : vector<2000x64xf32>
    %get3A_22 = arith.constant 0 : index
    %get3A_23 = arith.constant 0 : index
    %get3A_24 = vector.load %arg4[%get3A_22, %get3A_23] : memref<64x64xf32, #tpu.memory_space<vmem>>, vector<64x64xf32>
    %dot_general3A = arith.constant dense<0.000000e+00> : vector<2000x64xf32>
    %dot_general3A_25 = tpu.matmul %div3A_21, %get3A_24, %dot_general3A {dimension_numbers = #tpu.dot_dimension_numbers<[1], [0], [0], [1], [0, 0, 1, 1], [], []>, transpose_lhs_hint = false} : vector<2000x64xf32>, vector<64x64xf32>, vector<2000x64xf32> -> vector<2000x64xf32>
    %get3A_26 = arith.constant 0 : index
    %get3A_27 = arith.constant 0 : index
    %get3A_28 = vector.load %arg3[%get3A_26, %get3A_27] : memref<2000x64xf32, #tpu.memory_space<vmem>>, vector<2000x64xf32>
    %get3A_29 = arith.constant 0 : index
    %get3A_30 = arith.constant 0 : index
    %get3A_31 = vector.load %arg5[%get3A_29, %get3A_30] : memref<64x64xf32, #tpu.memory_space<vmem>>, vector<64x64xf32>
    %dot_general3A_32 = arith.constant dense<0.000000e+00> : vector<2000x64xf32>
    %dot_general3A_33 = tpu.matmul %get3A_28, %get3A_31, %dot_general3A_32 {dimension_numbers = #tpu.dot_dimension_numbers<[1], [0], [0], [1], [0, 0, 1, 1], [], []>, transpose_lhs_hint = false} : vector<2000x64xf32>, vector<64x64xf32>, vector<2000x64xf32> -> vector<2000x64xf32>
    %add3A_34 = arith.addf %dot_general3A_25, %dot_general3A_33 : vector<2000x64xf32>
    %get3A_35 = arith.constant 0 : index
    %get3A_36 = arith.constant 0 : index
    %get3A_37 = vector.load %arg6[%get3A_35, %get3A_36] : memref<1x64xf32, #tpu.memory_space<vmem>>, vector<1x64xf32>
    %add3A_38 = vector.broadcast %get3A_37 : vector<1x64xf32> to vector<2000x64xf32>
    %add3A_39 = arith.addf %add3A_34, %add3A_38 : vector<2000x64xf32>
    %max3A_40 = arith.constant 0.000000e+00 : f32
    %max3A_41 = vector.broadcast %max3A_40 : f32 to vector<2000x64xf32>
    %max3A_42 = arith.maximumf %add3A_39, %max3A_41 : vector<2000x64xf32>
    %get3A_43 = arith.constant 0 : index
    %get3A_44 = arith.constant 0 : index
    %get3A_45 = vector.load %arg7[%get3A_43, %get3A_44] : memref<64x128xf32, #tpu.memory_space<vmem>>, vector<64x128xf32>
    %dot_general3A_46 = arith.constant dense<0.000000e+00> : vector<2000x128xf32>
    %dot_general3A_47 = tpu.matmul %max3A_42, %get3A_45, %dot_general3A_46 {dimension_numbers = #tpu.dot_dimension_numbers<[1], [0], [0], [1], [0, 0, 1, 1], [], []>, transpose_lhs_hint = false} : vector<2000x64xf32>, vector<64x128xf32>, vector<2000x128xf32> -> vector<2000x128xf32>
    %get3A_48 = arith.constant 0 : index
    %get3A_49 = arith.constant 0 : index
    %get3A_50 = vector.load %arg8[%get3A_48, %get3A_49] : memref<1x128xf32, #tpu.memory_space<vmem>>, vector<1x128xf32>
    %add3A_51 = vector.broadcast %get3A_50 : vector<1x128xf32> to vector<2000x128xf32>
    %add3A_52 = arith.addf %dot_general3A_47, %add3A_51 : vector<2000x128xf32>
    %logistic3A = arith.negf %add3A_52 : vector<2000x128xf32>
    %logistic3A_53 = math.exp %logistic3A : vector<2000x128xf32>
    %logistic3A_54 = arith.constant 1.000000e+00 : f32
    %logistic3A_55 = vector.broadcast %logistic3A_54 : f32 to vector<2000x128xf32>
    %logistic3A_56 = arith.addf %logistic3A_55, %logistic3A_53 : vector<2000x128xf32>
    %logistic3A_57 = arith.divf %logistic3A_55, %logistic3A_56 : vector<2000x128xf32>
    %mul3A = arith.constant 1.000000e+03 : f32
    %mul3A_58 = vector.broadcast %mul3A : f32 to vector<2000x128xf32>
    %mul3A_59 = arith.mulf %logistic3A_57, %mul3A_58 : vector<2000x128xf32>
    %swap3A = arith.constant 0 : index
    %swap3A_60 = arith.constant 0 : index
    %swap3A_61 = vector.load %arg9[%swap3A, %swap3A_60] : memref<2000x128xf32, #tpu.memory_space<vmem>>, vector<2000x128xf32>
    tpu.vector_store %arg9[%swap3A, %swap3A_60], %mul3A_59 {strides = array<i32>} : memref<2000x128xf32, #tpu.memory_space<vmem>>, vector<2000x128xf32>,
    return
  }
  func.func @transform_0(%arg0: i32) -> (i32, i32, i32) {
    %c0_i32 = arith.constant 0 : i32
    %c0_i32_0 = arith.constant 0 : i32
    %c0_i32_1 = arith.constant 0 : i32
    return %c0_i32, %arg0, %c0_i32_0 : i32, i32, i32
  }
  func.func @transform_1(%arg0: i32) -> (i32, i32, i32) {
    %c0_i32 = arith.constant 0 : i32
    %c0_i32_0 = arith.constant 0 : i32
    %c0_i32_1 = arith.constant 0 : i32
    return %c0_i32, %arg0, %c0_i32_0 : i32, i32, i32
  }
  func.func @transform_2(%arg0: i32) -> (i32, i32) {
    %c0_i32 = arith.constant 0 : i32
    %c0_i32_0 = arith.constant 0 : i32
    return %arg0, %c0_i32 : i32, i32
  }
  func.func @transform_3(%arg0: i32) -> (i32, i32) {
    %c0_i32 = arith.constant 0 : i32
    %c0_i32_0 = arith.constant 0 : i32
    %c0_i32_1 = arith.constant 0 : i32
    return %c0_i32, %c0_i32_0 : i32, i32
  }
  func.func @transform_4(%arg0: i32) -> (i32, i32) {
    %c0_i32 = arith.constant 0 : i32
    %c0_i32_0 = arith.constant 0 : i32
    %c0_i32_1 = arith.constant 0 : i32
    return %c0_i32, %c0_i32_0 : i32, i32
  }
  func.func @transform_5(%arg0: i32) -> (i32, i32) {
    %c0_i32 = arith.constant 0 : i32
    %c0_i32_0 = arith.constant 0 : i32
    %c0_i32_1 = arith.constant 0 : i32
    return %c0_i32, %c0_i32_0 : i32, i32
  }
  func.func @transform_6(%arg0: i32) -> (i32, i32) {
    %c0_i32 = arith.constant 0 : i32
    %c0_i32_0 = arith.constant 0 : i32
    %c0_i32_1 = arith.constant 0 : i32
    return %c0_i32, %c0_i32_0 : i32, i32
  }
  func.func @transform_7(%arg0: i32) -> (i32, i32) {
    %c0_i32 = arith.constant 0 : i32
    %c0_i32_0 = arith.constant 0 : i32
    %c0_i32_1 = arith.constant 0 : i32
    return %c0_i32, %c0_i32_0 : i32, i32
  }
  func.func @transform_8(%arg0: i32) -> (i32, i32) {
    %c0_i32 = arith.constant 0 : i32
    %c0_i32_0 = arith.constant 0 : i32
    return %arg0, %c0_i32 : i32, i32
  }
}

</mosaic_0001>

<sc_bundles>
// kernel: kernel.11.cloned.1.call-start
scs
__scs_entry_jumppad:
0x0: {  	(pc) =	sbr.rel $0x88, $3  }
0x1: {  	(tag) =	ssettag $0x0;
	lr =	simm.s32 $0x1  }
0x2: {  	[smem:$0x3F90] =	sst lr;
	_ =	strace $0xD0000000  }
0x3: {  	_ = 	snop  }
0x4: {  	_ = 	snop  }
0x5: {  	_ = 	snop  }
0x6: {  	_ = 	snop  }
0x7: {  	_ = 	snop  }
__scs_overlays_trampoline_lowered:
0x8: {  	[smem:$0x3F9F] =	sst s0  }
0x9: {  	[smem:$0x3FA0] =	sst s1  }
0xa: {  	[smem:$0x3FA1] =	sst s2  }
0xb: {  	[smem:$0x3FA2] =	sst s3  }
0xc: {  	[smem:$0x3FA3] =	sst s4  }
0xd: {  	[smem:$0x3FA4] =	sst s5  }
0xe: {  	[smem:$0x3FA5] =	sst s6  }
0xf: {  	[smem:$0x3FA6] =	sst s7  }
0x10: {  	[smem:$0x3FA7] =	sst s8  }
0x11: {  	[smem:$0x3FA8] =	sst s9;
	s0 =	simm.s32 @!p0 $0x0  }
0x12: {  	s1 =	sld [smem:$0x3F8E];
	s0 =	simm.s32 @p0 $0x1  }
0x13: {  	[smem:$0x3FA9] =	sst s0;
	s0 =	simm.s32 @!p1 $0x0  }
0x14: {  	s2 =	sld [smem:$0x3F8D];
	s0 =	simm.s32 @p1 $0x1  }
0x15: {  	[smem:$0x3FAA] =	sst s0;
	s0 =	simm.s32 @!p2 $0x0  }
0x16: {  	s3 =	sld [smem:$0x3FDB];
	s0 =	simm.s32 @p2 $0x1  }
0x17: {  	s4 =	simm.s32 $0x1BF5;
	[smem:$0x3FAC] =	sst s0  }
0x18: {  	s0 =	sld [smem:$0x3F8F];
	_ =	swait.ge [sflag:s4], $0x0  }
0x19: {  	s7 =	sld [smem:$0x3F90]  }
0x1a: {  	s8 =	sadd.s32 $0xFFFFE003, lr  }
0x1b: {  	s9 =	sadd.s32 $0xFFFFFEF7, lr;
	s5 =	simm.s32 $0xFFFFFFFF;
	p2 =	slt.u32 s8, $0xFFFFF086  }
0x1c: {  	p1 =	slt.u32 s9, $0xF7A;
	s5 =	simm.s32 @!p2 $0x0  }
0x1d: {  	s5 =	simm.s32 @p1 $0x1;
	p0 =	seq.s32 s7, s2  }
0x1e: {  	s7 =	smul.u32 @!p0 $0xF7A, s2;
	p2 =	seq.s32 @!p0 s5, $0x0  }
0x1f: {  	s9 =	smul.u32 $0xF7A, s1;
	s8 =	simm.s32 @!p0 $0x1BF5;
	p2 =	por !p2, p0  }
0x20: {  	[sflag:s8] =	ssyncset.s32 @!p0 $0xFFFFF086;
	s6 =	sadd.s32 @!p0 s3, s7;
	s7 =	simm.s32 @!p0 $0x108  }
0x21: {  	s3 =	sadd.s32 s3, s9;
	s6 =	sadd.s32 @!p0 $0x88, s6;
	s7 =	simm.s32 @p2 $0x1082  }
0x22: {  	[simem:s7], [sflag:s8] =	dma.local @!p0 [hbm:s6], $0xF7A  }
0x23: {  	s9 =	sor.u32 $0xD0000000, s2;
	s6 =	simm.s32 $0x108;
	_ =	swait.ge @!p0 [sflag:s8], $0x0  }
0x24: {  	s3 =	sadd.s32 $0x88, s3;
	s6 =	simm.s32 @!p1 $0x1082;
	[sflag:s4] =	ssyncset.s32 $0xFFFFF086  }
0x25: {  	[simem:s6], [sflag:s4] =	dma.local [hbm:s3], $0xF7A  }
0x26: {  	[smem:$0x3F90] =	sst s1;
	(tag) =	ssettag s2;
	_ =	strace s9  }
0x27: {  	s1 =	sld [smem:$0x3FA0]  }
0x28: {  	s2 =	sld [smem:$0x3FA1]  }
0x29: {  	s4 =	sld [smem:$0x3FA3]  }
0x2a: {  	p0 =	seq.s32 s5, $0x0;
	s5 =	sld [smem:$0x3FA4]  }
0x2b: {  	s6 =	sld [smem:$0x3FA5]  }
0x2c: {  	s7 =	sld [smem:$0x3FA6]  }
0x2d: {  	s3 =	simm.s32 $0x108;
	s8 =	sld [smem:$0x3FA7]  }
0x2e: {  	s3 =	simm.s32 @!p0 $0x1082;
	s9 =	sld [smem:$0x3FA8]  }
0x2f: {  	lr =	sadd.s32 s0, s3;
	s0 =	sld [smem:$0x3F9F]  }
0x30: {  	s3 =	sld [smem:$0x3FA2]  }
0x31: {  	[smem:$0x3FAB] =	sst s10  }
0x32: {  	s10 =	sld [smem:$0x3FA9];
	_ =	sdelay $0x3  }
0x33: {  	p0 =	seq.s32 s10, $0x1;
	s10 =	sld [smem:$0x3FAB];
	_ =	sdelay $0x3  }
0x34: {  	[smem:$0x3FAB] =	sst s10  }
0x35: {  	s10 =	sld [smem:$0x3FAA];
	_ =	sdelay $0x3  }
0x36: {  	p1 =	seq.s32 s10, $0x1;
	s10 =	sld [smem:$0x3FAB];
	_ =	sdelay $0x3  }
0x37: {  	[smem:$0x3FAB] =	sst s10  }
0x38: {  	s10 =	sld [smem:$0x3FAC]  }
0x39: {  	_ = 	snop;
	(pc) =	sbr.ind lr, $3  }
0x3a: {  	_ = 	snop  }
0x3b: {  	_ = 	snop  }
0x3c: {  	p2 =	seq.s32 s10, $0x1;
	s10 =	sld [smem:$0x3FAB]  }
0x3d: {  	_ =	shalt  }
0x3e: {  	_ =	shalt  }
0x3f: {  	_ =	shalt  }
0x40: {  	_ =	shalt  }
0x41: {  	_ =	shalt  }
0x42: {  	_ =	shalt  }
0x43: {  	_ =	shalt  }
0x44: {  	_ =	shalt  }
0x45: {  	_ =	shalt  }
0x46: {  	_ =	shalt  }
0x47: {  	_ =	shalt  }
0x48: {  	_ =	shalt  }
0x49: {  	_ =	shalt  }
0x4a: {  	_ =	shalt  }
0x4b: {  	_ =	shalt  }
0x4c: {  	_ =	shalt  }
0x4d: {  	_ =	shalt  }
0x4e: {  	_ =	shalt  }
0x4f: {  	_ =	shalt  }
0x50: {  	_ =	shalt  }
0x51: {  	_ =	shalt  }
0x52: {  	_ =	shalt  }
0x53: {  	_ =	shalt  }
0x54: {  	_ =	shalt  }
0x55: {  	_ =	shalt  }
0x56: {  	_ =	shalt  }
0x57: {  	_ =	shalt  }
0x58: {  	_ =	shalt  }
0x59: {  	_ =	shalt  }
0x5a: {  	_ =	shalt  }
0x5b: {  	_ =	shalt  }
0x5c: {  	_ =	shalt  }
0x5d: {  	_ =	shalt  }
0x5e: {  	_ =	shalt  }
0x5f: {  	_ =	shalt  }
0x60: {  	_ =	shalt  }
0x61: {  	_ =	shalt  }
0x62: {  	_ =	shalt  }
0x63: {  	_ =	shalt  }
0x64: {  	_ =	shalt  }
0x65: {  	_ =	shalt  }
0x66: {  	_ =	shalt  }
0x67: {  	_ =	shalt  }
0x68: {  	_ =	shalt  }
0x69: {  	_ =	shalt  }
0x6a: {  	_ =	shalt  }
0x6b: {  	_ =	shalt  }
0x6c: {  	_ =	shalt  }
0x6d: {  	_ =	shalt  }
0x6e: {  	_ =	shalt  }
0x6f: {  	_ =	shalt  }
0x70: {  	_ =	shalt  }
0x71: {  	_ =	shalt  }
0x72: {  	_ =	shalt  }
0x73: {  	_ =	shalt  }
0x74: {  	_ =	shalt  }
0x75: {  	_ =	shalt  }
0x76: {  	_ =	shalt  }
0x77: {  	_ =	shalt  }
0x78: {  	_ =	shalt  }
0x79: {  	_ =	shalt  }
0x7a: {  	_ =	shalt  }
0x7b: {  	_ =	shalt  }
0x7c: {  	_ =	shalt  }
0x7d: {  	_ =	shalt  }
0x7e: {  	_ =	shalt  }
0x7f: {  	_ =	shalt  }
0x80: {  	_ =	shalt  }
0x81: {  	_ =	shalt  }
0x82: {  	_ =	shalt  }
0x83: {  	_ =	shalt  }
0x84: {  	_ =	shalt  }
0x85: {  	_ =	shalt  }
0x86: {  	_ =	shalt  }
0x87: {  	_ =	shalt  }
.Lfunc_end0:
.L_simem_size_0:
called_computation_lowered:
.L_overlay_start_0:
0x88: {  	s2 =	sld [smem:$0x3FD9]  }
0x89: {  	s3 =	sld [smem:$0x3FFE];
	_ =	sdelay $0x1  }
0x8a: {  	s1 =	srdreg.scid  }
0x8b: {  	s0 =	sand.u32 $0x1, s1  }
0x8c: {  	s15 =	sshll.u32 s0, $0xA;
	s2 =	sadd.s32 s3, s2  }
0x8d: {  	s2 =	sadd.s32 s2, s15  }
0x8e: {  	[smem:$0x3FB7] =	sst s2  }
0x8f: {  	_ = 	snop  }
0x90: {  	s2 =	sld [smem:$0x3FD0];
	_ =	sdelay $0x2  }
0x91: {  	s16 =	simm.s32 $0xB;
	s4 =	simm.s32 $0x10  }
0x92: {  	[smem:s4], [sflag:s16] =	dma.local [hbm:s2], $0x1  }
0x93: {  	_ =	swait.eq [sflag:s16], $0x1  }
0x94: {  	[sflag:s16] =	ssyncset.done $0x0  }
0x95: {  	[sflag:s16] =	ssyncadd.s32 $0xFFFFFFFF  }
0x96: {  	s17 =	sld [smem:$0x12];
	(tm) =	ssettm $0x1  }
0x97: {  	s18 =	sld [smem:$0x3FFB];
	_ =	sdelay $0x3  }
0x98: {  	_ =	strace s18  }
0x99: {  	s2 =	sld [smem:$0x3FFC];
	_ =	sdelay $0x3  }
0x9a: {  	_ =	strace s2  }
0x9b: {  	s2 =	sld [smem:$0x3FFD];
	_ =	sdelay $0x3  }
0x9c: {  	_ =	strace s2  }
0x9d: {  	_ =	strace $0x8FFFFFFF  }
0x9e: {  	s19 =	sld [smem:$0x3FDB];
	_ =	sdelay $0x1  }
0x9f: {  	s20 =	simm.s32 $_scs_section_size  }
0xa0: {  	s5 =	simm.s32 $_size__tile_overlayer_lowered;
	s6 =	simm.s32 $_tile_overlayer_lowered  }
0xa1: {  	s7 =	simm.s32 $0x1BFF;
	s21 =	sshll.u32 s6, $0x1;
	s4 =	sadd.s32 s20, s19  }
0xa2: {  	s22 =	simm.s32 $0x0;
	s5 =	sshll.u32 s5, $0x1;
	s6 =	sadd.s32 s21, s4  }
0xa3: {  	[timem:s22], [sflag:s7] =	dma.local [hbm:s6], s5  }
0xa4: {  	_ =	swait.ge [sflag:s7], s5  }
0xa5: {  	s5 =	ssub.s32 $0x0, s5;
	[sflag:s7] =	ssyncset.done $0x0  }
0xa6: {  	[sflag:s7] =	ssyncadd.s32 s5;
	_ =	sdelay $0x1  }
0xa7: {  	s23 =	simm.s32 $0x1B8B  }
0xa8: {  	_ =	swait.ge [sflag:s23], $0x1  }
0xa9: {  	[sflag:s23] =	ssyncset.done $0x0  }
0xaa: {  	[sflag:s23] =	ssyncadd.s32 $0xFFFFFFFF  }
0xab: {  	s5 =	sld [smem:$0x0]  }
0xac: {  	s6 =	sand.u32 $0xFFFFFFFE, s1  }
0xad: {  	p0 =	sne.s32 s1, s6  }
0xae: {  	s6 =	sshll.u32 @p0 s6, $0xE  }
0xaf: {  	s6 =	sadd.s32 @p0 $0x11B8D, s6;
	s7 =	sshll.u32 @p0 s5, $0x11  }
0xb0: {  	s6 =	sor.u32 @p0 s7, s6  }
0xb1: {  	[sflag:s6] =	ssyncadd.remote.s32 @p0 $0x1;
	_ =	sdelay $0x1  }
0xb2: {  	s6 =	simm.s32 @p0 $0x1B8D  }
0xb3: {  	_ =	swait.eq @p0 [sflag:s6], $0x1  }
0xb4: {  	[sflag:s6] =	ssyncadd.s32 @p0 $0xFFFFFFFF  }
0xb5: {  	s7 =	sshll.u32 @!p0 s1, $0xE  }
0xb6: {  	s7 =	sor.u32 @!p0 $0x4000, s7;
	s6 =	simm.s32 @!p0 $0x1B8D  }
0xb7: {  	s5 =	sshll.u32 @!p0 s5, $0x11;
	s7 =	sadd.s32 @!p0 $0x11B8D, s7;
	_ =	swait.eq @!p0 [sflag:s6], $0x1  }
0xb8: {  	s5 =	sor.u32 @!p0 s5, s7;
	[sflag:s6] =	ssyncadd.s32 @!p0 $0xFFFFFFFF  }
0xb9: {  	s25 =	simm.s32 $0x1B8E;
	s24 =	sld [smem:$0x3FFE];
	[sflag:s5] =	ssyncadd.remote.s32 @!p0 $0x1  }
0xba: {  	s26 =	simm.s32 $execute0_lowered;
	[smem:$0x3FD2] =	sst s25  }
0xbb: {  	s6 =	sshll.u32 s26, $0x1;
	_ =	strace $0x80000049;
	[dreg:$0x1] =	wrdreg $0xFFFFFFFF  }
0xbc: {  	s28 =	simm.s32 $_size_execute0_lowered;
	s4 =	sadd.s32 s4, s6;
	[dreg:$0x0] =	wrdreg $0x0  }
0xbd: {  	s6 =	sshll.u32 s28, $0x1;
	[dreg:$0x2] =	wrdreg s4  }
0xbe: {  	[dreg:$0x3] =	wrdreg s6  }
0xbf: {  	[dreg:$0x4] =	wrdreg $0xC0  }
0xc0: {  	_ =	task [dreg:s22], $0x5FFFF  }
0xc1: {  	[dreg:$0x1] =	wrdreg $0xFFFFFFFF  }
0xc2: {  	[dreg:$0x0] =	wrdreg $0x60  }
0xc3: {  	[dreg:$0x2] =	wrdreg s24  }
0xc4: {  	[dreg:$0x3] =	wrdreg s17  }
0xc5: {  	[dreg:$0x4] =	wrdreg $0x80000  }
0xc6: {  	[dreg:$0x5] =	wrdreg $0x9  }
0xc7: {  	_ =	task.clear_ibuf [dreg:s22], $0x6FFFF;
	_ =	strace $0x90000049  }
0xc8: {  	s29 =	simm.s32 $0x9;
	_ =	strace $0x8000004B  }
0xc9: {  	_ =	swait.ge [sflag:s29], $0x1  }
0xca: {  	[sflag:s29] =	ssyncadd.s32 $0xFFFFFFFF  }
0xcb: {  	_ =	strace $0x9000004B  }
0xcc: {  	_ =	sfence  }
0xcd: {  	s30 =	sld [smem:$0x0];
	_ =	sdelay $0x2  }
0xce: {  	s31 =	sshll.u32 s1, $0xD;
	s1 =	sshrl.u32 s1, $0x2  }
0xcf: {  	s4 =	sand.u32 $0x4000, s31;
	s1 =	sadd.s32 s1, s30  }
0xd0: {  	s0 =	sor.u32 s4, s0;
	s1 =	sshll.u32 s1, $0x11  }
0xd1: {  	s0 =	sor.u32 s1, s0  }
0xd2: {  	s0 =	sadd.s32 $0x8F2B, s0  }
0xd3: {  	[sflag:s0] =	ssyncadd.remote.s32 $0x1  }
0xd4: {  	_ =	sfence.sel $0xFFFF  }
0xd5: {  	[dreg:$0x0] =	wrdreg $0xFFFFFFFF;
	(pc) =	sbr.abs _section_cstart, $3  }
0xd6: {  	[dreg:$0x1] =	wrdreg $0xFFFFFFFF  }
0xd7: {  	_ =	task.clear_ibuf [dreg:s22], $0x2FFFF;
	_ =	strace $0x9FFFFFFF  }
0xd8: {  	(tm) =	ssettm $0x7FFFFFFF  }
0xd9: {  	_ =	shalt  }
tec
execute0_lowered:
.L_overlay_start_1:
0x0: {  	(tag) =	ssettag $0x1  }
0x1: {  	s4 =	rddreg [dreg:$0x0]  }
0x2: {  	s1 =	srdreg.scid;
	s6 =	rddreg [dreg:$0x1]  }
0x3: {  	s0 =	stileid.u32;
	s2 =	rddreg [dreg:$0x2]  }
0x4: {  	s3 =	simm.s32 $0x0;
	s12 =	simm.s32 $0x5800;
	s8 =	smul.u32 $0x500, s0  }
0x5: {  	s5 =	sand.u32 $0x1, s1;
	s29 =	sshll.u32 s0, $0x1;
	s10 =	smul.u32 $0xA000, s0  }
0x6: {  	s1 =	sor.u32 s5, s29;
	s9 =	ssub.s32 $0x2, s5;
	s5 =	smul.u32 $0x5000, s5  }
0x7: {  	s13 =	simm.s32 $0x0;
	[smem:$0x7FF] =	sst s3;
	s7 =	smul.u32 $0x500, s1  }
0x8: {  	s1 =	rddreg [dreg:$0x3];
	s11 =	sshrl.u32 s9, $0x1;
	_ =	strace $0x8000004A  }
0x9: {  	s31 =	sshrl.u32 s10, $0x2;
	s10 =	simm.s32 $0x80;
	s30 =	ssub.s32 s9, s11  }
0xa: {  	s8 =	sadd.s32 s8, s5;
	s5 =	sadd.s32 s31, s2;
	s9 =	simm.s32 $0x3000  }
0xb: {  	s11 =	simm.s32 $0x2800;
	s4 =	sadd.s32 s7, s4;
	s6 =	sadd.s32 s6, s8  }
0xc: {  	v0 =	vimm.f32 $1.000000000e+00;
	v1 =	vimm.f32 $0.0e+00;
	s7 =	smax.u32 s30, $0x1;
	s8 =	simm.s32 $0x1;
	s4 =	sadd.s32 $0x4E00, s4  }
.LBB2_1:
0xd: {  	[tilespmem:s3], [sflag:$0x1] =	stream.linear.gather [hbm4b:s4+s3], $0x2800, $0x38;
	[tilespmem:$0xA800] =	vst v63  }
0xe: {  	_ =	swait.ge [sflag:s8], $0x2800  }
0xf: {  	[sflag:s8] =	ssyncset.done $0x0  }
0x10: {  	s14 =	simm.s32 $0x0;
	[sflag:s8] =	ssyncadd.s32 $0xFFFFD800  }
.LBB2_2:
0x11: {  	p0 =	sne.s32 s14, $0x1FC0  }
.Ltmp0:
0x12: {  	_ = 	snop;
	(pc) =	sbr.rel @p0 .LBB2_2-.Ltmp0, $3  }
0x13: {  	_ =	sdelay $0x1  }
0x14: {  	s15 =	sshra.s32 s14, $0x2  }
0x15: {  	s14 =	sadd.s32 $0x40, s14;
	[tilespmem:s15+$0x2800] =	vst v0  }
0x16: {  	s14 =	simm.s32 $0x40;
	s15 =	simm.s32 $0x0  }
.LBB2_4:
0x17: {  	p0 =	sne.s32 s14, $0x9FC0;
	[tilespmem:s15+$0x3000] =	vst v1;
	s15 =	smov.u32 s14;
	s14 =	sadd.s32 $0x40, s14  }
.Ltmp1:
0x18: {  	(pc) =	sbr.rel @p0 .LBB2_4-.Ltmp1, $2  }
0x19: {  	_ =	sdelay $0x2  }
0x1a: {  	s15 =	sshra.s32 s15, $0x2  }
0x1b: {  	[tilespmem:s15+$0x3000] =	vst v1  }
0x1c: {  	[spmem:s5] =	stream.linear.scatter [tilespmem:s9], [sflag:$0x1], $0x2800, $0x38;
	[tilespmem:$0xA800] =	vst v63  }
0x1d: {  	_ =	swait.ge [sflag:s8], $0x2800  }
0x1e: {  	[sflag:s8] =	ssyncset.done $0x0  }
0x1f: {  	[sflag:s8] =	ssyncadd.s32 $0xFFFFD800  }
0x20: {  	s14 =	simm.s32 $0x0;
	[bflag:$0x0] =	sbarrier.arrive $0xFFFF  }
0x21: {  	[spmem:s2] =	stream.indirect.scatter.add.f32 [tilespmem:s11], [sflag:$0x1], $0x10, s14, s10, $0xb8;
	[tilespmem:$0xA800] =	vst v63  }
0x22: {  	_ =	swait.ge [sflag:s8], $0x800  }
0x23: {  	s14 =	simm.s32 $0x200;
	[sflag:s8] =	ssyncset.done $0x0  }
.LBB2_6:
0x24: {  	s15 =	sshra.s32 s14, $0x2;
	[sflag:s8] =	ssyncadd.s32 $0xFFFFF800;
	p0 =	sne.s32 s14, $0x9E00  }
0x25: {  	[spmem:s2] =	stream.indirect.scatter.add.f32 [tilespmem:s11], [sflag:$0x1], $0x10, s15, s10, $0xb8;
	[tilespmem:$0xA800] =	vst v63  }
.Ltmp2:
0x26: {  	_ = 	snop;
	(pc) =	sbr.rel @p0 .LBB2_6-.Ltmp2, $4  }
0x27: {  	_ = 	snop  }
0x28: {  	s14 =	sadd.s32 $0x200, s14  }
0x29: {  	_ =	swait.ge [sflag:s8], $0x800  }
0x2a: {  	[sflag:s8] =	ssyncset.done $0x0  }
0x2b: {  	[sflag:s8] =	ssyncadd.s32 $0xFFFFF800  }
0x2c: {  	[bflag:$0x0] =	sbarrier.arrive $0xFFFF  }
0x2d: {  	[tilespmem:s12], [sflag:$0x1] =	stream.linear.gather [spmem:s5], $0x2800, $0x38;
	[tilespmem:$0xA800] =	vst v63  }
0x2e: {  	s13 =	sadd.s32 $0x1, s13;
	_ =	swait.ge [sflag:s8], $0x2800  }
0x2f: {  	p0 =	sne.s32 s13, s7;
	[sflag:s8] =	ssyncset.done $0x0  }
.Ltmp3:
0x30: {  	[sflag:s8] =	ssyncadd.s32 $0xFFFFD800;
	(pc) =	sbr.rel @p0 .LBB2_1-.Ltmp3, $4  }
0x31: {  	[hbm4b:s6+s3] =	stream.linear.scatter [tilespmem:s12], [sflag:$0x1], $0x2800, $0x38;
	[tilespmem:$0xA800] =	vst v63  }
0x32: {  	_ =	swait.ge [sflag:s8], $0x2800  }
0x33: {  	[sflag:s8] =	ssyncset.done $0x0  }
0x34: {  	[sflag:s8] =	ssyncadd.s32 $0xFFFFD800  }
0x35: {  	_ =	sfence.sel $0x180000  }
0x36: {  	[bflag:$0x0] =	sbarrier.arrive $0xFFFF  }
0x37: {  	p0 =	sne.s32 s0, $0x0;
	_ =	strace $0x9000004A  }
0x38: {  	s0 =	sadd.s32 @!p0 $0x100000, s1;
	[bflag:$0x2] =	sbarrier.arrive $0xFFFF  }
0x39: {  	[sflag:s0] =	ssyncadd.tile.s32 @!p0 $0x1;
	_ =	shalt  }
.Lfunc_end2:
_tile_overlayer_lowered:
.L_overlay_start_2:
0x3a: {  	(tag) =	ssettag $0x2  }
0x3b: {  	s0 =	rddreg [dreg:$0x0];
	s2 =	stileid.u32  }
0x3c: {  	s1 =	rddreg [dreg:$0x1];
	p0 =	sne.s32 s2, $0x0  }
0x3d: {  	s3 =	rddreg [dreg:$0x2];
	[bflag:$0x3] =	sbarrier.arrive $0xFFFF;
	s2 =	simm.s32 @!p0 $0x1C01  }
0x3e: {  	[timem:s3], [sflag:s2] =	dma.local @!p0 [hbm:s0], s1  }
0x3f: {  	s0 =	simm.s32 @!p0 $0x1  }
0x40: {  	_ =	swait.ge @!p0 [sflag:s0], s1  }
0x41: {  	s1 =	ssub.s32 @!p0 $0x0, s1;
	[sflag:s0] =	ssyncset.done @!p0 $0x0  }
0x42: {  	[sflag:s0] =	ssyncadd.s32 @!p0 s1  }
0x43: {  	[bflag:$0x3] =	sbarrier.arrive $0xFFFF  }
0x44: {  	_ =	shalt  }

// kernel: kernel.14.cloned.1.call-start
scs
__scs_entry_jumppad:
0x0: {  	(pc) =	sbr.rel $0x88, $3  }
0x1: {  	(tag) =	ssettag $0x0;
	lr =	simm.s32 $0x1  }
0x2: {  	[smem:$0x3F90] =	sst lr;
	_ =	strace $0xD0000000  }
0x3: {  	_ = 	snop  }
0x4: {  	_ = 	snop  }
0x5: {  	_ = 	snop  }
0x6: {  	_ = 	snop  }
0x7: {  	_ = 	snop  }
__scs_overlays_trampoline_lowered:
0x8: {  	[smem:$0x3F9F] =	sst s0  }
0x9: {  	[smem:$0x3FA0] =	sst s1  }
0xa: {  	[smem:$0x3FA1] =	sst s2  }
0xb: {  	[smem:$0x3FA2] =	sst s3  }
0xc: {  	[smem:$0x3FA3] =	sst s4  }
0xd: {  	[smem:$0x3FA4] =	sst s5  }
0xe: {  	[smem:$0x3FA5] =	sst s6  }
0xf: {  	[smem:$0x3FA6] =	sst s7  }
0x10: {  	[smem:$0x3FA7] =	sst s8  }
0x11: {  	[smem:$0x3FA8] =	sst s9;
	s0 =	simm.s32 @!p0 $0x0  }
0x12: {  	s1 =	sld [smem:$0x3F8E];
	s0 =	simm.s32 @p0 $0x1  }
0x13: {  	[smem:$0x3FA9] =	sst s0;
	s0 =	simm.s32 @!p1 $0x0  }
0x14: {  	s2 =	sld [smem:$0x3F8D];
	s0 =	simm.s32 @p1 $0x1  }
0x15: {  	[smem:$0x3FAA] =	sst s0;
	s0 =	simm.s32 @!p2 $0x0  }
0x16: {  	s3 =	sld [smem:$0x3FDB];
	s0 =	simm.s32 @p2 $0x1  }
0x17: {  	s4 =	simm.s32 $0x1BF5;
	[smem:$0x3FAC] =	sst s0  }
0x18: {  	s0 =	sld [smem:$0x3F8F];
	_ =	swait.ge [sflag:s4], $0x0  }
0x19: {  	s7 =	sld [smem:$0x3F90]  }
0x1a: {  	s8 =	sadd.s32 $0xFFFFE003, lr  }
0x1b: {  	s9 =	sadd.s32 $0xFFFFFEF7, lr;
	s5 =	simm.s32 $0xFFFFFFFF;
	p2 =	slt.u32 s8, $0xFFFFF086  }
0x1c: {  	p1 =	slt.u32 s9, $0xF7A;
	s5 =	simm.s32 @!p2 $0x0  }
0x1d: {  	s5 =	simm.s32 @p1 $0x1;
	p0 =	seq.s32 s7, s2  }
0x1e: {  	s7 =	smul.u32 @!p0 $0xF7A, s2;
	p2 =	seq.s32 @!p0 s5, $0x0  }
0x1f: {  	s9 =	smul.u32 $0xF7A, s1;
	s8 =	simm.s32 @!p0 $0x1BF5;
	p2 =	por !p2, p0  }
0x20: {  	[sflag:s8] =	ssyncset.s32 @!p0 $0xFFFFF086;
	s6 =	sadd.s32 @!p0 s3, s7;
	s7 =	simm.s32 @!p0 $0x108  }
0x21: {  	s3 =	sadd.s32 s3, s9;
	s6 =	sadd.s32 @!p0 $0x88, s6;
	s7 =	simm.s32 @p2 $0x1082  }
0x22: {  	[simem:s7], [sflag:s8] =	dma.local @!p0 [hbm:s6], $0xF7A  }
0x23: {  	s9 =	sor.u32 $0xD0000000, s2;
	s6 =	simm.s32 $0x108;
	_ =	swait.ge @!p0 [sflag:s8], $0x0  }
0x24: {  	s3 =	sadd.s32 $0x88, s3;
	s6 =	simm.s32 @!p1 $0x1082;
	[sflag:s4] =	ssyncset.s32 $0xFFFFF086  }
0x25: {  	[simem:s6], [sflag:s4] =	dma.local [hbm:s3], $0xF7A  }
0x26: {  	[smem:$0x3F90] =	sst s1;
	(tag) =	ssettag s2;
	_ =	strace s9  }
0x27: {  	s1 =	sld [smem:$0x3FA0]  }
0x28: {  	s2 =	sld [smem:$0x3FA1]  }
0x29: {  	s4 =	sld [smem:$0x3FA3]  }
0x2a: {  	p0 =	seq.s32 s5, $0x0;
	s5 =	sld [smem:$0x3FA4]  }
0x2b: {  	s6 =	sld [smem:$0x3FA5]  }
0x2c: {  	s7 =	sld [smem:$0x3FA6]  }
0x2d: {  	s3 =	simm.s32 $0x108;
	s8 =	sld [smem:$0x3FA7]  }
0x2e: {  	s3 =	simm.s32 @!p0 $0x1082;
	s9 =	sld [smem:$0x3FA8]  }
0x2f: {  	lr =	sadd.s32 s0, s3;
	s0 =	sld [smem:$0x3F9F]  }
0x30: {  	s3 =	sld [smem:$0x3FA2]  }
0x31: {  	[smem:$0x3FAB] =	sst s10  }
0x32: {  	s10 =	sld [smem:$0x3FA9];
	_ =	sdelay $0x3  }
0x33: {  	p0 =	seq.s32 s10, $0x1;
	s10 =	sld [smem:$0x3FAB];
	_ =	sdelay $0x3  }
0x34: {  	[smem:$0x3FAB] =	sst s10  }
0x35: {  	s10 =	sld [smem:$0x3FAA];
	_ =	sdelay $0x3  }
0x36: {  	p1 =	seq.s32 s10, $0x1;
	s10 =	sld [smem:$0x3FAB];
	_ =	sdelay $0x3  }
0x37: {  	[smem:$0x3FAB] =	sst s10  }
0x38: {  	s10 =	sld [smem:$0x3FAC]  }
0x39: {  	_ = 	snop;
	(pc) =	sbr.ind lr, $3  }
0x3a: {  	_ = 	snop  }
0x3b: {  	_ = 	snop  }
0x3c: {  	p2 =	seq.s32 s10, $0x1;
	s10 =	sld [smem:$0x3FAB]  }
0x3d: {  	_ =	shalt  }
0x3e: {  	_ =	shalt  }
0x3f: {  	_ =	shalt  }
0x40: {  	_ =	shalt  }
0x41: {  	_ =	shalt  }
0x42: {  	_ =	shalt  }
0x43: {  	_ =	shalt  }
0x44: {  	_ =	shalt  }
0x45: {  	_ =	shalt  }
0x46: {  	_ =	shalt  }
0x47: {  	_ =	shalt  }
0x48: {  	_ =	shalt  }
0x49: {  	_ =	shalt  }
0x4a: {  	_ =	shalt  }
0x4b: {  	_ =	shalt  }
0x4c: {  	_ =	shalt  }
0x4d: {  	_ =	shalt  }
0x4e: {  	_ =	shalt  }
0x4f: {  	_ =	shalt  }
0x50: {  	_ =	shalt  }
0x51: {  	_ =	shalt  }
0x52: {  	_ =	shalt  }
0x53: {  	_ =	shalt  }
0x54: {  	_ =	shalt  }
0x55: {  	_ =	shalt  }
0x56: {  	_ =	shalt  }
0x57: {  	_ =	shalt  }
0x58: {  	_ =	shalt  }
0x59: {  	_ =	shalt  }
0x5a: {  	_ =	shalt  }
0x5b: {  	_ =	shalt  }
0x5c: {  	_ =	shalt  }
0x5d: {  	_ =	shalt  }
0x5e: {  	_ =	shalt  }
0x5f: {  	_ =	shalt  }
0x60: {  	_ =	shalt  }
0x61: {  	_ =	shalt  }
0x62: {  	_ =	shalt  }
0x63: {  	_ =	shalt  }
0x64: {  	_ =	shalt  }
0x65: {  	_ =	shalt  }
0x66: {  	_ =	shalt  }
0x67: {  	_ =	shalt  }
0x68: {  	_ =	shalt  }
0x69: {  	_ =	shalt  }
0x6a: {  	_ =	shalt  }
0x6b: {  	_ =	shalt  }
0x6c: {  	_ =	shalt  }
0x6d: {  	_ =	shalt  }
0x6e: {  	_ =	shalt  }
0x6f: {  	_ =	shalt  }
0x70: {  	_ =	shalt  }
0x71: {  	_ =	shalt  }
0x72: {  	_ =	shalt  }
0x73: {  	_ =	shalt  }
0x74: {  	_ =	shalt  }
0x75: {  	_ =	shalt  }
0x76: {  	_ =	shalt  }
0x77: {  	_ =	shalt  }
0x78: {  	_ =	shalt  }
0x79: {  	_ =	shalt  }
0x7a: {  	_ =	shalt  }
0x7b: {  	_ =	shalt  }
0x7c: {  	_ =	shalt  }
0x7d: {  	_ =	shalt  }
0x7e: {  	_ =	shalt  }
0x7f: {  	_ =	shalt  }
0x80: {  	_ =	shalt  }
0x81: {  	_ =	shalt  }
0x82: {  	_ =	shalt  }
0x83: {  	_ =	shalt  }
0x84: {  	_ =	shalt  }
0x85: {  	_ =	shalt  }
0x86: {  	_ =	shalt  }
0x87: {  	_ =	shalt  }
.Lfunc_end0:
.L_simem_size_0:
called_computation.1_lowered:
.L_overlay_start_0:
0x88: {  	s2 =	sld [smem:$0x3FD9]  }
0x89: {  	s3 =	sld [smem:$0x3FFE];
	_ =	sdelay $0x1  }
0x8a: {  	s1 =	srdreg.scid  }
0x8b: {  	s0 =	sand.u32 $0x1, s1  }
0x8c: {  	s14 =	sshll.u32 s0, $0xA;
	s2 =	sadd.s32 s3, s2  }
0x8d: {  	s2 =	sadd.s32 s2, s14  }
0x8e: {  	[smem:$0x3FB7] =	sst s2  }
0x8f: {  	_ = 	snop  }
0x90: {  	s2 =	sld [smem:$0x3FD0];
	_ =	sdelay $0x2  }
0x91: {  	s15 =	simm.s32 $0xB;
	s4 =	simm.s32 $0x10  }
0x92: {  	[smem:s4], [sflag:s15] =	dma.local [hbm:s2], $0x1  }
0x93: {  	_ =	swait.eq [sflag:s15], $0x1  }
0x94: {  	[sflag:s15] =	ssyncset.done $0x0  }
0x95: {  	[sflag:s15] =	ssyncadd.s32 $0xFFFFFFFF  }
0x96: {  	s16 =	sld [smem:$0x10];
	(tm) =	ssettm $0x1  }
0x97: {  	s17 =	sld [smem:$0x3FFB];
	_ =	sdelay $0x3  }
0x98: {  	_ =	strace s17  }
0x99: {  	s3 =	sld [smem:$0x3FFC];
	_ =	sdelay $0x3  }
0x9a: {  	_ =	strace s3  }
0x9b: {  	s3 =	sld [smem:$0x3FFD];
	_ =	sdelay $0x3  }
0x9c: {  	_ =	strace s3  }
0x9d: {  	_ =	strace $0x8FFFFFFF  }
0x9e: {  	s18 =	sld [smem:$0x3FDB];
	_ =	sdelay $0x1  }
0x9f: {  	s19 =	simm.s32 $_scs_section_size  }
0xa0: {  	s5 =	simm.s32 $_size__tile_overlayer_lowered;
	s6 =	simm.s32 $_tile_overlayer_lowered  }
0xa1: {  	s22 =	simm.s32 $0x1BFF;
	s21 =	sshll.u32 s6, $0x1;
	s3 =	sadd.s32 s19, s18  }
0xa2: {  	s7 =	simm.s32 $0x0;
	s20 =	sshll.u32 s5, $0x1;
	s5 =	sadd.s32 s21, s3  }
0xa3: {  	[timem:s7], [sflag:s22] =	dma.local [hbm:s5], s20  }
0xa4: {  	_ =	swait.ge [sflag:s22], s20  }
0xa5: {  	s4 =	ssub.s32 $0x0, s20;
	[sflag:s22] =	ssyncset.done $0x0  }
0xa6: {  	[sflag:s22] =	ssyncadd.s32 s4;
	_ =	sdelay $0x1  }
0xa7: {  	s23 =	simm.s32 $0x1B8B  }
0xa8: {  	_ =	swait.ge [sflag:s23], $0x1  }
0xa9: {  	[sflag:s23] =	ssyncset.done $0x0  }
0xaa: {  	s25 =	simm.s32 $0x1B8E;
	s24 =	sld [smem:$0x3FFE];
	[sflag:s23] =	ssyncadd.s32 $0xFFFFFFFF  }
0xab: {  	s26 =	simm.s32 $execute0_lowered;
	[smem:$0x3FD2] =	sst s25  }
0xac: {  	s5 =	sshll.u32 s26, $0x1;
	_ =	strace $0x80000046;
	[dreg:$0x1] =	wrdreg $0xFFFFFFFF  }
0xad: {  	s28 =	simm.s32 $_size_execute0_lowered;
	s3 =	sadd.s32 s3, s5;
	[dreg:$0x0] =	wrdreg $0x0  }
0xae: {  	s5 =	sshll.u32 s28, $0x1;
	[dreg:$0x2] =	wrdreg s3  }
0xaf: {  	[dreg:$0x3] =	wrdreg s5  }
0xb0: {  	[dreg:$0x4] =	wrdreg $0xC0  }
0xb1: {  	_ =	task [dreg:s7], $0x5FFFF  }
0xb2: {  	[dreg:$0x1] =	wrdreg $0xFFFFFFFF  }
0xb3: {  	[dreg:$0x0] =	wrdreg $0x60  }
0xb4: {  	[dreg:$0x2] =	wrdreg s16  }
0xb5: {  	[dreg:$0x3] =	wrdreg s24  }
0xb6: {  	[dreg:$0x4] =	wrdreg $0x140000  }
0xb7: {  	[dreg:$0x5] =	wrdreg $0xA  }
0xb8: {  	_ =	task.clear_ibuf [dreg:s7], $0x6FFFF;
	_ =	strace $0x90000046  }
0xb9: {  	s29 =	simm.s32 $0xA;
	_ =	strace $0x80000048  }
0xba: {  	_ =	swait.ge [sflag:s29], $0x1  }
0xbb: {  	[sflag:s29] =	ssyncadd.s32 $0xFFFFFFFF  }
0xbc: {  	_ =	strace $0x90000048  }
0xbd: {  	_ =	sfence  }
0xbe: {  	s30 =	sld [smem:$0x0];
	_ =	sdelay $0x2  }
0xbf: {  	s31 =	sshll.u32 s1, $0xD;
	s1 =	sshrl.u32 s1, $0x2  }
0xc0: {  	s3 =	sand.u32 $0x4000, s31;
	s1 =	sadd.s32 s1, s30  }
0xc1: {  	s0 =	sor.u32 s3, s0;
	s1 =	sshll.u32 s1, $0x11  }
0xc2: {  	s0 =	sor.u32 s1, s0  }
0xc3: {  	s0 =	sadd.s32 $0x8F2B, s0  }
0xc4: {  	[sflag:s0] =	ssyncadd.remote.s32 $0x1  }
0xc5: {  	_ =	sfence.sel $0xFFFF  }
0xc6: {  	[dreg:$0x0] =	wrdreg $0xFFFFFFFF;
	(pc) =	sbr.abs _section_cstart, $3  }
0xc7: {  	[dreg:$0x1] =	wrdreg $0xFFFFFFFF  }
0xc8: {  	_ =	task.clear_ibuf [dreg:s7], $0x2FFFF;
	_ =	strace $0x9FFFFFFF  }
0xc9: {  	(tm) =	ssettm $0x7FFFFFFF  }
tec
execute0_lowered:
.L_overlay_start_1:
0x0: {  	(tag) =	ssettag $0x1  }
0x1: {  	s0 =	srdreg.scid;
	s1 =	rddreg [dreg:$0x0]  }
0x2: {  	s8 =	stileid.u32;
	s4 =	rddreg [dreg:$0x1]  }
0x3: {  	s3 =	rddreg [dreg:$0x2];
	s6 =	simm.s32 $0x0;
	s14 =	simm.s32 $0x5000  }
0x4: {  	s15 =	simm.s32 $0x12000;
	s16 =	simm.s32 $0x9;
	s17 =	simm.s32 $0x1  }
0x5: {  	s18 =	simm.s32 $0x2;
	s19 =	simm.s32 $0x80;
	s20 =	simm.s32 $0xA000  }
0x6: {  	s21 =	simm.s32 $0xC000;
	s28 =	simm.s32 $0x3;
	s30 =	simm.s32 $0x5  }
0x7: {  	s29 =	simm.s32 $0x8;
	s31 =	simm.s32 $0x4F80;
	s22 =	simm.s32 $0x0  }
0x8: {  	s0 =	sand.u32 $0x1, s0;
	s5 =	smul.u32 $0xA00, s8;
	[smem:$0x7FF] =	sst s6  }
0x9: {  	s23 =	smul.u32 $0x1400, s8;
	s2 =	sshll.u32 s0, $0x4;
	_ =	strace $0x80000047  }
0xa: {  	s7 =	smul.u32 $0x14000, s0;
	s0 =	ssub.s32 $0x2, s0;
	s2 =	sor.u32 s8, s2  }
0xb: {  	s8 =	smul.u32 $0x28000, s8;
	s9 =	sadd.s32 s5, s4;
	s25 =	sshrl.u32 s0, $0x1  }
0xc: {  	s2 =	smul.u32 $0xA00, s2;
	s24 =	sadd.s32 s23, s7;
	s0 =	ssub.s32 s0, s25  }
0xd: {  	s6 =	sadd.s32 $0x4E00, s9;
	s23 =	simm.s32 $0xE000;
	s26 =	sshrl.u32 s8, $0x2  }
0xe: {  	s13 =	smax.u32 s0, $0x1;
	s0 =	simm.s32 $0x7;
	s2 =	sadd.s32 s2, s4  }
0xf: {  	s4 =	sadd.s32 s24, s4;
	s7 =	sadd.s32 s26, s3;
	s26 =	simm.s32 $0x10000  }
0x10: {  	s24 =	simm.s32 $0x6;
	s2 =	sadd.s32 $0xEE00, s2;
	s8 =	sadd.s32 $0x2000, s7  }
0x11: {  	s9 =	sadd.s32 $0x4000, s7;
	s10 =	sadd.s32 $0x6000, s7;
	s11 =	sadd.s32 $0x8000, s7  }
0x12: {  	v0 =	vimm.f32 $0.0e+00;
	s12 =	sadd.s32 $0x22E00, s4;
	[dreg:$0x4] =	wrdreg s2;
	s2 =	simm.s32 $0x4  }
.LBB2_1:
0x13: {  	s4 =	simm.s32 $0x0;
	s5 =	rddreg [dreg:$0x4]  }
0x14: {  	[tilespmem:s4], [sflag:$0x1] =	stream.linear.gather [hbm4b:s5+s4], $0x5000, $0x38;
	[tilespmem:$0x1E000] =	vst v63  }
0x15: {  	_ = 	snop  }
0x16: {  	[tilespmem:s14], [sflag:$0x2] =	stream.linear.gather [hbm4b:s6+s4], $0x5000, $0x38;
	[tilespmem:$0x1E000] =	vst v63  }
0x17: {  	s25 =	simm.s32 $0x100;
	s4 =	simm.s32 $0x0  }
.LBB2_2:
0x18: {  	p0 =	sne.s32 s25, $0x7F00;
	[tilespmem:s4+$0x12030] =	vst v0;
	s5 =	smov.u32 s25;
	s25 =	sadd.s32 $0x100, s25  }
.Ltmp0:
0x19: {  	[tilespmem:s4+$0x12020] =	vst v0;
	(pc) =	sbr.rel @p0 .LBB2_2-.Ltmp0, $3  }
0x1a: {  	[tilespmem:s4+$0x12000] =	vst v0  }
0x1b: {  	[tilespmem:s4+$0x12010] =	vst v0;
	_ =	sdelay $0x1  }
0x1c: {  	s4 =	sshra.s32 s5, $0x2  }
0x1d: {  	[tilespmem:s4+$0x12030] =	vst v0  }
0x1e: {  	[tilespmem:s4+$0x12020] =	vst v0  }
0x1f: {  	[tilespmem:s4+$0x12000] =	vst v0  }
0x20: {  	[tilespmem:s4+$0x12010] =	vst v0  }
0x21: {  	[spmem:s7] =	stream.linear.scatter [tilespmem:s15], [sflag:$0x9], $0x2000, $0x38;
	[tilespmem:$0x1E000] =	vst v63  }
0x22: {  	_ =	swait.ge [sflag:s16], $0x2000  }
0x23: {  	[sflag:s16] =	ssyncset.done $0x0  }
0x24: {  	[sflag:s16] =	ssyncadd.s32 $0xFFFFE000  }
0x25: {  	[spmem:s8] =	stream.linear.scatter [tilespmem:s15], [sflag:$0x9], $0x2000, $0x38;
	[tilespmem:$0x1E000] =	vst v63  }
0x26: {  	_ =	swait.ge [sflag:s16], $0x2000  }
0x27: {  	[sflag:s16] =	ssyncset.done $0x0  }
0x28: {  	[sflag:s16] =	ssyncadd.s32 $0xFFFFE000  }
0x29: {  	[spmem:s9] =	stream.linear.scatter [tilespmem:s15], [sflag:$0x9], $0x2000, $0x38;
	[tilespmem:$0x1E000] =	vst v63  }
0x2a: {  	_ =	swait.ge [sflag:s16], $0x2000  }
0x2b: {  	[sflag:s16] =	ssyncset.done $0x0  }
0x2c: {  	[sflag:s16] =	ssyncadd.s32 $0xFFFFE000  }
0x2d: {  	[spmem:s10] =	stream.linear.scatter [tilespmem:s15], [sflag:$0x9], $0x2000, $0x38;
	[tilespmem:$0x1E000] =	vst v63  }
0x2e: {  	_ =	swait.ge [sflag:s16], $0x2000  }
0x2f: {  	[sflag:s16] =	ssyncset.done $0x0  }
0x30: {  	[sflag:s16] =	ssyncadd.s32 $0xFFFFE000  }
0x31: {  	[spmem:s11] =	stream.linear.scatter [tilespmem:s15], [sflag:$0x9], $0x2000, $0x38;
	[tilespmem:$0x1E000] =	vst v63  }
0x32: {  	_ =	swait.ge [sflag:s16], $0x2000  }
0x33: {  	[sflag:s16] =	ssyncset.done $0x0  }
0x34: {  	[sflag:s16] =	ssyncadd.s32 $0xFFFFE000  }
0x35: {  	_ =	swait.ge [sflag:s17], $0x5000  }
0x36: {  	[sflag:s17] =	ssyncset.done $0x0  }
0x37: {  	[sflag:s17] =	ssyncadd.s32 $0xFFFFB000  }
0x38: {  	_ =	swait.ge [sflag:s18], $0x5000  }
0x39: {  	[sflag:s18] =	ssyncset.done $0x0  }
0x3a: {  	[sflag:s18] =	ssyncadd.s32 $0xFFFFB000  }
0x3b: {  	s25 =	simm.s32 $0x0;
	[bflag:$0x0] =	sbarrier.arrive $0xFFFF  }
0x3c: {  	[tilespmem:s20], [sflag:$0x1] =	stream.indirect.gather [hbm4b:s1+s19], $0x40, s25, s19, $0xb8;
	[tilespmem:$0x1E000] =	vst v63  }
0x3d: {  	_ = 	snop  }
0x3e: {  	[tilespmem:s21], [sflag:$0x2] =	stream.indirect.gather [hbm4b:s1+s19], $0x40, s19, s19, $0xb8;
	[tilespmem:$0x1E000] =	vst v63  }
0x3f: {  	_ =	swait.ge [sflag:s17], $0x2000  }
0x40: {  	[sflag:s17] =	ssyncset.done $0x0  }
0x41: {  	[sflag:s17] =	ssyncadd.s32 $0xFFFFE000  }
0x42: {  	[spmem:s3] =	stream.indirect.scatter.add.f32 [tilespmem:s20], [sflag:$0x5], $0x40, s14, s19, $0xb8;
	[tilespmem:$0x1E000] =	vst v63  }
0x43: {  	s5 =	simm.s32 $0x100  }
0x44: {  	[tilespmem:s23], [sflag:$0x3] =	stream.indirect.gather [hbm4b:s1+s19], $0x40, s5, s19, $0xb8;
	[tilespmem:$0x1E000] =	vst v63  }
0x45: {  	_ =	swait.ge [sflag:s18], $0x2000  }
0x46: {  	[sflag:s18] =	ssyncset.done $0x0  }
0x47: {  	s25 =	simm.s32 $0x5080;
	[sflag:s18] =	ssyncadd.s32 $0xFFFFE000  }
0x48: {  	[spmem:s3] =	stream.indirect.scatter.add.f32 [tilespmem:s21], [sflag:$0x6], $0x40, s25, s19, $0xb8;
	[tilespmem:$0x1E000] =	vst v63  }
0x49: {  	s5 =	simm.s32 $0x180  }
0x4a: {  	[tilespmem:s26], [sflag:$0x4] =	stream.indirect.gather [hbm4b:s1+s19], $0x40, s5, s19, $0xb8;
	[tilespmem:$0x1E000] =	vst v63  }
0x4b: {  	_ =	swait.ge [sflag:s28], $0x2000  }
0x4c: {  	[sflag:s28] =	ssyncset.done $0x0  }
0x4d: {  	s25 =	simm.s32 $0x5100;
	[sflag:s28] =	ssyncadd.s32 $0xFFFFE000  }
0x4e: {  	[spmem:s3] =	stream.indirect.scatter.add.f32 [tilespmem:s23], [sflag:$0x7], $0x40, s25, s19, $0xb8;
	[tilespmem:$0x1E000] =	vst v63  }
0x4f: {  	_ =	swait.ge [sflag:s30], $0x2000  }
0x50: {  	[sflag:s30] =	ssyncset.done $0x0  }
0x51: {  	s5 =	simm.s32 $0x200;
	[sflag:s30] =	ssyncadd.s32 $0xFFFFE000  }
0x52: {  	[tilespmem:s20], [sflag:$0x1] =	stream.indirect.gather [hbm4b:s1+s19], $0x40, s5, s19, $0xb8;
	[tilespmem:$0x1E000] =	vst v63  }
0x53: {  	_ =	swait.ge [sflag:s2], $0x2000  }
0x54: {  	[sflag:s2] =	ssyncset.done $0x0  }
0x55: {  	s25 =	simm.s32 $0x5180;
	[sflag:s2] =	ssyncadd.s32 $0xFFFFE000  }
0x56: {  	[spmem:s3] =	stream.indirect.scatter.add.f32 [tilespmem:s26], [sflag:$0x8], $0x40, s25, s19, $0xb8;
	[tilespmem:$0x1E000] =	vst v63  }
0x57: {  	_ =	swait.ge [sflag:s24], $0x2000  }
0x58: {  	[sflag:s24] =	ssyncset.done $0x0  }
0x59: {  	s5 =	simm.s32 $0x280;
	[sflag:s24] =	ssyncadd.s32 $0xFFFFE000  }
0x5a: {  	[tilespmem:s21], [sflag:$0x2] =	stream.indirect.gather [hbm4b:s1+s19], $0x40, s5, s19, $0xb8;
	[tilespmem:$0x1E000] =	vst v63  }
0x5b: {  	_ =	swait.ge [sflag:s17], $0x2000  }
0x5c: {  	[sflag:s17] =	ssyncset.done $0x0  }
0x5d: {  	s25 =	simm.s32 $0x5200;
	[sflag:s17] =	ssyncadd.s32 $0xFFFFE000  }
0x5e: {  	[spmem:s3] =	stream.indirect.scatter.add.f32 [tilespmem:s20], [sflag:$0x5], $0x40, s25, s19, $0xb8;
	[tilespmem:$0x1E000] =	vst v63  }
0x5f: {  	_ =	swait.ge [sflag:s0], $0x2000  }
0x60: {  	[sflag:s0] =	ssyncset.done $0x0  }
0x61: {  	s5 =	simm.s32 $0x300;
	[sflag:s0] =	ssyncadd.s32 $0xFFFFE000  }
0x62: {  	[tilespmem:s23], [sflag:$0x3] =	stream.indirect.gather [hbm4b:s1+s19], $0x40, s5, s19, $0xb8;
	[tilespmem:$0x1E000] =	vst v63  }
0x63: {  	_ =	swait.ge [sflag:s18], $0x2000  }
0x64: {  	[sflag:s18] =	ssyncset.done $0x0  }
0x65: {  	s25 =	simm.s32 $0x5280;
	[sflag:s18] =	ssyncadd.s32 $0xFFFFE000  }
0x66: {  	[spmem:s3] =	stream.indirect.scatter.add.f32 [tilespmem:s21], [sflag:$0x6], $0x40, s25, s19, $0xb8;
	[tilespmem:$0x1E000] =	vst v63  }
0x67: {  	_ =	swait.ge [sflag:s29], $0x2000  }
0x68: {  	[sflag:s29] =	ssyncset.done $0x0  }
0x69: {  	s5 =	simm.s32 $0x380;
	[sflag:s29] =	ssyncadd.s32 $0xFFFFE000  }
0x6a: {  	[tilespmem:s26], [sflag:$0x4] =	stream.indirect.gather [hbm4b:s1+s19], $0x40, s5, s19, $0xb8;
	[tilespmem:$0x1E000] =	vst v63  }
0x6b: {  	_ =	swait.ge [sflag:s28], $0x2000  }
0x6c: {  	[sflag:s28] =	ssyncset.done $0x0  }
0x6d: {  	s25 =	simm.s32 $0x5300;
	[sflag:s28] =	ssyncadd.s32 $0xFFFFE000  }
0x6e: {  	[spmem:s3] =	stream.indirect.scatter.add.f32 [tilespmem:s23], [sflag:$0x7], $0x40, s25, s19, $0xb8;
	[tilespmem:$0x1E000] =	vst v63  }
0x6f: {  	_ =	swait.ge [sflag:s30], $0x2000  }
0x70: {  	[sflag:s30] =	ssyncset.done $0x0  }
0x71: {  	s5 =	simm.s32 $0x400;
	[sflag:s30] =	ssyncadd.s32 $0xFFFFE000  }
0x72: {  	[tilespmem:s20], [sflag:$0x1] =	stream.indirect.gather [hbm4b:s1+s19], $0x40, s5, s19, $0xb8;
	[tilespmem:$0x1E000] =	vst v63  }
0x73: {  	_ =	swait.ge [sflag:s2], $0x2000  }
0x74: {  	[sflag:s2] =	ssyncset.done $0x0  }
0x75: {  	s25 =	simm.s32 $0x5380;
	[sflag:s2] =	ssyncadd.s32 $0xFFFFE000  }
0x76: {  	[spmem:s3] =	stream.indirect.scatter.add.f32 [tilespmem:s26], [sflag:$0x8], $0x40, s25, s19, $0xb8;
	[tilespmem:$0x1E000] =	vst v63  }
0x77: {  	_ =	swait.ge [sflag:s24], $0x2000  }
0x78: {  	[sflag:s24] =	ssyncset.done $0x0  }
0x79: {  	s4 =	simm.s32 $0x480;
	s25 =	simm.s32 $0x800;
	[sflag:s24] =	ssyncadd.s32 $0xFFFFE000  }
.LBB2_4:
0x7a: {  	[tilespmem:s21], [sflag:$0x2] =	stream.indirect.gather [hbm4b:s1+s19], $0x40, s4, s19, $0xb8;
	[tilespmem:$0x1E000] =	vst v63  }
0x7b: {  	s4 =	smov.u32 s25  }
0x7c: {  	p0 =	sne.s32 s25, $0x12800;
	s25 =	sadd.s32 $0x800, s25;
	_ =	swait.ge [sflag:s17], $0x2000  }
0x7d: {  	s4 =	sshra.s32 s4, $0x2;
	[sflag:s17] =	ssyncset.done $0x0  }
0x7e: {  	s5 =	sadd.s32 $0x5200, s4;
	[sflag:s17] =	ssyncadd.s32 $0xFFFFE000  }
0x7f: {  	[spmem:s3] =	stream.indirect.scatter.add.f32 [tilespmem:s20], [sflag:$0x5], $0x40, s5, s19, $0xb8;
	[tilespmem:$0x1E000] =	vst v63  }
0x80: {  	_ =	swait.ge [sflag:s0], $0x2000  }
0x81: {  	[sflag:s0] =	ssyncset.done $0x0  }
0x82: {  	s5 =	sadd.s32 $0x300, s4;
	[sflag:s0] =	ssyncadd.s32 $0xFFFFE000  }
0x83: {  	[tilespmem:s23], [sflag:$0x3] =	stream.indirect.gather [hbm4b:s1+s19], $0x40, s5, s19, $0xb8;
	[tilespmem:$0x1E000] =	vst v63  }
0x84: {  	_ =	swait.ge [sflag:s18], $0x2000  }
0x85: {  	[sflag:s18] =	ssyncset.done $0x0  }
0x86: {  	s5 =	sadd.s32 $0x5280, s4;
	[sflag:s18] =	ssyncadd.s32 $0xFFFFE000  }
0x87: {  	[spmem:s3] =	stream.indirect.scatter.add.f32 [tilespmem:s21], [sflag:$0x6], $0x40, s5, s19, $0xb8;
	[tilespmem:$0x1E000] =	vst v63  }
0x88: {  	_ =	swait.ge [sflag:s29], $0x2000  }
0x89: {  	[sflag:s29] =	ssyncset.done $0x0  }
0x8a: {  	s5 =	sadd.s32 $0x380, s4;
	[sflag:s29] =	ssyncadd.s32 $0xFFFFE000  }
0x8b: {  	[tilespmem:s26], [sflag:$0x4] =	stream.indirect.gather [hbm4b:s1+s19], $0x40, s5, s19, $0xb8;
	[tilespmem:$0x1E000] =	vst v63  }
0x8c: {  	_ =	swait.ge [sflag:s28], $0x2000  }
0x8d: {  	[sflag:s28] =	ssyncset.done $0x0  }
0x8e: {  	s5 =	sadd.s32 $0x5300, s4;
	[sflag:s28] =	ssyncadd.s32 $0xFFFFE000  }
0x8f: {  	[spmem:s3] =	stream.indirect.scatter.add.f32 [tilespmem:s23], [sflag:$0x7], $0x40, s5, s19, $0xb8;
	[tilespmem:$0x1E000] =	vst v63  }
0x90: {  	_ =	swait.ge [sflag:s30], $0x2000  }
0x91: {  	[sflag:s30] =	ssyncset.done $0x0  }
0x92: {  	s5 =	sadd.s32 $0x400, s4;
	[sflag:s30] =	ssyncadd.s32 $0xFFFFE000  }
0x93: {  	[tilespmem:s20], [sflag:$0x1] =	stream.indirect.gather [hbm4b:s1+s19], $0x40, s5, s19, $0xb8;
	[tilespmem:$0x1E000] =	vst v63  }
0x94: {  	_ =	swait.ge [sflag:s2], $0x2000  }
0x95: {  	[sflag:s2] =	ssyncset.done $0x0  }
.Ltmp1:
0x96: {  	s5 =	sadd.s32 $0x5380, s4;
	[sflag:s2] =	ssyncadd.s32 $0xFFFFE000;
	(pc) =	sbr.rel @p0 .LBB2_4-.Ltmp1, $4  }
0x97: {  	[spmem:s3] =	stream.indirect.scatter.add.f32 [tilespmem:s26], [sflag:$0x8], $0x40, s5, s19, $0xb8;
	[tilespmem:$0x1E000] =	vst v63  }
0x98: {  	_ =	swait.ge [sflag:s24], $0x2000  }
0x99: {  	[sflag:s24] =	ssyncset.done $0x0  }
0x9a: {  	s4 =	sadd.s32 $0x480, s4;
	[sflag:s24] =	ssyncadd.s32 $0xFFFFE000  }
0x9b: {  	[tilespmem:s21], [sflag:$0x2] =	stream.indirect.gather [hbm4b:s1+s19], $0x40, s4, s19, $0xb8;
	[tilespmem:$0x1E000] =	vst v63  }
0x9c: {  	_ =	swait.ge [sflag:s17], $0x2000  }
0x9d: {  	[sflag:s17] =	ssyncset.done $0x0  }
0x9e: {  	s5 =	simm.s32 $0x9E00;
	[sflag:s17] =	ssyncadd.s32 $0xFFFFE000  }
0x9f: {  	[spmem:s3] =	stream.indirect.scatter.add.f32 [tilespmem:s20], [sflag:$0x5], $0x40, s5, s19, $0xb8;
	[tilespmem:$0x1E000] =	vst v63  }
0xa0: {  	_ =	swait.ge [sflag:s0], $0x2000  }
0xa1: {  	[sflag:s0] =	ssyncset.done $0x0  }
0xa2: {  	s25 =	simm.s32 $0x4F00;
	[sflag:s0] =	ssyncadd.s32 $0xFFFFE000  }
0xa3: {  	[tilespmem:s23], [sflag:$0x3] =	stream.indirect.gather [hbm4b:s1+s19], $0x40, s25, s19, $0xb8;
	[tilespmem:$0x1E000] =	vst v63  }
0xa4: {  	_ =	swait.ge [sflag:s18], $0x2000  }
0xa5: {  	[sflag:s18] =	ssyncset.done $0x0  }
0xa6: {  	s5 =	simm.s32 $0x9E80;
	[sflag:s18] =	ssyncadd.s32 $0xFFFFE000  }
0xa7: {  	[spmem:s3] =	stream.indirect.scatter.add.f32 [tilespmem:s21], [sflag:$0x6], $0x40, s5, s19, $0xb8;
	[tilespmem:$0x1E000] =	vst v63  }
0xa8: {  	_ =	swait.ge [sflag:s29], $0x2000  }
0xa9: {  	[sflag:s29] =	ssyncset.done $0x0  }
0xaa: {  	[sflag:s29] =	ssyncadd.s32 $0xFFFFE000  }
0xab: {  	[tilespmem:s26], [sflag:$0x4] =	stream.indirect.gather [hbm4b:s1+s19], $0x40, s31, s19, $0xb8;
	[tilespmem:$0x1E000] =	vst v63  }
0xac: {  	_ =	swait.ge [sflag:s28], $0x2000  }
0xad: {  	[sflag:s28] =	ssyncset.done $0x0  }
0xae: {  	s25 =	simm.s32 $0x9F00;
	[sflag:s28] =	ssyncadd.s32 $0xFFFFE000  }
0xaf: {  	[spmem:s3] =	stream.indirect.scatter.add.f32 [tilespmem:s23], [sflag:$0x7], $0x40, s25, s19, $0xb8;
	[tilespmem:$0x1E000] =	vst v63  }
0xb0: {  	_ =	swait.ge [sflag:s30], $0x2000  }
0xb1: {  	[sflag:s30] =	ssyncset.done $0x0  }
0xb2: {  	[sflag:s30] =	ssyncadd.s32 $0xFFFFE000  }
0xb3: {  	[tilespmem:s20], [sflag:$0x1] =	stream.indirect.gather [hbm4b:s1+s19], $0x40, s31, s19, $0xb8;
	[tilespmem:$0x1E000] =	vst v63  }
0xb4: {  	_ =	swait.ge [sflag:s2], $0x2000  }
0xb5: {  	[sflag:s2] =	ssyncset.done $0x0  }
0xb6: {  	s5 =	simm.s32 $0x9F80;
	[sflag:s2] =	ssyncadd.s32 $0xFFFFE000  }
0xb7: {  	[spmem:s3] =	stream.indirect.scatter.add.f32 [tilespmem:s26], [sflag:$0x8], $0x40, s5, s19, $0xb8;
	[tilespmem:$0x1E000] =	vst v63  }
0xb8: {  	_ =	swait.ge [sflag:s24], $0x2000  }
0xb9: {  	[sflag:s24] =	ssyncset.done $0x0  }
0xba: {  	[sflag:s24] =	ssyncadd.s32 $0xFFFFE000  }
0xbb: {  	[tilespmem:s21], [sflag:$0x2] =	stream.indirect.gather [hbm4b:s1+s19], $0x40, s31, s19, $0xb8;
	[tilespmem:$0x1E000] =	vst v63  }
0xbc: {  	_ =	swait.ge [sflag:s17], $0x2000  }
0xbd: {  	[sflag:s17] =	ssyncset.done $0x0  }
0xbe: {  	[sflag:s17] =	ssyncadd.s32 $0xFFFFE000  }
0xbf: {  	_ =	swait.ge [sflag:s18], $0x2000  }
0xc0: {  	[sflag:s18] =	ssyncset.done $0x0  }
0xc1: {  	[sflag:s18] =	ssyncadd.s32 $0xFFFFE000  }
0xc2: {  	_ =	swait.ge [sflag:s0], $0x2000  }
0xc3: {  	[sflag:s0] =	ssyncset.done $0x0  }
0xc4: {  	[sflag:s0] =	ssyncadd.s32 $0xFFFFE000  }
0xc5: {  	s25 =	stileid.u32;
	_ =	swait.ge [sflag:s29], $0x2000  }
0xc6: {  	s22 =	sadd.s32 $0x1, s22;
	s4 =	sshll.u32 s25, $0x6;
	[sflag:s29] =	ssyncset.done $0x0  }
0xc7: {  	p0 =	sne.s32 s22, s13;
	s4 =	sor.u32 $0x1C09, s4;
	[sflag:s29] =	ssyncadd.s32 $0xFFFFE000  }
.Ltmp2:
0xc8: {  	s5 =	sshrl.u32 s7, $0x3;
	[bflag:$0x0] =	sbarrier.arrive $0xFFFF;
	(pc) =	sbr.rel @p0 .LBB2_1-.Ltmp2, $4  }
0xc9: {  	[hbm:s12], [sflag:s4] =	dma.local [spmem:s5], $0x1400  }
0xca: {  	_ =	swait.ge [sflag:s16], $0x1400  }
0xcb: {  	[sflag:s16] =	ssyncset.done $0x0  }
0xcc: {  	[sflag:s16] =	ssyncadd.s32 $0xFFFFEC00  }
0xcd: {  	_ =	sfence.sel $0x180000  }
0xce: {  	[bflag:$0x0] =	sbarrier.arrive $0xFFFF  }
0xcf: {  	_ =	strace $0x90000047  }
0xd0: {  	s0 =	stileid.u32;
	[bflag:$0x2] =	sbarrier.arrive $0xFFFF  }
0xd1: {  	p0 =	sne.s32 s0, $0x0;
	s0 =	rddreg [dreg:$0x3]  }
0xd2: {  	s0 =	sadd.s32 @!p0 $0x100000, s0  }
0xd3: {  	[sflag:s0] =	ssyncadd.tile.s32 @!p0 $0x1;
	_ =	shalt  }
.Lfunc_end2:
_tile_overlayer_lowered:
.L_overlay_start_2:
0xd4: {  	(tag) =	ssettag $0x2  }
0xd5: {  	s0 =	rddreg [dreg:$0x0];
	s2 =	stileid.u32  }
0xd6: {  	s1 =	rddreg [dreg:$0x1];
	p0 =	sne.s32 s2, $0x0  }
0xd7: {  	s3 =	rddreg [dreg:$0x2];
	[bflag:$0x3] =	sbarrier.arrive $0xFFFF;
	s2 =	simm.s32 @!p0 $0x1C09  }
0xd8: {  	[timem:s3], [sflag:s2] =	dma.local @!p0 [hbm:s0], s1  }
0xd9: {  	s0 =	simm.s32 @!p0 $0x9  }
0xda: {  	_ =	swait.ge @!p0 [sflag:s0], s1  }
0xdb: {  	s1 =	ssub.s32 @!p0 $0x0, s1;
	[sflag:s0] =	ssyncset.done @!p0 $0x0  }
0xdc: {  	[sflag:s0] =	ssyncadd.s32 @!p0 s1  }
0xdd: {  	[bflag:$0x3] =	sbarrier.arrive $0xFFFF  }
0xde: {  	_ =	shalt  }

// kernel: kernel.17.cloned.1.call-start
scs
__scs_entry_jumppad:
0x0: {  	(pc) =	sbr.rel $0x88, $3  }
0x1: {  	(tag) =	ssettag $0x0;
	lr =	simm.s32 $0x1  }
0x2: {  	[smem:$0x3F90] =	sst lr;
	_ =	strace $0xD0000000  }
0x3: {  	_ = 	snop  }
0x4: {  	_ = 	snop  }
0x5: {  	_ = 	snop  }
0x6: {  	_ = 	snop  }
0x7: {  	_ = 	snop  }
__scs_overlays_trampoline_lowered:
0x8: {  	[smem:$0x3F9F] =	sst s0  }
0x9: {  	[smem:$0x3FA0] =	sst s1  }
0xa: {  	[smem:$0x3FA1] =	sst s2  }
0xb: {  	[smem:$0x3FA2] =	sst s3  }
0xc: {  	[smem:$0x3FA3] =	sst s4  }
0xd: {  	[smem:$0x3FA4] =	sst s5  }
0xe: {  	[smem:$0x3FA5] =	sst s6  }
0xf: {  	[smem:$0x3FA6] =	sst s7  }
0x10: {  	[smem:$0x3FA7] =	sst s8  }
0x11: {  	[smem:$0x3FA8] =	sst s9;
	s0 =	simm.s32 @!p0 $0x0  }
0x12: {  	s1 =	sld [smem:$0x3F8E];
	s0 =	simm.s32 @p0 $0x1  }
0x13: {  	[smem:$0x3FA9] =	sst s0;
	s0 =	simm.s32 @!p1 $0x0  }
0x14: {  	s2 =	sld [smem:$0x3F8D];
	s0 =	simm.s32 @p1 $0x1  }
0x15: {  	[smem:$0x3FAA] =	sst s0;
	s0 =	simm.s32 @!p2 $0x0  }
0x16: {  	s3 =	sld [smem:$0x3FDB];
	s0 =	simm.s32 @p2 $0x1  }
0x17: {  	s4 =	simm.s32 $0x1BF5;
	[smem:$0x3FAC] =	sst s0  }
0x18: {  	s0 =	sld [smem:$0x3F8F];
	_ =	swait.ge [sflag:s4], $0x0  }
0x19: {  	s7 =	sld [smem:$0x3F90]  }
0x1a: {  	s8 =	sadd.s32 $0xFFFFE003, lr  }
0x1b: {  	s9 =	sadd.s32 $0xFFFFFEF7, lr;
	s5 =	simm.s32 $0xFFFFFFFF;
	p2 =	slt.u32 s8, $0xFFFFF086  }
0x1c: {  	p1 =	slt.u32 s9, $0xF7A;
	s5 =	simm.s32 @!p2 $0x0  }
0x1d: {  	s5 =	simm.s32 @p1 $0x1;
	p0 =	seq.s32 s7, s2  }
0x1e: {  	s7 =	smul.u32 @!p0 $0xF7A, s2;
	p2 =	seq.s32 @!p0 s5, $0x0  }
0x1f: {  	s9 =	smul.u32 $0xF7A, s1;
	s8 =	simm.s32 @!p0 $0x1BF5;
	p2 =	por !p2, p0  }
0x20: {  	[sflag:s8] =	ssyncset.s32 @!p0 $0xFFFFF086;
	s6 =	sadd.s32 @!p0 s3, s7;
	s7 =	simm.s32 @!p0 $0x108  }
0x21: {  	s3 =	sadd.s32 s3, s9;
	s6 =	sadd.s32 @!p0 $0x88, s6;
	s7 =	simm.s32 @p2 $0x1082  }
0x22: {  	[simem:s7], [sflag:s8] =	dma.local @!p0 [hbm:s6], $0xF7A  }
0x23: {  	s9 =	sor.u32 $0xD0000000, s2;
	s6 =	simm.s32 $0x108;
	_ =	swait.ge @!p0 [sflag:s8], $0x0  }
0x24: {  	s3 =	sadd.s32 $0x88, s3;
	s6 =	simm.s32 @!p1 $0x1082;
	[sflag:s4] =	ssyncset.s32 $0xFFFFF086  }
0x25: {  	[simem:s6], [sflag:s4] =	dma.local [hbm:s3], $0xF7A  }
0x26: {  	[smem:$0x3F90] =	sst s1;
	(tag) =	ssettag s2;
	_ =	strace s9  }
0x27: {  	s1 =	sld [smem:$0x3FA0]  }
0x28: {  	s2 =	sld [smem:$0x3FA1]  }
0x29: {  	s4 =	sld [smem:$0x3FA3]  }
0x2a: {  	p0 =	seq.s32 s5, $0x0;
	s5 =	sld [smem:$0x3FA4]  }
0x2b: {  	s6 =	sld [smem:$0x3FA5]  }
0x2c: {  	s7 =	sld [smem:$0x3FA6]  }
0x2d: {  	s3 =	simm.s32 $0x108;
	s8 =	sld [smem:$0x3FA7]  }
0x2e: {  	s3 =	simm.s32 @!p0 $0x1082;
	s9 =	sld [smem:$0x3FA8]  }
0x2f: {  	lr =	sadd.s32 s0, s3;
	s0 =	sld [smem:$0x3F9F]  }
0x30: {  	s3 =	sld [smem:$0x3FA2]  }
0x31: {  	[smem:$0x3FAB] =	sst s10  }
0x32: {  	s10 =	sld [smem:$0x3FA9];
	_ =	sdelay $0x3  }
0x33: {  	p0 =	seq.s32 s10, $0x1;
	s10 =	sld [smem:$0x3FAB];
	_ =	sdelay $0x3  }
0x34: {  	[smem:$0x3FAB] =	sst s10  }
0x35: {  	s10 =	sld [smem:$0x3FAA];
	_ =	sdelay $0x3  }
0x36: {  	p1 =	seq.s32 s10, $0x1;
	s10 =	sld [smem:$0x3FAB];
	_ =	sdelay $0x3  }
0x37: {  	[smem:$0x3FAB] =	sst s10  }
0x38: {  	s10 =	sld [smem:$0x3FAC]  }
0x39: {  	_ = 	snop;
	(pc) =	sbr.ind lr, $3  }
0x3a: {  	_ = 	snop  }
0x3b: {  	_ = 	snop  }
0x3c: {  	p2 =	seq.s32 s10, $0x1;
	s10 =	sld [smem:$0x3FAB]  }
0x3d: {  	_ =	shalt  }
0x3e: {  	_ =	shalt  }
0x3f: {  	_ =	shalt  }
0x40: {  	_ =	shalt  }
0x41: {  	_ =	shalt  }
0x42: {  	_ =	shalt  }
0x43: {  	_ =	shalt  }
0x44: {  	_ =	shalt  }
0x45: {  	_ =	shalt  }
0x46: {  	_ =	shalt  }
0x47: {  	_ =	shalt  }
0x48: {  	_ =	shalt  }
0x49: {  	_ =	shalt  }
0x4a: {  	_ =	shalt  }
0x4b: {  	_ =	shalt  }
0x4c: {  	_ =	shalt  }
0x4d: {  	_ =	shalt  }
0x4e: {  	_ =	shalt  }
0x4f: {  	_ =	shalt  }
0x50: {  	_ =	shalt  }
0x51: {  	_ =	shalt  }
0x52: {  	_ =	shalt  }
0x53: {  	_ =	shalt  }
0x54: {  	_ =	shalt  }
0x55: {  	_ =	shalt  }
0x56: {  	_ =	shalt  }
0x57: {  	_ =	shalt  }
0x58: {  	_ =	shalt  }
0x59: {  	_ =	shalt  }
0x5a: {  	_ =	shalt  }
0x5b: {  	_ =	shalt  }
0x5c: {  	_ =	shalt  }
0x5d: {  	_ =	shalt  }
0x5e: {  	_ =	shalt  }
0x5f: {  	_ =	shalt  }
0x60: {  	_ =	shalt  }
0x61: {  	_ =	shalt  }
0x62: {  	_ =	shalt  }
0x63: {  	_ =	shalt  }
0x64: {  	_ =	shalt  }
0x65: {  	_ =	shalt  }
0x66: {  	_ =	shalt  }
0x67: {  	_ =	shalt  }
0x68: {  	_ =	shalt  }
0x69: {  	_ =	shalt  }
0x6a: {  	_ =	shalt  }
0x6b: {  	_ =	shalt  }
0x6c: {  	_ =	shalt  }
0x6d: {  	_ =	shalt  }
0x6e: {  	_ =	shalt  }
0x6f: {  	_ =	shalt  }
0x70: {  	_ =	shalt  }
0x71: {  	_ =	shalt  }
0x72: {  	_ =	shalt  }
0x73: {  	_ =	shalt  }
0x74: {  	_ =	shalt  }
0x75: {  	_ =	shalt  }
0x76: {  	_ =	shalt  }
0x77: {  	_ =	shalt  }
0x78: {  	_ =	shalt  }
0x79: {  	_ =	shalt  }
0x7a: {  	_ =	shalt  }
0x7b: {  	_ =	shalt  }
0x7c: {  	_ =	shalt  }
0x7d: {  	_ =	shalt  }
0x7e: {  	_ =	shalt  }
0x7f: {  	_ =	shalt  }
0x80: {  	_ =	shalt  }
0x81: {  	_ =	shalt  }
0x82: {  	_ =	shalt  }
0x83: {  	_ =	shalt  }
0x84: {  	_ =	shalt  }
0x85: {  	_ =	shalt  }
0x86: {  	_ =	shalt  }
0x87: {  	_ =	shalt  }
.Lfunc_end0:
.L_simem_size_0:
called_computation.2_lowered:
.L_overlay_start_0:
0x88: {  	s2 =	sld [smem:$0x3FD9]  }
0x89: {  	s3 =	sld [smem:$0x3FFE];
	_ =	sdelay $0x1  }
0x8a: {  	s1 =	srdreg.scid  }
0x8b: {  	s0 =	sand.u32 $0x1, s1  }
0x8c: {  	s14 =	sshll.u32 s0, $0xA;
	s2 =	sadd.s32 s3, s2  }
0x8d: {  	s2 =	sadd.s32 s2, s14  }
0x8e: {  	[smem:$0x3FB7] =	sst s2  }
0x8f: {  	_ = 	snop  }
0x90: {  	s2 =	sld [smem:$0x3FD0];
	_ =	sdelay $0x2  }
0x91: {  	s15 =	simm.s32 $0xB;
	s4 =	simm.s32 $0x10  }
0x92: {  	[smem:s4], [sflag:s15] =	dma.local [hbm:s2], $0x1  }
0x93: {  	_ =	swait.eq [sflag:s15], $0x1  }
0x94: {  	[sflag:s15] =	ssyncset.done $0x0  }
0x95: {  	[sflag:s15] =	ssyncadd.s32 $0xFFFFFFFF  }
0x96: {  	s16 =	sld [smem:$0x10];
	(tm) =	ssettm $0x1  }
0x97: {  	s17 =	sld [smem:$0x3FFB];
	_ =	sdelay $0x3  }
0x98: {  	_ =	strace s17  }
0x99: {  	s3 =	sld [smem:$0x3FFC];
	_ =	sdelay $0x3  }
0x9a: {  	_ =	strace s3  }
0x9b: {  	s3 =	sld [smem:$0x3FFD];
	_ =	sdelay $0x3  }
0x9c: {  	_ =	strace s3  }
0x9d: {  	_ =	strace $0x8FFFFFFF  }
0x9e: {  	s18 =	sld [smem:$0x3FDB];
	_ =	sdelay $0x1  }
0x9f: {  	s19 =	simm.s32 $_scs_section_size  }
0xa0: {  	s5 =	simm.s32 $_size__tile_overlayer_lowered;
	s6 =	simm.s32 $_tile_overlayer_lowered  }
0xa1: {  	s22 =	simm.s32 $0x1BFF;
	s21 =	sshll.u32 s6, $0x1;
	s3 =	sadd.s32 s19, s18  }
0xa2: {  	s7 =	simm.s32 $0x0;
	s20 =	sshll.u32 s5, $0x1;
	s5 =	sadd.s32 s21, s3  }
0xa3: {  	[timem:s7], [sflag:s22] =	dma.local [hbm:s5], s20  }
0xa4: {  	_ =	swait.ge [sflag:s22], s20  }
0xa5: {  	s4 =	ssub.s32 $0x0, s20;
	[sflag:s22] =	ssyncset.done $0x0  }
0xa6: {  	[sflag:s22] =	ssyncadd.s32 s4;
	_ =	sdelay $0x1  }
0xa7: {  	s23 =	simm.s32 $0x1B8B  }
0xa8: {  	_ =	swait.ge [sflag:s23], $0x1  }
0xa9: {  	[sflag:s23] =	ssyncset.done $0x0  }
0xaa: {  	s25 =	simm.s32 $0x1B8E;
	s24 =	sld [smem:$0x3FFE];
	[sflag:s23] =	ssyncadd.s32 $0xFFFFFFFF  }
0xab: {  	s26 =	simm.s32 $execute0_lowered;
	[smem:$0x3FD2] =	sst s25  }
0xac: {  	s5 =	sshll.u32 s26, $0x1;
	_ =	strace $0x8000004C;
	[dreg:$0x1] =	wrdreg $0xFFFFFFFF  }
0xad: {  	s28 =	simm.s32 $_size_execute0_lowered;
	s3 =	sadd.s32 s3, s5;
	[dreg:$0x0] =	wrdreg $0x0  }
0xae: {  	s5 =	sshll.u32 s28, $0x1;
	[dreg:$0x2] =	wrdreg s3  }
0xaf: {  	[dreg:$0x3] =	wrdreg s5  }
0xb0: {  	[dreg:$0x4] =	wrdreg $0xC0  }
0xb1: {  	_ =	task [dreg:s7], $0x5FFFF  }
0xb2: {  	[dreg:$0x1] =	wrdreg $0xFFFFFFFF  }
0xb3: {  	[dreg:$0x0] =	wrdreg $0x60  }
0xb4: {  	[dreg:$0x2] =	wrdreg s16  }
0xb5: {  	[dreg:$0x3] =	wrdreg s24  }
0xb6: {  	[dreg:$0x4] =	wrdreg $0x140000  }
0xb7: {  	[dreg:$0x5] =	wrdreg $0x9  }
0xb8: {  	_ =	task.clear_ibuf [dreg:s7], $0x6FFFF;
	_ =	strace $0x9000004C  }
0xb9: {  	s29 =	simm.s32 $0x9;
	_ =	strace $0x8000004E  }
0xba: {  	_ =	swait.ge [sflag:s29], $0x1  }
0xbb: {  	[sflag:s29] =	ssyncadd.s32 $0xFFFFFFFF  }
0xbc: {  	_ =	strace $0x9000004E  }
0xbd: {  	_ =	sfence  }
0xbe: {  	s30 =	sld [smem:$0x0];
	_ =	sdelay $0x2  }
0xbf: {  	s31 =	sshll.u32 s1, $0xD;
	s1 =	sshrl.u32 s1, $0x2  }
0xc0: {  	s3 =	sand.u32 $0x4000, s31;
	s1 =	sadd.s32 s1, s30  }
0xc1: {  	s0 =	sor.u32 s3, s0;
	s1 =	sshll.u32 s1, $0x11  }
0xc2: {  	s0 =	sor.u32 s1, s0  }
0xc3: {  	s0 =	sadd.s32 $0x8F2B, s0  }
0xc4: {  	[sflag:s0] =	ssyncadd.remote.s32 $0x1  }
0xc5: {  	_ =	sfence.sel $0xFFFF  }
0xc6: {  	[dreg:$0x0] =	wrdreg $0xFFFFFFFF;
	(pc) =	sbr.abs _section_cstart, $3  }
0xc7: {  	[dreg:$0x1] =	wrdreg $0xFFFFFFFF  }
0xc8: {  	_ =	task.clear_ibuf [dreg:s7], $0x2FFFF;
	_ =	strace $0x9FFFFFFF  }
0xc9: {  	(tm) =	ssettm $0x7FFFFFFF  }
tec
execute0_lowered:
.L_overlay_start_1:
0x0: {  	(tag) =	ssettag $0x1  }
0x1: {  	s0 =	srdreg.scid;
	s1 =	rddreg [dreg:$0x0]  }
0x2: {  	s8 =	stileid.u32;
	s4 =	rddreg [dreg:$0x1]  }
0x3: {  	s3 =	rddreg [dreg:$0x2];
	s6 =	simm.s32 $0x0;
	s14 =	simm.s32 $0x5000  }
0x4: {  	s15 =	simm.s32 $0x12000;
	s16 =	simm.s32 $0x9;
	s17 =	simm.s32 $0x1  }
0x5: {  	s18 =	simm.s32 $0x2;
	s19 =	simm.s32 $0x80;
	s20 =	simm.s32 $0xA000  }
0x6: {  	s21 =	simm.s32 $0xC000;
	s28 =	simm.s32 $0x3;
	s30 =	simm.s32 $0x5  }
0x7: {  	s29 =	simm.s32 $0x8;
	s31 =	simm.s32 $0x4F80;
	s22 =	simm.s32 $0x0  }
0x8: {  	s0 =	sand.u32 $0x1, s0;
	s5 =	smul.u32 $0xA00, s8;
	[smem:$0x7FF] =	sst s6  }
0x9: {  	s23 =	smul.u32 $0x1400, s8;
	s2 =	sshll.u32 s0, $0x4;
	_ =	strace $0x8000004D  }
0xa: {  	s7 =	smul.u32 $0x14000, s0;
	s0 =	ssub.s32 $0x2, s0;
	s2 =	sor.u32 s8, s2  }
0xb: {  	s8 =	smul.u32 $0x28000, s8;
	s9 =	sadd.s32 s5, s4;
	s25 =	sshrl.u32 s0, $0x1  }
0xc: {  	s2 =	smul.u32 $0xA00, s2;
	s24 =	sadd.s32 s23, s7;
	s0 =	ssub.s32 s0, s25  }
0xd: {  	s6 =	sadd.s32 $0x4E00, s9;
	s23 =	simm.s32 $0xE000;
	s26 =	sshrl.u32 s8, $0x2  }
0xe: {  	s13 =	smax.u32 s0, $0x1;
	s0 =	simm.s32 $0x7;
	s2 =	sadd.s32 s2, s4  }
0xf: {  	s4 =	sadd.s32 s24, s4;
	s7 =	sadd.s32 s26, s3;
	s26 =	simm.s32 $0x10000  }
0x10: {  	s24 =	simm.s32 $0x6;
	s2 =	sadd.s32 $0xEE00, s2;
	s8 =	sadd.s32 $0x2000, s7  }
0x11: {  	s9 =	sadd.s32 $0x4000, s7;
	s10 =	sadd.s32 $0x6000, s7;
	s11 =	sadd.s32 $0x8000, s7  }
0x12: {  	v0 =	vimm.f32 $0.0e+00;
	s12 =	sadd.s32 $0x22E00, s4;
	[dreg:$0x4] =	wrdreg s2;
	s2 =	simm.s32 $0x4  }
.LBB2_1:
0x13: {  	s4 =	simm.s32 $0x0;
	s5 =	rddreg [dreg:$0x4]  }
0x14: {  	[tilespmem:s4], [sflag:$0x1] =	stream.linear.gather [hbm4b:s5+s4], $0x5000, $0x38;
	[tilespmem:$0x1E000] =	vst v63  }
0x15: {  	_ = 	snop  }
0x16: {  	[tilespmem:s14], [sflag:$0x2] =	stream.linear.gather [hbm4b:s6+s4], $0x5000, $0x38;
	[tilespmem:$0x1E000] =	vst v63  }
0x17: {  	s25 =	simm.s32 $0x100;
	s4 =	simm.s32 $0x0  }
.LBB2_2:
0x18: {  	p0 =	sne.s32 s25, $0x7F00;
	[tilespmem:s4+$0x12030] =	vst v0;
	s5 =	smov.u32 s25;
	s25 =	sadd.s32 $0x100, s25  }
.Ltmp0:
0x19: {  	[tilespmem:s4+$0x12020] =	vst v0;
	(pc) =	sbr.rel @p0 .LBB2_2-.Ltmp0, $3  }
0x1a: {  	[tilespmem:s4+$0x12000] =	vst v0  }
0x1b: {  	[tilespmem:s4+$0x12010] =	vst v0;
	_ =	sdelay $0x1  }
0x1c: {  	s4 =	sshra.s32 s5, $0x2  }
0x1d: {  	[tilespmem:s4+$0x12030] =	vst v0  }
0x1e: {  	[tilespmem:s4+$0x12020] =	vst v0  }
0x1f: {  	[tilespmem:s4+$0x12000] =	vst v0  }
0x20: {  	[tilespmem:s4+$0x12010] =	vst v0  }
0x21: {  	[spmem:s7] =	stream.linear.scatter [tilespmem:s15], [sflag:$0x9], $0x2000, $0x38;
	[tilespmem:$0x1E000] =	vst v63  }
0x22: {  	_ =	swait.ge [sflag:s16], $0x2000  }
0x23: {  	[sflag:s16] =	ssyncset.done $0x0  }
0x24: {  	[sflag:s16] =	ssyncadd.s32 $0xFFFFE000  }
0x25: {  	[spmem:s8] =	stream.linear.scatter [tilespmem:s15], [sflag:$0x9], $0x2000, $0x38;
	[tilespmem:$0x1E000] =	vst v63  }
0x26: {  	_ =	swait.ge [sflag:s16], $0x2000  }
0x27: {  	[sflag:s16] =	ssyncset.done $0x0  }
0x28: {  	[sflag:s16] =	ssyncadd.s32 $0xFFFFE000  }
0x29: {  	[spmem:s9] =	stream.linear.scatter [tilespmem:s15], [sflag:$0x9], $0x2000, $0x38;
	[tilespmem:$0x1E000] =	vst v63  }
0x2a: {  	_ =	swait.ge [sflag:s16], $0x2000  }
0x2b: {  	[sflag:s16] =	ssyncset.done $0x0  }
0x2c: {  	[sflag:s16] =	ssyncadd.s32 $0xFFFFE000  }
0x2d: {  	[spmem:s10] =	stream.linear.scatter [tilespmem:s15], [sflag:$0x9], $0x2000, $0x38;
	[tilespmem:$0x1E000] =	vst v63  }
0x2e: {  	_ =	swait.ge [sflag:s16], $0x2000  }
0x2f: {  	[sflag:s16] =	ssyncset.done $0x0  }
0x30: {  	[sflag:s16] =	ssyncadd.s32 $0xFFFFE000  }
0x31: {  	[spmem:s11] =	stream.linear.scatter [tilespmem:s15], [sflag:$0x9], $0x2000, $0x38;
	[tilespmem:$0x1E000] =	vst v63  }
0x32: {  	_ =	swait.ge [sflag:s16], $0x2000  }
0x33: {  	[sflag:s16] =	ssyncset.done $0x0  }
0x34: {  	[sflag:s16] =	ssyncadd.s32 $0xFFFFE000  }
0x35: {  	_ =	swait.ge [sflag:s17], $0x5000  }
0x36: {  	[sflag:s17] =	ssyncset.done $0x0  }
0x37: {  	[sflag:s17] =	ssyncadd.s32 $0xFFFFB000  }
0x38: {  	_ =	swait.ge [sflag:s18], $0x5000  }
0x39: {  	[sflag:s18] =	ssyncset.done $0x0  }
0x3a: {  	[sflag:s18] =	ssyncadd.s32 $0xFFFFB000  }
0x3b: {  	s25 =	simm.s32 $0x0;
	[bflag:$0x0] =	sbarrier.arrive $0xFFFF  }
0x3c: {  	[tilespmem:s20], [sflag:$0x1] =	stream.indirect.gather [hbm4b:s1+s19], $0x40, s25, s19, $0xb8;
	[tilespmem:$0x1E000] =	vst v63  }
0x3d: {  	_ = 	snop  }
0x3e: {  	[tilespmem:s21], [sflag:$0x2] =	stream.indirect.gather [hbm4b:s1+s19], $0x40, s19, s19, $0xb8;
	[tilespmem:$0x1E000] =	vst v63  }
0x3f: {  	_ =	swait.ge [sflag:s17], $0x2000  }
0x40: {  	[sflag:s17] =	ssyncset.done $0x0  }
0x41: {  	[sflag:s17] =	ssyncadd.s32 $0xFFFFE000  }
0x42: {  	[spmem:s3] =	stream.indirect.scatter.add.f32 [tilespmem:s20], [sflag:$0x5], $0x40, s14, s19, $0xb8;
	[tilespmem:$0x1E000] =	vst v63  }
0x43: {  	s5 =	simm.s32 $0x100  }
0x44: {  	[tilespmem:s23], [sflag:$0x3] =	stream.indirect.gather [hbm4b:s1+s19], $0x40, s5, s19, $0xb8;
	[tilespmem:$0x1E000] =	vst v63  }
0x45: {  	_ =	swait.ge [sflag:s18], $0x2000  }
0x46: {  	[sflag:s18] =	ssyncset.done $0x0  }
0x47: {  	s25 =	simm.s32 $0x5080;
	[sflag:s18] =	ssyncadd.s32 $0xFFFFE000  }
0x48: {  	[spmem:s3] =	stream.indirect.scatter.add.f32 [tilespmem:s21], [sflag:$0x6], $0x40, s25, s19, $0xb8;
	[tilespmem:$0x1E000] =	vst v63  }
0x49: {  	s5 =	simm.s32 $0x180  }
0x4a: {  	[tilespmem:s26], [sflag:$0x4] =	stream.indirect.gather [hbm4b:s1+s19], $0x40, s5, s19, $0xb8;
	[tilespmem:$0x1E000] =	vst v63  }
0x4b: {  	_ =	swait.ge [sflag:s28], $0x2000  }
0x4c: {  	[sflag:s28] =	ssyncset.done $0x0  }
0x4d: {  	s25 =	simm.s32 $0x5100;
	[sflag:s28] =	ssyncadd.s32 $0xFFFFE000  }
0x4e: {  	[spmem:s3] =	stream.indirect.scatter.add.f32 [tilespmem:s23], [sflag:$0x7], $0x40, s25, s19, $0xb8;
	[tilespmem:$0x1E000] =	vst v63  }
0x4f: {  	_ =	swait.ge [sflag:s30], $0x2000  }
0x50: {  	[sflag:s30] =	ssyncset.done $0x0  }
0x51: {  	s5 =	simm.s32 $0x200;
	[sflag:s30] =	ssyncadd.s32 $0xFFFFE000  }
0x52: {  	[tilespmem:s20], [sflag:$0x1] =	stream.indirect.gather [hbm4b:s1+s19], $0x40, s5, s19, $0xb8;
	[tilespmem:$0x1E000] =	vst v63  }
0x53: {  	_ =	swait.ge [sflag:s2], $0x2000  }
0x54: {  	[sflag:s2] =	ssyncset.done $0x0  }
0x55: {  	s25 =	simm.s32 $0x5180;
	[sflag:s2] =	ssyncadd.s32 $0xFFFFE000  }
0x56: {  	[spmem:s3] =	stream.indirect.scatter.add.f32 [tilespmem:s26], [sflag:$0x8], $0x40, s25, s19, $0xb8;
	[tilespmem:$0x1E000] =	vst v63  }
0x57: {  	_ =	swait.ge [sflag:s24], $0x2000  }
0x58: {  	[sflag:s24] =	ssyncset.done $0x0  }
0x59: {  	s5 =	simm.s32 $0x280;
	[sflag:s24] =	ssyncadd.s32 $0xFFFFE000  }
0x5a: {  	[tilespmem:s21], [sflag:$0x2] =	stream.indirect.gather [hbm4b:s1+s19], $0x40, s5, s19, $0xb8;
	[tilespmem:$0x1E000] =	vst v63  }
0x5b: {  	_ =	swait.ge [sflag:s17], $0x2000  }
0x5c: {  	[sflag:s17] =	ssyncset.done $0x0  }
0x5d: {  	s25 =	simm.s32 $0x5200;
	[sflag:s17] =	ssyncadd.s32 $0xFFFFE000  }
0x5e: {  	[spmem:s3] =	stream.indirect.scatter.add.f32 [tilespmem:s20], [sflag:$0x5], $0x40, s25, s19, $0xb8;
	[tilespmem:$0x1E000] =	vst v63  }
0x5f: {  	_ =	swait.ge [sflag:s0], $0x2000  }
0x60: {  	[sflag:s0] =	ssyncset.done $0x0  }
0x61: {  	s5 =	simm.s32 $0x300;
	[sflag:s0] =	ssyncadd.s32 $0xFFFFE000  }
0x62: {  	[tilespmem:s23], [sflag:$0x3] =	stream.indirect.gather [hbm4b:s1+s19], $0x40, s5, s19, $0xb8;
	[tilespmem:$0x1E000] =	vst v63  }
0x63: {  	_ =	swait.ge [sflag:s18], $0x2000  }
0x64: {  	[sflag:s18] =	ssyncset.done $0x0  }
0x65: {  	s25 =	simm.s32 $0x5280;
	[sflag:s18] =	ssyncadd.s32 $0xFFFFE000  }
0x66: {  	[spmem:s3] =	stream.indirect.scatter.add.f32 [tilespmem:s21], [sflag:$0x6], $0x40, s25, s19, $0xb8;
	[tilespmem:$0x1E000] =	vst v63  }
0x67: {  	_ =	swait.ge [sflag:s29], $0x2000  }
0x68: {  	[sflag:s29] =	ssyncset.done $0x0  }
0x69: {  	s5 =	simm.s32 $0x380;
	[sflag:s29] =	ssyncadd.s32 $0xFFFFE000  }
0x6a: {  	[tilespmem:s26], [sflag:$0x4] =	stream.indirect.gather [hbm4b:s1+s19], $0x40, s5, s19, $0xb8;
	[tilespmem:$0x1E000] =	vst v63  }
0x6b: {  	_ =	swait.ge [sflag:s28], $0x2000  }
0x6c: {  	[sflag:s28] =	ssyncset.done $0x0  }
0x6d: {  	s25 =	simm.s32 $0x5300;
	[sflag:s28] =	ssyncadd.s32 $0xFFFFE000  }
0x6e: {  	[spmem:s3] =	stream.indirect.scatter.add.f32 [tilespmem:s23], [sflag:$0x7], $0x40, s25, s19, $0xb8;
	[tilespmem:$0x1E000] =	vst v63  }
0x6f: {  	_ =	swait.ge [sflag:s30], $0x2000  }
0x70: {  	[sflag:s30] =	ssyncset.done $0x0  }
0x71: {  	s5 =	simm.s32 $0x400;
	[sflag:s30] =	ssyncadd.s32 $0xFFFFE000  }
0x72: {  	[tilespmem:s20], [sflag:$0x1] =	stream.indirect.gather [hbm4b:s1+s19], $0x40, s5, s19, $0xb8;
	[tilespmem:$0x1E000] =	vst v63  }
0x73: {  	_ =	swait.ge [sflag:s2], $0x2000  }
0x74: {  	[sflag:s2] =	ssyncset.done $0x0  }
0x75: {  	s25 =	simm.s32 $0x5380;
	[sflag:s2] =	ssyncadd.s32 $0xFFFFE000  }
0x76: {  	[spmem:s3] =	stream.indirect.scatter.add.f32 [tilespmem:s26], [sflag:$0x8], $0x40, s25, s19, $0xb8;
	[tilespmem:$0x1E000] =	vst v63  }
0x77: {  	_ =	swait.ge [sflag:s24], $0x2000  }
0x78: {  	[sflag:s24] =	ssyncset.done $0x0  }
0x79: {  	s4 =	simm.s32 $0x480;
	s25 =	simm.s32 $0x800;
	[sflag:s24] =	ssyncadd.s32 $0xFFFFE000  }
.LBB2_4:
0x7a: {  	[tilespmem:s21], [sflag:$0x2] =	stream.indirect.gather [hbm4b:s1+s19], $0x40, s4, s19, $0xb8;
	[tilespmem:$0x1E000] =	vst v63  }
0x7b: {  	s4 =	smov.u32 s25  }
0x7c: {  	p0 =	sne.s32 s25, $0x12800;
	s25 =	sadd.s32 $0x800, s25;
	_ =	swait.ge [sflag:s17], $0x2000  }
0x7d: {  	s4 =	sshra.s32 s4, $0x2;
	[sflag:s17] =	ssyncset.done $0x0  }
0x7e: {  	s5 =	sadd.s32 $0x5200, s4;
	[sflag:s17] =	ssyncadd.s32 $0xFFFFE000  }
0x7f: {  	[spmem:s3] =	stream.indirect.scatter.add.f32 [tilespmem:s20], [sflag:$0x5], $0x40, s5, s19, $0xb8;
	[tilespmem:$0x1E000] =	vst v63  }
0x80: {  	_ =	swait.ge [sflag:s0], $0x2000  }
0x81: {  	[sflag:s0] =	ssyncset.done $0x0  }
0x82: {  	s5 =	sadd.s32 $0x300, s4;
	[sflag:s0] =	ssyncadd.s32 $0xFFFFE000  }
0x83: {  	[tilespmem:s23], [sflag:$0x3] =	stream.indirect.gather [hbm4b:s1+s19], $0x40, s5, s19, $0xb8;
	[tilespmem:$0x1E000] =	vst v63  }
0x84: {  	_ =	swait.ge [sflag:s18], $0x2000  }
0x85: {  	[sflag:s18] =	ssyncset.done $0x0  }
0x86: {  	s5 =	sadd.s32 $0x5280, s4;
	[sflag:s18] =	ssyncadd.s32 $0xFFFFE000  }
0x87: {  	[spmem:s3] =	stream.indirect.scatter.add.f32 [tilespmem:s21], [sflag:$0x6], $0x40, s5, s19, $0xb8;
	[tilespmem:$0x1E000] =	vst v63  }
0x88: {  	_ =	swait.ge [sflag:s29], $0x2000  }
0x89: {  	[sflag:s29] =	ssyncset.done $0x0  }
0x8a: {  	s5 =	sadd.s32 $0x380, s4;
	[sflag:s29] =	ssyncadd.s32 $0xFFFFE000  }
0x8b: {  	[tilespmem:s26], [sflag:$0x4] =	stream.indirect.gather [hbm4b:s1+s19], $0x40, s5, s19, $0xb8;
	[tilespmem:$0x1E000] =	vst v63  }
0x8c: {  	_ =	swait.ge [sflag:s28], $0x2000  }
0x8d: {  	[sflag:s28] =	ssyncset.done $0x0  }
0x8e: {  	s5 =	sadd.s32 $0x5300, s4;
	[sflag:s28] =	ssyncadd.s32 $0xFFFFE000  }
0x8f: {  	[spmem:s3] =	stream.indirect.scatter.add.f32 [tilespmem:s23], [sflag:$0x7], $0x40, s5, s19, $0xb8;
	[tilespmem:$0x1E000] =	vst v63  }
0x90: {  	_ =	swait.ge [sflag:s30], $0x2000  }
0x91: {  	[sflag:s30] =	ssyncset.done $0x0  }
0x92: {  	s5 =	sadd.s32 $0x400, s4;
	[sflag:s30] =	ssyncadd.s32 $0xFFFFE000  }
0x93: {  	[tilespmem:s20], [sflag:$0x1] =	stream.indirect.gather [hbm4b:s1+s19], $0x40, s5, s19, $0xb8;
	[tilespmem:$0x1E000] =	vst v63  }
0x94: {  	_ =	swait.ge [sflag:s2], $0x2000  }
0x95: {  	[sflag:s2] =	ssyncset.done $0x0  }
.Ltmp1:
0x96: {  	s5 =	sadd.s32 $0x5380, s4;
	[sflag:s2] =	ssyncadd.s32 $0xFFFFE000;
	(pc) =	sbr.rel @p0 .LBB2_4-.Ltmp1, $4  }
0x97: {  	[spmem:s3] =	stream.indirect.scatter.add.f32 [tilespmem:s26], [sflag:$0x8], $0x40, s5, s19, $0xb8;
	[tilespmem:$0x1E000] =	vst v63  }
0x98: {  	_ =	swait.ge [sflag:s24], $0x2000  }
0x99: {  	[sflag:s24] =	ssyncset.done $0x0  }
0x9a: {  	s4 =	sadd.s32 $0x480, s4;
	[sflag:s24] =	ssyncadd.s32 $0xFFFFE000  }
0x9b: {  	[tilespmem:s21], [sflag:$0x2] =	stream.indirect.gather [hbm4b:s1+s19], $0x40, s4, s19, $0xb8;
	[tilespmem:$0x1E000] =	vst v63  }
0x9c: {  	_ =	swait.ge [sflag:s17], $0x2000  }
0x9d: {  	[sflag:s17] =	ssyncset.done $0x0  }
0x9e: {  	s5 =	simm.s32 $0x9E00;
	[sflag:s17] =	ssyncadd.s32 $0xFFFFE000  }
0x9f: {  	[spmem:s3] =	stream.indirect.scatter.add.f32 [tilespmem:s20], [sflag:$0x5], $0x40, s5, s19, $0xb8;
	[tilespmem:$0x1E000] =	vst v63  }
0xa0: {  	_ =	swait.ge [sflag:s0], $0x2000  }
0xa1: {  	[sflag:s0] =	ssyncset.done $0x0  }
0xa2: {  	s25 =	simm.s32 $0x4F00;
	[sflag:s0] =	ssyncadd.s32 $0xFFFFE000  }
0xa3: {  	[tilespmem:s23], [sflag:$0x3] =	stream.indirect.gather [hbm4b:s1+s19], $0x40, s25, s19, $0xb8;
	[tilespmem:$0x1E000] =	vst v63  }
0xa4: {  	_ =	swait.ge [sflag:s18], $0x2000  }
0xa5: {  	[sflag:s18] =	ssyncset.done $0x0  }
0xa6: {  	s5 =	simm.s32 $0x9E80;
	[sflag:s18] =	ssyncadd.s32 $0xFFFFE000  }
0xa7: {  	[spmem:s3] =	stream.indirect.scatter.add.f32 [tilespmem:s21], [sflag:$0x6], $0x40, s5, s19, $0xb8;
	[tilespmem:$0x1E000] =	vst v63  }
0xa8: {  	_ =	swait.ge [sflag:s29], $0x2000  }
0xa9: {  	[sflag:s29] =	ssyncset.done $0x0  }
0xaa: {  	[sflag:s29] =	ssyncadd.s32 $0xFFFFE000  }
0xab: {  	[tilespmem:s26], [sflag:$0x4] =	stream.indirect.gather [hbm4b:s1+s19], $0x40, s31, s19, $0xb8;
	[tilespmem:$0x1E000] =	vst v63  }
0xac: {  	_ =	swait.ge [sflag:s28], $0x2000  }
0xad: {  	[sflag:s28] =	ssyncset.done $0x0  }
0xae: {  	s25 =	simm.s32 $0x9F00;
	[sflag:s28] =	ssyncadd.s32 $0xFFFFE000  }
0xaf: {  	[spmem:s3] =	stream.indirect.scatter.add.f32 [tilespmem:s23], [sflag:$0x7], $0x40, s25, s19, $0xb8;
	[tilespmem:$0x1E000] =	vst v63  }
0xb0: {  	_ =	swait.ge [sflag:s30], $0x2000  }
0xb1: {  	[sflag:s30] =	ssyncset.done $0x0  }
0xb2: {  	[sflag:s30] =	ssyncadd.s32 $0xFFFFE000  }
0xb3: {  	[tilespmem:s20], [sflag:$0x1] =	stream.indirect.gather [hbm4b:s1+s19], $0x40, s31, s19, $0xb8;
	[tilespmem:$0x1E000] =	vst v63  }
0xb4: {  	_ =	swait.ge [sflag:s2], $0x2000  }
0xb5: {  	[sflag:s2] =	ssyncset.done $0x0  }
0xb6: {  	s5 =	simm.s32 $0x9F80;
	[sflag:s2] =	ssyncadd.s32 $0xFFFFE000  }
0xb7: {  	[spmem:s3] =	stream.indirect.scatter.add.f32 [tilespmem:s26], [sflag:$0x8], $0x40, s5, s19, $0xb8;
	[tilespmem:$0x1E000] =	vst v63  }
0xb8: {  	_ =	swait.ge [sflag:s24], $0x2000  }
0xb9: {  	[sflag:s24] =	ssyncset.done $0x0  }
0xba: {  	[sflag:s24] =	ssyncadd.s32 $0xFFFFE000  }
0xbb: {  	[tilespmem:s21], [sflag:$0x2] =	stream.indirect.gather [hbm4b:s1+s19], $0x40, s31, s19, $0xb8;
	[tilespmem:$0x1E000] =	vst v63  }
0xbc: {  	_ =	swait.ge [sflag:s17], $0x2000  }
0xbd: {  	[sflag:s17] =	ssyncset.done $0x0  }
0xbe: {  	[sflag:s17] =	ssyncadd.s32 $0xFFFFE000  }
0xbf: {  	_ =	swait.ge [sflag:s18], $0x2000  }
0xc0: {  	[sflag:s18] =	ssyncset.done $0x0  }
0xc1: {  	[sflag:s18] =	ssyncadd.s32 $0xFFFFE000  }
0xc2: {  	_ =	swait.ge [sflag:s0], $0x2000  }
0xc3: {  	[sflag:s0] =	ssyncset.done $0x0  }
0xc4: {  	[sflag:s0] =	ssyncadd.s32 $0xFFFFE000  }
0xc5: {  	s25 =	stileid.u32;
	_ =	swait.ge [sflag:s29], $0x2000  }
0xc6: {  	s22 =	sadd.s32 $0x1, s22;
	s4 =	sshll.u32 s25, $0x6;
	[sflag:s29] =	ssyncset.done $0x0  }
0xc7: {  	p0 =	sne.s32 s22, s13;
	s4 =	sor.u32 $0x1C09, s4;
	[sflag:s29] =	ssyncadd.s32 $0xFFFFE000  }
.Ltmp2:
0xc8: {  	s5 =	sshrl.u32 s7, $0x3;
	[bflag:$0x0] =	sbarrier.arrive $0xFFFF;
	(pc) =	sbr.rel @p0 .LBB2_1-.Ltmp2, $4  }
0xc9: {  	[hbm:s12], [sflag:s4] =	dma.local [spmem:s5], $0x1400  }
0xca: {  	_ =	swait.ge [sflag:s16], $0x1400  }
0xcb: {  	[sflag:s16] =	ssyncset.done $0x0  }
0xcc: {  	[sflag:s16] =	ssyncadd.s32 $0xFFFFEC00  }
0xcd: {  	_ =	sfence.sel $0x180000  }
0xce: {  	[bflag:$0x0] =	sbarrier.arrive $0xFFFF  }
0xcf: {  	_ =	strace $0x9000004D  }
0xd0: {  	s0 =	stileid.u32;
	[bflag:$0x2] =	sbarrier.arrive $0xFFFF  }
0xd1: {  	p0 =	sne.s32 s0, $0x0;
	s0 =	rddreg [dreg:$0x3]  }
0xd2: {  	s0 =	sadd.s32 @!p0 $0x100000, s0  }
0xd3: {  	[sflag:s0] =	ssyncadd.tile.s32 @!p0 $0x1;
	_ =	shalt  }
.Lfunc_end2:
_tile_overlayer_lowered:
.L_overlay_start_2:
0xd4: {  	(tag) =	ssettag $0x2  }
0xd5: {  	s0 =	rddreg [dreg:$0x0];
	s2 =	stileid.u32  }
0xd6: {  	s1 =	rddreg [dreg:$0x1];
	p0 =	sne.s32 s2, $0x0  }
0xd7: {  	s3 =	rddreg [dreg:$0x2];
	[bflag:$0x3] =	sbarrier.arrive $0xFFFF;
	s2 =	simm.s32 @!p0 $0x1C09  }
0xd8: {  	[timem:s3], [sflag:s2] =	dma.local @!p0 [hbm:s0], s1  }
0xd9: {  	s0 =	simm.s32 @!p0 $0x9  }
0xda: {  	_ =	swait.ge @!p0 [sflag:s0], s1  }
0xdb: {  	s1 =	ssub.s32 @!p0 $0x0, s1;
	[sflag:s0] =	ssyncset.done @!p0 $0x0  }
0xdc: {  	[sflag:s0] =	ssyncadd.s32 @!p0 s1  }
0xdd: {  	[bflag:$0x3] =	sbarrier.arrive $0xFFFF  }
0xde: {  	_ =	shalt  }

// kernel: kernel.20.cloned.1.call-start
scs
__scs_entry_jumppad:
0x0: {  	(pc) =	sbr.rel $0x88, $3  }
0x1: {  	(tag) =	ssettag $0x0;
	lr =	simm.s32 $0x1  }
0x2: {  	[smem:$0x3F90] =	sst lr;
	_ =	strace $0xD0000000  }
0x3: {  	_ = 	snop  }
0x4: {  	_ = 	snop  }
0x5: {  	_ = 	snop  }
0x6: {  	_ = 	snop  }
0x7: {  	_ = 	snop  }
__scs_overlays_trampoline_lowered:
0x8: {  	[smem:$0x3F9F] =	sst s0  }
0x9: {  	[smem:$0x3FA0] =	sst s1  }
0xa: {  	[smem:$0x3FA1] =	sst s2  }
0xb: {  	[smem:$0x3FA2] =	sst s3  }
0xc: {  	[smem:$0x3FA3] =	sst s4  }
0xd: {  	[smem:$0x3FA4] =	sst s5  }
0xe: {  	[smem:$0x3FA5] =	sst s6  }
0xf: {  	[smem:$0x3FA6] =	sst s7  }
0x10: {  	[smem:$0x3FA7] =	sst s8  }
0x11: {  	[smem:$0x3FA8] =	sst s9;
	s0 =	simm.s32 @!p0 $0x0  }
0x12: {  	s1 =	sld [smem:$0x3F8E];
	s0 =	simm.s32 @p0 $0x1  }
0x13: {  	[smem:$0x3FA9] =	sst s0;
	s0 =	simm.s32 @!p1 $0x0  }
0x14: {  	s2 =	sld [smem:$0x3F8D];
	s0 =	simm.s32 @p1 $0x1  }
0x15: {  	[smem:$0x3FAA] =	sst s0;
	s0 =	simm.s32 @!p2 $0x0  }
0x16: {  	s3 =	sld [smem:$0x3FDB];
	s0 =	simm.s32 @p2 $0x1  }
0x17: {  	s4 =	simm.s32 $0x1BF5;
	[smem:$0x3FAC] =	sst s0  }
0x18: {  	s0 =	sld [smem:$0x3F8F];
	_ =	swait.ge [sflag:s4], $0x0  }
0x19: {  	s7 =	sld [smem:$0x3F90]  }
0x1a: {  	s8 =	sadd.s32 $0xFFFFE003, lr  }
0x1b: {  	s9 =	sadd.s32 $0xFFFFFEF7, lr;
	s5 =	simm.s32 $0xFFFFFFFF;
	p2 =	slt.u32 s8, $0xFFFFF086  }
0x1c: {  	p1 =	slt.u32 s9, $0xF7A;
	s5 =	simm.s32 @!p2 $0x0  }
0x1d: {  	s5 =	simm.s32 @p1 $0x1;
	p0 =	seq.s32 s7, s2  }
0x1e: {  	s7 =	smul.u32 @!p0 $0xF7A, s2;
	p2 =	seq.s32 @!p0 s5, $0x0  }
0x1f: {  	s9 =	smul.u32 $0xF7A, s1;
	s8 =	simm.s32 @!p0 $0x1BF5;
	p2 =	por !p2, p0  }
0x20: {  	[sflag:s8] =	ssyncset.s32 @!p0 $0xFFFFF086;
	s6 =	sadd.s32 @!p0 s3, s7;
	s7 =	simm.s32 @!p0 $0x108  }
0x21: {  	s3 =	sadd.s32 s3, s9;
	s6 =	sadd.s32 @!p0 $0x88, s6;
	s7 =	simm.s32 @p2 $0x1082  }
0x22: {  	[simem:s7], [sflag:s8] =	dma.local @!p0 [hbm:s6], $0xF7A  }
0x23: {  	s9 =	sor.u32 $0xD0000000, s2;
	s6 =	simm.s32 $0x108;
	_ =	swait.ge @!p0 [sflag:s8], $0x0  }
0x24: {  	s3 =	sadd.s32 $0x88, s3;
	s6 =	simm.s32 @!p1 $0x1082;
	[sflag:s4] =	ssyncset.s32 $0xFFFFF086  }
0x25: {  	[simem:s6], [sflag:s4] =	dma.local [hbm:s3], $0xF7A  }
0x26: {  	[smem:$0x3F90] =	sst s1;
	(tag) =	ssettag s2;
	_ =	strace s9  }
0x27: {  	s1 =	sld [smem:$0x3FA0]  }
0x28: {  	s2 =	sld [smem:$0x3FA1]  }
0x29: {  	s4 =	sld [smem:$0x3FA3]  }
0x2a: {  	p0 =	seq.s32 s5, $0x0;
	s5 =	sld [smem:$0x3FA4]  }
0x2b: {  	s6 =	sld [smem:$0x3FA5]  }
0x2c: {  	s7 =	sld [smem:$0x3FA6]  }
0x2d: {  	s3 =	simm.s32 $0x108;
	s8 =	sld [smem:$0x3FA7]  }
0x2e: {  	s3 =	simm.s32 @!p0 $0x1082;
	s9 =	sld [smem:$0x3FA8]  }
0x2f: {  	lr =	sadd.s32 s0, s3;
	s0 =	sld [smem:$0x3F9F]  }
0x30: {  	s3 =	sld [smem:$0x3FA2]  }
0x31: {  	[smem:$0x3FAB] =	sst s10  }
0x32: {  	s10 =	sld [smem:$0x3FA9];
	_ =	sdelay $0x3  }
0x33: {  	p0 =	seq.s32 s10, $0x1;
	s10 =	sld [smem:$0x3FAB];
	_ =	sdelay $0x3  }
0x34: {  	[smem:$0x3FAB] =	sst s10  }
0x35: {  	s10 =	sld [smem:$0x3FAA];
	_ =	sdelay $0x3  }
0x36: {  	p1 =	seq.s32 s10, $0x1;
	s10 =	sld [smem:$0x3FAB];
	_ =	sdelay $0x3  }
0x37: {  	[smem:$0x3FAB] =	sst s10  }
0x38: {  	s10 =	sld [smem:$0x3FAC]  }
0x39: {  	_ = 	snop;
	(pc) =	sbr.ind lr, $3  }
0x3a: {  	_ = 	snop  }
0x3b: {  	_ = 	snop  }
0x3c: {  	p2 =	seq.s32 s10, $0x1;
	s10 =	sld [smem:$0x3FAB]  }
0x3d: {  	_ =	shalt  }
0x3e: {  	_ =	shalt  }
0x3f: {  	_ =	shalt  }
0x40: {  	_ =	shalt  }
0x41: {  	_ =	shalt  }
0x42: {  	_ =	shalt  }
0x43: {  	_ =	shalt  }
0x44: {  	_ =	shalt  }
0x45: {  	_ =	shalt  }
0x46: {  	_ =	shalt  }
0x47: {  	_ =	shalt  }
0x48: {  	_ =	shalt  }
0x49: {  	_ =	shalt  }
0x4a: {  	_ =	shalt  }
0x4b: {  	_ =	shalt  }
0x4c: {  	_ =	shalt  }
0x4d: {  	_ =	shalt  }
0x4e: {  	_ =	shalt  }
0x4f: {  	_ =	shalt  }
0x50: {  	_ =	shalt  }
0x51: {  	_ =	shalt  }
0x52: {  	_ =	shalt  }
0x53: {  	_ =	shalt  }
0x54: {  	_ =	shalt  }
0x55: {  	_ =	shalt  }
0x56: {  	_ =	shalt  }
0x57: {  	_ =	shalt  }
0x58: {  	_ =	shalt  }
0x59: {  	_ =	shalt  }
0x5a: {  	_ =	shalt  }
0x5b: {  	_ =	shalt  }
0x5c: {  	_ =	shalt  }
0x5d: {  	_ =	shalt  }
0x5e: {  	_ =	shalt  }
0x5f: {  	_ =	shalt  }
0x60: {  	_ =	shalt  }
0x61: {  	_ =	shalt  }
0x62: {  	_ =	shalt  }
0x63: {  	_ =	shalt  }
0x64: {  	_ =	shalt  }
0x65: {  	_ =	shalt  }
0x66: {  	_ =	shalt  }
0x67: {  	_ =	shalt  }
0x68: {  	_ =	shalt  }
0x69: {  	_ =	shalt  }
0x6a: {  	_ =	shalt  }
0x6b: {  	_ =	shalt  }
0x6c: {  	_ =	shalt  }
0x6d: {  	_ =	shalt  }
0x6e: {  	_ =	shalt  }
0x6f: {  	_ =	shalt  }
0x70: {  	_ =	shalt  }
0x71: {  	_ =	shalt  }
0x72: {  	_ =	shalt  }
0x73: {  	_ =	shalt  }
0x74: {  	_ =	shalt  }
0x75: {  	_ =	shalt  }
0x76: {  	_ =	shalt  }
0x77: {  	_ =	shalt  }
0x78: {  	_ =	shalt  }
0x79: {  	_ =	shalt  }
0x7a: {  	_ =	shalt  }
0x7b: {  	_ =	shalt  }
0x7c: {  	_ =	shalt  }
0x7d: {  	_ =	shalt  }
0x7e: {  	_ =	shalt  }
0x7f: {  	_ =	shalt  }
0x80: {  	_ =	shalt  }
0x81: {  	_ =	shalt  }
0x82: {  	_ =	shalt  }
0x83: {  	_ =	shalt  }
0x84: {  	_ =	shalt  }
0x85: {  	_ =	shalt  }
0x86: {  	_ =	shalt  }
0x87: {  	_ =	shalt  }
.Lfunc_end0:
.L_simem_size_0:
called_computation.3_lowered:
.L_overlay_start_0:
0x88: {  	s2 =	sld [smem:$0x3FD9]  }
0x89: {  	s3 =	sld [smem:$0x3FFE];
	_ =	sdelay $0x1  }
0x8a: {  	s1 =	srdreg.scid  }
0x8b: {  	s0 =	sand.u32 $0x1, s1  }
0x8c: {  	s14 =	sshll.u32 s0, $0xA;
	s2 =	sadd.s32 s3, s2  }
0x8d: {  	s2 =	sadd.s32 s2, s14  }
0x8e: {  	[smem:$0x3FB7] =	sst s2  }
0x8f: {  	_ = 	snop  }
0x90: {  	s2 =	sld [smem:$0x3FD0];
	_ =	sdelay $0x2  }
0x91: {  	s15 =	simm.s32 $0xB;
	s4 =	simm.s32 $0x10  }
0x92: {  	[smem:s4], [sflag:s15] =	dma.local [hbm:s2], $0x1  }
0x93: {  	_ =	swait.eq [sflag:s15], $0x1  }
0x94: {  	[sflag:s15] =	ssyncset.done $0x0  }
0x95: {  	[sflag:s15] =	ssyncadd.s32 $0xFFFFFFFF  }
0x96: {  	s16 =	sld [smem:$0x12];
	(tm) =	ssettm $0x1  }
0x97: {  	s17 =	sld [smem:$0x3FFB];
	_ =	sdelay $0x3  }
0x98: {  	_ =	strace s17  }
0x99: {  	s3 =	sld [smem:$0x3FFC];
	_ =	sdelay $0x3  }
0x9a: {  	_ =	strace s3  }
0x9b: {  	s3 =	sld [smem:$0x3FFD];
	_ =	sdelay $0x3  }
0x9c: {  	_ =	strace s3  }
0x9d: {  	_ =	strace $0x8FFFFFFF  }
0x9e: {  	s18 =	sld [smem:$0x3FDB];
	_ =	sdelay $0x1  }
0x9f: {  	s19 =	simm.s32 $_scs_section_size  }
0xa0: {  	s5 =	simm.s32 $_size__tile_overlayer_lowered;
	s6 =	simm.s32 $_tile_overlayer_lowered  }
0xa1: {  	s22 =	simm.s32 $0x1BFF;
	s21 =	sshll.u32 s6, $0x1;
	s3 =	sadd.s32 s19, s18  }
0xa2: {  	s7 =	simm.s32 $0x0;
	s20 =	sshll.u32 s5, $0x1;
	s5 =	sadd.s32 s21, s3  }
0xa3: {  	[timem:s7], [sflag:s22] =	dma.local [hbm:s5], s20  }
0xa4: {  	_ =	swait.ge [sflag:s22], s20  }
0xa5: {  	s4 =	ssub.s32 $0x0, s20;
	[sflag:s22] =	ssyncset.done $0x0  }
0xa6: {  	[sflag:s22] =	ssyncadd.s32 s4;
	_ =	sdelay $0x1  }
0xa7: {  	s23 =	simm.s32 $0x1B8B  }
0xa8: {  	_ =	swait.ge [sflag:s23], $0x1  }
0xa9: {  	[sflag:s23] =	ssyncset.done $0x0  }
0xaa: {  	s25 =	simm.s32 $0x1B8E;
	s24 =	sld [smem:$0x3FFE];
	[sflag:s23] =	ssyncadd.s32 $0xFFFFFFFF  }
0xab: {  	s26 =	simm.s32 $execute0_lowered;
	[smem:$0x3FD2] =	sst s25  }
0xac: {  	s5 =	sshll.u32 s26, $0x1;
	_ =	strace $0x8000004F;
	[dreg:$0x1] =	wrdreg $0xFFFFFFFF  }
0xad: {  	s28 =	simm.s32 $_size_execute0_lowered;
	s3 =	sadd.s32 s3, s5;
	[dreg:$0x0] =	wrdreg $0x0  }
0xae: {  	s5 =	sshll.u32 s28, $0x1;
	[dreg:$0x2] =	wrdreg s3  }
0xaf: {  	[dreg:$0x3] =	wrdreg s5  }
0xb0: {  	[dreg:$0x4] =	wrdreg $0xC0  }
0xb1: {  	_ =	task [dreg:s7], $0x5FFFF  }
0xb2: {  	[dreg:$0x1] =	wrdreg $0xFFFFFFFF  }
0xb3: {  	[dreg:$0x0] =	wrdreg $0x60  }
0xb4: {  	[dreg:$0x2] =	wrdreg s16  }
0xb5: {  	[dreg:$0x3] =	wrdreg s24  }
0xb6: {  	[dreg:$0x4] =	wrdreg $0xF0000  }
0xb7: {  	[dreg:$0x5] =	wrdreg $0x9  }
0xb8: {  	_ =	task.clear_ibuf [dreg:s7], $0x6FFFF;
	_ =	strace $0x9000004F  }
0xb9: {  	s29 =	simm.s32 $0x9;
	_ =	strace $0x80000051  }
0xba: {  	_ =	swait.ge [sflag:s29], $0x1  }
0xbb: {  	[sflag:s29] =	ssyncadd.s32 $0xFFFFFFFF  }
0xbc: {  	_ =	strace $0x90000051  }
0xbd: {  	_ =	sfence  }
0xbe: {  	s30 =	sld [smem:$0x0];
	_ =	sdelay $0x2  }
0xbf: {  	s31 =	sshll.u32 s1, $0xD;
	s1 =	sshrl.u32 s1, $0x2  }
0xc0: {  	s3 =	sand.u32 $0x4000, s31;
	s1 =	sadd.s32 s1, s30  }
0xc1: {  	s0 =	sor.u32 s3, s0;
	s1 =	sshll.u32 s1, $0x11  }
0xc2: {  	s0 =	sor.u32 s1, s0  }
0xc3: {  	s0 =	sadd.s32 $0x8F2B, s0  }
0xc4: {  	[sflag:s0] =	ssyncadd.remote.s32 $0x1  }
0xc5: {  	_ =	sfence.sel $0xFFFF  }
0xc6: {  	[dreg:$0x0] =	wrdreg $0xFFFFFFFF;
	(pc) =	sbr.abs _section_cstart, $3  }
0xc7: {  	[dreg:$0x1] =	wrdreg $0xFFFFFFFF  }
0xc8: {  	_ =	task.clear_ibuf [dreg:s7], $0x2FFFF;
	_ =	strace $0x9FFFFFFF  }
0xc9: {  	(tm) =	ssettm $0x7FFFFFFF  }
tec
execute0_lowered:
.L_overlay_start_1:
0x0: {  	(tag) =	ssettag $0x1  }
0x1: {  	s1 =	rddreg [dreg:$0x0]  }
0x2: {  	s0 =	srdreg.scid;
	s2 =	rddreg [dreg:$0x1]  }
0x3: {  	s7 =	stileid.u32;
	s3 =	rddreg [dreg:$0x2];
	s5 =	simm.s32 $0x0  }
0x4: {  	s14 =	simm.s32 $0x5000;
	s15 =	simm.s32 $0xE000;
	s16 =	simm.s32 $0x9  }
0x5: {  	s17 =	simm.s32 $0x1;
	s18 =	simm.s32 $0x2;
	s19 =	simm.s32 $0x80  }
0x6: {  	s20 =	simm.s32 $0xA000;
	s21 =	simm.s32 $0xB000;
	s23 =	simm.s32 $0xC000  }
0x7: {  	s28 =	simm.s32 $0x3;
	s30 =	simm.s32 $0x5;
	s22 =	simm.s32 $0x6  }
0x8: {  	s29 =	simm.s32 $0x8;
	s31 =	simm.s32 $0x4F80;
	s0 =	sand.u32 $0x1, s0  }
0x9: {  	[smem:$0x7FF] =	sst s5;
	s25 =	smul.u32 $0xA00, s7;
	s4 =	sshll.u32 s0, $0x4  }
0xa: {  	_ =	strace $0x80000050;
	s6 =	smul.u32 $0xA000, s0;
	s0 =	ssub.s32 $0x2, s0  }
0xb: {  	s4 =	sor.u32 s7, s4;
	s7 =	smul.u32 $0x14000, s7;
	s8 =	sadd.s32 s25, s2  }
0xc: {  	s26 =	sshrl.u32 s0, $0x1;
	s4 =	smul.u32 $0xA00, s4;
	s5 =	sadd.s32 s25, s6  }
0xd: {  	s0 =	ssub.s32 s0, s26;
	s6 =	sadd.s32 $0x4E00, s8;
	s26 =	simm.s32 $0xD000  }
0xe: {  	s25 =	simm.s32 $0x7;
	s7 =	sshrl.u32 s7, $0x2;
	s13 =	smax.u32 s0, $0x1  }
0xf: {  	s0 =	simm.s32 $0x0;
	s4 =	sadd.s32 s4, s2;
	s7 =	sadd.s32 s7, s3  }
0x10: {  	s2 =	sadd.s32 s5, s2;
	s4 =	sadd.s32 $0xEE00, s4;
	s8 =	sadd.s32 $0x1000, s7  }
0x11: {  	s9 =	sadd.s32 $0x2000, s7;
	s10 =	sadd.s32 $0x3000, s7;
	s11 =	sadd.s32 $0x4000, s7  }
0x12: {  	v0 =	vimm.f32 $0.0e+00;
	s12 =	sadd.s32 $0x22E00, s2;
	s2 =	simm.s32 $0x4;
	[dreg:$0x4] =	wrdreg s4  }
.LBB2_1:
0x13: {  	s4 =	simm.s32 $0x0;
	s5 =	rddreg [dreg:$0x4]  }
0x14: {  	[tilespmem:s4], [sflag:$0x1] =	stream.linear.gather [hbm4b:s5+s4], $0x5000, $0x38;
	[tilespmem:$0x14000] =	vst v63  }
0x15: {  	_ = 	snop  }
0x16: {  	[tilespmem:s14], [sflag:$0x2] =	stream.linear.gather [hbm4b:s6+s4], $0x5000, $0x38;
	[tilespmem:$0x14000] =	vst v63  }
0x17: {  	s24 =	simm.s32 $0x0;
	s4 =	simm.s32 $0x80  }
.LBB2_2:
0x18: {  	p0 =	sne.s32 s4, $0x3F80;
	[tilespmem:s24+$0xE000] =	vst v0;
	s5 =	smov.u32 s4;
	s4 =	sadd.s32 $0x80, s4  }
.Ltmp0:
0x19: {  	[tilespmem:s24+$0xE010] =	vst v0;
	(pc) =	sbr.rel @p0 .LBB2_2-.Ltmp0, $2  }
0x1a: {  	_ =	sdelay $0x2  }
0x1b: {  	s24 =	sshra.s32 s5, $0x2  }
0x1c: {  	[tilespmem:s24+$0xE000] =	vst v0  }
0x1d: {  	[tilespmem:s24+$0xE010] =	vst v0  }
0x1e: {  	[spmem:s7] =	stream.linear.scatter [tilespmem:s15], [sflag:$0x9], $0x1000, $0x38;
	[tilespmem:$0x14000] =	vst v63  }
0x1f: {  	_ =	swait.ge [sflag:s16], $0x1000  }
0x20: {  	[sflag:s16] =	ssyncset.done $0x0  }
0x21: {  	[sflag:s16] =	ssyncadd.s32 $0xFFFFF000  }
0x22: {  	[spmem:s8] =	stream.linear.scatter [tilespmem:s15], [sflag:$0x9], $0x1000, $0x38;
	[tilespmem:$0x14000] =	vst v63  }
0x23: {  	_ =	swait.ge [sflag:s16], $0x1000  }
0x24: {  	[sflag:s16] =	ssyncset.done $0x0  }
0x25: {  	[sflag:s16] =	ssyncadd.s32 $0xFFFFF000  }
0x26: {  	[spmem:s9] =	stream.linear.scatter [tilespmem:s15], [sflag:$0x9], $0x1000, $0x38;
	[tilespmem:$0x14000] =	vst v63  }
0x27: {  	_ =	swait.ge [sflag:s16], $0x1000  }
0x28: {  	[sflag:s16] =	ssyncset.done $0x0  }
0x29: {  	[sflag:s16] =	ssyncadd.s32 $0xFFFFF000  }
0x2a: {  	[spmem:s10] =	stream.linear.scatter [tilespmem:s15], [sflag:$0x9], $0x1000, $0x38;
	[tilespmem:$0x14000] =	vst v63  }
0x2b: {  	_ =	swait.ge [sflag:s16], $0x1000  }
0x2c: {  	[sflag:s16] =	ssyncset.done $0x0  }
0x2d: {  	[sflag:s16] =	ssyncadd.s32 $0xFFFFF000  }
0x2e: {  	[spmem:s11] =	stream.linear.scatter [tilespmem:s15], [sflag:$0x9], $0x1000, $0x38;
	[tilespmem:$0x14000] =	vst v63  }
0x2f: {  	_ =	swait.ge [sflag:s16], $0x1000  }
0x30: {  	[sflag:s16] =	ssyncset.done $0x0  }
0x31: {  	[sflag:s16] =	ssyncadd.s32 $0xFFFFF000  }
0x32: {  	_ =	swait.ge [sflag:s17], $0x5000  }
0x33: {  	[sflag:s17] =	ssyncset.done $0x0  }
0x34: {  	[sflag:s17] =	ssyncadd.s32 $0xFFFFB000  }
0x35: {  	_ =	swait.ge [sflag:s18], $0x5000  }
0x36: {  	[sflag:s18] =	ssyncset.done $0x0  }
0x37: {  	[sflag:s18] =	ssyncadd.s32 $0xFFFFB000  }
0x38: {  	s4 =	simm.s32 $0x0;
	[bflag:$0x0] =	sbarrier.arrive $0xFFFF  }
0x39: {  	[tilespmem:s20], [sflag:$0x1] =	stream.indirect.gather [hbm4b:s1+s19], $0x20, s4, s19, $0xb8;
	[tilespmem:$0x14000] =	vst v63  }
0x3a: {  	_ = 	snop  }
0x3b: {  	[tilespmem:s21], [sflag:$0x2] =	stream.indirect.gather [hbm4b:s1+s19], $0x20, s19, s19, $0xb8;
	[tilespmem:$0x14000] =	vst v63  }
0x3c: {  	_ =	swait.ge [sflag:s17], $0x1000  }
0x3d: {  	[sflag:s17] =	ssyncset.done $0x0  }
0x3e: {  	[sflag:s17] =	ssyncadd.s32 $0xFFFFF000  }
0x3f: {  	[spmem:s3] =	stream.indirect.scatter.add.f32 [tilespmem:s20], [sflag:$0x5], $0x20, s14, s19, $0xb8;
	[tilespmem:$0x14000] =	vst v63  }
0x40: {  	s5 =	simm.s32 $0x100  }
0x41: {  	[tilespmem:s23], [sflag:$0x3] =	stream.indirect.gather [hbm4b:s1+s19], $0x20, s5, s19, $0xb8;
	[tilespmem:$0x14000] =	vst v63  }
0x42: {  	_ =	swait.ge [sflag:s18], $0x1000  }
0x43: {  	[sflag:s18] =	ssyncset.done $0x0  }
0x44: {  	s24 =	simm.s32 $0x5080;
	[sflag:s18] =	ssyncadd.s32 $0xFFFFF000  }
0x45: {  	[spmem:s3] =	stream.indirect.scatter.add.f32 [tilespmem:s21], [sflag:$0x6], $0x20, s24, s19, $0xb8;
	[tilespmem:$0x14000] =	vst v63  }
0x46: {  	s5 =	simm.s32 $0x180  }
0x47: {  	[tilespmem:s26], [sflag:$0x4] =	stream.indirect.gather [hbm4b:s1+s19], $0x20, s5, s19, $0xb8;
	[tilespmem:$0x14000] =	vst v63  }
0x48: {  	_ =	swait.ge [sflag:s28], $0x1000  }
0x49: {  	[sflag:s28] =	ssyncset.done $0x0  }
0x4a: {  	s24 =	simm.s32 $0x5100;
	[sflag:s28] =	ssyncadd.s32 $0xFFFFF000  }
0x4b: {  	[spmem:s3] =	stream.indirect.scatter.add.f32 [tilespmem:s23], [sflag:$0x7], $0x20, s24, s19, $0xb8;
	[tilespmem:$0x14000] =	vst v63  }
0x4c: {  	_ =	swait.ge [sflag:s30], $0x1000  }
0x4d: {  	[sflag:s30] =	ssyncset.done $0x0  }
0x4e: {  	s5 =	simm.s32 $0x200;
	[sflag:s30] =	ssyncadd.s32 $0xFFFFF000  }
0x4f: {  	[tilespmem:s20], [sflag:$0x1] =	stream.indirect.gather [hbm4b:s1+s19], $0x20, s5, s19, $0xb8;
	[tilespmem:$0x14000] =	vst v63  }
0x50: {  	_ =	swait.ge [sflag:s2], $0x1000  }
0x51: {  	[sflag:s2] =	ssyncset.done $0x0  }
0x52: {  	s24 =	simm.s32 $0x5180;
	[sflag:s2] =	ssyncadd.s32 $0xFFFFF000  }
0x53: {  	[spmem:s3] =	stream.indirect.scatter.add.f32 [tilespmem:s26], [sflag:$0x8], $0x20, s24, s19, $0xb8;
	[tilespmem:$0x14000] =	vst v63  }
0x54: {  	_ =	swait.ge [sflag:s22], $0x1000  }
0x55: {  	[sflag:s22] =	ssyncset.done $0x0  }
0x56: {  	s5 =	simm.s32 $0x280;
	[sflag:s22] =	ssyncadd.s32 $0xFFFFF000  }
0x57: {  	[tilespmem:s21], [sflag:$0x2] =	stream.indirect.gather [hbm4b:s1+s19], $0x20, s5, s19, $0xb8;
	[tilespmem:$0x14000] =	vst v63  }
0x58: {  	_ =	swait.ge [sflag:s17], $0x1000  }
0x59: {  	[sflag:s17] =	ssyncset.done $0x0  }
0x5a: {  	s24 =	simm.s32 $0x5200;
	[sflag:s17] =	ssyncadd.s32 $0xFFFFF000  }
0x5b: {  	[spmem:s3] =	stream.indirect.scatter.add.f32 [tilespmem:s20], [sflag:$0x5], $0x20, s24, s19, $0xb8;
	[tilespmem:$0x14000] =	vst v63  }
0x5c: {  	_ =	swait.ge [sflag:s25], $0x1000  }
0x5d: {  	[sflag:s25] =	ssyncset.done $0x0  }
0x5e: {  	s5 =	simm.s32 $0x300;
	[sflag:s25] =	ssyncadd.s32 $0xFFFFF000  }
0x5f: {  	[tilespmem:s23], [sflag:$0x3] =	stream.indirect.gather [hbm4b:s1+s19], $0x20, s5, s19, $0xb8;
	[tilespmem:$0x14000] =	vst v63  }
0x60: {  	_ =	swait.ge [sflag:s18], $0x1000  }
0x61: {  	[sflag:s18] =	ssyncset.done $0x0  }
0x62: {  	s24 =	simm.s32 $0x5280;
	[sflag:s18] =	ssyncadd.s32 $0xFFFFF000  }
0x63: {  	[spmem:s3] =	stream.indirect.scatter.add.f32 [tilespmem:s21], [sflag:$0x6], $0x20, s24, s19, $0xb8;
	[tilespmem:$0x14000] =	vst v63  }
0x64: {  	_ =	swait.ge [sflag:s29], $0x1000  }
0x65: {  	[sflag:s29] =	ssyncset.done $0x0  }
0x66: {  	s5 =	simm.s32 $0x380;
	[sflag:s29] =	ssyncadd.s32 $0xFFFFF000  }
0x67: {  	[tilespmem:s26], [sflag:$0x4] =	stream.indirect.gather [hbm4b:s1+s19], $0x20, s5, s19, $0xb8;
	[tilespmem:$0x14000] =	vst v63  }
0x68: {  	_ =	swait.ge [sflag:s28], $0x1000  }
0x69: {  	[sflag:s28] =	ssyncset.done $0x0  }
0x6a: {  	s24 =	simm.s32 $0x5300;
	[sflag:s28] =	ssyncadd.s32 $0xFFFFF000  }
0x6b: {  	[spmem:s3] =	stream.indirect.scatter.add.f32 [tilespmem:s23], [sflag:$0x7], $0x20, s24, s19, $0xb8;
	[tilespmem:$0x14000] =	vst v63  }
0x6c: {  	_ =	swait.ge [sflag:s30], $0x1000  }
0x6d: {  	[sflag:s30] =	ssyncset.done $0x0  }
0x6e: {  	s5 =	simm.s32 $0x400;
	[sflag:s30] =	ssyncadd.s32 $0xFFFFF000  }
0x6f: {  	[tilespmem:s20], [sflag:$0x1] =	stream.indirect.gather [hbm4b:s1+s19], $0x20, s5, s19, $0xb8;
	[tilespmem:$0x14000] =	vst v63  }
0x70: {  	_ =	swait.ge [sflag:s2], $0x1000  }
0x71: {  	[sflag:s2] =	ssyncset.done $0x0  }
0x72: {  	s24 =	simm.s32 $0x5380;
	[sflag:s2] =	ssyncadd.s32 $0xFFFFF000  }
0x73: {  	[spmem:s3] =	stream.indirect.scatter.add.f32 [tilespmem:s26], [sflag:$0x8], $0x20, s24, s19, $0xb8;
	[tilespmem:$0x14000] =	vst v63  }
0x74: {  	_ =	swait.ge [sflag:s22], $0x1000  }
0x75: {  	[sflag:s22] =	ssyncset.done $0x0  }
0x76: {  	s4 =	simm.s32 $0x480;
	s24 =	simm.s32 $0x800;
	[sflag:s22] =	ssyncadd.s32 $0xFFFFF000  }
.LBB2_4:
0x77: {  	[tilespmem:s21], [sflag:$0x2] =	stream.indirect.gather [hbm4b:s1+s19], $0x20, s4, s19, $0xb8;
	[tilespmem:$0x14000] =	vst v63  }
0x78: {  	s4 =	smov.u32 s24  }
0x79: {  	p0 =	sne.s32 s24, $0x12800;
	s24 =	sadd.s32 $0x800, s24;
	_ =	swait.ge [sflag:s17], $0x1000  }
0x7a: {  	s4 =	sshra.s32 s4, $0x2;
	[sflag:s17] =	ssyncset.done $0x0  }
0x7b: {  	s5 =	sadd.s32 $0x5200, s4;
	[sflag:s17] =	ssyncadd.s32 $0xFFFFF000  }
0x7c: {  	[spmem:s3] =	stream.indirect.scatter.add.f32 [tilespmem:s20], [sflag:$0x5], $0x20, s5, s19, $0xb8;
	[tilespmem:$0x14000] =	vst v63  }
0x7d: {  	_ =	swait.ge [sflag:s25], $0x1000  }
0x7e: {  	[sflag:s25] =	ssyncset.done $0x0  }
0x7f: {  	s5 =	sadd.s32 $0x300, s4;
	[sflag:s25] =	ssyncadd.s32 $0xFFFFF000  }
0x80: {  	[tilespmem:s23], [sflag:$0x3] =	stream.indirect.gather [hbm4b:s1+s19], $0x20, s5, s19, $0xb8;
	[tilespmem:$0x14000] =	vst v63  }
0x81: {  	_ =	swait.ge [sflag:s18], $0x1000  }
0x82: {  	[sflag:s18] =	ssyncset.done $0x0  }
0x83: {  	s5 =	sadd.s32 $0x5280, s4;
	[sflag:s18] =	ssyncadd.s32 $0xFFFFF000  }
0x84: {  	[spmem:s3] =	stream.indirect.scatter.add.f32 [tilespmem:s21], [sflag:$0x6], $0x20, s5, s19, $0xb8;
	[tilespmem:$0x14000] =	vst v63  }
0x85: {  	_ =	swait.ge [sflag:s29], $0x1000  }
0x86: {  	[sflag:s29] =	ssyncset.done $0x0  }
0x87: {  	s5 =	sadd.s32 $0x380, s4;
	[sflag:s29] =	ssyncadd.s32 $0xFFFFF000  }
0x88: {  	[tilespmem:s26], [sflag:$0x4] =	stream.indirect.gather [hbm4b:s1+s19], $0x20, s5, s19, $0xb8;
	[tilespmem:$0x14000] =	vst v63  }
0x89: {  	_ =	swait.ge [sflag:s28], $0x1000  }
0x8a: {  	[sflag:s28] =	ssyncset.done $0x0  }
0x8b: {  	s5 =	sadd.s32 $0x5300, s4;
	[sflag:s28] =	ssyncadd.s32 $0xFFFFF000  }
0x8c: {  	[spmem:s3] =	stream.indirect.scatter.add.f32 [tilespmem:s23], [sflag:$0x7], $0x20, s5, s19, $0xb8;
	[tilespmem:$0x14000] =	vst v63  }
0x8d: {  	_ =	swait.ge [sflag:s30], $0x1000  }
0x8e: {  	[sflag:s30] =	ssyncset.done $0x0  }
0x8f: {  	s5 =	sadd.s32 $0x400, s4;
	[sflag:s30] =	ssyncadd.s32 $0xFFFFF000  }
0x90: {  	[tilespmem:s20], [sflag:$0x1] =	stream.indirect.gather [hbm4b:s1+s19], $0x20, s5, s19, $0xb8;
	[tilespmem:$0x14000] =	vst v63  }
0x91: {  	_ =	swait.ge [sflag:s2], $0x1000  }
0x92: {  	[sflag:s2] =	ssyncset.done $0x0  }
.Ltmp1:
0x93: {  	s5 =	sadd.s32 $0x5380, s4;
	[sflag:s2] =	ssyncadd.s32 $0xFFFFF000;
	(pc) =	sbr.rel @p0 .LBB2_4-.Ltmp1, $4  }
0x94: {  	[spmem:s3] =	stream.indirect.scatter.add.f32 [tilespmem:s26], [sflag:$0x8], $0x20, s5, s19, $0xb8;
	[tilespmem:$0x14000] =	vst v63  }
0x95: {  	_ =	swait.ge [sflag:s22], $0x1000  }
0x96: {  	[sflag:s22] =	ssyncset.done $0x0  }
0x97: {  	s4 =	sadd.s32 $0x480, s4;
	[sflag:s22] =	ssyncadd.s32 $0xFFFFF000  }
0x98: {  	[tilespmem:s21], [sflag:$0x2] =	stream.indirect.gather [hbm4b:s1+s19], $0x20, s4, s19, $0xb8;
	[tilespmem:$0x14000] =	vst v63  }
0x99: {  	_ =	swait.ge [sflag:s17], $0x1000  }
0x9a: {  	[sflag:s17] =	ssyncset.done $0x0  }
0x9b: {  	s5 =	simm.s32 $0x9E00;
	[sflag:s17] =	ssyncadd.s32 $0xFFFFF000  }
0x9c: {  	[spmem:s3] =	stream.indirect.scatter.add.f32 [tilespmem:s20], [sflag:$0x5], $0x20, s5, s19, $0xb8;
	[tilespmem:$0x14000] =	vst v63  }
0x9d: {  	_ =	swait.ge [sflag:s25], $0x1000  }
0x9e: {  	[sflag:s25] =	ssyncset.done $0x0  }
0x9f: {  	s24 =	simm.s32 $0x4F00;
	[sflag:s25] =	ssyncadd.s32 $0xFFFFF000  }
0xa0: {  	[tilespmem:s23], [sflag:$0x3] =	stream.indirect.gather [hbm4b:s1+s19], $0x20, s24, s19, $0xb8;
	[tilespmem:$0x14000] =	vst v63  }
0xa1: {  	_ =	swait.ge [sflag:s18], $0x1000  }
0xa2: {  	[sflag:s18] =	ssyncset.done $0x0  }
0xa3: {  	s5 =	simm.s32 $0x9E80;
	[sflag:s18] =	ssyncadd.s32 $0xFFFFF000  }
0xa4: {  	[spmem:s3] =	stream.indirect.scatter.add.f32 [tilespmem:s21], [sflag:$0x6], $0x20, s5, s19, $0xb8;
	[tilespmem:$0x14000] =	vst v63  }
0xa5: {  	_ =	swait.ge [sflag:s29], $0x1000  }
0xa6: {  	[sflag:s29] =	ssyncset.done $0x0  }
0xa7: {  	[sflag:s29] =	ssyncadd.s32 $0xFFFFF000  }
0xa8: {  	[tilespmem:s26], [sflag:$0x4] =	stream.indirect.gather [hbm4b:s1+s19], $0x20, s31, s19, $0xb8;
	[tilespmem:$0x14000] =	vst v63  }
0xa9: {  	_ =	swait.ge [sflag:s28], $0x1000  }
0xaa: {  	[sflag:s28] =	ssyncset.done $0x0  }
0xab: {  	s24 =	simm.s32 $0x9F00;
	[sflag:s28] =	ssyncadd.s32 $0xFFFFF000  }
0xac: {  	[spmem:s3] =	stream.indirect.scatter.add.f32 [tilespmem:s23], [sflag:$0x7], $0x20, s24, s19, $0xb8;
	[tilespmem:$0x14000] =	vst v63  }
0xad: {  	_ =	swait.ge [sflag:s30], $0x1000  }
0xae: {  	[sflag:s30] =	ssyncset.done $0x0  }
0xaf: {  	[sflag:s30] =	ssyncadd.s32 $0xFFFFF000  }
0xb0: {  	[tilespmem:s20], [sflag:$0x1] =	stream.indirect.gather [hbm4b:s1+s19], $0x20, s31, s19, $0xb8;
	[tilespmem:$0x14000] =	vst v63  }
0xb1: {  	_ =	swait.ge [sflag:s2], $0x1000  }
0xb2: {  	[sflag:s2] =	ssyncset.done $0x0  }
0xb3: {  	s5 =	simm.s32 $0x9F80;
	[sflag:s2] =	ssyncadd.s32 $0xFFFFF000  }
0xb4: {  	[spmem:s3] =	stream.indirect.scatter.add.f32 [tilespmem:s26], [sflag:$0x8], $0x20, s5, s19, $0xb8;
	[tilespmem:$0x14000] =	vst v63  }
0xb5: {  	_ =	swait.ge [sflag:s22], $0x1000  }
0xb6: {  	[sflag:s22] =	ssyncset.done $0x0  }
0xb7: {  	[sflag:s22] =	ssyncadd.s32 $0xFFFFF000  }
0xb8: {  	[tilespmem:s21], [sflag:$0x2] =	stream.indirect.gather [hbm4b:s1+s19], $0x20, s31, s19, $0xb8;
	[tilespmem:$0x14000] =	vst v63  }
0xb9: {  	_ =	swait.ge [sflag:s17], $0x1000  }
0xba: {  	[sflag:s17] =	ssyncset.done $0x0  }
0xbb: {  	[sflag:s17] =	ssyncadd.s32 $0xFFFFF000  }
0xbc: {  	_ =	swait.ge [sflag:s18], $0x1000  }
0xbd: {  	[sflag:s18] =	ssyncset.done $0x0  }
0xbe: {  	[sflag:s18] =	ssyncadd.s32 $0xFFFFF000  }
0xbf: {  	_ =	swait.ge [sflag:s25], $0x1000  }
0xc0: {  	[sflag:s25] =	ssyncset.done $0x0  }
0xc1: {  	[sflag:s25] =	ssyncadd.s32 $0xFFFFF000  }
0xc2: {  	s24 =	stileid.u32;
	_ =	swait.ge [sflag:s29], $0x1000  }
0xc3: {  	s0 =	sadd.s32 $0x1, s0;
	s4 =	sshll.u32 s24, $0x6;
	[sflag:s29] =	ssyncset.done $0x0  }
0xc4: {  	p0 =	sne.s32 s0, s13;
	s4 =	sor.u32 $0x1C09, s4;
	[sflag:s29] =	ssyncadd.s32 $0xFFFFF000  }
.Ltmp2:
0xc5: {  	s5 =	sshrl.u32 s7, $0x3;
	[bflag:$0x0] =	sbarrier.arrive $0xFFFF;
	(pc) =	sbr.rel @p0 .LBB2_1-.Ltmp2, $4  }
0xc6: {  	[hbm:s12], [sflag:s4] =	dma.local [spmem:s5], $0xA00  }
0xc7: {  	_ =	swait.ge [sflag:s16], $0xA00  }
0xc8: {  	[sflag:s16] =	ssyncset.done $0x0  }
0xc9: {  	[sflag:s16] =	ssyncadd.s32 $0xFFFFF600  }
0xca: {  	_ =	sfence.sel $0x180000  }
0xcb: {  	[bflag:$0x0] =	sbarrier.arrive $0xFFFF  }
0xcc: {  	_ =	strace $0x90000050  }
0xcd: {  	s0 =	stileid.u32;
	[bflag:$0x2] =	sbarrier.arrive $0xFFFF  }
0xce: {  	p0 =	sne.s32 s0, $0x0;
	s0 =	rddreg [dreg:$0x3]  }
0xcf: {  	s0 =	sadd.s32 @!p0 $0x100000, s0  }
0xd0: {  	[sflag:s0] =	ssyncadd.tile.s32 @!p0 $0x1;
	_ =	shalt  }
.Lfunc_end2:
_tile_overlayer_lowered:
.L_overlay_start_2:
0xd1: {  	(tag) =	ssettag $0x2  }
0xd2: {  	s0 =	rddreg [dreg:$0x0];
	s2 =	stileid.u32  }
0xd3: {  	s1 =	rddreg [dreg:$0x1];
	p0 =	sne.s32 s2, $0x0  }
0xd4: {  	s3 =	rddreg [dreg:$0x2];
	[bflag:$0x3] =	sbarrier.arrive $0xFFFF;
	s2 =	simm.s32 @!p0 $0x1C09  }
0xd5: {  	[timem:s3], [sflag:s2] =	dma.local @!p0 [hbm:s0], s1  }
0xd6: {  	s0 =	simm.s32 @!p0 $0x9  }
0xd7: {  	_ =	swait.ge @!p0 [sflag:s0], s1  }
0xd8: {  	s1 =	ssub.s32 @!p0 $0x0, s1;
	[sflag:s0] =	ssyncset.done @!p0 $0x0  }
0xd9: {  	[sflag:s0] =	ssyncadd.s32 @!p0 s1  }
0xda: {  	[bflag:$0x3] =	sbarrier.arrive $0xFFFF  }
0xdb: {  	_ =	shalt  }

// kernel: kernel.23.cloned.1.call-start
scs
__scs_entry_jumppad:
0x0: {  	(pc) =	sbr.rel $0x88, $3  }
0x1: {  	(tag) =	ssettag $0x0;
	lr =	simm.s32 $0x1  }
0x2: {  	[smem:$0x3F90] =	sst lr;
	_ =	strace $0xD0000000  }
0x3: {  	_ = 	snop  }
0x4: {  	_ = 	snop  }
0x5: {  	_ = 	snop  }
0x6: {  	_ = 	snop  }
0x7: {  	_ = 	snop  }
__scs_overlays_trampoline_lowered:
0x8: {  	[smem:$0x3F9F] =	sst s0  }
0x9: {  	[smem:$0x3FA0] =	sst s1  }
0xa: {  	[smem:$0x3FA1] =	sst s2  }
0xb: {  	[smem:$0x3FA2] =	sst s3  }
0xc: {  	[smem:$0x3FA3] =	sst s4  }
0xd: {  	[smem:$0x3FA4] =	sst s5  }
0xe: {  	[smem:$0x3FA5] =	sst s6  }
0xf: {  	[smem:$0x3FA6] =	sst s7  }
0x10: {  	[smem:$0x3FA7] =	sst s8  }
0x11: {  	[smem:$0x3FA8] =	sst s9;
	s0 =	simm.s32 @!p0 $0x0  }
0x12: {  	s1 =	sld [smem:$0x3F8E];
	s0 =	simm.s32 @p0 $0x1  }
0x13: {  	[smem:$0x3FA9] =	sst s0;
	s0 =	simm.s32 @!p1 $0x0  }
0x14: {  	s2 =	sld [smem:$0x3F8D];
	s0 =	simm.s32 @p1 $0x1  }
0x15: {  	[smem:$0x3FAA] =	sst s0;
	s0 =	simm.s32 @!p2 $0x0  }
0x16: {  	s3 =	sld [smem:$0x3FDB];
	s0 =	simm.s32 @p2 $0x1  }
0x17: {  	s4 =	simm.s32 $0x1BF5;
	[smem:$0x3FAC] =	sst s0  }
0x18: {  	s0 =	sld [smem:$0x3F8F];
	_ =	swait.ge [sflag:s4], $0x0  }
0x19: {  	s7 =	sld [smem:$0x3F90]  }
0x1a: {  	s8 =	sadd.s32 $0xFFFFE003, lr  }
0x1b: {  	s9 =	sadd.s32 $0xFFFFFEF7, lr;
	s5 =	simm.s32 $0xFFFFFFFF;
	p2 =	slt.u32 s8, $0xFFFFF086  }
0x1c: {  	p1 =	slt.u32 s9, $0xF7A;
	s5 =	simm.s32 @!p2 $0x0  }
0x1d: {  	s5 =	simm.s32 @p1 $0x1;
	p0 =	seq.s32 s7, s2  }
0x1e: {  	s7 =	smul.u32 @!p0 $0xF7A, s2;
	p2 =	seq.s32 @!p0 s5, $0x0  }
0x1f: {  	s9 =	smul.u32 $0xF7A, s1;
	s8 =	simm.s32 @!p0 $0x1BF5;
	p2 =	por !p2, p0  }
0x20: {  	[sflag:s8] =	ssyncset.s32 @!p0 $0xFFFFF086;
	s6 =	sadd.s32 @!p0 s3, s7;
	s7 =	simm.s32 @!p0 $0x108  }
0x21: {  	s3 =	sadd.s32 s3, s9;
	s6 =	sadd.s32 @!p0 $0x88, s6;
	s7 =	simm.s32 @p2 $0x1082  }
0x22: {  	[simem:s7], [sflag:s8] =	dma.local @!p0 [hbm:s6], $0xF7A  }
0x23: {  	s9 =	sor.u32 $0xD0000000, s2;
	s6 =	simm.s32 $0x108;
	_ =	swait.ge @!p0 [sflag:s8], $0x0  }
0x24: {  	s3 =	sadd.s32 $0x88, s3;
	s6 =	simm.s32 @!p1 $0x1082;
	[sflag:s4] =	ssyncset.s32 $0xFFFFF086  }
0x25: {  	[simem:s6], [sflag:s4] =	dma.local [hbm:s3], $0xF7A  }
0x26: {  	[smem:$0x3F90] =	sst s1;
	(tag) =	ssettag s2;
	_ =	strace s9  }
0x27: {  	s1 =	sld [smem:$0x3FA0]  }
0x28: {  	s2 =	sld [smem:$0x3FA1]  }
0x29: {  	s4 =	sld [smem:$0x3FA3]  }
0x2a: {  	p0 =	seq.s32 s5, $0x0;
	s5 =	sld [smem:$0x3FA4]  }
0x2b: {  	s6 =	sld [smem:$0x3FA5]  }
0x2c: {  	s7 =	sld [smem:$0x3FA6]  }
0x2d: {  	s3 =	simm.s32 $0x108;
	s8 =	sld [smem:$0x3FA7]  }
0x2e: {  	s3 =	simm.s32 @!p0 $0x1082;
	s9 =	sld [smem:$0x3FA8]  }
0x2f: {  	lr =	sadd.s32 s0, s3;
	s0 =	sld [smem:$0x3F9F]  }
0x30: {  	s3 =	sld [smem:$0x3FA2]  }
0x31: {  	[smem:$0x3FAB] =	sst s10  }
0x32: {  	s10 =	sld [smem:$0x3FA9];
	_ =	sdelay $0x3  }
0x33: {  	p0 =	seq.s32 s10, $0x1;
	s10 =	sld [smem:$0x3FAB];
	_ =	sdelay $0x3  }
0x34: {  	[smem:$0x3FAB] =	sst s10  }
0x35: {  	s10 =	sld [smem:$0x3FAA];
	_ =	sdelay $0x3  }
0x36: {  	p1 =	seq.s32 s10, $0x1;
	s10 =	sld [smem:$0x3FAB];
	_ =	sdelay $0x3  }
0x37: {  	[smem:$0x3FAB] =	sst s10  }
0x38: {  	s10 =	sld [smem:$0x3FAC]  }
0x39: {  	_ = 	snop;
	(pc) =	sbr.ind lr, $3  }
0x3a: {  	_ = 	snop  }
0x3b: {  	_ = 	snop  }
0x3c: {  	p2 =	seq.s32 s10, $0x1;
	s10 =	sld [smem:$0x3FAB]  }
0x3d: {  	_ =	shalt  }
0x3e: {  	_ =	shalt  }
0x3f: {  	_ =	shalt  }
0x40: {  	_ =	shalt  }
0x41: {  	_ =	shalt  }
0x42: {  	_ =	shalt  }
0x43: {  	_ =	shalt  }
0x44: {  	_ =	shalt  }
0x45: {  	_ =	shalt  }
0x46: {  	_ =	shalt  }
0x47: {  	_ =	shalt  }
0x48: {  	_ =	shalt  }
0x49: {  	_ =	shalt  }
0x4a: {  	_ =	shalt  }
0x4b: {  	_ =	shalt  }
0x4c: {  	_ =	shalt  }
0x4d: {  	_ =	shalt  }
0x4e: {  	_ =	shalt  }
0x4f: {  	_ =	shalt  }
0x50: {  	_ =	shalt  }
0x51: {  	_ =	shalt  }
0x52: {  	_ =	shalt  }
0x53: {  	_ =	shalt  }
0x54: {  	_ =	shalt  }
0x55: {  	_ =	shalt  }
0x56: {  	_ =	shalt  }
0x57: {  	_ =	shalt  }
0x58: {  	_ =	shalt  }
0x59: {  	_ =	shalt  }
0x5a: {  	_ =	shalt  }
0x5b: {  	_ =	shalt  }
0x5c: {  	_ =	shalt  }
0x5d: {  	_ =	shalt  }
0x5e: {  	_ =	shalt  }
0x5f: {  	_ =	shalt  }
0x60: {  	_ =	shalt  }
0x61: {  	_ =	shalt  }
0x62: {  	_ =	shalt  }
0x63: {  	_ =	shalt  }
0x64: {  	_ =	shalt  }
0x65: {  	_ =	shalt  }
0x66: {  	_ =	shalt  }
0x67: {  	_ =	shalt  }
0x68: {  	_ =	shalt  }
0x69: {  	_ =	shalt  }
0x6a: {  	_ =	shalt  }
0x6b: {  	_ =	shalt  }
0x6c: {  	_ =	shalt  }
0x6d: {  	_ =	shalt  }
0x6e: {  	_ =	shalt  }
0x6f: {  	_ =	shalt  }
0x70: {  	_ =	shalt  }
0x71: {  	_ =	shalt  }
0x72: {  	_ =	shalt  }
0x73: {  	_ =	shalt  }
0x74: {  	_ =	shalt  }
0x75: {  	_ =	shalt  }
0x76: {  	_ =	shalt  }
0x77: {  	_ =	shalt  }
0x78: {  	_ =	shalt  }
0x79: {  	_ =	shalt  }
0x7a: {  	_ =	shalt  }
0x7b: {  	_ =	shalt  }
0x7c: {  	_ =	shalt  }
0x7d: {  	_ =	shalt  }
0x7e: {  	_ =	shalt  }
0x7f: {  	_ =	shalt  }
0x80: {  	_ =	shalt  }
0x81: {  	_ =	shalt  }
0x82: {  	_ =	shalt  }
0x83: {  	_ =	shalt  }
0x84: {  	_ =	shalt  }
0x85: {  	_ =	shalt  }
0x86: {  	_ =	shalt  }
0x87: {  	_ =	shalt  }
.Lfunc_end0:
.L_simem_size_0:
called_computation.4_lowered:
.L_overlay_start_0:
0x88: {  	s2 =	sld [smem:$0x3FD9]  }
0x89: {  	s3 =	sld [smem:$0x3FFE];
	_ =	sdelay $0x1  }
0x8a: {  	s1 =	srdreg.scid  }
0x8b: {  	s0 =	sand.u32 $0x1, s1  }
0x8c: {  	s14 =	sshll.u32 s0, $0xA;
	s2 =	sadd.s32 s3, s2  }
0x8d: {  	s2 =	sadd.s32 s2, s14  }
0x8e: {  	[smem:$0x3FB7] =	sst s2  }
0x8f: {  	_ = 	snop  }
0x90: {  	s2 =	sld [smem:$0x3FD0];
	_ =	sdelay $0x2  }
0x91: {  	s15 =	simm.s32 $0xB;
	s4 =	simm.s32 $0x10  }
0x92: {  	[smem:s4], [sflag:s15] =	dma.local [hbm:s2], $0x1  }
0x93: {  	_ =	swait.eq [sflag:s15], $0x1  }
0x94: {  	[sflag:s15] =	ssyncset.done $0x0  }
0x95: {  	[sflag:s15] =	ssyncadd.s32 $0xFFFFFFFF  }
0x96: {  	s16 =	sld [smem:$0x10];
	(tm) =	ssettm $0x1  }
0x97: {  	s17 =	sld [smem:$0x3FFB];
	_ =	sdelay $0x3  }
0x98: {  	_ =	strace s17  }
0x99: {  	s3 =	sld [smem:$0x3FFC];
	_ =	sdelay $0x3  }
0x9a: {  	_ =	strace s3  }
0x9b: {  	s3 =	sld [smem:$0x3FFD];
	_ =	sdelay $0x3  }
0x9c: {  	_ =	strace s3  }
0x9d: {  	_ =	strace $0x8FFFFFFF  }
0x9e: {  	s18 =	sld [smem:$0x3FDB];
	_ =	sdelay $0x1  }
0x9f: {  	s19 =	simm.s32 $_scs_section_size  }
0xa0: {  	s5 =	simm.s32 $_size__tile_overlayer_lowered;
	s6 =	simm.s32 $_tile_overlayer_lowered  }
0xa1: {  	s22 =	simm.s32 $0x1BFF;
	s21 =	sshll.u32 s6, $0x1;
	s3 =	sadd.s32 s19, s18  }
0xa2: {  	s7 =	simm.s32 $0x0;
	s20 =	sshll.u32 s5, $0x1;
	s5 =	sadd.s32 s21, s3  }
0xa3: {  	[timem:s7], [sflag:s22] =	dma.local [hbm:s5], s20  }
0xa4: {  	_ =	swait.ge [sflag:s22], s20  }
0xa5: {  	s4 =	ssub.s32 $0x0, s20;
	[sflag:s22] =	ssyncset.done $0x0  }
0xa6: {  	[sflag:s22] =	ssyncadd.s32 s4;
	_ =	sdelay $0x1  }
0xa7: {  	s23 =	simm.s32 $0x1B8B  }
0xa8: {  	_ =	swait.ge [sflag:s23], $0x1  }
0xa9: {  	[sflag:s23] =	ssyncset.done $0x0  }
0xaa: {  	s25 =	simm.s32 $0x1B8E;
	s24 =	sld [smem:$0x3FFE];
	[sflag:s23] =	ssyncadd.s32 $0xFFFFFFFF  }
0xab: {  	s26 =	simm.s32 $execute0_lowered;
	[smem:$0x3FD2] =	sst s25  }
0xac: {  	s5 =	sshll.u32 s26, $0x1;
	_ =	strace $0x80000052;
	[dreg:$0x1] =	wrdreg $0xFFFFFFFF  }
0xad: {  	s28 =	simm.s32 $_size_execute0_lowered;
	s3 =	sadd.s32 s3, s5;
	[dreg:$0x0] =	wrdreg $0x0  }
0xae: {  	s5 =	sshll.u32 s28, $0x1;
	[dreg:$0x2] =	wrdreg s3  }
0xaf: {  	[dreg:$0x3] =	wrdreg s5  }
0xb0: {  	[dreg:$0x4] =	wrdreg $0xC0  }
0xb1: {  	_ =	task [dreg:s7], $0x5FFFF  }
0xb2: {  	[dreg:$0x1] =	wrdreg $0xFFFFFFFF  }
0xb3: {  	[dreg:$0x0] =	wrdreg $0x60  }
0xb4: {  	[dreg:$0x2] =	wrdreg s24  }
0xb5: {  	[dreg:$0x3] =	wrdreg s16  }
0xb6: {  	[dreg:$0x4] =	wrdreg $0xF0000  }
0xb7: {  	[dreg:$0x5] =	wrdreg $0x9  }
0xb8: {  	_ =	task.clear_ibuf [dreg:s7], $0x6FFFF;
	_ =	strace $0x90000052  }
0xb9: {  	s29 =	simm.s32 $0x9;
	_ =	strace $0x80000054  }
0xba: {  	_ =	swait.ge [sflag:s29], $0x1  }
0xbb: {  	[sflag:s29] =	ssyncadd.s32 $0xFFFFFFFF  }
0xbc: {  	_ =	strace $0x90000054  }
0xbd: {  	_ =	sfence  }
0xbe: {  	s30 =	sld [smem:$0x0];
	_ =	sdelay $0x2  }
0xbf: {  	s31 =	sshll.u32 s1, $0xD;
	s1 =	sshrl.u32 s1, $0x2  }
0xc0: {  	s3 =	sand.u32 $0x4000, s31;
	s1 =	sadd.s32 s1, s30  }
0xc1: {  	s0 =	sor.u32 s3, s0;
	s1 =	sshll.u32 s1, $0x11  }
0xc2: {  	s0 =	sor.u32 s1, s0  }
0xc3: {  	s0 =	sadd.s32 $0x8F2B, s0  }
0xc4: {  	[sflag:s0] =	ssyncadd.remote.s32 $0x1  }
0xc5: {  	_ =	sfence.sel $0xFFFF  }
0xc6: {  	[dreg:$0x0] =	wrdreg $0xFFFFFFFF;
	(pc) =	sbr.abs _section_cstart, $3  }
0xc7: {  	[dreg:$0x1] =	wrdreg $0xFFFFFFFF  }
0xc8: {  	_ =	task.clear_ibuf [dreg:s7], $0x2FFFF;
	_ =	strace $0x9FFFFFFF  }
0xc9: {  	(tm) =	ssettm $0x7FFFFFFF  }
tec
execute0_lowered:
.L_overlay_start_1:
0x0: {  	(tag) =	ssettag $0x1  }
0x1: {  	s1 =	rddreg [dreg:$0x0]  }
0x2: {  	s0 =	srdreg.scid;
	s3 =	rddreg [dreg:$0x1]  }
0x3: {  	s6 =	stileid.u32;
	s2 =	rddreg [dreg:$0x2];
	s7 =	simm.s32 $0x0  }
0x4: {  	s14 =	simm.s32 $0x5000;
	s15 =	simm.s32 $0xE000;
	s16 =	simm.s32 $0x9  }
0x5: {  	s17 =	simm.s32 $0x1;
	s18 =	simm.s32 $0x2;
	s19 =	simm.s32 $0x80  }
0x6: {  	s20 =	simm.s32 $0xA000;
	s21 =	simm.s32 $0xB000;
	s23 =	simm.s32 $0xC000  }
0x7: {  	s28 =	simm.s32 $0x3;
	s30 =	simm.s32 $0x5;
	s22 =	simm.s32 $0x6  }
0x8: {  	s29 =	simm.s32 $0x8;
	s31 =	simm.s32 $0x4F80;
	s0 =	sand.u32 $0x1, s0  }
0x9: {  	[smem:$0x7FF] =	sst s7;
	s11 =	smul.u32 $0xA00, s6;
	s4 =	sshll.u32 s0, $0x4  }
0xa: {  	_ =	strace $0x80000053;
	s25 =	ssub.s32 $0x2, s0;
	s0 =	smul.u32 $0xA000, s0  }
0xb: {  	s4 =	sor.u32 s6, s4;
	s6 =	smul.u32 $0x14000, s6;
	s8 =	sshrl.u32 s25, $0x1  }
0xc: {  	s5 =	smul.u32 $0xA00, s4;
	s4 =	sadd.s32 $0x22E00, s1;
	s13 =	ssub.s32 s25, s8  }
0xd: {  	s0 =	sadd.s32 s11, s0;
	s25 =	simm.s32 $0x7;
	s6 =	sshrl.u32 s6, $0x2  }
0xe: {  	s12 =	sadd.s32 s3, s0;
	s13 =	smax.u32 s13, $0x1;
	s0 =	simm.s32 $0x0  }
0xf: {  	s24 =	sadd.s32 s5, s1;
	s1 =	sadd.s32 s11, s1;
	s5 =	sadd.s32 s6, s2  }
0x10: {  	s26 =	sadd.s32 $0xEE00, s24;
	s7 =	sadd.s32 $0x4E00, s1;
	s8 =	sadd.s32 $0x1000, s5  }
0x11: {  	s9 =	sadd.s32 $0x2000, s5;
	s10 =	sadd.s32 $0x3000, s5;
	s11 =	sadd.s32 $0x4000, s5  }
0x12: {  	v0 =	vimm.f32 $0.0e+00;
	s1 =	simm.s32 $0x4;
	[dreg:$0x4] =	wrdreg s26;
	s26 =	simm.s32 $0xD000  }
.LBB2_1:
0x13: {  	s3 =	simm.s32 $0x0;
	s6 =	rddreg [dreg:$0x4]  }
0x14: {  	[tilespmem:s3], [sflag:$0x1] =	stream.linear.gather [hbm4b:s6+s3], $0x5000, $0x38;
	[tilespmem:$0x14000] =	vst v63  }
0x15: {  	_ = 	snop  }
0x16: {  	[tilespmem:s14], [sflag:$0x2] =	stream.linear.gather [hbm4b:s7+s3], $0x5000, $0x38;
	[tilespmem:$0x14000] =	vst v63  }
0x17: {  	s24 =	simm.s32 $0x0;
	s3 =	simm.s32 $0x80  }
.LBB2_2:
0x18: {  	p0 =	sne.s32 s3, $0x3F80;
	[tilespmem:s24+$0xE000] =	vst v0;
	s6 =	smov.u32 s3;
	s3 =	sadd.s32 $0x80, s3  }
.Ltmp0:
0x19: {  	[tilespmem:s24+$0xE010] =	vst v0;
	(pc) =	sbr.rel @p0 .LBB2_2-.Ltmp0, $2  }
0x1a: {  	_ =	sdelay $0x2  }
0x1b: {  	s24 =	sshra.s32 s6, $0x2  }
0x1c: {  	[tilespmem:s24+$0xE000] =	vst v0  }
0x1d: {  	[tilespmem:s24+$0xE010] =	vst v0  }
0x1e: {  	[spmem:s5] =	stream.linear.scatter [tilespmem:s15], [sflag:$0x9], $0x1000, $0x38;
	[tilespmem:$0x14000] =	vst v63  }
0x1f: {  	_ =	swait.ge [sflag:s16], $0x1000  }
0x20: {  	[sflag:s16] =	ssyncset.done $0x0  }
0x21: {  	[sflag:s16] =	ssyncadd.s32 $0xFFFFF000  }
0x22: {  	[spmem:s8] =	stream.linear.scatter [tilespmem:s15], [sflag:$0x9], $0x1000, $0x38;
	[tilespmem:$0x14000] =	vst v63  }
0x23: {  	_ =	swait.ge [sflag:s16], $0x1000  }
0x24: {  	[sflag:s16] =	ssyncset.done $0x0  }
0x25: {  	[sflag:s16] =	ssyncadd.s32 $0xFFFFF000  }
0x26: {  	[spmem:s9] =	stream.linear.scatter [tilespmem:s15], [sflag:$0x9], $0x1000, $0x38;
	[tilespmem:$0x14000] =	vst v63  }
0x27: {  	_ =	swait.ge [sflag:s16], $0x1000  }
0x28: {  	[sflag:s16] =	ssyncset.done $0x0  }
0x29: {  	[sflag:s16] =	ssyncadd.s32 $0xFFFFF000  }
0x2a: {  	[spmem:s10] =	stream.linear.scatter [tilespmem:s15], [sflag:$0x9], $0x1000, $0x38;
	[tilespmem:$0x14000] =	vst v63  }
0x2b: {  	_ =	swait.ge [sflag:s16], $0x1000  }
0x2c: {  	[sflag:s16] =	ssyncset.done $0x0  }
0x2d: {  	[sflag:s16] =	ssyncadd.s32 $0xFFFFF000  }
0x2e: {  	[spmem:s11] =	stream.linear.scatter [tilespmem:s15], [sflag:$0x9], $0x1000, $0x38;
	[tilespmem:$0x14000] =	vst v63  }
0x2f: {  	_ =	swait.ge [sflag:s16], $0x1000  }
0x30: {  	[sflag:s16] =	ssyncset.done $0x0  }
0x31: {  	[sflag:s16] =	ssyncadd.s32 $0xFFFFF000  }
0x32: {  	_ =	swait.ge [sflag:s17], $0x5000  }
0x33: {  	[sflag:s17] =	ssyncset.done $0x0  }
0x34: {  	[sflag:s17] =	ssyncadd.s32 $0xFFFFB000  }
0x35: {  	_ =	swait.ge [sflag:s18], $0x5000  }
0x36: {  	[sflag:s18] =	ssyncset.done $0x0  }
0x37: {  	[sflag:s18] =	ssyncadd.s32 $0xFFFFB000  }
0x38: {  	s3 =	simm.s32 $0x0;
	[bflag:$0x0] =	sbarrier.arrive $0xFFFF  }
0x39: {  	[tilespmem:s20], [sflag:$0x1] =	stream.indirect.gather [hbm4b:s4+s19], $0x20, s3, s19, $0xb8;
	[tilespmem:$0x14000] =	vst v63  }
0x3a: {  	_ = 	snop  }
0x3b: {  	[tilespmem:s21], [sflag:$0x2] =	stream.indirect.gather [hbm4b:s4+s19], $0x20, s19, s19, $0xb8;
	[tilespmem:$0x14000] =	vst v63  }
0x3c: {  	_ =	swait.ge [sflag:s17], $0x1000  }
0x3d: {  	[sflag:s17] =	ssyncset.done $0x0  }
0x3e: {  	[sflag:s17] =	ssyncadd.s32 $0xFFFFF000  }
0x3f: {  	[spmem:s2] =	stream.indirect.scatter.add.f32 [tilespmem:s20], [sflag:$0x5], $0x20, s14, s19, $0xb8;
	[tilespmem:$0x14000] =	vst v63  }
0x40: {  	s6 =	simm.s32 $0x100  }
0x41: {  	[tilespmem:s23], [sflag:$0x3] =	stream.indirect.gather [hbm4b:s4+s19], $0x20, s6, s19, $0xb8;
	[tilespmem:$0x14000] =	vst v63  }
0x42: {  	_ =	swait.ge [sflag:s18], $0x1000  }
0x43: {  	[sflag:s18] =	ssyncset.done $0x0  }
0x44: {  	s24 =	simm.s32 $0x5080;
	[sflag:s18] =	ssyncadd.s32 $0xFFFFF000  }
0x45: {  	[spmem:s2] =	stream.indirect.scatter.add.f32 [tilespmem:s21], [sflag:$0x6], $0x20, s24, s19, $0xb8;
	[tilespmem:$0x14000] =	vst v63  }
0x46: {  	s6 =	simm.s32 $0x180  }
0x47: {  	[tilespmem:s26], [sflag:$0x4] =	stream.indirect.gather [hbm4b:s4+s19], $0x20, s6, s19, $0xb8;
	[tilespmem:$0x14000] =	vst v63  }
0x48: {  	_ =	swait.ge [sflag:s28], $0x1000  }
0x49: {  	[sflag:s28] =	ssyncset.done $0x0  }
0x4a: {  	s24 =	simm.s32 $0x5100;
	[sflag:s28] =	ssyncadd.s32 $0xFFFFF000  }
0x4b: {  	[spmem:s2] =	stream.indirect.scatter.add.f32 [tilespmem:s23], [sflag:$0x7], $0x20, s24, s19, $0xb8;
	[tilespmem:$0x14000] =	vst v63  }
0x4c: {  	_ =	swait.ge [sflag:s30], $0x1000  }
0x4d: {  	[sflag:s30] =	ssyncset.done $0x0  }
0x4e: {  	s6 =	simm.s32 $0x200;
	[sflag:s30] =	ssyncadd.s32 $0xFFFFF000  }
0x4f: {  	[tilespmem:s20], [sflag:$0x1] =	stream.indirect.gather [hbm4b:s4+s19], $0x20, s6, s19, $0xb8;
	[tilespmem:$0x14000] =	vst v63  }
0x50: {  	_ =	swait.ge [sflag:s1], $0x1000  }
0x51: {  	[sflag:s1] =	ssyncset.done $0x0  }
0x52: {  	s24 =	simm.s32 $0x5180;
	[sflag:s1] =	ssyncadd.s32 $0xFFFFF000  }
0x53: {  	[spmem:s2] =	stream.indirect.scatter.add.f32 [tilespmem:s26], [sflag:$0x8], $0x20, s24, s19, $0xb8;
	[tilespmem:$0x14000] =	vst v63  }
0x54: {  	_ =	swait.ge [sflag:s22], $0x1000  }
0x55: {  	[sflag:s22] =	ssyncset.done $0x0  }
0x56: {  	s6 =	simm.s32 $0x280;
	[sflag:s22] =	ssyncadd.s32 $0xFFFFF000  }
0x57: {  	[tilespmem:s21], [sflag:$0x2] =	stream.indirect.gather [hbm4b:s4+s19], $0x20, s6, s19, $0xb8;
	[tilespmem:$0x14000] =	vst v63  }
0x58: {  	_ =	swait.ge [sflag:s17], $0x1000  }
0x59: {  	[sflag:s17] =	ssyncset.done $0x0  }
0x5a: {  	s24 =	simm.s32 $0x5200;
	[sflag:s17] =	ssyncadd.s32 $0xFFFFF000  }
0x5b: {  	[spmem:s2] =	stream.indirect.scatter.add.f32 [tilespmem:s20], [sflag:$0x5], $0x20, s24, s19, $0xb8;
	[tilespmem:$0x14000] =	vst v63  }
0x5c: {  	_ =	swait.ge [sflag:s25], $0x1000  }
0x5d: {  	[sflag:s25] =	ssyncset.done $0x0  }
0x5e: {  	s6 =	simm.s32 $0x300;
	[sflag:s25] =	ssyncadd.s32 $0xFFFFF000  }
0x5f: {  	[tilespmem:s23], [sflag:$0x3] =	stream.indirect.gather [hbm4b:s4+s19], $0x20, s6, s19, $0xb8;
	[tilespmem:$0x14000] =	vst v63  }
0x60: {  	_ =	swait.ge [sflag:s18], $0x1000  }
0x61: {  	[sflag:s18] =	ssyncset.done $0x0  }
0x62: {  	s24 =	simm.s32 $0x5280;
	[sflag:s18] =	ssyncadd.s32 $0xFFFFF000  }
0x63: {  	[spmem:s2] =	stream.indirect.scatter.add.f32 [tilespmem:s21], [sflag:$0x6], $0x20, s24, s19, $0xb8;
	[tilespmem:$0x14000] =	vst v63  }
0x64: {  	_ =	swait.ge [sflag:s29], $0x1000  }
0x65: {  	[sflag:s29] =	ssyncset.done $0x0  }
0x66: {  	s6 =	simm.s32 $0x380;
	[sflag:s29] =	ssyncadd.s32 $0xFFFFF000  }
0x67: {  	[tilespmem:s26], [sflag:$0x4] =	stream.indirect.gather [hbm4b:s4+s19], $0x20, s6, s19, $0xb8;
	[tilespmem:$0x14000] =	vst v63  }
0x68: {  	_ =	swait.ge [sflag:s28], $0x1000  }
0x69: {  	[sflag:s28] =	ssyncset.done $0x0  }
0x6a: {  	s24 =	simm.s32 $0x5300;
	[sflag:s28] =	ssyncadd.s32 $0xFFFFF000  }
0x6b: {  	[spmem:s2] =	stream.indirect.scatter.add.f32 [tilespmem:s23], [sflag:$0x7], $0x20, s24, s19, $0xb8;
	[tilespmem:$0x14000] =	vst v63  }
0x6c: {  	_ =	swait.ge [sflag:s30], $0x1000  }
0x6d: {  	[sflag:s30] =	ssyncset.done $0x0  }
0x6e: {  	s6 =	simm.s32 $0x400;
	[sflag:s30] =	ssyncadd.s32 $0xFFFFF000  }
0x6f: {  	[tilespmem:s20], [sflag:$0x1] =	stream.indirect.gather [hbm4b:s4+s19], $0x20, s6, s19, $0xb8;
	[tilespmem:$0x14000] =	vst v63  }
0x70: {  	_ =	swait.ge [sflag:s1], $0x1000  }
0x71: {  	[sflag:s1] =	ssyncset.done $0x0  }
0x72: {  	s24 =	simm.s32 $0x5380;
	[sflag:s1] =	ssyncadd.s32 $0xFFFFF000  }
0x73: {  	[spmem:s2] =	stream.indirect.scatter.add.f32 [tilespmem:s26], [sflag:$0x8], $0x20, s24, s19, $0xb8;
	[tilespmem:$0x14000] =	vst v63  }
0x74: {  	_ =	swait.ge [sflag:s22], $0x1000  }
0x75: {  	[sflag:s22] =	ssyncset.done $0x0  }
0x76: {  	s3 =	simm.s32 $0x480;
	s24 =	simm.s32 $0x800;
	[sflag:s22] =	ssyncadd.s32 $0xFFFFF000  }
.LBB2_4:
0x77: {  	[tilespmem:s21], [sflag:$0x2] =	stream.indirect.gather [hbm4b:s4+s19], $0x20, s3, s19, $0xb8;
	[tilespmem:$0x14000] =	vst v63  }
0x78: {  	s3 =	smov.u32 s24  }
0x79: {  	p0 =	sne.s32 s24, $0x12800;
	s24 =	sadd.s32 $0x800, s24;
	_ =	swait.ge [sflag:s17], $0x1000  }
0x7a: {  	s3 =	sshra.s32 s3, $0x2;
	[sflag:s17] =	ssyncset.done $0x0  }
0x7b: {  	s6 =	sadd.s32 $0x5200, s3;
	[sflag:s17] =	ssyncadd.s32 $0xFFFFF000  }
0x7c: {  	[spmem:s2] =	stream.indirect.scatter.add.f32 [tilespmem:s20], [sflag:$0x5], $0x20, s6, s19, $0xb8;
	[tilespmem:$0x14000] =	vst v63  }
0x7d: {  	_ =	swait.ge [sflag:s25], $0x1000  }
0x7e: {  	[sflag:s25] =	ssyncset.done $0x0  }
0x7f: {  	s6 =	sadd.s32 $0x300, s3;
	[sflag:s25] =	ssyncadd.s32 $0xFFFFF000  }
0x80: {  	[tilespmem:s23], [sflag:$0x3] =	stream.indirect.gather [hbm4b:s4+s19], $0x20, s6, s19, $0xb8;
	[tilespmem:$0x14000] =	vst v63  }
0x81: {  	_ =	swait.ge [sflag:s18], $0x1000  }
0x82: {  	[sflag:s18] =	ssyncset.done $0x0  }
0x83: {  	s6 =	sadd.s32 $0x5280, s3;
	[sflag:s18] =	ssyncadd.s32 $0xFFFFF000  }
0x84: {  	[spmem:s2] =	stream.indirect.scatter.add.f32 [tilespmem:s21], [sflag:$0x6], $0x20, s6, s19, $0xb8;
	[tilespmem:$0x14000] =	vst v63  }
0x85: {  	_ =	swait.ge [sflag:s29], $0x1000  }
0x86: {  	[sflag:s29] =	ssyncset.done $0x0  }
0x87: {  	s6 =	sadd.s32 $0x380, s3;
	[sflag:s29] =	ssyncadd.s32 $0xFFFFF000  }
0x88: {  	[tilespmem:s26], [sflag:$0x4] =	stream.indirect.gather [hbm4b:s4+s19], $0x20, s6, s19, $0xb8;
	[tilespmem:$0x14000] =	vst v63  }
0x89: {  	_ =	swait.ge [sflag:s28], $0x1000  }
0x8a: {  	[sflag:s28] =	ssyncset.done $0x0  }
0x8b: {  	s6 =	sadd.s32 $0x5300, s3;
	[sflag:s28] =	ssyncadd.s32 $0xFFFFF000  }
0x8c: {  	[spmem:s2] =	stream.indirect.scatter.add.f32 [tilespmem:s23], [sflag:$0x7], $0x20, s6, s19, $0xb8;
	[tilespmem:$0x14000] =	vst v63  }
0x8d: {  	_ =	swait.ge [sflag:s30], $0x1000  }
0x8e: {  	[sflag:s30] =	ssyncset.done $0x0  }
0x8f: {  	s6 =	sadd.s32 $0x400, s3;
	[sflag:s30] =	ssyncadd.s32 $0xFFFFF000  }
0x90: {  	[tilespmem:s20], [sflag:$0x1] =	stream.indirect.gather [hbm4b:s4+s19], $0x20, s6, s19, $0xb8;
	[tilespmem:$0x14000] =	vst v63  }
0x91: {  	_ =	swait.ge [sflag:s1], $0x1000  }
0x92: {  	[sflag:s1] =	ssyncset.done $0x0  }
.Ltmp1:
0x93: {  	s6 =	sadd.s32 $0x5380, s3;
	[sflag:s1] =	ssyncadd.s32 $0xFFFFF000;
	(pc) =	sbr.rel @p0 .LBB2_4-.Ltmp1, $4  }
0x94: {  	[spmem:s2] =	stream.indirect.scatter.add.f32 [tilespmem:s26], [sflag:$0x8], $0x20, s6, s19, $0xb8;
	[tilespmem:$0x14000] =	vst v63  }
0x95: {  	_ =	swait.ge [sflag:s22], $0x1000  }
0x96: {  	[sflag:s22] =	ssyncset.done $0x0  }
0x97: {  	s3 =	sadd.s32 $0x480, s3;
	[sflag:s22] =	ssyncadd.s32 $0xFFFFF000  }
0x98: {  	[tilespmem:s21], [sflag:$0x2] =	stream.indirect.gather [hbm4b:s4+s19], $0x20, s3, s19, $0xb8;
	[tilespmem:$0x14000] =	vst v63  }
0x99: {  	_ =	swait.ge [sflag:s17], $0x1000  }
0x9a: {  	[sflag:s17] =	ssyncset.done $0x0  }
0x9b: {  	s6 =	simm.s32 $0x9E00;
	[sflag:s17] =	ssyncadd.s32 $0xFFFFF000  }
0x9c: {  	[spmem:s2] =	stream.indirect.scatter.add.f32 [tilespmem:s20], [sflag:$0x5], $0x20, s6, s19, $0xb8;
	[tilespmem:$0x14000] =	vst v63  }
0x9d: {  	_ =	swait.ge [sflag:s25], $0x1000  }
0x9e: {  	[sflag:s25] =	ssyncset.done $0x0  }
0x9f: {  	s24 =	simm.s32 $0x4F00;
	[sflag:s25] =	ssyncadd.s32 $0xFFFFF000  }
0xa0: {  	[tilespmem:s23], [sflag:$0x3] =	stream.indirect.gather [hbm4b:s4+s19], $0x20, s24, s19, $0xb8;
	[tilespmem:$0x14000] =	vst v63  }
0xa1: {  	_ =	swait.ge [sflag:s18], $0x1000  }
0xa2: {  	[sflag:s18] =	ssyncset.done $0x0  }
0xa3: {  	s6 =	simm.s32 $0x9E80;
	[sflag:s18] =	ssyncadd.s32 $0xFFFFF000  }
0xa4: {  	[spmem:s2] =	stream.indirect.scatter.add.f32 [tilespmem:s21], [sflag:$0x6], $0x20, s6, s19, $0xb8;
	[tilespmem:$0x14000] =	vst v63  }
0xa5: {  	_ =	swait.ge [sflag:s29], $0x1000  }
0xa6: {  	[sflag:s29] =	ssyncset.done $0x0  }
0xa7: {  	[sflag:s29] =	ssyncadd.s32 $0xFFFFF000  }
0xa8: {  	[tilespmem:s26], [sflag:$0x4] =	stream.indirect.gather [hbm4b:s4+s19], $0x20, s31, s19, $0xb8;
	[tilespmem:$0x14000] =	vst v63  }
0xa9: {  	_ =	swait.ge [sflag:s28], $0x1000  }
0xaa: {  	[sflag:s28] =	ssyncset.done $0x0  }
0xab: {  	s24 =	simm.s32 $0x9F00;
	[sflag:s28] =	ssyncadd.s32 $0xFFFFF000  }
0xac: {  	[spmem:s2] =	stream.indirect.scatter.add.f32 [tilespmem:s23], [sflag:$0x7], $0x20, s24, s19, $0xb8;
	[tilespmem:$0x14000] =	vst v63  }
0xad: {  	_ =	swait.ge [sflag:s30], $0x1000  }
0xae: {  	[sflag:s30] =	ssyncset.done $0x0  }
0xaf: {  	[sflag:s30] =	ssyncadd.s32 $0xFFFFF000  }
0xb0: {  	[tilespmem:s20], [sflag:$0x1] =	stream.indirect.gather [hbm4b:s4+s19], $0x20, s31, s19, $0xb8;
	[tilespmem:$0x14000] =	vst v63  }
0xb1: {  	_ =	swait.ge [sflag:s1], $0x1000  }
0xb2: {  	[sflag:s1] =	ssyncset.done $0x0  }
0xb3: {  	s6 =	simm.s32 $0x9F80;
	[sflag:s1] =	ssyncadd.s32 $0xFFFFF000  }
0xb4: {  	[spmem:s2] =	stream.indirect.scatter.add.f32 [tilespmem:s26], [sflag:$0x8], $0x20, s6, s19, $0xb8;
	[tilespmem:$0x14000] =	vst v63  }
0xb5: {  	_ =	swait.ge [sflag:s22], $0x1000  }
0xb6: {  	[sflag:s22] =	ssyncset.done $0x0  }
0xb7: {  	[sflag:s22] =	ssyncadd.s32 $0xFFFFF000  }
0xb8: {  	[tilespmem:s21], [sflag:$0x2] =	stream.indirect.gather [hbm4b:s4+s19], $0x20, s31, s19, $0xb8;
	[tilespmem:$0x14000] =	vst v63  }
0xb9: {  	_ =	swait.ge [sflag:s17], $0x1000  }
0xba: {  	[sflag:s17] =	ssyncset.done $0x0  }
0xbb: {  	[sflag:s17] =	ssyncadd.s32 $0xFFFFF000  }
0xbc: {  	_ =	swait.ge [sflag:s18], $0x1000  }
0xbd: {  	[sflag:s18] =	ssyncset.done $0x0  }
0xbe: {  	[sflag:s18] =	ssyncadd.s32 $0xFFFFF000  }
0xbf: {  	_ =	swait.ge [sflag:s25], $0x1000  }
0xc0: {  	[sflag:s25] =	ssyncset.done $0x0  }
0xc1: {  	[sflag:s25] =	ssyncadd.s32 $0xFFFFF000  }
0xc2: {  	s24 =	stileid.u32;
	_ =	swait.ge [sflag:s29], $0x1000  }
0xc3: {  	s0 =	sadd.s32 $0x1, s0;
	s3 =	sshll.u32 s24, $0x6;
	[sflag:s29] =	ssyncset.done $0x0  }
0xc4: {  	p0 =	sne.s32 s0, s13;
	s3 =	sor.u32 $0x1C09, s3;
	[sflag:s29] =	ssyncadd.s32 $0xFFFFF000  }
.Ltmp2:
0xc5: {  	s6 =	sshrl.u32 s5, $0x3;
	[bflag:$0x0] =	sbarrier.arrive $0xFFFF;
	(pc) =	sbr.rel @p0 .LBB2_1-.Ltmp2, $4  }
0xc6: {  	[hbm:s12], [sflag:s3] =	dma.local [spmem:s6], $0xA00  }
0xc7: {  	_ =	swait.ge [sflag:s16], $0xA00  }
0xc8: {  	[sflag:s16] =	ssyncset.done $0x0  }
0xc9: {  	[sflag:s16] =	ssyncadd.s32 $0xFFFFF600  }
0xca: {  	_ =	sfence.sel $0x180000  }
0xcb: {  	[bflag:$0x0] =	sbarrier.arrive $0xFFFF  }
0xcc: {  	_ =	strace $0x90000053  }
0xcd: {  	s0 =	stileid.u32;
	[bflag:$0x2] =	sbarrier.arrive $0xFFFF  }
0xce: {  	p0 =	sne.s32 s0, $0x0;
	s0 =	rddreg [dreg:$0x3]  }
0xcf: {  	s0 =	sadd.s32 @!p0 $0x100000, s0  }
0xd0: {  	[sflag:s0] =	ssyncadd.tile.s32 @!p0 $0x1;
	_ =	shalt  }
.Lfunc_end2:
_tile_overlayer_lowered:
.L_overlay_start_2:
0xd1: {  	(tag) =	ssettag $0x2  }
0xd2: {  	s0 =	rddreg [dreg:$0x0];
	s2 =	stileid.u32  }
0xd3: {  	s1 =	rddreg [dreg:$0x1];
	p0 =	sne.s32 s2, $0x0  }
0xd4: {  	s3 =	rddreg [dreg:$0x2];
	[bflag:$0x3] =	sbarrier.arrive $0xFFFF;
	s2 =	simm.s32 @!p0 $0x1C09  }
0xd5: {  	[timem:s3], [sflag:s2] =	dma.local @!p0 [hbm:s0], s1  }
0xd6: {  	s0 =	simm.s32 @!p0 $0x9  }
0xd7: {  	_ =	swait.ge @!p0 [sflag:s0], s1  }
0xd8: {  	s1 =	ssub.s32 @!p0 $0x0, s1;
	[sflag:s0] =	ssyncset.done @!p0 $0x0  }
0xd9: {  	[sflag:s0] =	ssyncadd.s32 @!p0 s1  }
0xda: {  	[bflag:$0x3] =	sbarrier.arrive $0xFFFF  }
0xdb: {  	_ =	shalt  }

</sc_bundles>
